<compile_context>
chip_gen: v7x
topology: tpu7x:2x2x1
jax: 0.10.2.dev20260603
libtpu: 0.0.44.dev20260713+nightly
codegen_flags: <defaults>
</compile_context>

<pallas_src>
import jax
import jax.numpy as jnp
from jax import lax
from jax.experimental import pallas as pl
from jax.experimental.pallas import tpu as pltpu
from jax.experimental.pallas import tpu_sc as plsc

S = 200
GN = 4096
D = 128
N_ARGS = 11
N_COMMANDS = 7
GROUP_VOCAB = 52
VOCAB_PAD = 64
ROWS = 5

NC, NS, L = 2, 16, 16
NW = NC * NS
C = 256
CHUNKS_PER_ROW = GN // C

PH = 2
SROWS_P = S // PH
CH_P = SROWS_P * CHUNKS_PER_ROW
CPW = CH_P // NW


def _make_sc_body(p):
    def _sc_relayout(args_ref, out_ref, inbuf, outbuf, sems):
        wid = lax.axis_index("s") * NC + lax.axis_index("c")
        iota = lax.broadcasted_iota(jnp.int32, (L,), 0)
        zero = jnp.zeros((L,), jnp.float32)

        def zrow(j, _):
            for q in range(2):
                for k in range(N_ARGS, 16):
                    outbuf[q, k, pl.ds(j * L, L)] = zero
            return 0
        lax.fori_loop(0, C // L, zrow, 0)

        def in_copy(i, q):
            n = p * CH_P + i * NW + wid
            s_idx = n // CHUNKS_PER_ROW
            g0 = (n % CHUNKS_PER_ROW) * C
            return pltpu.make_async_copy(
                args_ref.at[s_idx, pl.ds(g0, C), :], inbuf.at[q], sems.at[q])

        def out_copy(i, q):
            n = p * CH_P + i * NW + wid
            s_loc = n // CHUNKS_PER_ROW - p * SROWS_P
            g0 = (n % CHUNKS_PER_ROW) * C
            return pltpu.make_async_copy(
                outbuf.at[q], out_ref.at[s_loc, :, pl.ds(g0, C)], sems.at[2 + q])

        def xpose(q):
            def body(j, _):
                rows = j * L + iota
                for k in range(N_ARGS):
                    v = plsc.load_gather(inbuf.at[q],
                                         [rows, jnp.full((L,), k, jnp.int32)])
                    outbuf[q, k, pl.ds(j * L, L)] = v
                return 0
            lax.fori_loop(0, C // L, body, 0)

        in_copy(0, 0).start()

        def pair(i, _):
            in_copy(2 * i + 1, 1).start()
            in_copy(2 * i, 0).wait()

            @pl.when(i > 0)
            def _():
                out_copy(2 * i - 2, 0).wait()
            xpose(0)
            out_copy(2 * i, 0).start()

            @pl.when(2 * i + 2 < CPW)
            def _():
                in_copy(2 * i + 2, 0).start()
            in_copy(2 * i + 1, 1).wait()

            @pl.when(i > 0)
            def _():
                out_copy(2 * i - 1, 1).wait()
            xpose(1)
            out_copy(2 * i + 1, 1).start()
            return 0

        lax.fori_loop(0, CPW // 2, pair, 0)
        out_copy(CPW - 2, 0).wait()
        out_copy(CPW - 1, 1).wait()

    return _sc_relayout


def _compute_rows(cmd_ref, grp_ref, args_ref, w1_ref, w2_ref, b_ref, pos_ref,
                  store):
    iota = lax.broadcasted_iota(jnp.int32, (VOCAB_PAD, 1), 0)
    for r in range(ROWS):
        c = cmd_ref[r]
        g = grp_ref[r]
        oh_t = (iota == c).astype(jnp.float32) + (iota == g + N_COMMANDS).astype(jnp.float32)
        acc = lax.dot_general(
            oh_t, w1_ref[...], (((0,), (0,)), ((), ())),
            preferred_element_type=jnp.float32,
        )
        acc = acc + lax.dot_general(
            args_ref[r], w2_ref[...], (((0,), (0,)), ((), ())),
            preferred_element_type=jnp.float32,
        )
        pb = pos_ref[r] + b_ref[...]
        store(r, acc + pb)


def _tc_body(cmd_ref, grp_ref, args_ref, w1_ref, w2_ref, b_ref, pos_ref, out_ref):
    _compute_rows(cmd_ref, grp_ref, args_ref, w1_ref, w2_ref, b_ref, pos_ref,
                  lambda r, v: out_ref.__setitem__(r, v))


def _make_tc_alias_body(off_rows, nsteps):
    def body(cmd_ref, grp_ref, args_ref, w1_ref, w2_ref, b_ref, pos_ref,
             prev_ref, out_ref, obuf, sems):
        s = pl.program_id(0)
        slot = s % 2

        @pl.when(s >= 2)
        def _():
            pltpu.make_async_copy(
                obuf.at[slot], out_ref.at[pl.ds(0, ROWS)], sems.at[slot]).wait()

        _compute_rows(cmd_ref, grp_ref, args_ref, w1_ref, w2_ref, b_ref, pos_ref,
                      lambda r, v: obuf.__setitem__((slot, r), v))
        pltpu.make_async_copy(
            obuf.at[slot],
            out_ref.at[pl.ds((off_rows + s * ROWS) * 1, ROWS)],
            sems.at[slot],
        ).start()

        @pl.when(s == nsteps - 1)
        def _():
            pltpu.make_async_copy(
                obuf.at[1 - slot], out_ref.at[pl.ds(0, ROWS)], sems.at[1 - slot]).wait()
            pltpu.make_async_copy(
                obuf.at[slot], out_ref.at[pl.ds(0, ROWS)], sems.at[slot]).wait()

    return body


def kernel(commands, args, groups, command_embed, W_fcn, b_fcn, group_embed, pos_embed):
    w1 = jnp.concatenate(
        [command_embed, group_embed,
         jnp.zeros((VOCAB_PAD - N_COMMANDS - GROUP_VOCAB, D), jnp.float32)], axis=0)
    w2 = jnp.concatenate([W_fcn.T, jnp.zeros((16 - N_ARGS, D), jnp.float32)], axis=0)
    b2 = b_fcn.reshape(1, D)
    cmd3 = commands.reshape(S, 1, GN).astype(jnp.int32)
    grp3 = groups.reshape(S, 1, GN).astype(jnp.int32)
    pos3 = pos_embed.reshape(-1, 1, D)

    args_c = []
    for p in range(PH):
        sc = pl.kernel(
            _make_sc_body(p),
            out_type=jax.ShapeDtypeStruct((SROWS_P, 16, GN), jnp.float32),
            mesh=plsc.VectorSubcoreMesh(core_axis_name="c", subcore_axis_name="s"),
            scratch_types=[
                pltpu.VMEM((2, C, N_ARGS), jnp.float32),
                pltpu.VMEM((2, 16, C), jnp.float32),
                pltpu.SemaphoreType.DMA((4,)),
            ],
            compiler_params=pltpu.CompilerParams(use_tc_tiling_on_sc=True,
                                                 needs_layout_passes=False),
        )
        args_c.append(sc(args))

    steps_p = SROWS_P // ROWS
    out = None
    for p in range(PH):
        off = p * steps_p
        in_specs = [
            pl.BlockSpec((ROWS, 1, GN), lambda s, off=off: (s + off, 0, 0)),
            pl.BlockSpec((ROWS, 1, GN), lambda s, off=off: (s + off, 0, 0)),
            pl.BlockSpec((ROWS, 16, GN), lambda s: (s, 0, 0)),
            pl.BlockSpec((VOCAB_PAD, D), lambda s: (0, 0)),
            pl.BlockSpec((16, D), lambda s: (0, 0)),
            pl.BlockSpec((1, D), lambda s: (0, 0)),
            pl.BlockSpec((ROWS, 1, D), lambda s, off=off: (s + off, 0, 0)),
        ]
        operands = [cmd3, grp3, args_c[p], w1, w2, b2, pos3]
        if p == 0:
            out = pl.pallas_call(
                _tc_body,
                grid=(steps_p,),
                in_specs=in_specs,
                out_specs=pl.BlockSpec((ROWS, GN, D),
                                       lambda s, off=off: (s + off, 0, 0)),
                out_shape=jax.ShapeDtypeStruct((S, GN, D), jnp.float32),
            )(*operands)
        else:
            in_specs.append(pl.BlockSpec(memory_space=pl.ANY))
            operands.append(out)
            out = pl.pallas_call(
                _make_tc_alias_body(p * SROWS_P, steps_p),
                grid=(steps_p,),
                in_specs=in_specs,
                out_specs=pl.BlockSpec(memory_space=pl.ANY),
                out_shape=jax.ShapeDtypeStruct((S, GN, D), jnp.float32),
                input_output_aliases={7: 0},
                scratch_shapes=[
                    pltpu.VMEM((2, ROWS, GN, D), jnp.float32),
                    pltpu.SemaphoreType.DMA((2,)),
                ],
            )(*operands)
    return out

# --- scband reference (transcript-rebuilt; emitter-appended) ---
"""Pipeline reference for scband-svgembedding-4913442587101 (READ-ONLY COPY).

The authoritative reference and input builder live on the scoring server;
editing this copy changes nothing except your own understanding.
"""

import jax, jax.numpy as jnp
import numpy as np

S = 200
GN = 4096
D = 128
N_COMMANDS = 7
N_ARGS = 11
GROUP_VOCAB = 52  # group_len + 2
POS_LEN = 202     # seq_len + 2

def setup_inputs(seed: int = 0) -> dict:
    key = jax.random.key(seed)
    ks = jax.random.split(key, 8)
    commands = jax.random.randint(ks[0], (S, GN), 0, N_COMMANDS, dtype=jnp.int64 if jax.config.jax_enable_x64 else jnp.int32)
    args = jax.random.normal(ks[1], (S, GN, N_ARGS), dtype=jnp.float32)
    groups = jax.random.randint(ks[2], (S, GN), 0, GROUP_VOCAB, dtype=jnp.int64 if jax.config.jax_enable_x64 else jnp.int32)
    # learned parameters (kaiming-normal-style init)
    command_embed = jax.random.normal(ks[3], (N_COMMANDS, D), dtype=jnp.float32) * float(np.sqrt(2.0 / N_COMMANDS))
    W_fcn = jax.random.normal(ks[4], (D, N_ARGS), dtype=jnp.float32) * float(np.sqrt(2.0 / N_ARGS))
    b_fcn = jnp.zeros((D,), dtype=jnp.float32)
    group_embed = jax.random.normal(ks[5], (GROUP_VOCAB, D), dtype=jnp.float32) * float(np.sqrt(2.0 / GROUP_VOCAB))
    pos_embed = jax.random.normal(ks[6], (POS_LEN, D), dtype=jnp.float32) * 0.02
    return {
        'commands': commands,
        'args': args,
        'groups': groups,
        'command_embed': command_embed,
        'W_fcn': W_fcn,
        'b_fcn': b_fcn,
        'group_embed': group_embed,
        'pos_embed': pos_embed,
    }

def reference(commands, args, groups, command_embed, W_fcn, b_fcn, group_embed, pos_embed):
    # src = command_embed(commands) + embed_fcn(args)
    src = jnp.take(command_embed, commands, axis=0) + jnp.einsum('sga,da->sgd', args, W_fcn) + b_fcn
    # + group_embed(groups)
    src = src + jnp.take(group_embed, groups, axis=0)
    # positional encoding LUT: add pos_embed[:S] broadcast over GN (dropout is identity in eval)
    src = src + pos_embed[:commands.shape[0]][:, None, :]
    return src

if __name__ == "__main__":
    import jax
    _d = setup_inputs()
    print(jax.jit(kernel)(*tuple(_d.values())))

</pallas_src>

<mosaic_0001>
#map = affine_map<(d0, d1) -> (0, 0, 0)>
module attributes {stable_mosaic.version = 14 : i64} {
  func.func @_sc_relayout(%arg0: i32, %arg1: i32, %arg2: memref<200x4096x11xf32, #tpu.memory_space<hbm>>, %arg3: memref<100x16x4096xf32, #tpu.memory_space<hbm>>, %arg4: memref<2x256x11xf32, #tpu.memory_space<vmem>>, %arg5: memref<2x16x256xf32, #tpu.memory_space<vmem>>, %arg6: memref<4x!tpu.dma_semaphore, #tpu.memory_space<semaphore_mem>>) attributes {dimension_semantics = [#tpu.dimension_semantics<core_parallel>, #tpu.dimension_semantics<subcore_parallel>], iteration_bounds = array<i64: 2, 16>, scalar_prefetch = 0 : i64, scratch_operands = 3 : i64, tpu.core_type = #tpu.core_type<sc_vector_subcore>, window_params = [{transform_indices = #map}, {transform_indices = #map}]} {
    %mul3A = arith.constant 2 : i32
    %mul3A_0 = arith.muli %arg1, %mul3A : i32
    %add3A = arith.addi %mul3A_0, %arg0 : i32
    %iota3A = tpu.iota {dimensions = array<i32: 0>} : vector<16xi32>
    %broadcast_in_dim3A = arith.constant 0.000000e+00 : f32
    %broadcast_in_dim3A_1 = vector.broadcast %broadcast_in_dim3A : f32 to vector<16xf32>
    %scan3A = arith.constant 0 : i32
    %scan3A_2 = arith.constant 0 : i32
    %scan3A_3 = arith.constant 16 : i32
    %scan3A_4 = arith.addi %scan3A_2, %scan3A_3 : i32
    %scan3A_5 = arith.constant 1 : i32
    %scan3A_6 = scf.for %scan3A_193 = %scan3A_2 to %scan3A_4 step %scan3A_5 iter_args(%scan3A_194 = %scan3A) -> (i32)  : i32 {
      %mul3A_195 = arith.constant 16 : i32
      %mul3A_196 = arith.muli %scan3A_193, %mul3A_195 : i32
      %swap3A = arith.constant 0 : i32
      %swap3A_197 = arith.constant 11 : i32
      %swap3A_198 = arith.index_cast %swap3A : i32 to index
      %swap3A_199 = arith.index_cast %swap3A_197 : i32 to index
      %swap3A_200 = arith.index_cast %mul3A_196 : i32 to index
      %swap3A_201 = tpu.vector_load %arg5[%swap3A_198, %swap3A_199, %swap3A_200] {strides = array<i32>} : memref<2x16x256xf32, #tpu.memory_space<vmem>>, vector<16xf32>,
      tpu.vector_store %arg5[%swap3A_198, %swap3A_199, %swap3A_200], %broadcast_in_dim3A_1 {strides = array<i32>} : memref<2x16x256xf32, #tpu.memory_space<vmem>>, vector<16xf32>,
      %mul3A_202 = arith.constant 16 : i32
      %mul3A_203 = arith.muli %scan3A_193, %mul3A_202 : i32
      %swap3A_204 = arith.constant 0 : i32
      %swap3A_205 = arith.constant 12 : i32
      %swap3A_206 = arith.index_cast %swap3A_204 : i32 to index
      %swap3A_207 = arith.index_cast %swap3A_205 : i32 to index
      %swap3A_208 = arith.index_cast %mul3A_203 : i32 to index
      %swap3A_209 = tpu.vector_load %arg5[%swap3A_206, %swap3A_207, %swap3A_208] {strides = array<i32>} : memref<2x16x256xf32, #tpu.memory_space<vmem>>, vector<16xf32>,
      tpu.vector_store %arg5[%swap3A_206, %swap3A_207, %swap3A_208], %broadcast_in_dim3A_1 {strides = array<i32>} : memref<2x16x256xf32, #tpu.memory_space<vmem>>, vector<16xf32>,
      %mul3A_210 = arith.constant 16 : i32
      %mul3A_211 = arith.muli %scan3A_193, %mul3A_210 : i32
      %swap3A_212 = arith.constant 0 : i32
      %swap3A_213 = arith.constant 13 : i32
      %swap3A_214 = arith.index_cast %swap3A_212 : i32 to index
      %swap3A_215 = arith.index_cast %swap3A_213 : i32 to index
      %swap3A_216 = arith.index_cast %mul3A_211 : i32 to index
      %swap3A_217 = tpu.vector_load %arg5[%swap3A_214, %swap3A_215, %swap3A_216] {strides = array<i32>} : memref<2x16x256xf32, #tpu.memory_space<vmem>>, vector<16xf32>,
      tpu.vector_store %arg5[%swap3A_214, %swap3A_215, %swap3A_216], %broadcast_in_dim3A_1 {strides = array<i32>} : memref<2x16x256xf32, #tpu.memory_space<vmem>>, vector<16xf32>,
      %mul3A_218 = arith.constant 16 : i32
      %mul3A_219 = arith.muli %scan3A_193, %mul3A_218 : i32
      %swap3A_220 = arith.constant 0 : i32
      %swap3A_221 = arith.constant 14 : i32
      %swap3A_222 = arith.index_cast %swap3A_220 : i32 to index
      %swap3A_223 = arith.index_cast %swap3A_221 : i32 to index
      %swap3A_224 = arith.index_cast %mul3A_219 : i32 to index
      %swap3A_225 = tpu.vector_load %arg5[%swap3A_222, %swap3A_223, %swap3A_224] {strides = array<i32>} : memref<2x16x256xf32, #tpu.memory_space<vmem>>, vector<16xf32>,
      tpu.vector_store %arg5[%swap3A_222, %swap3A_223, %swap3A_224], %broadcast_in_dim3A_1 {strides = array<i32>} : memref<2x16x256xf32, #tpu.memory_space<vmem>>, vector<16xf32>,
      %mul3A_226 = arith.constant 16 : i32
      %mul3A_227 = arith.muli %scan3A_193, %mul3A_226 : i32
      %swap3A_228 = arith.constant 0 : i32
      %swap3A_229 = arith.constant 15 : i32
      %swap3A_230 = arith.index_cast %swap3A_228 : i32 to index
      %swap3A_231 = arith.index_cast %swap3A_229 : i32 to index
      %swap3A_232 = arith.index_cast %mul3A_227 : i32 to index
      %swap3A_233 = tpu.vector_load %arg5[%swap3A_230, %swap3A_231, %swap3A_232] {strides = array<i32>} : memref<2x16x256xf32, #tpu.memory_space<vmem>>, vector<16xf32>,
      tpu.vector_store %arg5[%swap3A_230, %swap3A_231, %swap3A_232], %broadcast_in_dim3A_1 {strides = array<i32>} : memref<2x16x256xf32, #tpu.memory_space<vmem>>, vector<16xf32>,
      %mul3A_234 = arith.constant 16 : i32
      %mul3A_235 = arith.muli %scan3A_193, %mul3A_234 : i32
      %swap3A_236 = arith.constant 1 : i32
      %swap3A_237 = arith.constant 11 : i32
      %swap3A_238 = arith.index_cast %swap3A_236 : i32 to index
      %swap3A_239 = arith.index_cast %swap3A_237 : i32 to index
      %swap3A_240 = arith.index_cast %mul3A_235 : i32 to index
      %swap3A_241 = tpu.vector_load %arg5[%swap3A_238, %swap3A_239, %swap3A_240] {strides = array<i32>} : memref<2x16x256xf32, #tpu.memory_space<vmem>>, vector<16xf32>,
      tpu.vector_store %arg5[%swap3A_238, %swap3A_239, %swap3A_240], %broadcast_in_dim3A_1 {strides = array<i32>} : memref<2x16x256xf32, #tpu.memory_space<vmem>>, vector<16xf32>,
      %mul3A_242 = arith.constant 16 : i32
      %mul3A_243 = arith.muli %scan3A_193, %mul3A_242 : i32
      %swap3A_244 = arith.constant 1 : i32
      %swap3A_245 = arith.constant 12 : i32
      %swap3A_246 = arith.index_cast %swap3A_244 : i32 to index
      %swap3A_247 = arith.index_cast %swap3A_245 : i32 to index
      %swap3A_248 = arith.index_cast %mul3A_243 : i32 to index
      %swap3A_249 = tpu.vector_load %arg5[%swap3A_246, %swap3A_247, %swap3A_248] {strides = array<i32>} : memref<2x16x256xf32, #tpu.memory_space<vmem>>, vector<16xf32>,
      tpu.vector_store %arg5[%swap3A_246, %swap3A_247, %swap3A_248], %broadcast_in_dim3A_1 {strides = array<i32>} : memref<2x16x256xf32, #tpu.memory_space<vmem>>, vector<16xf32>,
      %mul3A_250 = arith.constant 16 : i32
      %mul3A_251 = arith.muli %scan3A_193, %mul3A_250 : i32
      %swap3A_252 = arith.constant 1 : i32
      %swap3A_253 = arith.constant 13 : i32
      %swap3A_254 = arith.index_cast %swap3A_252 : i32 to index
      %swap3A_255 = arith.index_cast %swap3A_253 : i32 to index
      %swap3A_256 = arith.index_cast %mul3A_251 : i32 to index
      %swap3A_257 = tpu.vector_load %arg5[%swap3A_254, %swap3A_255, %swap3A_256] {strides = array<i32>} : memref<2x16x256xf32, #tpu.memory_space<vmem>>, vector<16xf32>,
      tpu.vector_store %arg5[%swap3A_254, %swap3A_255, %swap3A_256], %broadcast_in_dim3A_1 {strides = array<i32>} : memref<2x16x256xf32, #tpu.memory_space<vmem>>, vector<16xf32>,
      %mul3A_258 = arith.constant 16 : i32
      %mul3A_259 = arith.muli %scan3A_193, %mul3A_258 : i32
      %swap3A_260 = arith.constant 1 : i32
      %swap3A_261 = arith.constant 14 : i32
      %swap3A_262 = arith.index_cast %swap3A_260 : i32 to index
      %swap3A_263 = arith.index_cast %swap3A_261 : i32 to index
      %swap3A_264 = arith.index_cast %mul3A_259 : i32 to index
      %swap3A_265 = tpu.vector_load %arg5[%swap3A_262, %swap3A_263, %swap3A_264] {strides = array<i32>} : memref<2x16x256xf32, #tpu.memory_space<vmem>>, vector<16xf32>,
      tpu.vector_store %arg5[%swap3A_262, %swap3A_263, %swap3A_264], %broadcast_in_dim3A_1 {strides = array<i32>} : memref<2x16x256xf32, #tpu.memory_space<vmem>>, vector<16xf32>,
      %mul3A_266 = arith.constant 16 : i32
      %mul3A_267 = arith.muli %scan3A_193, %mul3A_266 : i32
      %swap3A_268 = arith.constant 1 : i32
      %swap3A_269 = arith.constant 15 : i32
      %swap3A_270 = arith.index_cast %swap3A_268 : i32 to index
      %swap3A_271 = arith.index_cast %swap3A_269 : i32 to index
      %swap3A_272 = arith.index_cast %mul3A_267 : i32 to index
      %swap3A_273 = tpu.vector_load %arg5[%swap3A_270, %swap3A_271, %swap3A_272] {strides = array<i32>} : memref<2x16x256xf32, #tpu.memory_space<vmem>>, vector<16xf32>,
      tpu.vector_store %arg5[%swap3A_270, %swap3A_271, %swap3A_272], %broadcast_in_dim3A_1 {strides = array<i32>} : memref<2x16x256xf32, #tpu.memory_space<vmem>>, vector<16xf32>,
      %scan3A_274 = arith.constant 0 : i32
      scf.yield %scan3A_274 : i32
    }
    %scan3A_7 = arith.constant 16 : i32
    %add3A_8 = arith.constant 1600 : i32
    %add3A_9 = arith.addi %add3A_8, %add3A : i32
    %jit3A = arith.constant 16 : i32
    %div3A = arith.divsi %add3A_9, %jit3A : i32
    %sign3A = arith.constant 0 : i32
    %sign3A_10 = arith.cmpi sgt, %add3A_9, %sign3A : i32
    %sign3A_11 = arith.extui %sign3A_10 : i1 to i32
    %sign3A_12 = arith.constant 0 : i32
    %sign3A_13 = arith.cmpi slt, %add3A_9, %sign3A_12 : i32
    %sign3A_14 = arith.extui %sign3A_13 : i1 to i32
    %sign3A_15 = arith.subi %sign3A_11, %sign3A_14 : i32
    %sign3A_16 = arith.constant 0 : i32
    %sign3A_17 = arith.cmpi sgt, %jit3A, %sign3A_16 : i32
    %sign3A_18 = arith.extui %sign3A_17 : i1 to i32
    %sign3A_19 = arith.constant 0 : i32
    %sign3A_20 = arith.cmpi slt, %jit3A, %sign3A_19 : i32
    %sign3A_21 = arith.extui %sign3A_20 : i1 to i32
    %sign3A_22 = arith.subi %sign3A_18, %sign3A_21 : i32
    %ne3A = arith.cmpi ne, %sign3A_15, %sign3A_22 : i32
    %rem3A = arith.remsi %add3A_9, %jit3A : i32
    %ne3A_23 = arith.constant 0 : i32
    %ne3A_24 = arith.cmpi ne, %rem3A, %ne3A_23 : i32
    %and3A = arith.andi %ne3A, %ne3A_24 : i1
    %sub3A = arith.constant 1 : i32
    %sub3A_25 = arith.subi %div3A, %sub3A : i32
    %select_n3A = arith.select %and3A, %sub3A_25, %div3A : i32
    %jit3A_26 = arith.constant 16 : i32
    %eq3A = arith.constant 0 : i32
    %eq3A_27 = arith.cmpi eq, %jit3A_26, %eq3A : i32
    %jit3A_28 = arith.constant 1 : i32
    %select_n3A_29 = arith.select %eq3A_27, %jit3A_28, %jit3A_26 : i32
    %rem3A_30 = arith.remsi %add3A_9, %select_n3A_29 : i32
    %ne3A_31 = arith.constant 0 : i32
    %ne3A_32 = arith.cmpi ne, %rem3A_30, %ne3A_31 : i32
    %lt3A = arith.constant 0 : i32
    %lt3A_33 = arith.cmpi slt, %rem3A_30, %lt3A : i32
    %lt3A_34 = arith.constant 0 : i32
    %lt3A_35 = arith.cmpi slt, %select_n3A_29, %lt3A_34 : i32
    %ne3A_36 = arith.xori %lt3A_33, %lt3A_35 : i1
    %and3A_37 = arith.andi %ne3A_36, %ne3A_32 : i1
    %add3A_38 = arith.addi %rem3A_30, %select_n3A_29 : i32
    %select_n3A_39 = arith.select %and3A_37, %add3A_38, %rem3A_30 : i32
    %mul3A_40 = arith.constant 256 : i32
    %mul3A_41 = arith.muli %select_n3A_39, %mul3A_40 : i32
    %dma_start3A = arith.constant 0 : i32
    %dma_start3A_42 = arith.constant 0 : i32
    %dma_start3A_43 = arith.constant 0 : i32
    %dma_start3A_44 = arith.constant 0 : i32
    %dma_start3A_45 = tpu.memref_slice %arg4[%dma_start3A, %dma_start3A_43, %dma_start3A_44] : memref<2x256x11xf32, #tpu.memory_space<vmem>> -> memref<1x256x11xf32, #tpu.memory_space<vmem>>
    %dma_start3A_46 = tpu.memref_squeeze %dma_start3A_45 : memref<1x256x11xf32, #tpu.memory_space<vmem>> -> memref<256x11xf32, #tpu.memory_space<vmem>>
    %dma_start3A_47 = arith.constant 0 : i32
    %dma_start3A_48 = tpu.memref_slice %arg2[%select_n3A, %mul3A_41, %dma_start3A_47] : memref<200x4096x11xf32, #tpu.memory_space<hbm>> -> memref<1x256x11xf32, #tpu.memory_space<hbm>>
    %dma_start3A_49 = tpu.memref_squeeze %dma_start3A_48 : memref<1x256x11xf32, #tpu.memory_space<hbm>> -> memref<256x11xf32, #tpu.memory_space<hbm>>
    %dma_start3A_50 = tpu.memref_slice %arg6[%dma_start3A_42] : memref<4x!tpu.dma_semaphore, #tpu.memory_space<semaphore_mem>> -> memref<1x!tpu.dma_semaphore, #tpu.memory_space<semaphore_mem>>
    %dma_start3A_51 = tpu.memref_squeeze %dma_start3A_50 : memref<1x!tpu.dma_semaphore, #tpu.memory_space<semaphore_mem>> -> memref<!tpu.dma_semaphore, #tpu.memory_space<semaphore_mem>>
    %dma_start3A_52 = arith.constant 0 : i32
    %dma_start3A_53 = arith.constant 0 : i32
    %dma_start3A_54 = tpu.memref_slice %arg4[%dma_start3A, %dma_start3A_52, %dma_start3A_53] : memref<2x256x11xf32, #tpu.memory_space<vmem>> -> memref<1x256x11xf32, #tpu.memory_space<vmem>>
    %dma_start3A_55 = tpu.memref_squeeze %dma_start3A_54 : memref<1x256x11xf32, #tpu.memory_space<vmem>> -> memref<256x11xf32, #tpu.memory_space<vmem>>
    %dma_start3A_56 = arith.constant 0 : i32
    %dma_start3A_57 = tpu.memref_slice %arg2[%select_n3A, %mul3A_41, %dma_start3A_56] : memref<200x4096x11xf32, #tpu.memory_space<hbm>> -> memref<1x256x11xf32, #tpu.memory_space<hbm>>
    %dma_start3A_58 = tpu.memref_squeeze %dma_start3A_57 : memref<1x256x11xf32, #tpu.memory_space<hbm>> -> memref<256x11xf32, #tpu.memory_space<hbm>>
    tpu.enqueue_dma source(%dma_start3A_58 : memref<256x11xf32, #tpu.memory_space<hbm>>) target(%dma_start3A_55 : memref<256x11xf32, #tpu.memory_space<vmem>>) target_semaphore(%dma_start3A_51 : memref<!tpu.dma_semaphore, #tpu.memory_space<semaphore_mem>>)
    %scan3A_59 = arith.constant 0 : i32
    %scan3A_60 = arith.constant 0 : i32
    %scan3A_61 = arith.constant 25 : i32
    %scan3A_62 = arith.addi %scan3A_60, %scan3A_61 : i32
    %scan3A_63 = arith.constant 1 : i32
    %scan3A_64 = scf.for %scan3A_193 = %scan3A_60 to %scan3A_62 step %scan3A_63 iter_args(%scan3A_194 = %scan3A_59) -> (i32)  : i32 {
      %mul3A_195 = arith.constant 2 : i32
      %mul3A_196 = arith.muli %mul3A_195, %scan3A_193 : i32
      %add3A_197 = arith.constant 1 : i32
      %add3A_198 = arith.addi %mul3A_196, %add3A_197 : i32
      %mul3A_199 = arith.constant 32 : i32
      %mul3A_200 = arith.muli %add3A_198, %mul3A_199 : i32
      %add3A_201 = arith.constant 1600 : i32
      %add3A_202 = arith.addi %add3A_201, %mul3A_200 : i32
      %add3A_203 = arith.addi %add3A_202, %add3A : i32
      %jit3A_204 = arith.constant 16 : i32
      %div3A_205 = arith.divsi %add3A_203, %jit3A_204 : i32
      %sign3A_206 = arith.constant 0 : i32
      %sign3A_207 = arith.cmpi sgt, %add3A_203, %sign3A_206 : i32
      %sign3A_208 = arith.extui %sign3A_207 : i1 to i32
      %sign3A_209 = arith.constant 0 : i32
      %sign3A_210 = arith.cmpi slt, %add3A_203, %sign3A_209 : i32
      %sign3A_211 = arith.extui %sign3A_210 : i1 to i32
      %sign3A_212 = arith.subi %sign3A_208, %sign3A_211 : i32
      %sign3A_213 = arith.constant 0 : i32
      %sign3A_214 = arith.cmpi sgt, %jit3A_204, %sign3A_213 : i32
      %sign3A_215 = arith.extui %sign3A_214 : i1 to i32
      %sign3A_216 = arith.constant 0 : i32
      %sign3A_217 = arith.cmpi slt, %jit3A_204, %sign3A_216 : i32
      %sign3A_218 = arith.extui %sign3A_217 : i1 to i32
      %sign3A_219 = arith.subi %sign3A_215, %sign3A_218 : i32
      %ne3A_220 = arith.cmpi ne, %sign3A_212, %sign3A_219 : i32
      %rem3A_221 = arith.remsi %add3A_203, %jit3A_204 : i32
      %ne3A_222 = arith.constant 0 : i32
      %ne3A_223 = arith.cmpi ne, %rem3A_221, %ne3A_222 : i32
      %and3A_224 = arith.andi %ne3A_220, %ne3A_223 : i1
      %sub3A_225 = arith.constant 1 : i32
      %sub3A_226 = arith.subi %div3A_205, %sub3A_225 : i32
      %select_n3A_227 = arith.select %and3A_224, %sub3A_226, %div3A_205 : i32
      %jit3A_228 = arith.constant 16 : i32
      %eq3A_229 = arith.constant 0 : i32
      %eq3A_230 = arith.cmpi eq, %jit3A_228, %eq3A_229 : i32
      %jit3A_231 = arith.constant 1 : i32
      %select_n3A_232 = arith.select %eq3A_230, %jit3A_231, %jit3A_228 : i32
      %rem3A_233 = arith.remsi %add3A_203, %select_n3A_232 : i32
      %ne3A_234 = arith.constant 0 : i32
      %ne3A_235 = arith.cmpi ne, %rem3A_233, %ne3A_234 : i32
      %lt3A_236 = arith.constant 0 : i32
      %lt3A_237 = arith.cmpi slt, %rem3A_233, %lt3A_236 : i32
      %lt3A_238 = arith.constant 0 : i32
      %lt3A_239 = arith.cmpi slt, %select_n3A_232, %lt3A_238 : i32
      %ne3A_240 = arith.xori %lt3A_237, %lt3A_239 : i1
      %and3A_241 = arith.andi %ne3A_240, %ne3A_235 : i1
      %add3A_242 = arith.addi %rem3A_233, %select_n3A_232 : i32
      %select_n3A_243 = arith.select %and3A_241, %add3A_242, %rem3A_233 : i32
      %mul3A_244 = arith.constant 256 : i32
      %mul3A_245 = arith.muli %select_n3A_243, %mul3A_244 : i32
      %dma_start3A_246 = arith.constant 1 : i32
      %dma_start3A_247 = arith.constant 1 : i32
      %dma_start3A_248 = arith.constant 0 : i32
      %dma_start3A_249 = arith.constant 0 : i32
      %dma_start3A_250 = tpu.memref_slice %arg4[%dma_start3A_246, %dma_start3A_248, %dma_start3A_249] : memref<2x256x11xf32, #tpu.memory_space<vmem>> -> memref<1x256x11xf32, #tpu.memory_space<vmem>>
      %dma_start3A_251 = tpu.memref_squeeze %dma_start3A_250 : memref<1x256x11xf32, #tpu.memory_space<vmem>> -> memref<256x11xf32, #tpu.memory_space<vmem>>
      %dma_start3A_252 = arith.constant 0 : i32
      %dma_start3A_253 = tpu.memref_slice %arg2[%select_n3A_227, %mul3A_245, %dma_start3A_252] : memref<200x4096x11xf32, #tpu.memory_space<hbm>> -> memref<1x256x11xf32, #tpu.memory_space<hbm>>
      %dma_start3A_254 = tpu.memref_squeeze %dma_start3A_253 : memref<1x256x11xf32, #tpu.memory_space<hbm>> -> memref<256x11xf32, #tpu.memory_space<hbm>>
      %dma_start3A_255 = tpu.memref_slice %arg6[%dma_start3A_247] : memref<4x!tpu.dma_semaphore, #tpu.memory_space<semaphore_mem>> -> memref<1x!tpu.dma_semaphore, #tpu.memory_space<semaphore_mem>>
      %dma_start3A_256 = tpu.memref_squeeze %dma_start3A_255 : memref<1x!tpu.dma_semaphore, #tpu.memory_space<semaphore_mem>> -> memref<!tpu.dma_semaphore, #tpu.memory_space<semaphore_mem>>
      %dma_start3A_257 = arith.constant 0 : i32
      %dma_start3A_258 = arith.constant 0 : i32
      %dma_start3A_259 = tpu.memref_slice %arg4[%dma_start3A_246, %dma_start3A_257, %dma_start3A_258] : memref<2x256x11xf32, #tpu.memory_space<vmem>> -> memref<1x256x11xf32, #tpu.memory_space<vmem>>
      %dma_start3A_260 = tpu.memref_squeeze %dma_start3A_259 : memref<1x256x11xf32, #tpu.memory_space<vmem>> -> memref<256x11xf32, #tpu.memory_space<vmem>>
      %dma_start3A_261 = arith.constant 0 : i32
      %dma_start3A_262 = tpu.memref_slice %arg2[%select_n3A_227, %mul3A_245, %dma_start3A_261] : memref<200x4096x11xf32, #tpu.memory_space<hbm>> -> memref<1x256x11xf32, #tpu.memory_space<hbm>>
      %dma_start3A_263 = tpu.memref_squeeze %dma_start3A_262 : memref<1x256x11xf32, #tpu.memory_space<hbm>> -> memref<256x11xf32, #tpu.memory_space<hbm>>
      tpu.enqueue_dma source(%dma_start3A_263 : memref<256x11xf32, #tpu.memory_space<hbm>>) target(%dma_start3A_260 : memref<256x11xf32, #tpu.memory_space<vmem>>) target_semaphore(%dma_start3A_256 : memref<!tpu.dma_semaphore, #tpu.memory_space<semaphore_mem>>)
      %mul3A_264 = arith.constant 2 : i32
      %mul3A_265 = arith.muli %mul3A_264, %scan3A_193 : i32
      %mul3A_266 = arith.constant 32 : i32
      %mul3A_267 = arith.muli %mul3A_265, %mul3A_266 : i32
      %add3A_268 = arith.constant 1600 : i32
      %add3A_269 = arith.addi %add3A_268, %mul3A_267 : i32
      %add3A_270 = arith.addi %add3A_269, %add3A : i32
      %jit3A_271 = arith.constant 16 : i32
      %div3A_272 = arith.divsi %add3A_270, %jit3A_271 : i32
      %sign3A_273 = arith.constant 0 : i32
      %sign3A_274 = arith.cmpi sgt, %add3A_270, %sign3A_273 : i32
      %sign3A_275 = arith.extui %sign3A_274 : i1 to i32
      %sign3A_276 = arith.constant 0 : i32
      %sign3A_277 = arith.cmpi slt, %add3A_270, %sign3A_276 : i32
      %sign3A_278 = arith.extui %sign3A_277 : i1 to i32
      %sign3A_279 = arith.subi %sign3A_275, %sign3A_278 : i32
      %sign3A_280 = arith.constant 0 : i32
      %sign3A_281 = arith.cmpi sgt, %jit3A_271, %sign3A_280 : i32
      %sign3A_282 = arith.extui %sign3A_281 : i1 to i32
      %sign3A_283 = arith.constant 0 : i32
      %sign3A_284 = arith.cmpi slt, %jit3A_271, %sign3A_283 : i32
      %sign3A_285 = arith.extui %sign3A_284 : i1 to i32
      %sign3A_286 = arith.subi %sign3A_282, %sign3A_285 : i32
      %ne3A_287 = arith.cmpi ne, %sign3A_279, %sign3A_286 : i32
      %rem3A_288 = arith.remsi %add3A_270, %jit3A_271 : i32
      %ne3A_289 = arith.constant 0 : i32
      %ne3A_290 = arith.cmpi ne, %rem3A_288, %ne3A_289 : i32
      %and3A_291 = arith.andi %ne3A_287, %ne3A_290 : i1
      %sub3A_292 = arith.constant 1 : i32
      %sub3A_293 = arith.subi %div3A_272, %sub3A_292 : i32
      %select_n3A_294 = arith.select %and3A_291, %sub3A_293, %div3A_272 : i32
      %jit3A_295 = arith.constant 16 : i32
      %eq3A_296 = arith.constant 0 : i32
      %eq3A_297 = arith.cmpi eq, %jit3A_295, %eq3A_296 : i32
      %jit3A_298 = arith.constant 1 : i32
      %select_n3A_299 = arith.select %eq3A_297, %jit3A_298, %jit3A_295 : i32
      %rem3A_300 = arith.remsi %add3A_270, %select_n3A_299 : i32
      %ne3A_301 = arith.constant 0 : i32
      %ne3A_302 = arith.cmpi ne, %rem3A_300, %ne3A_301 : i32
      %lt3A_303 = arith.constant 0 : i32
      %lt3A_304 = arith.cmpi slt, %rem3A_300, %lt3A_303 : i32
      %lt3A_305 = arith.constant 0 : i32
      %lt3A_306 = arith.cmpi slt, %select_n3A_299, %lt3A_305 : i32
      %ne3A_307 = arith.xori %lt3A_304, %lt3A_306 : i1
      %and3A_308 = arith.andi %ne3A_307, %ne3A_302 : i1
      %add3A_309 = arith.addi %rem3A_300, %select_n3A_299 : i32
      %select_n3A_310 = arith.select %and3A_308, %add3A_309, %rem3A_300 : i32
      %mul3A_311 = arith.constant 256 : i32
      %mul3A_312 = arith.muli %select_n3A_310, %mul3A_311 : i32
      %dma_wait3A_313 = arith.constant 0 : i32
      %dma_wait3A_314 = arith.constant 0 : i32
      %dma_wait3A_315 = arith.constant 0 : i32
      %dma_wait3A_316 = arith.constant 0 : i32
      %dma_wait3A_317 = tpu.memref_slice %arg4[%dma_wait3A_313, %dma_wait3A_315, %dma_wait3A_316] : memref<2x256x11xf32, #tpu.memory_space<vmem>> -> memref<1x256x11xf32, #tpu.memory_space<vmem>>
      %dma_wait3A_318 = tpu.memref_squeeze %dma_wait3A_317 : memref<1x256x11xf32, #tpu.memory_space<vmem>> -> memref<256x11xf32, #tpu.memory_space<vmem>>
      %dma_wait3A_319 = arith.constant 0 : i32
      %dma_wait3A_320 = tpu.memref_slice %arg2[%select_n3A_294, %mul3A_312, %dma_wait3A_319] : memref<200x4096x11xf32, #tpu.memory_space<hbm>> -> memref<1x256x11xf32, #tpu.memory_space<hbm>>
      %dma_wait3A_321 = tpu.memref_squeeze %dma_wait3A_320 : memref<1x256x11xf32, #tpu.memory_space<hbm>> -> memref<256x11xf32, #tpu.memory_space<hbm>>
      %dma_wait3A_322 = tpu.memref_slice %arg6[%dma_wait3A_314] : memref<4x!tpu.dma_semaphore, #tpu.memory_space<semaphore_mem>> -> memref<1x!tpu.dma_semaphore, #tpu.memory_space<semaphore_mem>>
      %dma_wait3A_323 = tpu.memref_squeeze %dma_wait3A_322 : memref<1x!tpu.dma_semaphore, #tpu.memory_space<semaphore_mem>> -> memref<!tpu.dma_semaphore, #tpu.memory_space<semaphore_mem>>
      %dma_wait3A_324 = arith.constant 0 : i32
      %dma_wait3A_325 = arith.constant 0 : i32
      %dma_wait3A_326 = tpu.memref_slice %arg4[%dma_wait3A_313, %dma_wait3A_324, %dma_wait3A_325] : memref<2x256x11xf32, #tpu.memory_space<vmem>> -> memref<1x256x11xf32, #tpu.memory_space<vmem>>
      %dma_wait3A_327 = tpu.memref_squeeze %dma_wait3A_326 : memref<1x256x11xf32, #tpu.memory_space<vmem>> -> memref<256x11xf32, #tpu.memory_space<vmem>>
      %dma_wait3A_328 = arith.constant 0 : i32
      %dma_wait3A_329 = tpu.memref_slice %arg2[%select_n3A_294, %mul3A_312, %dma_wait3A_328] : memref<200x4096x11xf32, #tpu.memory_space<hbm>> -> memref<1x256x11xf32, #tpu.memory_space<hbm>>
      %dma_wait3A_330 = tpu.memref_squeeze %dma_wait3A_329 : memref<1x256x11xf32, #tpu.memory_space<hbm>> -> memref<256x11xf32, #tpu.memory_space<hbm>>
      tpu.wait_dma2 semaphore(%dma_wait3A_323 : memref<!tpu.dma_semaphore, #tpu.memory_space<semaphore_mem>>) src(%dma_wait3A_330 : memref<256x11xf32, #tpu.memory_space<hbm>>) dst(%dma_wait3A_327 : memref<256x11xf32, #tpu.memory_space<vmem>>)
      %gt3A = arith.constant 0 : i32
      %gt3A_331 = arith.cmpi sgt, %scan3A_193, %gt3A : i32
      %convert_element_type3A = arith.extui %gt3A_331 : i1 to i32
      %cond3A = arith.constant 0 : i32
      %cond3A_332 = arith.cmpi ne, %convert_element_type3A, %cond3A : i32
      scf.if %cond3A_332 {
        %mul3A_571 = arith.constant 2 : i32
        %mul3A_572 = arith.muli %mul3A_571, %scan3A_193 : i32
        %sub3A_573 = arith.constant 2 : i32
        %sub3A_574 = arith.subi %mul3A_572, %sub3A_573 : i32
        %mul3A_575 = arith.constant 32 : i32
        %mul3A_576 = arith.muli %sub3A_574, %mul3A_575 : i32
        %add3A_577 = arith.constant 1600 : i32
        %add3A_578 = arith.addi %add3A_577, %mul3A_576 : i32
        %add3A_579 = arith.addi %add3A_578, %add3A : i32
        %jit3A_580 = arith.constant 16 : i32
        %div3A_581 = arith.divsi %add3A_579, %jit3A_580 : i32
        %sign3A_582 = arith.constant 0 : i32
        %sign3A_583 = arith.cmpi sgt, %add3A_579, %sign3A_582 : i32
        %sign3A_584 = arith.extui %sign3A_583 : i1 to i32
        %sign3A_585 = arith.constant 0 : i32
        %sign3A_586 = arith.cmpi slt, %add3A_579, %sign3A_585 : i32
        %sign3A_587 = arith.extui %sign3A_586 : i1 to i32
        %sign3A_588 = arith.subi %sign3A_584, %sign3A_587 : i32
        %sign3A_589 = arith.constant 0 : i32
        %sign3A_590 = arith.cmpi sgt, %jit3A_580, %sign3A_589 : i32
        %sign3A_591 = arith.extui %sign3A_590 : i1 to i32
        %sign3A_592 = arith.constant 0 : i32
        %sign3A_593 = arith.cmpi slt, %jit3A_580, %sign3A_592 : i32
        %sign3A_594 = arith.extui %sign3A_593 : i1 to i32
        %sign3A_595 = arith.subi %sign3A_591, %sign3A_594 : i32
        %ne3A_596 = arith.cmpi ne, %sign3A_588, %sign3A_595 : i32
        %rem3A_597 = arith.remsi %add3A_579, %jit3A_580 : i32
        %ne3A_598 = arith.constant 0 : i32
        %ne3A_599 = arith.cmpi ne, %rem3A_597, %ne3A_598 : i32
        %and3A_600 = arith.andi %ne3A_596, %ne3A_599 : i1
        %sub3A_601 = arith.constant 1 : i32
        %sub3A_602 = arith.subi %div3A_581, %sub3A_601 : i32
        %select_n3A_603 = arith.select %and3A_600, %sub3A_602, %div3A_581 : i32
        %sub3A_604 = arith.constant 100 : i32
        %sub3A_605 = arith.subi %select_n3A_603, %sub3A_604 : i32
        %jit3A_606 = arith.constant 16 : i32
        %eq3A_607 = arith.constant 0 : i32
        %eq3A_608 = arith.cmpi eq, %jit3A_606, %eq3A_607 : i32
        %jit3A_609 = arith.constant 1 : i32
        %select_n3A_610 = arith.select %eq3A_608, %jit3A_609, %jit3A_606 : i32
        %rem3A_611 = arith.remsi %add3A_579, %select_n3A_610 : i32
        %ne3A_612 = arith.constant 0 : i32
        %ne3A_613 = arith.cmpi ne, %rem3A_611, %ne3A_612 : i32
        %lt3A_614 = arith.constant 0 : i32
        %lt3A_615 = arith.cmpi slt, %rem3A_611, %lt3A_614 : i32
        %lt3A_616 = arith.constant 0 : i32
        %lt3A_617 = arith.cmpi slt, %select_n3A_610, %lt3A_616 : i32
        %ne3A_618 = arith.xori %lt3A_615, %lt3A_617 : i1
        %and3A_619 = arith.andi %ne3A_618, %ne3A_613 : i1
        %add3A_620 = arith.addi %rem3A_611, %select_n3A_610 : i32
        %select_n3A_621 = arith.select %and3A_619, %add3A_620, %rem3A_611 : i32
        %mul3A_622 = arith.constant 256 : i32
        %mul3A_623 = arith.muli %select_n3A_621, %mul3A_622 : i32
        %dma_wait3A_624 = arith.constant 0 : i32
        %dma_wait3A_625 = arith.constant 2 : i32
        %dma_wait3A_626 = arith.constant 0 : i32
        %dma_wait3A_627 = arith.constant 0 : i32
        %dma_wait3A_628 = tpu.memref_slice %arg5[%dma_wait3A_624, %dma_wait3A_626, %dma_wait3A_627] : memref<2x16x256xf32, #tpu.memory_space<vmem>> -> memref<1x16x256xf32, #tpu.memory_space<vmem>>
        %dma_wait3A_629 = tpu.memref_squeeze %dma_wait3A_628 : memref<1x16x256xf32, #tpu.memory_space<vmem>> -> memref<16x256xf32, #tpu.memory_space<vmem>>
        %dma_wait3A_630 = arith.constant 0 : i32
        %dma_wait3A_631 = tpu.memref_slice %arg3[%sub3A_605, %dma_wait3A_630, %mul3A_623] : memref<100x16x4096xf32, #tpu.memory_space<hbm>> -> memref<1x16x256xf32, #tpu.memory_space<hbm>>
        %dma_wait3A_632 = tpu.memref_squeeze %dma_wait3A_631 : memref<1x16x256xf32, #tpu.memory_space<hbm>> -> memref<16x256xf32, #tpu.memory_space<hbm>>
        %dma_wait3A_633 = tpu.memref_slice %arg6[%dma_wait3A_625] : memref<4x!tpu.dma_semaphore, #tpu.memory_space<semaphore_mem>> -> memref<1x!tpu.dma_semaphore, #tpu.memory_space<semaphore_mem>>
        %dma_wait3A_634 = tpu.memref_squeeze %dma_wait3A_633 : memref<1x!tpu.dma_semaphore, #tpu.memory_space<semaphore_mem>> -> memref<!tpu.dma_semaphore, #tpu.memory_space<semaphore_mem>>
        %dma_wait3A_635 = arith.constant 0 : i32
        %dma_wait3A_636 = tpu.memref_slice %arg3[%sub3A_605, %dma_wait3A_635, %mul3A_623] : memref<100x16x4096xf32, #tpu.memory_space<hbm>> -> memref<1x16x256xf32, #tpu.memory_space<hbm>>
        %dma_wait3A_637 = tpu.memref_squeeze %dma_wait3A_636 : memref<1x16x256xf32, #tpu.memory_space<hbm>> -> memref<16x256xf32, #tpu.memory_space<hbm>>
        %dma_wait3A_638 = arith.constant 0 : i32
        %dma_wait3A_639 = arith.constant 0 : i32
        %dma_wait3A_640 = tpu.memref_slice %arg5[%dma_wait3A_624, %dma_wait3A_638, %dma_wait3A_639] : memref<2x16x256xf32, #tpu.memory_space<vmem>> -> memref<1x16x256xf32, #tpu.memory_space<vmem>>
        %dma_wait3A_641 = tpu.memref_squeeze %dma_wait3A_640 : memref<1x16x256xf32, #tpu.memory_space<vmem>> -> memref<16x256xf32, #tpu.memory_space<vmem>>
        tpu.wait_dma2 semaphore(%dma_wait3A_634 : memref<!tpu.dma_semaphore, #tpu.memory_space<semaphore_mem>>) src(%dma_wait3A_641 : memref<16x256xf32, #tpu.memory_space<vmem>>) dst(%dma_wait3A_637 : memref<16x256xf32, #tpu.memory_space<hbm>>)
      } else {
      }
      %scan3A_333 = arith.constant 0 : i32
      %scan3A_334 = arith.constant 0 : i32
      %scan3A_335 = arith.constant 16 : i32
      %scan3A_336 = arith.addi %scan3A_334, %scan3A_335 : i32
      %scan3A_337 = arith.constant 1 : i32
      %scan3A_338 = scf.for %scan3A_571 = %scan3A_334 to %scan3A_336 step %scan3A_337 iter_args(%scan3A_572 = %scan3A_333) -> (i32)  : i32 {
        %mul3A_573 = arith.constant 16 : i32
        %mul3A_574 = arith.muli %scan3A_571, %mul3A_573 : i32
        %add3A_575 = vector.broadcast %mul3A_574 : i32 to vector<16xi32>
        %add3A_576 = arith.addi %add3A_575, %iota3A : vector<16xi32>
        %broadcast_in_dim3A_577 = arith.constant 0 : i32
        %broadcast_in_dim3A_578 = vector.broadcast %broadcast_in_dim3A_577 : i32 to vector<16xi32>
        %gather3A = arith.constant 0 : i32
        %gather3A_579 = arith.constant 0 : i32
        %gather3A_580 = arith.constant 0 : i32
        %gather3A_581 = tpu.memref_slice %arg4[%gather3A, %gather3A_579, %gather3A_580] : memref<2x256x11xf32, #tpu.memory_space<vmem>> -> memref<1x256x11xf32, #tpu.memory_space<vmem>>
        %gather3A_582 = tpu.memref_squeeze %gather3A_581 : memref<1x256x11xf32, #tpu.memory_space<vmem>> -> memref<256x11xf32, #tpu.memory_space<vmem>>
        %gather3A_583 = tpu.vector_load_idx %gather3A_582[%add3A_576, %broadcast_in_dim3A_578] : memref<256x11xf32, #tpu.memory_space<vmem>>[vector<16xi32>, vector<16xi32>], vector<16xf32>,
        %mul3A_584 = arith.constant 16 : i32
        %mul3A_585 = arith.muli %scan3A_571, %mul3A_584 : i32
        %swap3A = arith.constant 0 : i32
        %swap3A_586 = arith.constant 0 : i32
        %swap3A_587 = arith.index_cast %swap3A : i32 to index
        %swap3A_588 = arith.index_cast %swap3A_586 : i32 to index
        %swap3A_589 = arith.index_cast %mul3A_585 : i32 to index
        %swap3A_590 = tpu.vector_load %arg5[%swap3A_587, %swap3A_588, %swap3A_589] {strides = array<i32>} : memref<2x16x256xf32, #tpu.memory_space<vmem>>, vector<16xf32>,
        tpu.vector_store %arg5[%swap3A_587, %swap3A_588, %swap3A_589], %gather3A_583 {strides = array<i32>} : memref<2x16x256xf32, #tpu.memory_space<vmem>>, vector<16xf32>,
        %broadcast_in_dim3A_591 = arith.constant 1 : i32
        %broadcast_in_dim3A_592 = vector.broadcast %broadcast_in_dim3A_591 : i32 to vector<16xi32>
        %gather3A_593 = arith.constant 0 : i32
        %gather3A_594 = arith.constant 0 : i32
        %gather3A_595 = arith.constant 0 : i32
        %gather3A_596 = tpu.memref_slice %arg4[%gather3A_593, %gather3A_594, %gather3A_595] : memref<2x256x11xf32, #tpu.memory_space<vmem>> -> memref<1x256x11xf32, #tpu.memory_space<vmem>>
        %gather3A_597 = tpu.memref_squeeze %gather3A_596 : memref<1x256x11xf32, #tpu.memory_space<vmem>> -> memref<256x11xf32, #tpu.memory_space<vmem>>
        %gather3A_598 = tpu.vector_load_idx %gather3A_597[%add3A_576, %broadcast_in_dim3A_592] : memref<256x11xf32, #tpu.memory_space<vmem>>[vector<16xi32>, vector<16xi32>], vector<16xf32>,
        %mul3A_599 = arith.constant 16 : i32
        %mul3A_600 = arith.muli %scan3A_571, %mul3A_599 : i32
        %swap3A_601 = arith.constant 0 : i32
        %swap3A_602 = arith.constant 1 : i32
        %swap3A_603 = arith.index_cast %swap3A_601 : i32 to index
        %swap3A_604 = arith.index_cast %swap3A_602 : i32 to index
        %swap3A_605 = arith.index_cast %mul3A_600 : i32 to index
        %swap3A_606 = tpu.vector_load %arg5[%swap3A_603, %swap3A_604, %swap3A_605] {strides = array<i32>} : memref<2x16x256xf32, #tpu.memory_space<vmem>>, vector<16xf32>,
        tpu.vector_store %arg5[%swap3A_603, %swap3A_604, %swap3A_605], %gather3A_598 {strides = array<i32>} : memref<2x16x256xf32, #tpu.memory_space<vmem>>, vector<16xf32>,
        %broadcast_in_dim3A_607 = arith.constant 2 : i32
        %broadcast_in_dim3A_608 = vector.broadcast %broadcast_in_dim3A_607 : i32 to vector<16xi32>
        %gather3A_609 = arith.constant 0 : i32
        %gather3A_610 = arith.constant 0 : i32
        %gather3A_611 = arith.constant 0 : i32
        %gather3A_612 = tpu.memref_slice %arg4[%gather3A_609, %gather3A_610, %gather3A_611] : memref<2x256x11xf32, #tpu.memory_space<vmem>> -> memref<1x256x11xf32, #tpu.memory_space<vmem>>
        %gather3A_613 = tpu.memref_squeeze %gather3A_612 : memref<1x256x11xf32, #tpu.memory_space<vmem>> -> memref<256x11xf32, #tpu.memory_space<vmem>>
        %gather3A_614 = tpu.vector_load_idx %gather3A_613[%add3A_576, %broadcast_in_dim3A_608] : memref<256x11xf32, #tpu.memory_space<vmem>>[vector<16xi32>, vector<16xi32>], vector<16xf32>,
        %mul3A_615 = arith.constant 16 : i32
        %mul3A_616 = arith.muli %scan3A_571, %mul3A_615 : i32
        %swap3A_617 = arith.constant 0 : i32
        %swap3A_618 = arith.constant 2 : i32
        %swap3A_619 = arith.index_cast %swap3A_617 : i32 to index
        %swap3A_620 = arith.index_cast %swap3A_618 : i32 to index
        %swap3A_621 = arith.index_cast %mul3A_616 : i32 to index
        %swap3A_622 = tpu.vector_load %arg5[%swap3A_619, %swap3A_620, %swap3A_621] {strides = array<i32>} : memref<2x16x256xf32, #tpu.memory_space<vmem>>, vector<16xf32>,
        tpu.vector_store %arg5[%swap3A_619, %swap3A_620, %swap3A_621], %gather3A_614 {strides = array<i32>} : memref<2x16x256xf32, #tpu.memory_space<vmem>>, vector<16xf32>,
        %broadcast_in_dim3A_623 = arith.constant 3 : i32
        %broadcast_in_dim3A_624 = vector.broadcast %broadcast_in_dim3A_623 : i32 to vector<16xi32>
        %gather3A_625 = arith.constant 0 : i32
        %gather3A_626 = arith.constant 0 : i32
        %gather3A_627 = arith.constant 0 : i32
        %gather3A_628 = tpu.memref_slice %arg4[%gather3A_625, %gather3A_626, %gather3A_627] : memref<2x256x11xf32, #tpu.memory_space<vmem>> -> memref<1x256x11xf32, #tpu.memory_space<vmem>>
        %gather3A_629 = tpu.memref_squeeze %gather3A_628 : memref<1x256x11xf32, #tpu.memory_space<vmem>> -> memref<256x11xf32, #tpu.memory_space<vmem>>
        %gather3A_630 = tpu.vector_load_idx %gather3A_629[%add3A_576, %broadcast_in_dim3A_624] : memref<256x11xf32, #tpu.memory_space<vmem>>[vector<16xi32>, vector<16xi32>], vector<16xf32>,
        %mul3A_631 = arith.constant 16 : i32
        %mul3A_632 = arith.muli %scan3A_571, %mul3A_631 : i32
        %swap3A_633 = arith.constant 0 : i32
        %swap3A_634 = arith.constant 3 : i32
        %swap3A_635 = arith.index_cast %swap3A_633 : i32 to index
        %swap3A_636 = arith.index_cast %swap3A_634 : i32 to index
        %swap3A_637 = arith.index_cast %mul3A_632 : i32 to index
        %swap3A_638 = tpu.vector_load %arg5[%swap3A_635, %swap3A_636, %swap3A_637] {strides = array<i32>} : memref<2x16x256xf32, #tpu.memory_space<vmem>>, vector<16xf32>,
        tpu.vector_store %arg5[%swap3A_635, %swap3A_636, %swap3A_637], %gather3A_630 {strides = array<i32>} : memref<2x16x256xf32, #tpu.memory_space<vmem>>, vector<16xf32>,
        %broadcast_in_dim3A_639 = arith.constant 4 : i32
        %broadcast_in_dim3A_640 = vector.broadcast %broadcast_in_dim3A_639 : i32 to vector<16xi32>
        %gather3A_641 = arith.constant 0 : i32
        %gather3A_642 = arith.constant 0 : i32
        %gather3A_643 = arith.constant 0 : i32
        %gather3A_644 = tpu.memref_slice %arg4[%gather3A_641, %gather3A_642, %gather3A_643] : memref<2x256x11xf32, #tpu.memory_space<vmem>> -> memref<1x256x11xf32, #tpu.memory_space<vmem>>
        %gather3A_645 = tpu.memref_squeeze %gather3A_644 : memref<1x256x11xf32, #tpu.memory_space<vmem>> -> memref<256x11xf32, #tpu.memory_space<vmem>>
        %gather3A_646 = tpu.vector_load_idx %gather3A_645[%add3A_576, %broadcast_in_dim3A_640] : memref<256x11xf32, #tpu.memory_space<vmem>>[vector<16xi32>, vector<16xi32>], vector<16xf32>,
        %mul3A_647 = arith.constant 16 : i32
        %mul3A_648 = arith.muli %scan3A_571, %mul3A_647 : i32
        %swap3A_649 = arith.constant 0 : i32
        %swap3A_650 = arith.constant 4 : i32
        %swap3A_651 = arith.index_cast %swap3A_649 : i32 to index
        %swap3A_652 = arith.index_cast %swap3A_650 : i32 to index
        %swap3A_653 = arith.index_cast %mul3A_648 : i32 to index
        %swap3A_654 = tpu.vector_load %arg5[%swap3A_651, %swap3A_652, %swap3A_653] {strides = array<i32>} : memref<2x16x256xf32, #tpu.memory_space<vmem>>, vector<16xf32>,
        tpu.vector_store %arg5[%swap3A_651, %swap3A_652, %swap3A_653], %gather3A_646 {strides = array<i32>} : memref<2x16x256xf32, #tpu.memory_space<vmem>>, vector<16xf32>,
        %broadcast_in_dim3A_655 = arith.constant 5 : i32
        %broadcast_in_dim3A_656 = vector.broadcast %broadcast_in_dim3A_655 : i32 to vector<16xi32>
        %gather3A_657 = arith.constant 0 : i32
        %gather3A_658 = arith.constant 0 : i32
        %gather3A_659 = arith.constant 0 : i32
        %gather3A_660 = tpu.memref_slice %arg4[%gather3A_657, %gather3A_658, %gather3A_659] : memref<2x256x11xf32, #tpu.memory_space<vmem>> -> memref<1x256x11xf32, #tpu.memory_space<vmem>>
        %gather3A_661 = tpu.memref_squeeze %gather3A_660 : memref<1x256x11xf32, #tpu.memory_space<vmem>> -> memref<256x11xf32, #tpu.memory_space<vmem>>
        %gather3A_662 = tpu.vector_load_idx %gather3A_661[%add3A_576, %broadcast_in_dim3A_656] : memref<256x11xf32, #tpu.memory_space<vmem>>[vector<16xi32>, vector<16xi32>], vector<16xf32>,
        %mul3A_663 = arith.constant 16 : i32
        %mul3A_664 = arith.muli %scan3A_571, %mul3A_663 : i32
        %swap3A_665 = arith.constant 0 : i32
        %swap3A_666 = arith.constant 5 : i32
        %swap3A_667 = arith.index_cast %swap3A_665 : i32 to index
        %swap3A_668 = arith.index_cast %swap3A_666 : i32 to index
        %swap3A_669 = arith.index_cast %mul3A_664 : i32 to index
        %swap3A_670 = tpu.vector_load %arg5[%swap3A_667, %swap3A_668, %swap3A_669] {strides = array<i32>} : memref<2x16x256xf32, #tpu.memory_space<vmem>>, vector<16xf32>,
        tpu.vector_store %arg5[%swap3A_667, %swap3A_668, %swap3A_669], %gather3A_662 {strides = array<i32>} : memref<2x16x256xf32, #tpu.memory_space<vmem>>, vector<16xf32>,
        %broadcast_in_dim3A_671 = arith.constant 6 : i32
        %broadcast_in_dim3A_672 = vector.broadcast %broadcast_in_dim3A_671 : i32 to vector<16xi32>
        %gather3A_673 = arith.constant 0 : i32
        %gather3A_674 = arith.constant 0 : i32
        %gather3A_675 = arith.constant 0 : i32
        %gather3A_676 = tpu.memref_slice %arg4[%gather3A_673, %gather3A_674, %gather3A_675] : memref<2x256x11xf32, #tpu.memory_space<vmem>> -> memref<1x256x11xf32, #tpu.memory_space<vmem>>
        %gather3A_677 = tpu.memref_squeeze %gather3A_676 : memref<1x256x11xf32, #tpu.memory_space<vmem>> -> memref<256x11xf32, #tpu.memory_space<vmem>>
        %gather3A_678 = tpu.vector_load_idx %gather3A_677[%add3A_576, %broadcast_in_dim3A_672] : memref<256x11xf32, #tpu.memory_space<vmem>>[vector<16xi32>, vector<16xi32>], vector<16xf32>,
        %mul3A_679 = arith.constant 16 : i32
        %mul3A_680 = arith.muli %scan3A_571, %mul3A_679 : i32
        %swap3A_681 = arith.constant 0 : i32
        %swap3A_682 = arith.constant 6 : i32
        %swap3A_683 = arith.index_cast %swap3A_681 : i32 to index
        %swap3A_684 = arith.index_cast %swap3A_682 : i32 to index
        %swap3A_685 = arith.index_cast %mul3A_680 : i32 to index
        %swap3A_686 = tpu.vector_load %arg5[%swap3A_683, %swap3A_684, %swap3A_685] {strides = array<i32>} : memref<2x16x256xf32, #tpu.memory_space<vmem>>, vector<16xf32>,
        tpu.vector_store %arg5[%swap3A_683, %swap3A_684, %swap3A_685], %gather3A_678 {strides = array<i32>} : memref<2x16x256xf32, #tpu.memory_space<vmem>>, vector<16xf32>,
        %broadcast_in_dim3A_687 = arith.constant 7 : i32
        %broadcast_in_dim3A_688 = vector.broadcast %broadcast_in_dim3A_687 : i32 to vector<16xi32>
        %gather3A_689 = arith.constant 0 : i32
        %gather3A_690 = arith.constant 0 : i32
        %gather3A_691 = arith.constant 0 : i32
        %gather3A_692 = tpu.memref_slice %arg4[%gather3A_689, %gather3A_690, %gather3A_691] : memref<2x256x11xf32, #tpu.memory_space<vmem>> -> memref<1x256x11xf32, #tpu.memory_space<vmem>>
        %gather3A_693 = tpu.memref_squeeze %gather3A_692 : memref<1x256x11xf32, #tpu.memory_space<vmem>> -> memref<256x11xf32, #tpu.memory_space<vmem>>
        %gather3A_694 = tpu.vector_load_idx %gather3A_693[%add3A_576, %broadcast_in_dim3A_688] : memref<256x11xf32, #tpu.memory_space<vmem>>[vector<16xi32>, vector<16xi32>], vector<16xf32>,
        %mul3A_695 = arith.constant 16 : i32
        %mul3A_696 = arith.muli %scan3A_571, %mul3A_695 : i32
        %swap3A_697 = arith.constant 0 : i32
        %swap3A_698 = arith.constant 7 : i32
        %swap3A_699 = arith.index_cast %swap3A_697 : i32 to index
        %swap3A_700 = arith.index_cast %swap3A_698 : i32 to index
        %swap3A_701 = arith.index_cast %mul3A_696 : i32 to index
        %swap3A_702 = tpu.vector_load %arg5[%swap3A_699, %swap3A_700, %swap3A_701] {strides = array<i32>} : memref<2x16x256xf32, #tpu.memory_space<vmem>>, vector<16xf32>,
        tpu.vector_store %arg5[%swap3A_699, %swap3A_700, %swap3A_701], %gather3A_694 {strides = array<i32>} : memref<2x16x256xf32, #tpu.memory_space<vmem>>, vector<16xf32>,
        %broadcast_in_dim3A_703 = arith.constant 8 : i32
        %broadcast_in_dim3A_704 = vector.broadcast %broadcast_in_dim3A_703 : i32 to vector<16xi32>
        %gather3A_705 = arith.constant 0 : i32
        %gather3A_706 = arith.constant 0 : i32
        %gather3A_707 = arith.constant 0 : i32
        %gather3A_708 = tpu.memref_slice %arg4[%gather3A_705, %gather3A_706, %gather3A_707] : memref<2x256x11xf32, #tpu.memory_space<vmem>> -> memref<1x256x11xf32, #tpu.memory_space<vmem>>
        %gather3A_709 = tpu.memref_squeeze %gather3A_708 : memref<1x256x11xf32, #tpu.memory_space<vmem>> -> memref<256x11xf32, #tpu.memory_space<vmem>>
        %gather3A_710 = tpu.vector_load_idx %gather3A_709[%add3A_576, %broadcast_in_dim3A_704] : memref<256x11xf32, #tpu.memory_space<vmem>>[vector<16xi32>, vector<16xi32>], vector<16xf32>,
        %mul3A_711 = arith.constant 16 : i32
        %mul3A_712 = arith.muli %scan3A_571, %mul3A_711 : i32
        %swap3A_713 = arith.constant 0 : i32
        %swap3A_714 = arith.constant 8 : i32
        %swap3A_715 = arith.index_cast %swap3A_713 : i32 to index
        %swap3A_716 = arith.index_cast %swap3A_714 : i32 to index
        %swap3A_717 = arith.index_cast %mul3A_712 : i32 to index
        %swap3A_718 = tpu.vector_load %arg5[%swap3A_715, %swap3A_716, %swap3A_717] {strides = array<i32>} : memref<2x16x256xf32, #tpu.memory_space<vmem>>, vector<16xf32>,
        tpu.vector_store %arg5[%swap3A_715, %swap3A_716, %swap3A_717], %gather3A_710 {strides = array<i32>} : memref<2x16x256xf32, #tpu.memory_space<vmem>>, vector<16xf32>,
        %broadcast_in_dim3A_719 = arith.constant 9 : i32
        %broadcast_in_dim3A_720 = vector.broadcast %broadcast_in_dim3A_719 : i32 to vector<16xi32>
        %gather3A_721 = arith.constant 0 : i32
        %gather3A_722 = arith.constant 0 : i32
        %gather3A_723 = arith.constant 0 : i32
        %gather3A_724 = tpu.memref_slice %arg4[%gather3A_721, %gather3A_722, %gather3A_723] : memref<2x256x11xf32, #tpu.memory_space<vmem>> -> memref<1x256x11xf32, #tpu.memory_space<vmem>>
        %gather3A_725 = tpu.memref_squeeze %gather3A_724 : memref<1x256x11xf32, #tpu.memory_space<vmem>> -> memref<256x11xf32, #tpu.memory_space<vmem>>
        %gather3A_726 = tpu.vector_load_idx %gather3A_725[%add3A_576, %broadcast_in_dim3A_720] : memref<256x11xf32, #tpu.memory_space<vmem>>[vector<16xi32>, vector<16xi32>], vector<16xf32>,
        %mul3A_727 = arith.constant 16 : i32
        %mul3A_728 = arith.muli %scan3A_571, %mul3A_727 : i32
        %swap3A_729 = arith.constant 0 : i32
        %swap3A_730 = arith.constant 9 : i32
        %swap3A_731 = arith.index_cast %swap3A_729 : i32 to index
        %swap3A_732 = arith.index_cast %swap3A_730 : i32 to index
        %swap3A_733 = arith.index_cast %mul3A_728 : i32 to index
        %swap3A_734 = tpu.vector_load %arg5[%swap3A_731, %swap3A_732, %swap3A_733] {strides = array<i32>} : memref<2x16x256xf32, #tpu.memory_space<vmem>>, vector<16xf32>,
        tpu.vector_store %arg5[%swap3A_731, %swap3A_732, %swap3A_733], %gather3A_726 {strides = array<i32>} : memref<2x16x256xf32, #tpu.memory_space<vmem>>, vector<16xf32>,
        %broadcast_in_dim3A_735 = arith.constant 10 : i32
        %broadcast_in_dim3A_736 = vector.broadcast %broadcast_in_dim3A_735 : i32 to vector<16xi32>
        %gather3A_737 = arith.constant 0 : i32
        %gather3A_738 = arith.constant 0 : i32
        %gather3A_739 = arith.constant 0 : i32
        %gather3A_740 = tpu.memref_slice %arg4[%gather3A_737, %gather3A_738, %gather3A_739] : memref<2x256x11xf32, #tpu.memory_space<vmem>> -> memref<1x256x11xf32, #tpu.memory_space<vmem>>
        %gather3A_741 = tpu.memref_squeeze %gather3A_740 : memref<1x256x11xf32, #tpu.memory_space<vmem>> -> memref<256x11xf32, #tpu.memory_space<vmem>>
        %gather3A_742 = tpu.vector_load_idx %gather3A_741[%add3A_576, %broadcast_in_dim3A_736] : memref<256x11xf32, #tpu.memory_space<vmem>>[vector<16xi32>, vector<16xi32>], vector<16xf32>,
        %mul3A_743 = arith.constant 16 : i32
        %mul3A_744 = arith.muli %scan3A_571, %mul3A_743 : i32
        %swap3A_745 = arith.constant 0 : i32
        %swap3A_746 = arith.constant 10 : i32
        %swap3A_747 = arith.index_cast %swap3A_745 : i32 to index
        %swap3A_748 = arith.index_cast %swap3A_746 : i32 to index
        %swap3A_749 = arith.index_cast %mul3A_744 : i32 to index
        %swap3A_750 = tpu.vector_load %arg5[%swap3A_747, %swap3A_748, %swap3A_749] {strides = array<i32>} : memref<2x16x256xf32, #tpu.memory_space<vmem>>, vector<16xf32>,
        tpu.vector_store %arg5[%swap3A_747, %swap3A_748, %swap3A_749], %gather3A_742 {strides = array<i32>} : memref<2x16x256xf32, #tpu.memory_space<vmem>>, vector<16xf32>,
        %scan3A_751 = arith.constant 0 : i32
        scf.yield %scan3A_751 : i32
      }
      %scan3A_339 = arith.constant 16 : i32
      %mul3A_340 = arith.constant 2 : i32
      %mul3A_341 = arith.muli %mul3A_340, %scan3A_193 : i32
      %mul3A_342 = arith.constant 32 : i32
      %mul3A_343 = arith.muli %mul3A_341, %mul3A_342 : i32
      %add3A_344 = arith.constant 1600 : i32
      %add3A_345 = arith.addi %add3A_344, %mul3A_343 : i32
      %add3A_346 = arith.addi %add3A_345, %add3A : i32
      %jit3A_347 = arith.constant 16 : i32
      %div3A_348 = arith.divsi %add3A_346, %jit3A_347 : i32
      %sign3A_349 = arith.constant 0 : i32
      %sign3A_350 = arith.cmpi sgt, %add3A_346, %sign3A_349 : i32
      %sign3A_351 = arith.extui %sign3A_350 : i1 to i32
      %sign3A_352 = arith.constant 0 : i32
      %sign3A_353 = arith.cmpi slt, %add3A_346, %sign3A_352 : i32
      %sign3A_354 = arith.extui %sign3A_353 : i1 to i32
      %sign3A_355 = arith.subi %sign3A_351, %sign3A_354 : i32
      %sign3A_356 = arith.constant 0 : i32
      %sign3A_357 = arith.cmpi sgt, %jit3A_347, %sign3A_356 : i32
      %sign3A_358 = arith.extui %sign3A_357 : i1 to i32
      %sign3A_359 = arith.constant 0 : i32
      %sign3A_360 = arith.cmpi slt, %jit3A_347, %sign3A_359 : i32
      %sign3A_361 = arith.extui %sign3A_360 : i1 to i32
      %sign3A_362 = arith.subi %sign3A_358, %sign3A_361 : i32
      %ne3A_363 = arith.cmpi ne, %sign3A_355, %sign3A_362 : i32
      %rem3A_364 = arith.remsi %add3A_346, %jit3A_347 : i32
      %ne3A_365 = arith.constant 0 : i32
      %ne3A_366 = arith.cmpi ne, %rem3A_364, %ne3A_365 : i32
      %and3A_367 = arith.andi %ne3A_363, %ne3A_366 : i1
      %sub3A_368 = arith.constant 1 : i32
      %sub3A_369 = arith.subi %div3A_348, %sub3A_368 : i32
      %select_n3A_370 = arith.select %and3A_367, %sub3A_369, %div3A_348 : i32
      %sub3A_371 = arith.constant 100 : i32
      %sub3A_372 = arith.subi %select_n3A_370, %sub3A_371 : i32
      %jit3A_373 = arith.constant 16 : i32
      %eq3A_374 = arith.constant 0 : i32
      %eq3A_375 = arith.cmpi eq, %jit3A_373, %eq3A_374 : i32
      %jit3A_376 = arith.constant 1 : i32
      %select_n3A_377 = arith.select %eq3A_375, %jit3A_376, %jit3A_373 : i32
      %rem3A_378 = arith.remsi %add3A_346, %select_n3A_377 : i32
      %ne3A_379 = arith.constant 0 : i32
      %ne3A_380 = arith.cmpi ne, %rem3A_378, %ne3A_379 : i32
      %lt3A_381 = arith.constant 0 : i32
      %lt3A_382 = arith.cmpi slt, %rem3A_378, %lt3A_381 : i32
      %lt3A_383 = arith.constant 0 : i32
      %lt3A_384 = arith.cmpi slt, %select_n3A_377, %lt3A_383 : i32
      %ne3A_385 = arith.xori %lt3A_382, %lt3A_384 : i1
      %and3A_386 = arith.andi %ne3A_385, %ne3A_380 : i1
      %add3A_387 = arith.addi %rem3A_378, %select_n3A_377 : i32
      %select_n3A_388 = arith.select %and3A_386, %add3A_387, %rem3A_378 : i32
      %mul3A_389 = arith.constant 256 : i32
      %mul3A_390 = arith.muli %select_n3A_388, %mul3A_389 : i32
      %dma_start3A_391 = arith.constant 0 : i32
      %dma_start3A_392 = arith.constant 2 : i32
      %dma_start3A_393 = arith.constant 0 : i32
      %dma_start3A_394 = arith.constant 0 : i32
      %dma_start3A_395 = tpu.memref_slice %arg5[%dma_start3A_391, %dma_start3A_393, %dma_start3A_394] : memref<2x16x256xf32, #tpu.memory_space<vmem>> -> memref<1x16x256xf32, #tpu.memory_space<vmem>>
      %dma_start3A_396 = tpu.memref_squeeze %dma_start3A_395 : memref<1x16x256xf32, #tpu.memory_space<vmem>> -> memref<16x256xf32, #tpu.memory_space<vmem>>
      %dma_start3A_397 = arith.constant 0 : i32
      %dma_start3A_398 = tpu.memref_slice %arg3[%sub3A_372, %dma_start3A_397, %mul3A_390] : memref<100x16x4096xf32, #tpu.memory_space<hbm>> -> memref<1x16x256xf32, #tpu.memory_space<hbm>>
      %dma_start3A_399 = tpu.memref_squeeze %dma_start3A_398 : memref<1x16x256xf32, #tpu.memory_space<hbm>> -> memref<16x256xf32, #tpu.memory_space<hbm>>
      %dma_start3A_400 = tpu.memref_slice %arg6[%dma_start3A_392] : memref<4x!tpu.dma_semaphore, #tpu.memory_space<semaphore_mem>> -> memref<1x!tpu.dma_semaphore, #tpu.memory_space<semaphore_mem>>
      %dma_start3A_401 = tpu.memref_squeeze %dma_start3A_400 : memref<1x!tpu.dma_semaphore, #tpu.memory_space<semaphore_mem>> -> memref<!tpu.dma_semaphore, #tpu.memory_space<semaphore_mem>>
      %dma_start3A_402 = arith.constant 0 : i32
      %dma_start3A_403 = tpu.memref_slice %arg3[%sub3A_372, %dma_start3A_402, %mul3A_390] : memref<100x16x4096xf32, #tpu.memory_space<hbm>> -> memref<1x16x256xf32, #tpu.memory_space<hbm>>
      %dma_start3A_404 = tpu.memref_squeeze %dma_start3A_403 : memref<1x16x256xf32, #tpu.memory_space<hbm>> -> memref<16x256xf32, #tpu.memory_space<hbm>>
      %dma_start3A_405 = arith.constant 0 : i32
      %dma_start3A_406 = arith.constant 0 : i32
      %dma_start3A_407 = tpu.memref_slice %arg5[%dma_start3A_391, %dma_start3A_405, %dma_start3A_406] : memref<2x16x256xf32, #tpu.memory_space<vmem>> -> memref<1x16x256xf32, #tpu.memory_space<vmem>>
      %dma_start3A_408 = tpu.memref_squeeze %dma_start3A_407 : memref<1x16x256xf32, #tpu.memory_space<vmem>> -> memref<16x256xf32, #tpu.memory_space<vmem>>
      tpu.enqueue_dma source(%dma_start3A_408 : memref<16x256xf32, #tpu.memory_space<vmem>>) target(%dma_start3A_404 : memref<16x256xf32, #tpu.memory_space<hbm>>) target_semaphore(%dma_start3A_401 : memref<!tpu.dma_semaphore, #tpu.memory_space<semaphore_mem>>)
      %mul3A_409 = arith.constant 2 : i32
      %mul3A_410 = arith.muli %mul3A_409, %scan3A_193 : i32
      %add3A_411 = arith.constant 2 : i32
      %add3A_412 = arith.addi %mul3A_410, %add3A_411 : i32
      %lt3A_413 = arith.constant 50 : i32
      %lt3A_414 = arith.cmpi slt, %add3A_412, %lt3A_413 : i32
      %convert_element_type3A_415 = arith.extui %lt3A_414 : i1 to i32
      %cond3A_416 = arith.constant 0 : i32
      %cond3A_417 = arith.cmpi ne, %convert_element_type3A_415, %cond3A_416 : i32
      scf.if %cond3A_417 {
        %mul3A_571 = arith.constant 2 : i32
        %mul3A_572 = arith.muli %mul3A_571, %scan3A_193 : i32
        %add3A_573 = arith.constant 2 : i32
        %add3A_574 = arith.addi %mul3A_572, %add3A_573 : i32
        %mul3A_575 = arith.constant 32 : i32
        %mul3A_576 = arith.muli %add3A_574, %mul3A_575 : i32
        %add3A_577 = arith.constant 1600 : i32
        %add3A_578 = arith.addi %add3A_577, %mul3A_576 : i32
        %add3A_579 = arith.addi %add3A_578, %add3A : i32
        %jit3A_580 = arith.constant 16 : i32
        %div3A_581 = arith.divsi %add3A_579, %jit3A_580 : i32
        %sign3A_582 = arith.constant 0 : i32
        %sign3A_583 = arith.cmpi sgt, %add3A_579, %sign3A_582 : i32
        %sign3A_584 = arith.extui %sign3A_583 : i1 to i32
        %sign3A_585 = arith.constant 0 : i32
        %sign3A_586 = arith.cmpi slt, %add3A_579, %sign3A_585 : i32
        %sign3A_587 = arith.extui %sign3A_586 : i1 to i32
        %sign3A_588 = arith.subi %sign3A_584, %sign3A_587 : i32
        %sign3A_589 = arith.constant 0 : i32
        %sign3A_590 = arith.cmpi sgt, %jit3A_580, %sign3A_589 : i32
        %sign3A_591 = arith.extui %sign3A_590 : i1 to i32
        %sign3A_592 = arith.constant 0 : i32
        %sign3A_593 = arith.cmpi slt, %jit3A_580, %sign3A_592 : i32
        %sign3A_594 = arith.extui %sign3A_593 : i1 to i32
        %sign3A_595 = arith.subi %sign3A_591, %sign3A_594 : i32
        %ne3A_596 = arith.cmpi ne, %sign3A_588, %sign3A_595 : i32
        %rem3A_597 = arith.remsi %add3A_579, %jit3A_580 : i32
        %ne3A_598 = arith.constant 0 : i32
        %ne3A_599 = arith.cmpi ne, %rem3A_597, %ne3A_598 : i32
        %and3A_600 = arith.andi %ne3A_596, %ne3A_599 : i1
        %sub3A_601 = arith.constant 1 : i32
        %sub3A_602 = arith.subi %div3A_581, %sub3A_601 : i32
        %select_n3A_603 = arith.select %and3A_600, %sub3A_602, %div3A_581 : i32
        %jit3A_604 = arith.constant 16 : i32
        %eq3A_605 = arith.constant 0 : i32
        %eq3A_606 = arith.cmpi eq, %jit3A_604, %eq3A_605 : i32
        %jit3A_607 = arith.constant 1 : i32
        %select_n3A_608 = arith.select %eq3A_606, %jit3A_607, %jit3A_604 : i32
        %rem3A_609 = arith.remsi %add3A_579, %select_n3A_608 : i32
        %ne3A_610 = arith.constant 0 : i32
        %ne3A_611 = arith.cmpi ne, %rem3A_609, %ne3A_610 : i32
        %lt3A_612 = arith.constant 0 : i32
        %lt3A_613 = arith.cmpi slt, %rem3A_609, %lt3A_612 : i32
        %lt3A_614 = arith.constant 0 : i32
        %lt3A_615 = arith.cmpi slt, %select_n3A_608, %lt3A_614 : i32
        %ne3A_616 = arith.xori %lt3A_613, %lt3A_615 : i1
        %and3A_617 = arith.andi %ne3A_616, %ne3A_611 : i1
        %add3A_618 = arith.addi %rem3A_609, %select_n3A_608 : i32
        %select_n3A_619 = arith.select %and3A_617, %add3A_618, %rem3A_609 : i32
        %mul3A_620 = arith.constant 256 : i32
        %mul3A_621 = arith.muli %select_n3A_619, %mul3A_620 : i32
        %dma_start3A_622 = arith.constant 0 : i32
        %dma_start3A_623 = arith.constant 0 : i32
        %dma_start3A_624 = arith.constant 0 : i32
        %dma_start3A_625 = arith.constant 0 : i32
        %dma_start3A_626 = tpu.memref_slice %arg4[%dma_start3A_622, %dma_start3A_624, %dma_start3A_625] : memref<2x256x11xf32, #tpu.memory_space<vmem>> -> memref<1x256x11xf32, #tpu.memory_space<vmem>>
        %dma_start3A_627 = tpu.memref_squeeze %dma_start3A_626 : memref<1x256x11xf32, #tpu.memory_space<vmem>> -> memref<256x11xf32, #tpu.memory_space<vmem>>
        %dma_start3A_628 = arith.constant 0 : i32
        %dma_start3A_629 = tpu.memref_slice %arg2[%select_n3A_603, %mul3A_621, %dma_start3A_628] : memref<200x4096x11xf32, #tpu.memory_space<hbm>> -> memref<1x256x11xf32, #tpu.memory_space<hbm>>
        %dma_start3A_630 = tpu.memref_squeeze %dma_start3A_629 : memref<1x256x11xf32, #tpu.memory_space<hbm>> -> memref<256x11xf32, #tpu.memory_space<hbm>>
        %dma_start3A_631 = tpu.memref_slice %arg6[%dma_start3A_623] : memref<4x!tpu.dma_semaphore, #tpu.memory_space<semaphore_mem>> -> memref<1x!tpu.dma_semaphore, #tpu.memory_space<semaphore_mem>>
        %dma_start3A_632 = tpu.memref_squeeze %dma_start3A_631 : memref<1x!tpu.dma_semaphore, #tpu.memory_space<semaphore_mem>> -> memref<!tpu.dma_semaphore, #tpu.memory_space<semaphore_mem>>
        %dma_start3A_633 = arith.constant 0 : i32
        %dma_start3A_634 = arith.constant 0 : i32
        %dma_start3A_635 = tpu.memref_slice %arg4[%dma_start3A_622, %dma_start3A_633, %dma_start3A_634] : memref<2x256x11xf32, #tpu.memory_space<vmem>> -> memref<1x256x11xf32, #tpu.memory_space<vmem>>
        %dma_start3A_636 = tpu.memref_squeeze %dma_start3A_635 : memref<1x256x11xf32, #tpu.memory_space<vmem>> -> memref<256x11xf32, #tpu.memory_space<vmem>>
        %dma_start3A_637 = arith.constant 0 : i32
        %dma_start3A_638 = tpu.memref_slice %arg2[%select_n3A_603, %mul3A_621, %dma_start3A_637] : memref<200x4096x11xf32, #tpu.memory_space<hbm>> -> memref<1x256x11xf32, #tpu.memory_space<hbm>>
        %dma_start3A_639 = tpu.memref_squeeze %dma_start3A_638 : memref<1x256x11xf32, #tpu.memory_space<hbm>> -> memref<256x11xf32, #tpu.memory_space<hbm>>
        tpu.enqueue_dma source(%dma_start3A_639 : memref<256x11xf32, #tpu.memory_space<hbm>>) target(%dma_start3A_636 : memref<256x11xf32, #tpu.memory_space<vmem>>) target_semaphore(%dma_start3A_632 : memref<!tpu.dma_semaphore, #tpu.memory_space<semaphore_mem>>)
      } else {
      }
      %mul3A_418 = arith.constant 2 : i32
      %mul3A_419 = arith.muli %mul3A_418, %scan3A_193 : i32
      %add3A_420 = arith.constant 1 : i32
      %add3A_421 = arith.addi %mul3A_419, %add3A_420 : i32
      %mul3A_422 = arith.constant 32 : i32
      %mul3A_423 = arith.muli %add3A_421, %mul3A_422 : i32
      %add3A_424 = arith.constant 1600 : i32
      %add3A_425 = arith.addi %add3A_424, %mul3A_423 : i32
      %add3A_426 = arith.addi %add3A_425, %add3A : i32
      %jit3A_427 = arith.constant 16 : i32
      %div3A_428 = arith.divsi %add3A_426, %jit3A_427 : i32
      %sign3A_429 = arith.constant 0 : i32
      %sign3A_430 = arith.cmpi sgt, %add3A_426, %sign3A_429 : i32
      %sign3A_431 = arith.extui %sign3A_430 : i1 to i32
      %sign3A_432 = arith.constant 0 : i32
      %sign3A_433 = arith.cmpi slt, %add3A_426, %sign3A_432 : i32
      %sign3A_434 = arith.extui %sign3A_433 : i1 to i32
      %sign3A_435 = arith.subi %sign3A_431, %sign3A_434 : i32
      %sign3A_436 = arith.constant 0 : i32
      %sign3A_437 = arith.cmpi sgt, %jit3A_427, %sign3A_436 : i32
      %sign3A_438 = arith.extui %sign3A_437 : i1 to i32
      %sign3A_439 = arith.constant 0 : i32
      %sign3A_440 = arith.cmpi slt, %jit3A_427, %sign3A_439 : i32
      %sign3A_441 = arith.extui %sign3A_440 : i1 to i32
      %sign3A_442 = arith.subi %sign3A_438, %sign3A_441 : i32
      %ne3A_443 = arith.cmpi ne, %sign3A_435, %sign3A_442 : i32
      %rem3A_444 = arith.remsi %add3A_426, %jit3A_427 : i32
      %ne3A_445 = arith.constant 0 : i32
      %ne3A_446 = arith.cmpi ne, %rem3A_444, %ne3A_445 : i32
      %and3A_447 = arith.andi %ne3A_443, %ne3A_446 : i1
      %sub3A_448 = arith.constant 1 : i32
      %sub3A_449 = arith.subi %div3A_428, %sub3A_448 : i32
      %select_n3A_450 = arith.select %and3A_447, %sub3A_449, %div3A_428 : i32
      %jit3A_451 = arith.constant 16 : i32
      %eq3A_452 = arith.constant 0 : i32
      %eq3A_453 = arith.cmpi eq, %jit3A_451, %eq3A_452 : i32
      %jit3A_454 = arith.constant 1 : i32
      %select_n3A_455 = arith.select %eq3A_453, %jit3A_454, %jit3A_451 : i32
      %rem3A_456 = arith.remsi %add3A_426, %select_n3A_455 : i32
      %ne3A_457 = arith.constant 0 : i32
      %ne3A_458 = arith.cmpi ne, %rem3A_456, %ne3A_457 : i32
      %lt3A_459 = arith.constant 0 : i32
      %lt3A_460 = arith.cmpi slt, %rem3A_456, %lt3A_459 : i32
      %lt3A_461 = arith.constant 0 : i32
      %lt3A_462 = arith.cmpi slt, %select_n3A_455, %lt3A_461 : i32
      %ne3A_463 = arith.xori %lt3A_460, %lt3A_462 : i1
      %and3A_464 = arith.andi %ne3A_463, %ne3A_458 : i1
      %add3A_465 = arith.addi %rem3A_456, %select_n3A_455 : i32
      %select_n3A_466 = arith.select %and3A_464, %add3A_465, %rem3A_456 : i32
      %mul3A_467 = arith.constant 256 : i32
      %mul3A_468 = arith.muli %select_n3A_466, %mul3A_467 : i32
      %dma_wait3A_469 = arith.constant 1 : i32
      %dma_wait3A_470 = arith.constant 1 : i32
      %dma_wait3A_471 = arith.constant 0 : i32
      %dma_wait3A_472 = arith.constant 0 : i32
      %dma_wait3A_473 = tpu.memref_slice %arg4[%dma_wait3A_469, %dma_wait3A_471, %dma_wait3A_472] : memref<2x256x11xf32, #tpu.memory_space<vmem>> -> memref<1x256x11xf32, #tpu.memory_space<vmem>>
      %dma_wait3A_474 = tpu.memref_squeeze %dma_wait3A_473 : memref<1x256x11xf32, #tpu.memory_space<vmem>> -> memref<256x11xf32, #tpu.memory_space<vmem>>
      %dma_wait3A_475 = arith.constant 0 : i32
      %dma_wait3A_476 = tpu.memref_slice %arg2[%select_n3A_450, %mul3A_468, %dma_wait3A_475] : memref<200x4096x11xf32, #tpu.memory_space<hbm>> -> memref<1x256x11xf32, #tpu.memory_space<hbm>>
      %dma_wait3A_477 = tpu.memref_squeeze %dma_wait3A_476 : memref<1x256x11xf32, #tpu.memory_space<hbm>> -> memref<256x11xf32, #tpu.memory_space<hbm>>
      %dma_wait3A_478 = tpu.memref_slice %arg6[%dma_wait3A_470] : memref<4x!tpu.dma_semaphore, #tpu.memory_space<semaphore_mem>> -> memref<1x!tpu.dma_semaphore, #tpu.memory_space<semaphore_mem>>
      %dma_wait3A_479 = tpu.memref_squeeze %dma_wait3A_478 : memref<1x!tpu.dma_semaphore, #tpu.memory_space<semaphore_mem>> -> memref<!tpu.dma_semaphore, #tpu.memory_space<semaphore_mem>>
      %dma_wait3A_480 = arith.constant 0 : i32
      %dma_wait3A_481 = arith.constant 0 : i32
      %dma_wait3A_482 = tpu.memref_slice %arg4[%dma_wait3A_469, %dma_wait3A_480, %dma_wait3A_481] : memref<2x256x11xf32, #tpu.memory_space<vmem>> -> memref<1x256x11xf32, #tpu.memory_space<vmem>>
      %dma_wait3A_483 = tpu.memref_squeeze %dma_wait3A_482 : memref<1x256x11xf32, #tpu.memory_space<vmem>> -> memref<256x11xf32, #tpu.memory_space<vmem>>
      %dma_wait3A_484 = arith.constant 0 : i32
      %dma_wait3A_485 = tpu.memref_slice %arg2[%select_n3A_450, %mul3A_468, %dma_wait3A_484] : memref<200x4096x11xf32, #tpu.memory_space<hbm>> -> memref<1x256x11xf32, #tpu.memory_space<hbm>>
      %dma_wait3A_486 = tpu.memref_squeeze %dma_wait3A_485 : memref<1x256x11xf32, #tpu.memory_space<hbm>> -> memref<256x11xf32, #tpu.memory_space<hbm>>
      tpu.wait_dma2 semaphore(%dma_wait3A_479 : memref<!tpu.dma_semaphore, #tpu.memory_space<semaphore_mem>>) src(%dma_wait3A_486 : memref<256x11xf32, #tpu.memory_space<hbm>>) dst(%dma_wait3A_483 : memref<256x11xf32, #tpu.memory_space<vmem>>)
      %gt3A_487 = arith.constant 0 : i32
      %gt3A_488 = arith.cmpi sgt, %scan3A_193, %gt3A_487 : i32
      %convert_element_type3A_489 = arith.extui %gt3A_488 : i1 to i32
      %cond3A_490 = arith.constant 0 : i32
      %cond3A_491 = arith.cmpi ne, %convert_element_type3A_489, %cond3A_490 : i32
      scf.if %cond3A_491 {
        %mul3A_571 = arith.constant 2 : i32
        %mul3A_572 = arith.muli %mul3A_571, %scan3A_193 : i32
        %sub3A_573 = arith.constant 1 : i32
        %sub3A_574 = arith.subi %mul3A_572, %sub3A_573 : i32
        %mul3A_575 = arith.constant 32 : i32
        %mul3A_576 = arith.muli %sub3A_574, %mul3A_575 : i32
        %add3A_577 = arith.constant 1600 : i32
        %add3A_578 = arith.addi %add3A_577, %mul3A_576 : i32
        %add3A_579 = arith.addi %add3A_578, %add3A : i32
        %jit3A_580 = arith.constant 16 : i32
        %div3A_581 = arith.divsi %add3A_579, %jit3A_580 : i32
        %sign3A_582 = arith.constant 0 : i32
        %sign3A_583 = arith.cmpi sgt, %add3A_579, %sign3A_582 : i32
        %sign3A_584 = arith.extui %sign3A_583 : i1 to i32
        %sign3A_585 = arith.constant 0 : i32
        %sign3A_586 = arith.cmpi slt, %add3A_579, %sign3A_585 : i32
        %sign3A_587 = arith.extui %sign3A_586 : i1 to i32
        %sign3A_588 = arith.subi %sign3A_584, %sign3A_587 : i32
        %sign3A_589 = arith.constant 0 : i32
        %sign3A_590 = arith.cmpi sgt, %jit3A_580, %sign3A_589 : i32
        %sign3A_591 = arith.extui %sign3A_590 : i1 to i32
        %sign3A_592 = arith.constant 0 : i32
        %sign3A_593 = arith.cmpi slt, %jit3A_580, %sign3A_592 : i32
        %sign3A_594 = arith.extui %sign3A_593 : i1 to i32
        %sign3A_595 = arith.subi %sign3A_591, %sign3A_594 : i32
        %ne3A_596 = arith.cmpi ne, %sign3A_588, %sign3A_595 : i32
        %rem3A_597 = arith.remsi %add3A_579, %jit3A_580 : i32
        %ne3A_598 = arith.constant 0 : i32
        %ne3A_599 = arith.cmpi ne, %rem3A_597, %ne3A_598 : i32
        %and3A_600 = arith.andi %ne3A_596, %ne3A_599 : i1
        %sub3A_601 = arith.constant 1 : i32
        %sub3A_602 = arith.subi %div3A_581, %sub3A_601 : i32
        %select_n3A_603 = arith.select %and3A_600, %sub3A_602, %div3A_581 : i32
        %sub3A_604 = arith.constant 100 : i32
        %sub3A_605 = arith.subi %select_n3A_603, %sub3A_604 : i32
        %jit3A_606 = arith.constant 16 : i32
        %eq3A_607 = arith.constant 0 : i32
        %eq3A_608 = arith.cmpi eq, %jit3A_606, %eq3A_607 : i32
        %jit3A_609 = arith.constant 1 : i32
        %select_n3A_610 = arith.select %eq3A_608, %jit3A_609, %jit3A_606 : i32
        %rem3A_611 = arith.remsi %add3A_579, %select_n3A_610 : i32
        %ne3A_612 = arith.constant 0 : i32
        %ne3A_613 = arith.cmpi ne, %rem3A_611, %ne3A_612 : i32
        %lt3A_614 = arith.constant 0 : i32
        %lt3A_615 = arith.cmpi slt, %rem3A_611, %lt3A_614 : i32
        %lt3A_616 = arith.constant 0 : i32
        %lt3A_617 = arith.cmpi slt, %select_n3A_610, %lt3A_616 : i32
        %ne3A_618 = arith.xori %lt3A_615, %lt3A_617 : i1
        %and3A_619 = arith.andi %ne3A_618, %ne3A_613 : i1
        %add3A_620 = arith.addi %rem3A_611, %select_n3A_610 : i32
        %select_n3A_621 = arith.select %and3A_619, %add3A_620, %rem3A_611 : i32
        %mul3A_622 = arith.constant 256 : i32
        %mul3A_623 = arith.muli %select_n3A_621, %mul3A_622 : i32
        %dma_wait3A_624 = arith.constant 1 : i32
        %dma_wait3A_625 = arith.constant 3 : i32
        %dma_wait3A_626 = arith.constant 0 : i32
        %dma_wait3A_627 = arith.constant 0 : i32
        %dma_wait3A_628 = tpu.memref_slice %arg5[%dma_wait3A_624, %dma_wait3A_626, %dma_wait3A_627] : memref<2x16x256xf32, #tpu.memory_space<vmem>> -> memref<1x16x256xf32, #tpu.memory_space<vmem>>
        %dma_wait3A_629 = tpu.memref_squeeze %dma_wait3A_628 : memref<1x16x256xf32, #tpu.memory_space<vmem>> -> memref<16x256xf32, #tpu.memory_space<vmem>>
        %dma_wait3A_630 = arith.constant 0 : i32
        %dma_wait3A_631 = tpu.memref_slice %arg3[%sub3A_605, %dma_wait3A_630, %mul3A_623] : memref<100x16x4096xf32, #tpu.memory_space<hbm>> -> memref<1x16x256xf32, #tpu.memory_space<hbm>>
        %dma_wait3A_632 = tpu.memref_squeeze %dma_wait3A_631 : memref<1x16x256xf32, #tpu.memory_space<hbm>> -> memref<16x256xf32, #tpu.memory_space<hbm>>
        %dma_wait3A_633 = tpu.memref_slice %arg6[%dma_wait3A_625] : memref<4x!tpu.dma_semaphore, #tpu.memory_space<semaphore_mem>> -> memref<1x!tpu.dma_semaphore, #tpu.memory_space<semaphore_mem>>
        %dma_wait3A_634 = tpu.memref_squeeze %dma_wait3A_633 : memref<1x!tpu.dma_semaphore, #tpu.memory_space<semaphore_mem>> -> memref<!tpu.dma_semaphore, #tpu.memory_space<semaphore_mem>>
        %dma_wait3A_635 = arith.constant 0 : i32
        %dma_wait3A_636 = tpu.memref_slice %arg3[%sub3A_605, %dma_wait3A_635, %mul3A_623] : memref<100x16x4096xf32, #tpu.memory_space<hbm>> -> memref<1x16x256xf32, #tpu.memory_space<hbm>>
        %dma_wait3A_637 = tpu.memref_squeeze %dma_wait3A_636 : memref<1x16x256xf32, #tpu.memory_space<hbm>> -> memref<16x256xf32, #tpu.memory_space<hbm>>
        %dma_wait3A_638 = arith.constant 0 : i32
        %dma_wait3A_639 = arith.constant 0 : i32
        %dma_wait3A_640 = tpu.memref_slice %arg5[%dma_wait3A_624, %dma_wait3A_638, %dma_wait3A_639] : memref<2x16x256xf32, #tpu.memory_space<vmem>> -> memref<1x16x256xf32, #tpu.memory_space<vmem>>
        %dma_wait3A_641 = tpu.memref_squeeze %dma_wait3A_640 : memref<1x16x256xf32, #tpu.memory_space<vmem>> -> memref<16x256xf32, #tpu.memory_space<vmem>>
        tpu.wait_dma2 semaphore(%dma_wait3A_634 : memref<!tpu.dma_semaphore, #tpu.memory_space<semaphore_mem>>) src(%dma_wait3A_641 : memref<16x256xf32, #tpu.memory_space<vmem>>) dst(%dma_wait3A_637 : memref<16x256xf32, #tpu.memory_space<hbm>>)
      } else {
      }
      %scan3A_492 = arith.constant 0 : i32
      %scan3A_493 = arith.constant 0 : i32
      %scan3A_494 = arith.constant 16 : i32
      %scan3A_495 = arith.addi %scan3A_493, %scan3A_494 : i32
      %scan3A_496 = arith.constant 1 : i32
      %scan3A_497 = scf.for %scan3A_571 = %scan3A_493 to %scan3A_495 step %scan3A_496 iter_args(%scan3A_572 = %scan3A_492) -> (i32)  : i32 {
        %mul3A_573 = arith.constant 16 : i32
        %mul3A_574 = arith.muli %scan3A_571, %mul3A_573 : i32
        %add3A_575 = vector.broadcast %mul3A_574 : i32 to vector<16xi32>
        %add3A_576 = arith.addi %add3A_575, %iota3A : vector<16xi32>
        %broadcast_in_dim3A_577 = arith.constant 0 : i32
        %broadcast_in_dim3A_578 = vector.broadcast %broadcast_in_dim3A_577 : i32 to vector<16xi32>
        %gather3A = arith.constant 1 : i32
        %gather3A_579 = arith.constant 0 : i32
        %gather3A_580 = arith.constant 0 : i32
        %gather3A_581 = tpu.memref_slice %arg4[%gather3A, %gather3A_579, %gather3A_580] : memref<2x256x11xf32, #tpu.memory_space<vmem>> -> memref<1x256x11xf32, #tpu.memory_space<vmem>>
        %gather3A_582 = tpu.memref_squeeze %gather3A_581 : memref<1x256x11xf32, #tpu.memory_space<vmem>> -> memref<256x11xf32, #tpu.memory_space<vmem>>
        %gather3A_583 = tpu.vector_load_idx %gather3A_582[%add3A_576, %broadcast_in_dim3A_578] : memref<256x11xf32, #tpu.memory_space<vmem>>[vector<16xi32>, vector<16xi32>], vector<16xf32>,
        %mul3A_584 = arith.constant 16 : i32
        %mul3A_585 = arith.muli %scan3A_571, %mul3A_584 : i32
        %swap3A = arith.constant 1 : i32
        %swap3A_586 = arith.constant 0 : i32
        %swap3A_587 = arith.index_cast %swap3A : i32 to index
        %swap3A_588 = arith.index_cast %swap3A_586 : i32 to index
        %swap3A_589 = arith.index_cast %mul3A_585 : i32 to index
        %swap3A_590 = tpu.vector_load %arg5[%swap3A_587, %swap3A_588, %swap3A_589] {strides = array<i32>} : memref<2x16x256xf32, #tpu.memory_space<vmem>>, vector<16xf32>,
        tpu.vector_store %arg5[%swap3A_587, %swap3A_588, %swap3A_589], %gather3A_583 {strides = array<i32>} : memref<2x16x256xf32, #tpu.memory_space<vmem>>, vector<16xf32>,
        %broadcast_in_dim3A_591 = arith.constant 1 : i32
        %broadcast_in_dim3A_592 = vector.broadcast %broadcast_in_dim3A_591 : i32 to vector<16xi32>
        %gather3A_593 = arith.constant 1 : i32
        %gather3A_594 = arith.constant 0 : i32
        %gather3A_595 = arith.constant 0 : i32
        %gather3A_596 = tpu.memref_slice %arg4[%gather3A_593, %gather3A_594, %gather3A_595] : memref<2x256x11xf32, #tpu.memory_space<vmem>> -> memref<1x256x11xf32, #tpu.memory_space<vmem>>
        %gather3A_597 = tpu.memref_squeeze %gather3A_596 : memref<1x256x11xf32, #tpu.memory_space<vmem>> -> memref<256x11xf32, #tpu.memory_space<vmem>>
        %gather3A_598 = tpu.vector_load_idx %gather3A_597[%add3A_576, %broadcast_in_dim3A_592] : memref<256x11xf32, #tpu.memory_space<vmem>>[vector<16xi32>, vector<16xi32>], vector<16xf32>,
        %mul3A_599 = arith.constant 16 : i32
        %mul3A_600 = arith.muli %scan3A_571, %mul3A_599 : i32
        %swap3A_601 = arith.constant 1 : i32
        %swap3A_602 = arith.constant 1 : i32
        %swap3A_603 = arith.index_cast %swap3A_601 : i32 to index
        %swap3A_604 = arith.index_cast %swap3A_602 : i32 to index
        %swap3A_605 = arith.index_cast %mul3A_600 : i32 to index
        %swap3A_606 = tpu.vector_load %arg5[%swap3A_603, %swap3A_604, %swap3A_605] {strides = array<i32>} : memref<2x16x256xf32, #tpu.memory_space<vmem>>, vector<16xf32>,
        tpu.vector_store %arg5[%swap3A_603, %swap3A_604, %swap3A_605], %gather3A_598 {strides = array<i32>} : memref<2x16x256xf32, #tpu.memory_space<vmem>>, vector<16xf32>,
        %broadcast_in_dim3A_607 = arith.constant 2 : i32
        %broadcast_in_dim3A_608 = vector.broadcast %broadcast_in_dim3A_607 : i32 to vector<16xi32>
        %gather3A_609 = arith.constant 1 : i32
        %gather3A_610 = arith.constant 0 : i32
        %gather3A_611 = arith.constant 0 : i32
        %gather3A_612 = tpu.memref_slice %arg4[%gather3A_609, %gather3A_610, %gather3A_611] : memref<2x256x11xf32, #tpu.memory_space<vmem>> -> memref<1x256x11xf32, #tpu.memory_space<vmem>>
        %gather3A_613 = tpu.memref_squeeze %gather3A_612 : memref<1x256x11xf32, #tpu.memory_space<vmem>> -> memref<256x11xf32, #tpu.memory_space<vmem>>
        %gather3A_614 = tpu.vector_load_idx %gather3A_613[%add3A_576, %broadcast_in_dim3A_608] : memref<256x11xf32, #tpu.memory_space<vmem>>[vector<16xi32>, vector<16xi32>], vector<16xf32>,
        %mul3A_615 = arith.constant 16 : i32
        %mul3A_616 = arith.muli %scan3A_571, %mul3A_615 : i32
        %swap3A_617 = arith.constant 1 : i32
        %swap3A_618 = arith.constant 2 : i32
        %swap3A_619 = arith.index_cast %swap3A_617 : i32 to index
        %swap3A_620 = arith.index_cast %swap3A_618 : i32 to index
        %swap3A_621 = arith.index_cast %mul3A_616 : i32 to index
        %swap3A_622 = tpu.vector_load %arg5[%swap3A_619, %swap3A_620, %swap3A_621] {strides = array<i32>} : memref<2x16x256xf32, #tpu.memory_space<vmem>>, vector<16xf32>,
        tpu.vector_store %arg5[%swap3A_619, %swap3A_620, %swap3A_621], %gather3A_614 {strides = array<i32>} : memref<2x16x256xf32, #tpu.memory_space<vmem>>, vector<16xf32>,
        %broadcast_in_dim3A_623 = arith.constant 3 : i32
        %broadcast_in_dim3A_624 = vector.broadcast %broadcast_in_dim3A_623 : i32 to vector<16xi32>
        %gather3A_625 = arith.constant 1 : i32
        %gather3A_626 = arith.constant 0 : i32
        %gather3A_627 = arith.constant 0 : i32
        %gather3A_628 = tpu.memref_slice %arg4[%gather3A_625, %gather3A_626, %gather3A_627] : memref<2x256x11xf32, #tpu.memory_space<vmem>> -> memref<1x256x11xf32, #tpu.memory_space<vmem>>
        %gather3A_629 = tpu.memref_squeeze %gather3A_628 : memref<1x256x11xf32, #tpu.memory_space<vmem>> -> memref<256x11xf32, #tpu.memory_space<vmem>>
        %gather3A_630 = tpu.vector_load_idx %gather3A_629[%add3A_576, %broadcast_in_dim3A_624] : memref<256x11xf32, #tpu.memory_space<vmem>>[vector<16xi32>, vector<16xi32>], vector<16xf32>,
        %mul3A_631 = arith.constant 16 : i32
        %mul3A_632 = arith.muli %scan3A_571, %mul3A_631 : i32
        %swap3A_633 = arith.constant 1 : i32
        %swap3A_634 = arith.constant 3 : i32
        %swap3A_635 = arith.index_cast %swap3A_633 : i32 to index
        %swap3A_636 = arith.index_cast %swap3A_634 : i32 to index
        %swap3A_637 = arith.index_cast %mul3A_632 : i32 to index
        %swap3A_638 = tpu.vector_load %arg5[%swap3A_635, %swap3A_636, %swap3A_637] {strides = array<i32>} : memref<2x16x256xf32, #tpu.memory_space<vmem>>, vector<16xf32>,
        tpu.vector_store %arg5[%swap3A_635, %swap3A_636, %swap3A_637], %gather3A_630 {strides = array<i32>} : memref<2x16x256xf32, #tpu.memory_space<vmem>>, vector<16xf32>,
        %broadcast_in_dim3A_639 = arith.constant 4 : i32
        %broadcast_in_dim3A_640 = vector.broadcast %broadcast_in_dim3A_639 : i32 to vector<16xi32>
        %gather3A_641 = arith.constant 1 : i32
        %gather3A_642 = arith.constant 0 : i32
        %gather3A_643 = arith.constant 0 : i32
        %gather3A_644 = tpu.memref_slice %arg4[%gather3A_641, %gather3A_642, %gather3A_643] : memref<2x256x11xf32, #tpu.memory_space<vmem>> -> memref<1x256x11xf32, #tpu.memory_space<vmem>>
        %gather3A_645 = tpu.memref_squeeze %gather3A_644 : memref<1x256x11xf32, #tpu.memory_space<vmem>> -> memref<256x11xf32, #tpu.memory_space<vmem>>
        %gather3A_646 = tpu.vector_load_idx %gather3A_645[%add3A_576, %broadcast_in_dim3A_640] : memref<256x11xf32, #tpu.memory_space<vmem>>[vector<16xi32>, vector<16xi32>], vector<16xf32>,
        %mul3A_647 = arith.constant 16 : i32
        %mul3A_648 = arith.muli %scan3A_571, %mul3A_647 : i32
        %swap3A_649 = arith.constant 1 : i32
        %swap3A_650 = arith.constant 4 : i32
        %swap3A_651 = arith.index_cast %swap3A_649 : i32 to index
        %swap3A_652 = arith.index_cast %swap3A_650 : i32 to index
        %swap3A_653 = arith.index_cast %mul3A_648 : i32 to index
        %swap3A_654 = tpu.vector_load %arg5[%swap3A_651, %swap3A_652, %swap3A_653] {strides = array<i32>} : memref<2x16x256xf32, #tpu.memory_space<vmem>>, vector<16xf32>,
        tpu.vector_store %arg5[%swap3A_651, %swap3A_652, %swap3A_653], %gather3A_646 {strides = array<i32>} : memref<2x16x256xf32, #tpu.memory_space<vmem>>, vector<16xf32>,
        %broadcast_in_dim3A_655 = arith.constant 5 : i32
        %broadcast_in_dim3A_656 = vector.broadcast %broadcast_in_dim3A_655 : i32 to vector<16xi32>
        %gather3A_657 = arith.constant 1 : i32
        %gather3A_658 = arith.constant 0 : i32
        %gather3A_659 = arith.constant 0 : i32
        %gather3A_660 = tpu.memref_slice %arg4[%gather3A_657, %gather3A_658, %gather3A_659] : memref<2x256x11xf32, #tpu.memory_space<vmem>> -> memref<1x256x11xf32, #tpu.memory_space<vmem>>
        %gather3A_661 = tpu.memref_squeeze %gather3A_660 : memref<1x256x11xf32, #tpu.memory_space<vmem>> -> memref<256x11xf32, #tpu.memory_space<vmem>>
        %gather3A_662 = tpu.vector_load_idx %gather3A_661[%add3A_576, %broadcast_in_dim3A_656] : memref<256x11xf32, #tpu.memory_space<vmem>>[vector<16xi32>, vector<16xi32>], vector<16xf32>,
        %mul3A_663 = arith.constant 16 : i32
        %mul3A_664 = arith.muli %scan3A_571, %mul3A_663 : i32
        %swap3A_665 = arith.constant 1 : i32
        %swap3A_666 = arith.constant 5 : i32
        %swap3A_667 = arith.index_cast %swap3A_665 : i32 to index
        %swap3A_668 = arith.index_cast %swap3A_666 : i32 to index
        %swap3A_669 = arith.index_cast %mul3A_664 : i32 to index
        %swap3A_670 = tpu.vector_load %arg5[%swap3A_667, %swap3A_668, %swap3A_669] {strides = array<i32>} : memref<2x16x256xf32, #tpu.memory_space<vmem>>, vector<16xf32>,
        tpu.vector_store %arg5[%swap3A_667, %swap3A_668, %swap3A_669], %gather3A_662 {strides = array<i32>} : memref<2x16x256xf32, #tpu.memory_space<vmem>>, vector<16xf32>,
        %broadcast_in_dim3A_671 = arith.constant 6 : i32
        %broadcast_in_dim3A_672 = vector.broadcast %broadcast_in_dim3A_671 : i32 to vector<16xi32>
        %gather3A_673 = arith.constant 1 : i32
        %gather3A_674 = arith.constant 0 : i32
        %gather3A_675 = arith.constant 0 : i32
        %gather3A_676 = tpu.memref_slice %arg4[%gather3A_673, %gather3A_674, %gather3A_675] : memref<2x256x11xf32, #tpu.memory_space<vmem>> -> memref<1x256x11xf32, #tpu.memory_space<vmem>>
        %gather3A_677 = tpu.memref_squeeze %gather3A_676 : memref<1x256x11xf32, #tpu.memory_space<vmem>> -> memref<256x11xf32, #tpu.memory_space<vmem>>
        %gather3A_678 = tpu.vector_load_idx %gather3A_677[%add3A_576, %broadcast_in_dim3A_672] : memref<256x11xf32, #tpu.memory_space<vmem>>[vector<16xi32>, vector<16xi32>], vector<16xf32>,
        %mul3A_679 = arith.constant 16 : i32
        %mul3A_680 = arith.muli %scan3A_571, %mul3A_679 : i32
        %swap3A_681 = arith.constant 1 : i32
        %swap3A_682 = arith.constant 6 : i32
        %swap3A_683 = arith.index_cast %swap3A_681 : i32 to index
        %swap3A_684 = arith.index_cast %swap3A_682 : i32 to index
        %swap3A_685 = arith.index_cast %mul3A_680 : i32 to index
        %swap3A_686 = tpu.vector_load %arg5[%swap3A_683, %swap3A_684, %swap3A_685] {strides = array<i32>} : memref<2x16x256xf32, #tpu.memory_space<vmem>>, vector<16xf32>,
        tpu.vector_store %arg5[%swap3A_683, %swap3A_684, %swap3A_685], %gather3A_678 {strides = array<i32>} : memref<2x16x256xf32, #tpu.memory_space<vmem>>, vector<16xf32>,
        %broadcast_in_dim3A_687 = arith.constant 7 : i32
        %broadcast_in_dim3A_688 = vector.broadcast %broadcast_in_dim3A_687 : i32 to vector<16xi32>
        %gather3A_689 = arith.constant 1 : i32
        %gather3A_690 = arith.constant 0 : i32
        %gather3A_691 = arith.constant 0 : i32
        %gather3A_692 = tpu.memref_slice %arg4[%gather3A_689, %gather3A_690, %gather3A_691] : memref<2x256x11xf32, #tpu.memory_space<vmem>> -> memref<1x256x11xf32, #tpu.memory_space<vmem>>
        %gather3A_693 = tpu.memref_squeeze %gather3A_692 : memref<1x256x11xf32, #tpu.memory_space<vmem>> -> memref<256x11xf32, #tpu.memory_space<vmem>>
        %gather3A_694 = tpu.vector_load_idx %gather3A_693[%add3A_576, %broadcast_in_dim3A_688] : memref<256x11xf32, #tpu.memory_space<vmem>>[vector<16xi32>, vector<16xi32>], vector<16xf32>,
        %mul3A_695 = arith.constant 16 : i32
        %mul3A_696 = arith.muli %scan3A_571, %mul3A_695 : i32
        %swap3A_697 = arith.constant 1 : i32
        %swap3A_698 = arith.constant 7 : i32
        %swap3A_699 = arith.index_cast %swap3A_697 : i32 to index
        %swap3A_700 = arith.index_cast %swap3A_698 : i32 to index
        %swap3A_701 = arith.index_cast %mul3A_696 : i32 to index
        %swap3A_702 = tpu.vector_load %arg5[%swap3A_699, %swap3A_700, %swap3A_701] {strides = array<i32>} : memref<2x16x256xf32, #tpu.memory_space<vmem>>, vector<16xf32>,
        tpu.vector_store %arg5[%swap3A_699, %swap3A_700, %swap3A_701], %gather3A_694 {strides = array<i32>} : memref<2x16x256xf32, #tpu.memory_space<vmem>>, vector<16xf32>,
        %broadcast_in_dim3A_703 = arith.constant 8 : i32
        %broadcast_in_dim3A_704 = vector.broadcast %broadcast_in_dim3A_703 : i32 to vector<16xi32>
        %gather3A_705 = arith.constant 1 : i32
        %gather3A_706 = arith.constant 0 : i32
        %gather3A_707 = arith.constant 0 : i32
        %gather3A_708 = tpu.memref_slice %arg4[%gather3A_705, %gather3A_706, %gather3A_707] : memref<2x256x11xf32, #tpu.memory_space<vmem>> -> memref<1x256x11xf32, #tpu.memory_space<vmem>>
        %gather3A_709 = tpu.memref_squeeze %gather3A_708 : memref<1x256x11xf32, #tpu.memory_space<vmem>> -> memref<256x11xf32, #tpu.memory_space<vmem>>
        %gather3A_710 = tpu.vector_load_idx %gather3A_709[%add3A_576, %broadcast_in_dim3A_704] : memref<256x11xf32, #tpu.memory_space<vmem>>[vector<16xi32>, vector<16xi32>], vector<16xf32>,
        %mul3A_711 = arith.constant 16 : i32
        %mul3A_712 = arith.muli %scan3A_571, %mul3A_711 : i32
        %swap3A_713 = arith.constant 1 : i32
        %swap3A_714 = arith.constant 8 : i32
        %swap3A_715 = arith.index_cast %swap3A_713 : i32 to index
        %swap3A_716 = arith.index_cast %swap3A_714 : i32 to index
        %swap3A_717 = arith.index_cast %mul3A_712 : i32 to index
        %swap3A_718 = tpu.vector_load %arg5[%swap3A_715, %swap3A_716, %swap3A_717] {strides = array<i32>} : memref<2x16x256xf32, #tpu.memory_space<vmem>>, vector<16xf32>,
        tpu.vector_store %arg5[%swap3A_715, %swap3A_716, %swap3A_717], %gather3A_710 {strides = array<i32>} : memref<2x16x256xf32, #tpu.memory_space<vmem>>, vector<16xf32>,
        %broadcast_in_dim3A_719 = arith.constant 9 : i32
        %broadcast_in_dim3A_720 = vector.broadcast %broadcast_in_dim3A_719 : i32 to vector<16xi32>
        %gather3A_721 = arith.constant 1 : i32
        %gather3A_722 = arith.constant 0 : i32
        %gather3A_723 = arith.constant 0 : i32
        %gather3A_724 = tpu.memref_slice %arg4[%gather3A_721, %gather3A_722, %gather3A_723] : memref<2x256x11xf32, #tpu.memory_space<vmem>> -> memref<1x256x11xf32, #tpu.memory_space<vmem>>
        %gather3A_725 = tpu.memref_squeeze %gather3A_724 : memref<1x256x11xf32, #tpu.memory_space<vmem>> -> memref<256x11xf32, #tpu.memory_space<vmem>>
        %gather3A_726 = tpu.vector_load_idx %gather3A_725[%add3A_576, %broadcast_in_dim3A_720] : memref<256x11xf32, #tpu.memory_space<vmem>>[vector<16xi32>, vector<16xi32>], vector<16xf32>,
        %mul3A_727 = arith.constant 16 : i32
        %mul3A_728 = arith.muli %scan3A_571, %mul3A_727 : i32
        %swap3A_729 = arith.constant 1 : i32
        %swap3A_730 = arith.constant 9 : i32
        %swap3A_731 = arith.index_cast %swap3A_729 : i32 to index
        %swap3A_732 = arith.index_cast %swap3A_730 : i32 to index
        %swap3A_733 = arith.index_cast %mul3A_728 : i32 to index
        %swap3A_734 = tpu.vector_load %arg5[%swap3A_731, %swap3A_732, %swap3A_733] {strides = array<i32>} : memref<2x16x256xf32, #tpu.memory_space<vmem>>, vector<16xf32>,
        tpu.vector_store %arg5[%swap3A_731, %swap3A_732, %swap3A_733], %gather3A_726 {strides = array<i32>} : memref<2x16x256xf32, #tpu.memory_space<vmem>>, vector<16xf32>,
        %broadcast_in_dim3A_735 = arith.constant 10 : i32
        %broadcast_in_dim3A_736 = vector.broadcast %broadcast_in_dim3A_735 : i32 to vector<16xi32>
        %gather3A_737 = arith.constant 1 : i32
        %gather3A_738 = arith.constant 0 : i32
        %gather3A_739 = arith.constant 0 : i32
        %gather3A_740 = tpu.memref_slice %arg4[%gather3A_737, %gather3A_738, %gather3A_739] : memref<2x256x11xf32, #tpu.memory_space<vmem>> -> memref<1x256x11xf32, #tpu.memory_space<vmem>>
        %gather3A_741 = tpu.memref_squeeze %gather3A_740 : memref<1x256x11xf32, #tpu.memory_space<vmem>> -> memref<256x11xf32, #tpu.memory_space<vmem>>
        %gather3A_742 = tpu.vector_load_idx %gather3A_741[%add3A_576, %broadcast_in_dim3A_736] : memref<256x11xf32, #tpu.memory_space<vmem>>[vector<16xi32>, vector<16xi32>], vector<16xf32>,
        %mul3A_743 = arith.constant 16 : i32
        %mul3A_744 = arith.muli %scan3A_571, %mul3A_743 : i32
        %swap3A_745 = arith.constant 1 : i32
        %swap3A_746 = arith.constant 10 : i32
        %swap3A_747 = arith.index_cast %swap3A_745 : i32 to index
        %swap3A_748 = arith.index_cast %swap3A_746 : i32 to index
        %swap3A_749 = arith.index_cast %mul3A_744 : i32 to index
        %swap3A_750 = tpu.vector_load %arg5[%swap3A_747, %swap3A_748, %swap3A_749] {strides = array<i32>} : memref<2x16x256xf32, #tpu.memory_space<vmem>>, vector<16xf32>,
        tpu.vector_store %arg5[%swap3A_747, %swap3A_748, %swap3A_749], %gather3A_742 {strides = array<i32>} : memref<2x16x256xf32, #tpu.memory_space<vmem>>, vector<16xf32>,
        %scan3A_751 = arith.constant 0 : i32
        scf.yield %scan3A_751 : i32
      }
      %scan3A_498 = arith.constant 16 : i32
      %mul3A_499 = arith.constant 2 : i32
      %mul3A_500 = arith.muli %mul3A_499, %scan3A_193 : i32
      %add3A_501 = arith.constant 1 : i32
      %add3A_502 = arith.addi %mul3A_500, %add3A_501 : i32
      %mul3A_503 = arith.constant 32 : i32
      %mul3A_504 = arith.muli %add3A_502, %mul3A_503 : i32
      %add3A_505 = arith.constant 1600 : i32
      %add3A_506 = arith.addi %add3A_505, %mul3A_504 : i32
      %add3A_507 = arith.addi %add3A_506, %add3A : i32
      %jit3A_508 = arith.constant 16 : i32
      %div3A_509 = arith.divsi %add3A_507, %jit3A_508 : i32
      %sign3A_510 = arith.constant 0 : i32
      %sign3A_511 = arith.cmpi sgt, %add3A_507, %sign3A_510 : i32
      %sign3A_512 = arith.extui %sign3A_511 : i1 to i32
      %sign3A_513 = arith.constant 0 : i32
      %sign3A_514 = arith.cmpi slt, %add3A_507, %sign3A_513 : i32
      %sign3A_515 = arith.extui %sign3A_514 : i1 to i32
      %sign3A_516 = arith.subi %sign3A_512, %sign3A_515 : i32
      %sign3A_517 = arith.constant 0 : i32
      %sign3A_518 = arith.cmpi sgt, %jit3A_508, %sign3A_517 : i32
      %sign3A_519 = arith.extui %sign3A_518 : i1 to i32
      %sign3A_520 = arith.constant 0 : i32
      %sign3A_521 = arith.cmpi slt, %jit3A_508, %sign3A_520 : i32
      %sign3A_522 = arith.extui %sign3A_521 : i1 to i32
      %sign3A_523 = arith.subi %sign3A_519, %sign3A_522 : i32
      %ne3A_524 = arith.cmpi ne, %sign3A_516, %sign3A_523 : i32
      %rem3A_525 = arith.remsi %add3A_507, %jit3A_508 : i32
      %ne3A_526 = arith.constant 0 : i32
      %ne3A_527 = arith.cmpi ne, %rem3A_525, %ne3A_526 : i32
      %and3A_528 = arith.andi %ne3A_524, %ne3A_527 : i1
      %sub3A_529 = arith.constant 1 : i32
      %sub3A_530 = arith.subi %div3A_509, %sub3A_529 : i32
      %select_n3A_531 = arith.select %and3A_528, %sub3A_530, %div3A_509 : i32
      %sub3A_532 = arith.constant 100 : i32
      %sub3A_533 = arith.subi %select_n3A_531, %sub3A_532 : i32
      %jit3A_534 = arith.constant 16 : i32
      %eq3A_535 = arith.constant 0 : i32
      %eq3A_536 = arith.cmpi eq, %jit3A_534, %eq3A_535 : i32
      %jit3A_537 = arith.constant 1 : i32
      %select_n3A_538 = arith.select %eq3A_536, %jit3A_537, %jit3A_534 : i32
      %rem3A_539 = arith.remsi %add3A_507, %select_n3A_538 : i32
      %ne3A_540 = arith.constant 0 : i32
      %ne3A_541 = arith.cmpi ne, %rem3A_539, %ne3A_540 : i32
      %lt3A_542 = arith.constant 0 : i32
      %lt3A_543 = arith.cmpi slt, %rem3A_539, %lt3A_542 : i32
      %lt3A_544 = arith.constant 0 : i32
      %lt3A_545 = arith.cmpi slt, %select_n3A_538, %lt3A_544 : i32
      %ne3A_546 = arith.xori %lt3A_543, %lt3A_545 : i1
      %and3A_547 = arith.andi %ne3A_546, %ne3A_541 : i1
      %add3A_548 = arith.addi %rem3A_539, %select_n3A_538 : i32
      %select_n3A_549 = arith.select %and3A_547, %add3A_548, %rem3A_539 : i32
      %mul3A_550 = arith.constant 256 : i32
      %mul3A_551 = arith.muli %select_n3A_549, %mul3A_550 : i32
      %dma_start3A_552 = arith.constant 1 : i32
      %dma_start3A_553 = arith.constant 3 : i32
      %dma_start3A_554 = arith.constant 0 : i32
      %dma_start3A_555 = arith.constant 0 : i32
      %dma_start3A_556 = tpu.memref_slice %arg5[%dma_start3A_552, %dma_start3A_554, %dma_start3A_555] : memref<2x16x256xf32, #tpu.memory_space<vmem>> -> memref<1x16x256xf32, #tpu.memory_space<vmem>>
      %dma_start3A_557 = tpu.memref_squeeze %dma_start3A_556 : memref<1x16x256xf32, #tpu.memory_space<vmem>> -> memref<16x256xf32, #tpu.memory_space<vmem>>
      %dma_start3A_558 = arith.constant 0 : i32
      %dma_start3A_559 = tpu.memref_slice %arg3[%sub3A_533, %dma_start3A_558, %mul3A_551] : memref<100x16x4096xf32, #tpu.memory_space<hbm>> -> memref<1x16x256xf32, #tpu.memory_space<hbm>>
      %dma_start3A_560 = tpu.memref_squeeze %dma_start3A_559 : memref<1x16x256xf32, #tpu.memory_space<hbm>> -> memref<16x256xf32, #tpu.memory_space<hbm>>
      %dma_start3A_561 = tpu.memref_slice %arg6[%dma_start3A_553] : memref<4x!tpu.dma_semaphore, #tpu.memory_space<semaphore_mem>> -> memref<1x!tpu.dma_semaphore, #tpu.memory_space<semaphore_mem>>
      %dma_start3A_562 = tpu.memref_squeeze %dma_start3A_561 : memref<1x!tpu.dma_semaphore, #tpu.memory_space<semaphore_mem>> -> memref<!tpu.dma_semaphore, #tpu.memory_space<semaphore_mem>>
      %dma_start3A_563 = arith.constant 0 : i32
      %dma_start3A_564 = tpu.memref_slice %arg3[%sub3A_533, %dma_start3A_563, %mul3A_551] : memref<100x16x4096xf32, #tpu.memory_space<hbm>> -> memref<1x16x256xf32, #tpu.memory_space<hbm>>
      %dma_start3A_565 = tpu.memref_squeeze %dma_start3A_564 : memref<1x16x256xf32, #tpu.memory_space<hbm>> -> memref<16x256xf32, #tpu.memory_space<hbm>>
      %dma_start3A_566 = arith.constant 0 : i32
      %dma_start3A_567 = arith.constant 0 : i32
      %dma_start3A_568 = tpu.memref_slice %arg5[%dma_start3A_552, %dma_start3A_566, %dma_start3A_567] : memref<2x16x256xf32, #tpu.memory_space<vmem>> -> memref<1x16x256xf32, #tpu.memory_space<vmem>>
      %dma_start3A_569 = tpu.memref_squeeze %dma_start3A_568 : memref<1x16x256xf32, #tpu.memory_space<vmem>> -> memref<16x256xf32, #tpu.memory_space<vmem>>
      tpu.enqueue_dma source(%dma_start3A_569 : memref<16x256xf32, #tpu.memory_space<vmem>>) target(%dma_start3A_565 : memref<16x256xf32, #tpu.memory_space<hbm>>) target_semaphore(%dma_start3A_562 : memref<!tpu.dma_semaphore, #tpu.memory_space<semaphore_mem>>)
      %scan3A_570 = arith.constant 0 : i32
      scf.yield %scan3A_570 : i32
    }
    %scan3A_65 = arith.constant 25 : i32
    %add3A_66 = arith.constant 3136 : i32
    %add3A_67 = arith.addi %add3A_66, %add3A : i32
    %jit3A_68 = arith.constant 16 : i32
    %div3A_69 = arith.divsi %add3A_67, %jit3A_68 : i32
    %sign3A_70 = arith.constant 0 : i32
    %sign3A_71 = arith.cmpi sgt, %add3A_67, %sign3A_70 : i32
    %sign3A_72 = arith.extui %sign3A_71 : i1 to i32
    %sign3A_73 = arith.constant 0 : i32
    %sign3A_74 = arith.cmpi slt, %add3A_67, %sign3A_73 : i32
    %sign3A_75 = arith.extui %sign3A_74 : i1 to i32
    %sign3A_76 = arith.subi %sign3A_72, %sign3A_75 : i32
    %sign3A_77 = arith.constant 0 : i32
    %sign3A_78 = arith.cmpi sgt, %jit3A_68, %sign3A_77 : i32
    %sign3A_79 = arith.extui %sign3A_78 : i1 to i32
    %sign3A_80 = arith.constant 0 : i32
    %sign3A_81 = arith.cmpi slt, %jit3A_68, %sign3A_80 : i32
    %sign3A_82 = arith.extui %sign3A_81 : i1 to i32
    %sign3A_83 = arith.subi %sign3A_79, %sign3A_82 : i32
    %ne3A_84 = arith.cmpi ne, %sign3A_76, %sign3A_83 : i32
    %rem3A_85 = arith.remsi %add3A_67, %jit3A_68 : i32
    %ne3A_86 = arith.constant 0 : i32
    %ne3A_87 = arith.cmpi ne, %rem3A_85, %ne3A_86 : i32
    %and3A_88 = arith.andi %ne3A_84, %ne3A_87 : i1
    %sub3A_89 = arith.constant 1 : i32
    %sub3A_90 = arith.subi %div3A_69, %sub3A_89 : i32
    %select_n3A_91 = arith.select %and3A_88, %sub3A_90, %div3A_69 : i32
    %sub3A_92 = arith.constant 100 : i32
    %sub3A_93 = arith.subi %select_n3A_91, %sub3A_92 : i32
    %jit3A_94 = arith.constant 16 : i32
    %eq3A_95 = arith.constant 0 : i32
    %eq3A_96 = arith.cmpi eq, %jit3A_94, %eq3A_95 : i32
    %jit3A_97 = arith.constant 1 : i32
    %select_n3A_98 = arith.select %eq3A_96, %jit3A_97, %jit3A_94 : i32
    %rem3A_99 = arith.remsi %add3A_67, %select_n3A_98 : i32
    %ne3A_100 = arith.constant 0 : i32
    %ne3A_101 = arith.cmpi ne, %rem3A_99, %ne3A_100 : i32
    %lt3A_102 = arith.constant 0 : i32
    %lt3A_103 = arith.cmpi slt, %rem3A_99, %lt3A_102 : i32
    %lt3A_104 = arith.constant 0 : i32
    %lt3A_105 = arith.cmpi slt, %select_n3A_98, %lt3A_104 : i32
    %ne3A_106 = arith.xori %lt3A_103, %lt3A_105 : i1
    %and3A_107 = arith.andi %ne3A_106, %ne3A_101 : i1
    %add3A_108 = arith.addi %rem3A_99, %select_n3A_98 : i32
    %select_n3A_109 = arith.select %and3A_107, %add3A_108, %rem3A_99 : i32
    %mul3A_110 = arith.constant 256 : i32
    %mul3A_111 = arith.muli %select_n3A_109, %mul3A_110 : i32
    %dma_wait3A = arith.constant 0 : i32
    %dma_wait3A_112 = arith.constant 2 : i32
    %dma_wait3A_113 = arith.constant 0 : i32
    %dma_wait3A_114 = arith.constant 0 : i32
    %dma_wait3A_115 = tpu.memref_slice %arg5[%dma_wait3A, %dma_wait3A_113, %dma_wait3A_114] : memref<2x16x256xf32, #tpu.memory_space<vmem>> -> memref<1x16x256xf32, #tpu.memory_space<vmem>>
    %dma_wait3A_116 = tpu.memref_squeeze %dma_wait3A_115 : memref<1x16x256xf32, #tpu.memory_space<vmem>> -> memref<16x256xf32, #tpu.memory_space<vmem>>
    %dma_wait3A_117 = arith.constant 0 : i32
    %dma_wait3A_118 = tpu.memref_slice %arg3[%sub3A_93, %dma_wait3A_117, %mul3A_111] : memref<100x16x4096xf32, #tpu.memory_space<hbm>> -> memref<1x16x256xf32, #tpu.memory_space<hbm>>
    %dma_wait3A_119 = tpu.memref_squeeze %dma_wait3A_118 : memref<1x16x256xf32, #tpu.memory_space<hbm>> -> memref<16x256xf32, #tpu.memory_space<hbm>>
    %dma_wait3A_120 = tpu.memref_slice %arg6[%dma_wait3A_112] : memref<4x!tpu.dma_semaphore, #tpu.memory_space<semaphore_mem>> -> memref<1x!tpu.dma_semaphore, #tpu.memory_space<semaphore_mem>>
    %dma_wait3A_121 = tpu.memref_squeeze %dma_wait3A_120 : memref<1x!tpu.dma_semaphore, #tpu.memory_space<semaphore_mem>> -> memref<!tpu.dma_semaphore, #tpu.memory_space<semaphore_mem>>
    %dma_wait3A_122 = arith.constant 0 : i32
    %dma_wait3A_123 = tpu.memref_slice %arg3[%sub3A_93, %dma_wait3A_122, %mul3A_111] : memref<100x16x4096xf32, #tpu.memory_space<hbm>> -> memref<1x16x256xf32, #tpu.memory_space<hbm>>
    %dma_wait3A_124 = tpu.memref_squeeze %dma_wait3A_123 : memref<1x16x256xf32, #tpu.memory_space<hbm>> -> memref<16x256xf32, #tpu.memory_space<hbm>>
    %dma_wait3A_125 = arith.constant 0 : i32
    %dma_wait3A_126 = arith.constant 0 : i32
    %dma_wait3A_127 = tpu.memref_slice %arg5[%dma_wait3A, %dma_wait3A_125, %dma_wait3A_126] : memref<2x16x256xf32, #tpu.memory_space<vmem>> -> memref<1x16x256xf32, #tpu.memory_space<vmem>>
    %dma_wait3A_128 = tpu.memref_squeeze %dma_wait3A_127 : memref<1x16x256xf32, #tpu.memory_space<vmem>> -> memref<16x256xf32, #tpu.memory_space<vmem>>
    tpu.wait_dma2 semaphore(%dma_wait3A_121 : memref<!tpu.dma_semaphore, #tpu.memory_space<semaphore_mem>>) src(%dma_wait3A_128 : memref<16x256xf32, #tpu.memory_space<vmem>>) dst(%dma_wait3A_124 : memref<16x256xf32, #tpu.memory_space<hbm>>)
    %add3A_129 = arith.constant 3168 : i32
    %add3A_130 = arith.addi %add3A_129, %add3A : i32
    %jit3A_131 = arith.constant 16 : i32
    %div3A_132 = arith.divsi %add3A_130, %jit3A_131 : i32
    %sign3A_133 = arith.constant 0 : i32
    %sign3A_134 = arith.cmpi sgt, %add3A_130, %sign3A_133 : i32
    %sign3A_135 = arith.extui %sign3A_134 : i1 to i32
    %sign3A_136 = arith.constant 0 : i32
    %sign3A_137 = arith.cmpi slt, %add3A_130, %sign3A_136 : i32
    %sign3A_138 = arith.extui %sign3A_137 : i1 to i32
    %sign3A_139 = arith.subi %sign3A_135, %sign3A_138 : i32
    %sign3A_140 = arith.constant 0 : i32
    %sign3A_141 = arith.cmpi sgt, %jit3A_131, %sign3A_140 : i32
    %sign3A_142 = arith.extui %sign3A_141 : i1 to i32
    %sign3A_143 = arith.constant 0 : i32
    %sign3A_144 = arith.cmpi slt, %jit3A_131, %sign3A_143 : i32
    %sign3A_145 = arith.extui %sign3A_144 : i1 to i32
    %sign3A_146 = arith.subi %sign3A_142, %sign3A_145 : i32
    %ne3A_147 = arith.cmpi ne, %sign3A_139, %sign3A_146 : i32
    %rem3A_148 = arith.remsi %add3A_130, %jit3A_131 : i32
    %ne3A_149 = arith.constant 0 : i32
    %ne3A_150 = arith.cmpi ne, %rem3A_148, %ne3A_149 : i32
    %and3A_151 = arith.andi %ne3A_147, %ne3A_150 : i1
    %sub3A_152 = arith.constant 1 : i32
    %sub3A_153 = arith.subi %div3A_132, %sub3A_152 : i32
    %select_n3A_154 = arith.select %and3A_151, %sub3A_153, %div3A_132 : i32
    %sub3A_155 = arith.constant 100 : i32
    %sub3A_156 = arith.subi %select_n3A_154, %sub3A_155 : i32
    %jit3A_157 = arith.constant 16 : i32
    %eq3A_158 = arith.constant 0 : i32
    %eq3A_159 = arith.cmpi eq, %jit3A_157, %eq3A_158 : i32
    %jit3A_160 = arith.constant 1 : i32
    %select_n3A_161 = arith.select %eq3A_159, %jit3A_160, %jit3A_157 : i32
    %rem3A_162 = arith.remsi %add3A_130, %select_n3A_161 : i32
    %ne3A_163 = arith.constant 0 : i32
    %ne3A_164 = arith.cmpi ne, %rem3A_162, %ne3A_163 : i32
    %lt3A_165 = arith.constant 0 : i32
    %lt3A_166 = arith.cmpi slt, %rem3A_162, %lt3A_165 : i32
    %lt3A_167 = arith.constant 0 : i32
    %lt3A_168 = arith.cmpi slt, %select_n3A_161, %lt3A_167 : i32
    %ne3A_169 = arith.xori %lt3A_166, %lt3A_168 : i1
    %and3A_170 = arith.andi %ne3A_169, %ne3A_164 : i1
    %add3A_171 = arith.addi %rem3A_162, %select_n3A_161 : i32
    %select_n3A_172 = arith.select %and3A_170, %add3A_171, %rem3A_162 : i32
    %mul3A_173 = arith.constant 256 : i32
    %mul3A_174 = arith.muli %select_n3A_172, %mul3A_173 : i32
    %dma_wait3A_175 = arith.constant 1 : i32
    %dma_wait3A_176 = arith.constant 3 : i32
    %dma_wait3A_177 = arith.constant 0 : i32
    %dma_wait3A_178 = arith.constant 0 : i32
    %dma_wait3A_179 = tpu.memref_slice %arg5[%dma_wait3A_175, %dma_wait3A_177, %dma_wait3A_178] : memref<2x16x256xf32, #tpu.memory_space<vmem>> -> memref<1x16x256xf32, #tpu.memory_space<vmem>>
    %dma_wait3A_180 = tpu.memref_squeeze %dma_wait3A_179 : memref<1x16x256xf32, #tpu.memory_space<vmem>> -> memref<16x256xf32, #tpu.memory_space<vmem>>
    %dma_wait3A_181 = arith.constant 0 : i32
    %dma_wait3A_182 = tpu.memref_slice %arg3[%sub3A_156, %dma_wait3A_181, %mul3A_174] : memref<100x16x4096xf32, #tpu.memory_space<hbm>> -> memref<1x16x256xf32, #tpu.memory_space<hbm>>
    %dma_wait3A_183 = tpu.memref_squeeze %dma_wait3A_182 : memref<1x16x256xf32, #tpu.memory_space<hbm>> -> memref<16x256xf32, #tpu.memory_space<hbm>>
    %dma_wait3A_184 = tpu.memref_slice %arg6[%dma_wait3A_176] : memref<4x!tpu.dma_semaphore, #tpu.memory_space<semaphore_mem>> -> memref<1x!tpu.dma_semaphore, #tpu.memory_space<semaphore_mem>>
    %dma_wait3A_185 = tpu.memref_squeeze %dma_wait3A_184 : memref<1x!tpu.dma_semaphore, #tpu.memory_space<semaphore_mem>> -> memref<!tpu.dma_semaphore, #tpu.memory_space<semaphore_mem>>
    %dma_wait3A_186 = arith.constant 0 : i32
    %dma_wait3A_187 = tpu.memref_slice %arg3[%sub3A_156, %dma_wait3A_186, %mul3A_174] : memref<100x16x4096xf32, #tpu.memory_space<hbm>> -> memref<1x16x256xf32, #tpu.memory_space<hbm>>
    %dma_wait3A_188 = tpu.memref_squeeze %dma_wait3A_187 : memref<1x16x256xf32, #tpu.memory_space<hbm>> -> memref<16x256xf32, #tpu.memory_space<hbm>>
    %dma_wait3A_189 = arith.constant 0 : i32
    %dma_wait3A_190 = arith.constant 0 : i32
    %dma_wait3A_191 = tpu.memref_slice %arg5[%dma_wait3A_175, %dma_wait3A_189, %dma_wait3A_190] : memref<2x16x256xf32, #tpu.memory_space<vmem>> -> memref<1x16x256xf32, #tpu.memory_space<vmem>>
    %dma_wait3A_192 = tpu.memref_squeeze %dma_wait3A_191 : memref<1x16x256xf32, #tpu.memory_space<vmem>> -> memref<16x256xf32, #tpu.memory_space<vmem>>
    tpu.wait_dma2 semaphore(%dma_wait3A_185 : memref<!tpu.dma_semaphore, #tpu.memory_space<semaphore_mem>>) src(%dma_wait3A_192 : memref<16x256xf32, #tpu.memory_space<vmem>>) dst(%dma_wait3A_188 : memref<16x256xf32, #tpu.memory_space<hbm>>)
    return
  }
}

#map = affine_map<(d0, d1) -> (0, 0, 0)>
module attributes {stable_mosaic.version = 14 : i64} {
  func.func @_sc_relayout(%arg0: i32, %arg1: i32, %arg2: memref<200x4096x11xf32, #tpu.memory_space<hbm>>, %arg3: memref<100x16x4096xf32, #tpu.memory_space<hbm>>, %arg4: memref<2x256x11xf32, #tpu.memory_space<vmem>>, %arg5: memref<2x16x256xf32, #tpu.memory_space<vmem>>, %arg6: memref<4x!tpu.dma_semaphore, #tpu.memory_space<semaphore_mem>>) attributes {dimension_semantics = [#tpu.dimension_semantics<core_parallel>, #tpu.dimension_semantics<subcore_parallel>], iteration_bounds = array<i64: 2, 16>, scalar_prefetch = 0 : i64, scratch_operands = 3 : i64, tpu.core_type = #tpu.core_type<sc_vector_subcore>, window_params = [{transform_indices = #map}, {transform_indices = #map}]} {
    %mul3A = arith.constant 2 : i32
    %mul3A_0 = arith.muli %arg1, %mul3A : i32
    %add3A = arith.addi %mul3A_0, %arg0 : i32
    %iota3A = tpu.iota {dimensions = array<i32: 0>} : vector<16xi32>
    %broadcast_in_dim3A = arith.constant 0.000000e+00 : f32
    %broadcast_in_dim3A_1 = vector.broadcast %broadcast_in_dim3A : f32 to vector<16xf32>
    %scan3A = arith.constant 0 : i32
    %scan3A_2 = arith.constant 0 : i32
    %scan3A_3 = arith.constant 16 : i32
    %scan3A_4 = arith.addi %scan3A_2, %scan3A_3 : i32
    %scan3A_5 = arith.constant 1 : i32
    %scan3A_6 = scf.for %scan3A_193 = %scan3A_2 to %scan3A_4 step %scan3A_5 iter_args(%scan3A_194 = %scan3A) -> (i32)  : i32 {
      %mul3A_195 = arith.constant 16 : i32
      %mul3A_196 = arith.muli %scan3A_193, %mul3A_195 : i32
      %swap3A = arith.constant 0 : i32
      %swap3A_197 = arith.constant 11 : i32
      %swap3A_198 = arith.index_cast %swap3A : i32 to index
      %swap3A_199 = arith.index_cast %swap3A_197 : i32 to index
      %swap3A_200 = arith.index_cast %mul3A_196 : i32 to index
      %swap3A_201 = tpu.vector_load %arg5[%swap3A_198, %swap3A_199, %swap3A_200] {strides = array<i32>} : memref<2x16x256xf32, #tpu.memory_space<vmem>>, vector<16xf32>,
      tpu.vector_store %arg5[%swap3A_198, %swap3A_199, %swap3A_200], %broadcast_in_dim3A_1 {strides = array<i32>} : memref<2x16x256xf32, #tpu.memory_space<vmem>>, vector<16xf32>,
      %mul3A_202 = arith.constant 16 : i32
      %mul3A_203 = arith.muli %scan3A_193, %mul3A_202 : i32
      %swap3A_204 = arith.constant 0 : i32
      %swap3A_205 = arith.constant 12 : i32
      %swap3A_206 = arith.index_cast %swap3A_204 : i32 to index
      %swap3A_207 = arith.index_cast %swap3A_205 : i32 to index
      %swap3A_208 = arith.index_cast %mul3A_203 : i32 to index
      %swap3A_209 = tpu.vector_load %arg5[%swap3A_206, %swap3A_207, %swap3A_208] {strides = array<i32>} : memref<2x16x256xf32, #tpu.memory_space<vmem>>, vector<16xf32>,
      tpu.vector_store %arg5[%swap3A_206, %swap3A_207, %swap3A_208], %broadcast_in_dim3A_1 {strides = array<i32>} : memref<2x16x256xf32, #tpu.memory_space<vmem>>, vector<16xf32>,
      %mul3A_210 = arith.constant 16 : i32
      %mul3A_211 = arith.muli %scan3A_193, %mul3A_210 : i32
      %swap3A_212 = arith.constant 0 : i32
      %swap3A_213 = arith.constant 13 : i32
      %swap3A_214 = arith.index_cast %swap3A_212 : i32 to index
      %swap3A_215 = arith.index_cast %swap3A_213 : i32 to index
      %swap3A_216 = arith.index_cast %mul3A_211 : i32 to index
      %swap3A_217 = tpu.vector_load %arg5[%swap3A_214, %swap3A_215, %swap3A_216] {strides = array<i32>} : memref<2x16x256xf32, #tpu.memory_space<vmem>>, vector<16xf32>,
      tpu.vector_store %arg5[%swap3A_214, %swap3A_215, %swap3A_216], %broadcast_in_dim3A_1 {strides = array<i32>} : memref<2x16x256xf32, #tpu.memory_space<vmem>>, vector<16xf32>,
      %mul3A_218 = arith.constant 16 : i32
      %mul3A_219 = arith.muli %scan3A_193, %mul3A_218 : i32
      %swap3A_220 = arith.constant 0 : i32
      %swap3A_221 = arith.constant 14 : i32
      %swap3A_222 = arith.index_cast %swap3A_220 : i32 to index
      %swap3A_223 = arith.index_cast %swap3A_221 : i32 to index
      %swap3A_224 = arith.index_cast %mul3A_219 : i32 to index
      %swap3A_225 = tpu.vector_load %arg5[%swap3A_222, %swap3A_223, %swap3A_224] {strides = array<i32>} : memref<2x16x256xf32, #tpu.memory_space<vmem>>, vector<16xf32>,
      tpu.vector_store %arg5[%swap3A_222, %swap3A_223, %swap3A_224], %broadcast_in_dim3A_1 {strides = array<i32>} : memref<2x16x256xf32, #tpu.memory_space<vmem>>, vector<16xf32>,
      %mul3A_226 = arith.constant 16 : i32
      %mul3A_227 = arith.muli %scan3A_193, %mul3A_226 : i32
      %swap3A_228 = arith.constant 0 : i32
      %swap3A_229 = arith.constant 15 : i32
      %swap3A_230 = arith.index_cast %swap3A_228 : i32 to index
      %swap3A_231 = arith.index_cast %swap3A_229 : i32 to index
      %swap3A_232 = arith.index_cast %mul3A_227 : i32 to index
      %swap3A_233 = tpu.vector_load %arg5[%swap3A_230, %swap3A_231, %swap3A_232] {strides = array<i32>} : memref<2x16x256xf32, #tpu.memory_space<vmem>>, vector<16xf32>,
      tpu.vector_store %arg5[%swap3A_230, %swap3A_231, %swap3A_232], %broadcast_in_dim3A_1 {strides = array<i32>} : memref<2x16x256xf32, #tpu.memory_space<vmem>>, vector<16xf32>,
      %mul3A_234 = arith.constant 16 : i32
      %mul3A_235 = arith.muli %scan3A_193, %mul3A_234 : i32
      %swap3A_236 = arith.constant 1 : i32
      %swap3A_237 = arith.constant 11 : i32
      %swap3A_238 = arith.index_cast %swap3A_236 : i32 to index
      %swap3A_239 = arith.index_cast %swap3A_237 : i32 to index
      %swap3A_240 = arith.index_cast %mul3A_235 : i32 to index
      %swap3A_241 = tpu.vector_load %arg5[%swap3A_238, %swap3A_239, %swap3A_240] {strides = array<i32>} : memref<2x16x256xf32, #tpu.memory_space<vmem>>, vector<16xf32>,
      tpu.vector_store %arg5[%swap3A_238, %swap3A_239, %swap3A_240], %broadcast_in_dim3A_1 {strides = array<i32>} : memref<2x16x256xf32, #tpu.memory_space<vmem>>, vector<16xf32>,
      %mul3A_242 = arith.constant 16 : i32
      %mul3A_243 = arith.muli %scan3A_193, %mul3A_242 : i32
      %swap3A_244 = arith.constant 1 : i32
      %swap3A_245 = arith.constant 12 : i32
      %swap3A_246 = arith.index_cast %swap3A_244 : i32 to index
      %swap3A_247 = arith.index_cast %swap3A_245 : i32 to index
      %swap3A_248 = arith.index_cast %mul3A_243 : i32 to index
      %swap3A_249 = tpu.vector_load %arg5[%swap3A_246, %swap3A_247, %swap3A_248] {strides = array<i32>} : memref<2x16x256xf32, #tpu.memory_space<vmem>>, vector<16xf32>,
      tpu.vector_store %arg5[%swap3A_246, %swap3A_247, %swap3A_248], %broadcast_in_dim3A_1 {strides = array<i32>} : memref<2x16x256xf32, #tpu.memory_space<vmem>>, vector<16xf32>,
      %mul3A_250 = arith.constant 16 : i32
      %mul3A_251 = arith.muli %scan3A_193, %mul3A_250 : i32
      %swap3A_252 = arith.constant 1 : i32
      %swap3A_253 = arith.constant 13 : i32
      %swap3A_254 = arith.index_cast %swap3A_252 : i32 to index
      %swap3A_255 = arith.index_cast %swap3A_253 : i32 to index
      %swap3A_256 = arith.index_cast %mul3A_251 : i32 to index
      %swap3A_257 = tpu.vector_load %arg5[%swap3A_254, %swap3A_255, %swap3A_256] {strides = array<i32>} : memref<2x16x256xf32, #tpu.memory_space<vmem>>, vector<16xf32>,
      tpu.vector_store %arg5[%swap3A_254, %swap3A_255, %swap3A_256], %broadcast_in_dim3A_1 {strides = array<i32>} : memref<2x16x256xf32, #tpu.memory_space<vmem>>, vector<16xf32>,
      %mul3A_258 = arith.constant 16 : i32
      %mul3A_259 = arith.muli %scan3A_193, %mul3A_258 : i32
      %swap3A_260 = arith.constant 1 : i32
      %swap3A_261 = arith.constant 14 : i32
      %swap3A_262 = arith.index_cast %swap3A_260 : i32 to index
      %swap3A_263 = arith.index_cast %swap3A_261 : i32 to index
      %swap3A_264 = arith.index_cast %mul3A_259 : i32 to index
      %swap3A_265 = tpu.vector_load %arg5[%swap3A_262, %swap3A_263, %swap3A_264] {strides = array<i32>} : memref<2x16x256xf32, #tpu.memory_space<vmem>>, vector<16xf32>,
      tpu.vector_store %arg5[%swap3A_262, %swap3A_263, %swap3A_264], %broadcast_in_dim3A_1 {strides = array<i32>} : memref<2x16x256xf32, #tpu.memory_space<vmem>>, vector<16xf32>,
      %mul3A_266 = arith.constant 16 : i32
      %mul3A_267 = arith.muli %scan3A_193, %mul3A_266 : i32
      %swap3A_268 = arith.constant 1 : i32
      %swap3A_269 = arith.constant 15 : i32
      %swap3A_270 = arith.index_cast %swap3A_268 : i32 to index
      %swap3A_271 = arith.index_cast %swap3A_269 : i32 to index
      %swap3A_272 = arith.index_cast %mul3A_267 : i32 to index
      %swap3A_273 = tpu.vector_load %arg5[%swap3A_270, %swap3A_271, %swap3A_272] {strides = array<i32>} : memref<2x16x256xf32, #tpu.memory_space<vmem>>, vector<16xf32>,
      tpu.vector_store %arg5[%swap3A_270, %swap3A_271, %swap3A_272], %broadcast_in_dim3A_1 {strides = array<i32>} : memref<2x16x256xf32, #tpu.memory_space<vmem>>, vector<16xf32>,
      %scan3A_274 = arith.constant 0 : i32
      scf.yield %scan3A_274 : i32
    }
    %scan3A_7 = arith.constant 16 : i32
    %add3A_8 = arith.constant 0 : i32
    %add3A_9 = arith.addi %add3A_8, %add3A : i32
    %jit3A = arith.constant 16 : i32
    %div3A = arith.divsi %add3A_9, %jit3A : i32
    %sign3A = arith.constant 0 : i32
    %sign3A_10 = arith.cmpi sgt, %add3A_9, %sign3A : i32
    %sign3A_11 = arith.extui %sign3A_10 : i1 to i32
    %sign3A_12 = arith.constant 0 : i32
    %sign3A_13 = arith.cmpi slt, %add3A_9, %sign3A_12 : i32
    %sign3A_14 = arith.extui %sign3A_13 : i1 to i32
    %sign3A_15 = arith.subi %sign3A_11, %sign3A_14 : i32
    %sign3A_16 = arith.constant 0 : i32
    %sign3A_17 = arith.cmpi sgt, %jit3A, %sign3A_16 : i32
    %sign3A_18 = arith.extui %sign3A_17 : i1 to i32
    %sign3A_19 = arith.constant 0 : i32
    %sign3A_20 = arith.cmpi slt, %jit3A, %sign3A_19 : i32
    %sign3A_21 = arith.extui %sign3A_20 : i1 to i32
    %sign3A_22 = arith.subi %sign3A_18, %sign3A_21 : i32
    %ne3A = arith.cmpi ne, %sign3A_15, %sign3A_22 : i32
    %rem3A = arith.remsi %add3A_9, %jit3A : i32
    %ne3A_23 = arith.constant 0 : i32
    %ne3A_24 = arith.cmpi ne, %rem3A, %ne3A_23 : i32
    %and3A = arith.andi %ne3A, %ne3A_24 : i1
    %sub3A = arith.constant 1 : i32
    %sub3A_25 = arith.subi %div3A, %sub3A : i32
    %select_n3A = arith.select %and3A, %sub3A_25, %div3A : i32
    %jit3A_26 = arith.constant 16 : i32
    %eq3A = arith.constant 0 : i32
    %eq3A_27 = arith.cmpi eq, %jit3A_26, %eq3A : i32
    %jit3A_28 = arith.constant 1 : i32
    %select_n3A_29 = arith.select %eq3A_27, %jit3A_28, %jit3A_26 : i32
    %rem3A_30 = arith.remsi %add3A_9, %select_n3A_29 : i32
    %ne3A_31 = arith.constant 0 : i32
    %ne3A_32 = arith.cmpi ne, %rem3A_30, %ne3A_31 : i32
    %lt3A = arith.constant 0 : i32
    %lt3A_33 = arith.cmpi slt, %rem3A_30, %lt3A : i32
    %lt3A_34 = arith.constant 0 : i32
    %lt3A_35 = arith.cmpi slt, %select_n3A_29, %lt3A_34 : i32
    %ne3A_36 = arith.xori %lt3A_33, %lt3A_35 : i1
    %and3A_37 = arith.andi %ne3A_36, %ne3A_32 : i1
    %add3A_38 = arith.addi %rem3A_30, %select_n3A_29 : i32
    %select_n3A_39 = arith.select %and3A_37, %add3A_38, %rem3A_30 : i32
    %mul3A_40 = arith.constant 256 : i32
    %mul3A_41 = arith.muli %select_n3A_39, %mul3A_40 : i32
    %dma_start3A = arith.constant 0 : i32
    %dma_start3A_42 = arith.constant 0 : i32
    %dma_start3A_43 = arith.constant 0 : i32
    %dma_start3A_44 = arith.constant 0 : i32
    %dma_start3A_45 = tpu.memref_slice %arg4[%dma_start3A, %dma_start3A_43, %dma_start3A_44] : memref<2x256x11xf32, #tpu.memory_space<vmem>> -> memref<1x256x11xf32, #tpu.memory_space<vmem>>
    %dma_start3A_46 = tpu.memref_squeeze %dma_start3A_45 : memref<1x256x11xf32, #tpu.memory_space<vmem>> -> memref<256x11xf32, #tpu.memory_space<vmem>>
    %dma_start3A_47 = arith.constant 0 : i32
    %dma_start3A_48 = tpu.memref_slice %arg2[%select_n3A, %mul3A_41, %dma_start3A_47] : memref<200x4096x11xf32, #tpu.memory_space<hbm>> -> memref<1x256x11xf32, #tpu.memory_space<hbm>>
    %dma_start3A_49 = tpu.memref_squeeze %dma_start3A_48 : memref<1x256x11xf32, #tpu.memory_space<hbm>> -> memref<256x11xf32, #tpu.memory_space<hbm>>
    %dma_start3A_50 = tpu.memref_slice %arg6[%dma_start3A_42] : memref<4x!tpu.dma_semaphore, #tpu.memory_space<semaphore_mem>> -> memref<1x!tpu.dma_semaphore, #tpu.memory_space<semaphore_mem>>
    %dma_start3A_51 = tpu.memref_squeeze %dma_start3A_50 : memref<1x!tpu.dma_semaphore, #tpu.memory_space<semaphore_mem>> -> memref<!tpu.dma_semaphore, #tpu.memory_space<semaphore_mem>>
    %dma_start3A_52 = arith.constant 0 : i32
    %dma_start3A_53 = arith.constant 0 : i32
    %dma_start3A_54 = tpu.memref_slice %arg4[%dma_start3A, %dma_start3A_52, %dma_start3A_53] : memref<2x256x11xf32, #tpu.memory_space<vmem>> -> memref<1x256x11xf32, #tpu.memory_space<vmem>>
    %dma_start3A_55 = tpu.memref_squeeze %dma_start3A_54 : memref<1x256x11xf32, #tpu.memory_space<vmem>> -> memref<256x11xf32, #tpu.memory_space<vmem>>
    %dma_start3A_56 = arith.constant 0 : i32
    %dma_start3A_57 = tpu.memref_slice %arg2[%select_n3A, %mul3A_41, %dma_start3A_56] : memref<200x4096x11xf32, #tpu.memory_space<hbm>> -> memref<1x256x11xf32, #tpu.memory_space<hbm>>
    %dma_start3A_58 = tpu.memref_squeeze %dma_start3A_57 : memref<1x256x11xf32, #tpu.memory_space<hbm>> -> memref<256x11xf32, #tpu.memory_space<hbm>>
    tpu.enqueue_dma source(%dma_start3A_58 : memref<256x11xf32, #tpu.memory_space<hbm>>) target(%dma_start3A_55 : memref<256x11xf32, #tpu.memory_space<vmem>>) target_semaphore(%dma_start3A_51 : memref<!tpu.dma_semaphore, #tpu.memory_space<semaphore_mem>>)
    %scan3A_59 = arith.constant 0 : i32
    %scan3A_60 = arith.constant 0 : i32
    %scan3A_61 = arith.constant 25 : i32
    %scan3A_62 = arith.addi %scan3A_60, %scan3A_61 : i32
    %scan3A_63 = arith.constant 1 : i32
    %scan3A_64 = scf.for %scan3A_193 = %scan3A_60 to %scan3A_62 step %scan3A_63 iter_args(%scan3A_194 = %scan3A_59) -> (i32)  : i32 {
      %mul3A_195 = arith.constant 2 : i32
      %mul3A_196 = arith.muli %mul3A_195, %scan3A_193 : i32
      %add3A_197 = arith.constant 1 : i32
      %add3A_198 = arith.addi %mul3A_196, %add3A_197 : i32
      %mul3A_199 = arith.constant 32 : i32
      %mul3A_200 = arith.muli %add3A_198, %mul3A_199 : i32
      %add3A_201 = arith.constant 0 : i32
      %add3A_202 = arith.addi %add3A_201, %mul3A_200 : i32
      %add3A_203 = arith.addi %add3A_202, %add3A : i32
      %jit3A_204 = arith.constant 16 : i32
      %div3A_205 = arith.divsi %add3A_203, %jit3A_204 : i32
      %sign3A_206 = arith.constant 0 : i32
      %sign3A_207 = arith.cmpi sgt, %add3A_203, %sign3A_206 : i32
      %sign3A_208 = arith.extui %sign3A_207 : i1 to i32
      %sign3A_209 = arith.constant 0 : i32
      %sign3A_210 = arith.cmpi slt, %add3A_203, %sign3A_209 : i32
      %sign3A_211 = arith.extui %sign3A_210 : i1 to i32
      %sign3A_212 = arith.subi %sign3A_208, %sign3A_211 : i32
      %sign3A_213 = arith.constant 0 : i32
      %sign3A_214 = arith.cmpi sgt, %jit3A_204, %sign3A_213 : i32
      %sign3A_215 = arith.extui %sign3A_214 : i1 to i32
      %sign3A_216 = arith.constant 0 : i32
      %sign3A_217 = arith.cmpi slt, %jit3A_204, %sign3A_216 : i32
      %sign3A_218 = arith.extui %sign3A_217 : i1 to i32
      %sign3A_219 = arith.subi %sign3A_215, %sign3A_218 : i32
      %ne3A_220 = arith.cmpi ne, %sign3A_212, %sign3A_219 : i32
      %rem3A_221 = arith.remsi %add3A_203, %jit3A_204 : i32
      %ne3A_222 = arith.constant 0 : i32
      %ne3A_223 = arith.cmpi ne, %rem3A_221, %ne3A_222 : i32
      %and3A_224 = arith.andi %ne3A_220, %ne3A_223 : i1
      %sub3A_225 = arith.constant 1 : i32
      %sub3A_226 = arith.subi %div3A_205, %sub3A_225 : i32
      %select_n3A_227 = arith.select %and3A_224, %sub3A_226, %div3A_205 : i32
      %jit3A_228 = arith.constant 16 : i32
      %eq3A_229 = arith.constant 0 : i32
      %eq3A_230 = arith.cmpi eq, %jit3A_228, %eq3A_229 : i32
      %jit3A_231 = arith.constant 1 : i32
      %select_n3A_232 = arith.select %eq3A_230, %jit3A_231, %jit3A_228 : i32
      %rem3A_233 = arith.remsi %add3A_203, %select_n3A_232 : i32
      %ne3A_234 = arith.constant 0 : i32
      %ne3A_235 = arith.cmpi ne, %rem3A_233, %ne3A_234 : i32
      %lt3A_236 = arith.constant 0 : i32
      %lt3A_237 = arith.cmpi slt, %rem3A_233, %lt3A_236 : i32
      %lt3A_238 = arith.constant 0 : i32
      %lt3A_239 = arith.cmpi slt, %select_n3A_232, %lt3A_238 : i32
      %ne3A_240 = arith.xori %lt3A_237, %lt3A_239 : i1
      %and3A_241 = arith.andi %ne3A_240, %ne3A_235 : i1
      %add3A_242 = arith.addi %rem3A_233, %select_n3A_232 : i32
      %select_n3A_243 = arith.select %and3A_241, %add3A_242, %rem3A_233 : i32
      %mul3A_244 = arith.constant 256 : i32
      %mul3A_245 = arith.muli %select_n3A_243, %mul3A_244 : i32
      %dma_start3A_246 = arith.constant 1 : i32
      %dma_start3A_247 = arith.constant 1 : i32
      %dma_start3A_248 = arith.constant 0 : i32
      %dma_start3A_249 = arith.constant 0 : i32
      %dma_start3A_250 = tpu.memref_slice %arg4[%dma_start3A_246, %dma_start3A_248, %dma_start3A_249] : memref<2x256x11xf32, #tpu.memory_space<vmem>> -> memref<1x256x11xf32, #tpu.memory_space<vmem>>
      %dma_start3A_251 = tpu.memref_squeeze %dma_start3A_250 : memref<1x256x11xf32, #tpu.memory_space<vmem>> -> memref<256x11xf32, #tpu.memory_space<vmem>>
      %dma_start3A_252 = arith.constant 0 : i32
      %dma_start3A_253 = tpu.memref_slice %arg2[%select_n3A_227, %mul3A_245, %dma_start3A_252] : memref<200x4096x11xf32, #tpu.memory_space<hbm>> -> memref<1x256x11xf32, #tpu.memory_space<hbm>>
      %dma_start3A_254 = tpu.memref_squeeze %dma_start3A_253 : memref<1x256x11xf32, #tpu.memory_space<hbm>> -> memref<256x11xf32, #tpu.memory_space<hbm>>
      %dma_start3A_255 = tpu.memref_slice %arg6[%dma_start3A_247] : memref<4x!tpu.dma_semaphore, #tpu.memory_space<semaphore_mem>> -> memref<1x!tpu.dma_semaphore, #tpu.memory_space<semaphore_mem>>
      %dma_start3A_256 = tpu.memref_squeeze %dma_start3A_255 : memref<1x!tpu.dma_semaphore, #tpu.memory_space<semaphore_mem>> -> memref<!tpu.dma_semaphore, #tpu.memory_space<semaphore_mem>>
      %dma_start3A_257 = arith.constant 0 : i32
      %dma_start3A_258 = arith.constant 0 : i32
      %dma_start3A_259 = tpu.memref_slice %arg4[%dma_start3A_246, %dma_start3A_257, %dma_start3A_258] : memref<2x256x11xf32, #tpu.memory_space<vmem>> -> memref<1x256x11xf32, #tpu.memory_space<vmem>>
      %dma_start3A_260 = tpu.memref_squeeze %dma_start3A_259 : memref<1x256x11xf32, #tpu.memory_space<vmem>> -> memref<256x11xf32, #tpu.memory_space<vmem>>
      %dma_start3A_261 = arith.constant 0 : i32
      %dma_start3A_262 = tpu.memref_slice %arg2[%select_n3A_227, %mul3A_245, %dma_start3A_261] : memref<200x4096x11xf32, #tpu.memory_space<hbm>> -> memref<1x256x11xf32, #tpu.memory_space<hbm>>
      %dma_start3A_263 = tpu.memref_squeeze %dma_start3A_262 : memref<1x256x11xf32, #tpu.memory_space<hbm>> -> memref<256x11xf32, #tpu.memory_space<hbm>>
      tpu.enqueue_dma source(%dma_start3A_263 : memref<256x11xf32, #tpu.memory_space<hbm>>) target(%dma_start3A_260 : memref<256x11xf32, #tpu.memory_space<vmem>>) target_semaphore(%dma_start3A_256 : memref<!tpu.dma_semaphore, #tpu.memory_space<semaphore_mem>>)
      %mul3A_264 = arith.constant 2 : i32
      %mul3A_265 = arith.muli %mul3A_264, %scan3A_193 : i32
      %mul3A_266 = arith.constant 32 : i32
      %mul3A_267 = arith.muli %mul3A_265, %mul3A_266 : i32
      %add3A_268 = arith.constant 0 : i32
      %add3A_269 = arith.addi %add3A_268, %mul3A_267 : i32
      %add3A_270 = arith.addi %add3A_269, %add3A : i32
      %jit3A_271 = arith.constant 16 : i32
      %div3A_272 = arith.divsi %add3A_270, %jit3A_271 : i32
      %sign3A_273 = arith.constant 0 : i32
      %sign3A_274 = arith.cmpi sgt, %add3A_270, %sign3A_273 : i32
      %sign3A_275 = arith.extui %sign3A_274 : i1 to i32
      %sign3A_276 = arith.constant 0 : i32
      %sign3A_277 = arith.cmpi slt, %add3A_270, %sign3A_276 : i32
      %sign3A_278 = arith.extui %sign3A_277 : i1 to i32
      %sign3A_279 = arith.subi %sign3A_275, %sign3A_278 : i32
      %sign3A_280 = arith.constant 0 : i32
      %sign3A_281 = arith.cmpi sgt, %jit3A_271, %sign3A_280 : i32
      %sign3A_282 = arith.extui %sign3A_281 : i1 to i32
      %sign3A_283 = arith.constant 0 : i32
      %sign3A_284 = arith.cmpi slt, %jit3A_271, %sign3A_283 : i32
      %sign3A_285 = arith.extui %sign3A_284 : i1 to i32
      %sign3A_286 = arith.subi %sign3A_282, %sign3A_285 : i32
      %ne3A_287 = arith.cmpi ne, %sign3A_279, %sign3A_286 : i32
      %rem3A_288 = arith.remsi %add3A_270, %jit3A_271 : i32
      %ne3A_289 = arith.constant 0 : i32
      %ne3A_290 = arith.cmpi ne, %rem3A_288, %ne3A_289 : i32
      %and3A_291 = arith.andi %ne3A_287, %ne3A_290 : i1
      %sub3A_292 = arith.constant 1 : i32
      %sub3A_293 = arith.subi %div3A_272, %sub3A_292 : i32
      %select_n3A_294 = arith.select %and3A_291, %sub3A_293, %div3A_272 : i32
      %jit3A_295 = arith.constant 16 : i32
      %eq3A_296 = arith.constant 0 : i32
      %eq3A_297 = arith.cmpi eq, %jit3A_295, %eq3A_296 : i32
      %jit3A_298 = arith.constant 1 : i32
      %select_n3A_299 = arith.select %eq3A_297, %jit3A_298, %jit3A_295 : i32
      %rem3A_300 = arith.remsi %add3A_270, %select_n3A_299 : i32
      %ne3A_301 = arith.constant 0 : i32
      %ne3A_302 = arith.cmpi ne, %rem3A_300, %ne3A_301 : i32
      %lt3A_303 = arith.constant 0 : i32
      %lt3A_304 = arith.cmpi slt, %rem3A_300, %lt3A_303 : i32
      %lt3A_305 = arith.constant 0 : i32
      %lt3A_306 = arith.cmpi slt, %select_n3A_299, %lt3A_305 : i32
      %ne3A_307 = arith.xori %lt3A_304, %lt3A_306 : i1
      %and3A_308 = arith.andi %ne3A_307, %ne3A_302 : i1
      %add3A_309 = arith.addi %rem3A_300, %select_n3A_299 : i32
      %select_n3A_310 = arith.select %and3A_308, %add3A_309, %rem3A_300 : i32
      %mul3A_311 = arith.constant 256 : i32
      %mul3A_312 = arith.muli %select_n3A_310, %mul3A_311 : i32
      %dma_wait3A_313 = arith.constant 0 : i32
      %dma_wait3A_314 = arith.constant 0 : i32
      %dma_wait3A_315 = arith.constant 0 : i32
      %dma_wait3A_316 = arith.constant 0 : i32
      %dma_wait3A_317 = tpu.memref_slice %arg4[%dma_wait3A_313, %dma_wait3A_315, %dma_wait3A_316] : memref<2x256x11xf32, #tpu.memory_space<vmem>> -> memref<1x256x11xf32, #tpu.memory_space<vmem>>
      %dma_wait3A_318 = tpu.memref_squeeze %dma_wait3A_317 : memref<1x256x11xf32, #tpu.memory_space<vmem>> -> memref<256x11xf32, #tpu.memory_space<vmem>>
      %dma_wait3A_319 = arith.constant 0 : i32
      %dma_wait3A_320 = tpu.memref_slice %arg2[%select_n3A_294, %mul3A_312, %dma_wait3A_319] : memref<200x4096x11xf32, #tpu.memory_space<hbm>> -> memref<1x256x11xf32, #tpu.memory_space<hbm>>
      %dma_wait3A_321 = tpu.memref_squeeze %dma_wait3A_320 : memref<1x256x11xf32, #tpu.memory_space<hbm>> -> memref<256x11xf32, #tpu.memory_space<hbm>>
      %dma_wait3A_322 = tpu.memref_slice %arg6[%dma_wait3A_314] : memref<4x!tpu.dma_semaphore, #tpu.memory_space<semaphore_mem>> -> memref<1x!tpu.dma_semaphore, #tpu.memory_space<semaphore_mem>>
      %dma_wait3A_323 = tpu.memref_squeeze %dma_wait3A_322 : memref<1x!tpu.dma_semaphore, #tpu.memory_space<semaphore_mem>> -> memref<!tpu.dma_semaphore, #tpu.memory_space<semaphore_mem>>
      %dma_wait3A_324 = arith.constant 0 : i32
      %dma_wait3A_325 = arith.constant 0 : i32
      %dma_wait3A_326 = tpu.memref_slice %arg4[%dma_wait3A_313, %dma_wait3A_324, %dma_wait3A_325] : memref<2x256x11xf32, #tpu.memory_space<vmem>> -> memref<1x256x11xf32, #tpu.memory_space<vmem>>
      %dma_wait3A_327 = tpu.memref_squeeze %dma_wait3A_326 : memref<1x256x11xf32, #tpu.memory_space<vmem>> -> memref<256x11xf32, #tpu.memory_space<vmem>>
      %dma_wait3A_328 = arith.constant 0 : i32
      %dma_wait3A_329 = tpu.memref_slice %arg2[%select_n3A_294, %mul3A_312, %dma_wait3A_328] : memref<200x4096x11xf32, #tpu.memory_space<hbm>> -> memref<1x256x11xf32, #tpu.memory_space<hbm>>
      %dma_wait3A_330 = tpu.memref_squeeze %dma_wait3A_329 : memref<1x256x11xf32, #tpu.memory_space<hbm>> -> memref<256x11xf32, #tpu.memory_space<hbm>>
      tpu.wait_dma2 semaphore(%dma_wait3A_323 : memref<!tpu.dma_semaphore, #tpu.memory_space<semaphore_mem>>) src(%dma_wait3A_330 : memref<256x11xf32, #tpu.memory_space<hbm>>) dst(%dma_wait3A_327 : memref<256x11xf32, #tpu.memory_space<vmem>>)
      %gt3A = arith.constant 0 : i32
      %gt3A_331 = arith.cmpi sgt, %scan3A_193, %gt3A : i32
      %convert_element_type3A = arith.extui %gt3A_331 : i1 to i32
      %cond3A = arith.constant 0 : i32
      %cond3A_332 = arith.cmpi ne, %convert_element_type3A, %cond3A : i32
      scf.if %cond3A_332 {
        %mul3A_571 = arith.constant 2 : i32
        %mul3A_572 = arith.muli %mul3A_571, %scan3A_193 : i32
        %sub3A_573 = arith.constant 2 : i32
        %sub3A_574 = arith.subi %mul3A_572, %sub3A_573 : i32
        %mul3A_575 = arith.constant 32 : i32
        %mul3A_576 = arith.muli %sub3A_574, %mul3A_575 : i32
        %add3A_577 = arith.constant 0 : i32
        %add3A_578 = arith.addi %add3A_577, %mul3A_576 : i32
        %add3A_579 = arith.addi %add3A_578, %add3A : i32
        %jit3A_580 = arith.constant 16 : i32
        %div3A_581 = arith.divsi %add3A_579, %jit3A_580 : i32
        %sign3A_582 = arith.constant 0 : i32
        %sign3A_583 = arith.cmpi sgt, %add3A_579, %sign3A_582 : i32
        %sign3A_584 = arith.extui %sign3A_583 : i1 to i32
        %sign3A_585 = arith.constant 0 : i32
        %sign3A_586 = arith.cmpi slt, %add3A_579, %sign3A_585 : i32
        %sign3A_587 = arith.extui %sign3A_586 : i1 to i32
        %sign3A_588 = arith.subi %sign3A_584, %sign3A_587 : i32
        %sign3A_589 = arith.constant 0 : i32
        %sign3A_590 = arith.cmpi sgt, %jit3A_580, %sign3A_589 : i32
        %sign3A_591 = arith.extui %sign3A_590 : i1 to i32
        %sign3A_592 = arith.constant 0 : i32
        %sign3A_593 = arith.cmpi slt, %jit3A_580, %sign3A_592 : i32
        %sign3A_594 = arith.extui %sign3A_593 : i1 to i32
        %sign3A_595 = arith.subi %sign3A_591, %sign3A_594 : i32
        %ne3A_596 = arith.cmpi ne, %sign3A_588, %sign3A_595 : i32
        %rem3A_597 = arith.remsi %add3A_579, %jit3A_580 : i32
        %ne3A_598 = arith.constant 0 : i32
        %ne3A_599 = arith.cmpi ne, %rem3A_597, %ne3A_598 : i32
        %and3A_600 = arith.andi %ne3A_596, %ne3A_599 : i1
        %sub3A_601 = arith.constant 1 : i32
        %sub3A_602 = arith.subi %div3A_581, %sub3A_601 : i32
        %select_n3A_603 = arith.select %and3A_600, %sub3A_602, %div3A_581 : i32
        %sub3A_604 = arith.constant 0 : i32
        %sub3A_605 = arith.subi %select_n3A_603, %sub3A_604 : i32
        %jit3A_606 = arith.constant 16 : i32
        %eq3A_607 = arith.constant 0 : i32
        %eq3A_608 = arith.cmpi eq, %jit3A_606, %eq3A_607 : i32
        %jit3A_609 = arith.constant 1 : i32
        %select_n3A_610 = arith.select %eq3A_608, %jit3A_609, %jit3A_606 : i32
        %rem3A_611 = arith.remsi %add3A_579, %select_n3A_610 : i32
        %ne3A_612 = arith.constant 0 : i32
        %ne3A_613 = arith.cmpi ne, %rem3A_611, %ne3A_612 : i32
        %lt3A_614 = arith.constant 0 : i32
        %lt3A_615 = arith.cmpi slt, %rem3A_611, %lt3A_614 : i32
        %lt3A_616 = arith.constant 0 : i32
        %lt3A_617 = arith.cmpi slt, %select_n3A_610, %lt3A_616 : i32
        %ne3A_618 = arith.xori %lt3A_615, %lt3A_617 : i1
        %and3A_619 = arith.andi %ne3A_618, %ne3A_613 : i1
        %add3A_620 = arith.addi %rem3A_611, %select_n3A_610 : i32
        %select_n3A_621 = arith.select %and3A_619, %add3A_620, %rem3A_611 : i32
        %mul3A_622 = arith.constant 256 : i32
        %mul3A_623 = arith.muli %select_n3A_621, %mul3A_622 : i32
        %dma_wait3A_624 = arith.constant 0 : i32
        %dma_wait3A_625 = arith.constant 2 : i32
        %dma_wait3A_626 = arith.constant 0 : i32
        %dma_wait3A_627 = arith.constant 0 : i32
        %dma_wait3A_628 = tpu.memref_slice %arg5[%dma_wait3A_624, %dma_wait3A_626, %dma_wait3A_627] : memref<2x16x256xf32, #tpu.memory_space<vmem>> -> memref<1x16x256xf32, #tpu.memory_space<vmem>>
        %dma_wait3A_629 = tpu.memref_squeeze %dma_wait3A_628 : memref<1x16x256xf32, #tpu.memory_space<vmem>> -> memref<16x256xf32, #tpu.memory_space<vmem>>
        %dma_wait3A_630 = arith.constant 0 : i32
        %dma_wait3A_631 = tpu.memref_slice %arg3[%sub3A_605, %dma_wait3A_630, %mul3A_623] : memref<100x16x4096xf32, #tpu.memory_space<hbm>> -> memref<1x16x256xf32, #tpu.memory_space<hbm>>
        %dma_wait3A_632 = tpu.memref_squeeze %dma_wait3A_631 : memref<1x16x256xf32, #tpu.memory_space<hbm>> -> memref<16x256xf32, #tpu.memory_space<hbm>>
        %dma_wait3A_633 = tpu.memref_slice %arg6[%dma_wait3A_625] : memref<4x!tpu.dma_semaphore, #tpu.memory_space<semaphore_mem>> -> memref<1x!tpu.dma_semaphore, #tpu.memory_space<semaphore_mem>>
        %dma_wait3A_634 = tpu.memref_squeeze %dma_wait3A_633 : memref<1x!tpu.dma_semaphore, #tpu.memory_space<semaphore_mem>> -> memref<!tpu.dma_semaphore, #tpu.memory_space<semaphore_mem>>
        %dma_wait3A_635 = arith.constant 0 : i32
        %dma_wait3A_636 = tpu.memref_slice %arg3[%sub3A_605, %dma_wait3A_635, %mul3A_623] : memref<100x16x4096xf32, #tpu.memory_space<hbm>> -> memref<1x16x256xf32, #tpu.memory_space<hbm>>
        %dma_wait3A_637 = tpu.memref_squeeze %dma_wait3A_636 : memref<1x16x256xf32, #tpu.memory_space<hbm>> -> memref<16x256xf32, #tpu.memory_space<hbm>>
        %dma_wait3A_638 = arith.constant 0 : i32
        %dma_wait3A_639 = arith.constant 0 : i32
        %dma_wait3A_640 = tpu.memref_slice %arg5[%dma_wait3A_624, %dma_wait3A_638, %dma_wait3A_639] : memref<2x16x256xf32, #tpu.memory_space<vmem>> -> memref<1x16x256xf32, #tpu.memory_space<vmem>>
        %dma_wait3A_641 = tpu.memref_squeeze %dma_wait3A_640 : memref<1x16x256xf32, #tpu.memory_space<vmem>> -> memref<16x256xf32, #tpu.memory_space<vmem>>
        tpu.wait_dma2 semaphore(%dma_wait3A_634 : memref<!tpu.dma_semaphore, #tpu.memory_space<semaphore_mem>>) src(%dma_wait3A_641 : memref<16x256xf32, #tpu.memory_space<vmem>>) dst(%dma_wait3A_637 : memref<16x256xf32, #tpu.memory_space<hbm>>)
      } else {
      }
      %scan3A_333 = arith.constant 0 : i32
      %scan3A_334 = arith.constant 0 : i32
      %scan3A_335 = arith.constant 16 : i32
      %scan3A_336 = arith.addi %scan3A_334, %scan3A_335 : i32
      %scan3A_337 = arith.constant 1 : i32
      %scan3A_338 = scf.for %scan3A_571 = %scan3A_334 to %scan3A_336 step %scan3A_337 iter_args(%scan3A_572 = %scan3A_333) -> (i32)  : i32 {
        %mul3A_573 = arith.constant 16 : i32
        %mul3A_574 = arith.muli %scan3A_571, %mul3A_573 : i32
        %add3A_575 = vector.broadcast %mul3A_574 : i32 to vector<16xi32>
        %add3A_576 = arith.addi %add3A_575, %iota3A : vector<16xi32>
        %broadcast_in_dim3A_577 = arith.constant 0 : i32
        %broadcast_in_dim3A_578 = vector.broadcast %broadcast_in_dim3A_577 : i32 to vector<16xi32>
        %gather3A = arith.constant 0 : i32
        %gather3A_579 = arith.constant 0 : i32
        %gather3A_580 = arith.constant 0 : i32
        %gather3A_581 = tpu.memref_slice %arg4[%gather3A, %gather3A_579, %gather3A_580] : memref<2x256x11xf32, #tpu.memory_space<vmem>> -> memref<1x256x11xf32, #tpu.memory_space<vmem>>
        %gather3A_582 = tpu.memref_squeeze %gather3A_581 : memref<1x256x11xf32, #tpu.memory_space<vmem>> -> memref<256x11xf32, #tpu.memory_space<vmem>>
        %gather3A_583 = tpu.vector_load_idx %gather3A_582[%add3A_576, %broadcast_in_dim3A_578] : memref<256x11xf32, #tpu.memory_space<vmem>>[vector<16xi32>, vector<16xi32>], vector<16xf32>,
        %mul3A_584 = arith.constant 16 : i32
        %mul3A_585 = arith.muli %scan3A_571, %mul3A_584 : i32
        %swap3A = arith.constant 0 : i32
        %swap3A_586 = arith.constant 0 : i32
        %swap3A_587 = arith.index_cast %swap3A : i32 to index
        %swap3A_588 = arith.index_cast %swap3A_586 : i32 to index
        %swap3A_589 = arith.index_cast %mul3A_585 : i32 to index
        %swap3A_590 = tpu.vector_load %arg5[%swap3A_587, %swap3A_588, %swap3A_589] {strides = array<i32>} : memref<2x16x256xf32, #tpu.memory_space<vmem>>, vector<16xf32>,
        tpu.vector_store %arg5[%swap3A_587, %swap3A_588, %swap3A_589], %gather3A_583 {strides = array<i32>} : memref<2x16x256xf32, #tpu.memory_space<vmem>>, vector<16xf32>,
        %broadcast_in_dim3A_591 = arith.constant 1 : i32
        %broadcast_in_dim3A_592 = vector.broadcast %broadcast_in_dim3A_591 : i32 to vector<16xi32>
        %gather3A_593 = arith.constant 0 : i32
        %gather3A_594 = arith.constant 0 : i32
        %gather3A_595 = arith.constant 0 : i32
        %gather3A_596 = tpu.memref_slice %arg4[%gather3A_593, %gather3A_594, %gather3A_595] : memref<2x256x11xf32, #tpu.memory_space<vmem>> -> memref<1x256x11xf32, #tpu.memory_space<vmem>>
        %gather3A_597 = tpu.memref_squeeze %gather3A_596 : memref<1x256x11xf32, #tpu.memory_space<vmem>> -> memref<256x11xf32, #tpu.memory_space<vmem>>
        %gather3A_598 = tpu.vector_load_idx %gather3A_597[%add3A_576, %broadcast_in_dim3A_592] : memref<256x11xf32, #tpu.memory_space<vmem>>[vector<16xi32>, vector<16xi32>], vector<16xf32>,
        %mul3A_599 = arith.constant 16 : i32
        %mul3A_600 = arith.muli %scan3A_571, %mul3A_599 : i32
        %swap3A_601 = arith.constant 0 : i32
        %swap3A_602 = arith.constant 1 : i32
        %swap3A_603 = arith.index_cast %swap3A_601 : i32 to index
        %swap3A_604 = arith.index_cast %swap3A_602 : i32 to index
        %swap3A_605 = arith.index_cast %mul3A_600 : i32 to index
        %swap3A_606 = tpu.vector_load %arg5[%swap3A_603, %swap3A_604, %swap3A_605] {strides = array<i32>} : memref<2x16x256xf32, #tpu.memory_space<vmem>>, vector<16xf32>,
        tpu.vector_store %arg5[%swap3A_603, %swap3A_604, %swap3A_605], %gather3A_598 {strides = array<i32>} : memref<2x16x256xf32, #tpu.memory_space<vmem>>, vector<16xf32>,
        %broadcast_in_dim3A_607 = arith.constant 2 : i32
        %broadcast_in_dim3A_608 = vector.broadcast %broadcast_in_dim3A_607 : i32 to vector<16xi32>
        %gather3A_609 = arith.constant 0 : i32
        %gather3A_610 = arith.constant 0 : i32
        %gather3A_611 = arith.constant 0 : i32
        %gather3A_612 = tpu.memref_slice %arg4[%gather3A_609, %gather3A_610, %gather3A_611] : memref<2x256x11xf32, #tpu.memory_space<vmem>> -> memref<1x256x11xf32, #tpu.memory_space<vmem>>
        %gather3A_613 = tpu.memref_squeeze %gather3A_612 : memref<1x256x11xf32, #tpu.memory_space<vmem>> -> memref<256x11xf32, #tpu.memory_space<vmem>>
        %gather3A_614 = tpu.vector_load_idx %gather3A_613[%add3A_576, %broadcast_in_dim3A_608] : memref<256x11xf32, #tpu.memory_space<vmem>>[vector<16xi32>, vector<16xi32>], vector<16xf32>,
        %mul3A_615 = arith.constant 16 : i32
        %mul3A_616 = arith.muli %scan3A_571, %mul3A_615 : i32
        %swap3A_617 = arith.constant 0 : i32
        %swap3A_618 = arith.constant 2 : i32
        %swap3A_619 = arith.index_cast %swap3A_617 : i32 to index
        %swap3A_620 = arith.index_cast %swap3A_618 : i32 to index
        %swap3A_621 = arith.index_cast %mul3A_616 : i32 to index
        %swap3A_622 = tpu.vector_load %arg5[%swap3A_619, %swap3A_620, %swap3A_621] {strides = array<i32>} : memref<2x16x256xf32, #tpu.memory_space<vmem>>, vector<16xf32>,
        tpu.vector_store %arg5[%swap3A_619, %swap3A_620, %swap3A_621], %gather3A_614 {strides = array<i32>} : memref<2x16x256xf32, #tpu.memory_space<vmem>>, vector<16xf32>,
        %broadcast_in_dim3A_623 = arith.constant 3 : i32
        %broadcast_in_dim3A_624 = vector.broadcast %broadcast_in_dim3A_623 : i32 to vector<16xi32>
        %gather3A_625 = arith.constant 0 : i32
        %gather3A_626 = arith.constant 0 : i32
        %gather3A_627 = arith.constant 0 : i32
        %gather3A_628 = tpu.memref_slice %arg4[%gather3A_625, %gather3A_626, %gather3A_627] : memref<2x256x11xf32, #tpu.memory_space<vmem>> -> memref<1x256x11xf32, #tpu.memory_space<vmem>>
        %gather3A_629 = tpu.memref_squeeze %gather3A_628 : memref<1x256x11xf32, #tpu.memory_space<vmem>> -> memref<256x11xf32, #tpu.memory_space<vmem>>
        %gather3A_630 = tpu.vector_load_idx %gather3A_629[%add3A_576, %broadcast_in_dim3A_624] : memref<256x11xf32, #tpu.memory_space<vmem>>[vector<16xi32>, vector<16xi32>], vector<16xf32>,
        %mul3A_631 = arith.constant 16 : i32
        %mul3A_632 = arith.muli %scan3A_571, %mul3A_631 : i32
        %swap3A_633 = arith.constant 0 : i32
        %swap3A_634 = arith.constant 3 : i32
        %swap3A_635 = arith.index_cast %swap3A_633 : i32 to index
        %swap3A_636 = arith.index_cast %swap3A_634 : i32 to index
        %swap3A_637 = arith.index_cast %mul3A_632 : i32 to index
        %swap3A_638 = tpu.vector_load %arg5[%swap3A_635, %swap3A_636, %swap3A_637] {strides = array<i32>} : memref<2x16x256xf32, #tpu.memory_space<vmem>>, vector<16xf32>,
        tpu.vector_store %arg5[%swap3A_635, %swap3A_636, %swap3A_637], %gather3A_630 {strides = array<i32>} : memref<2x16x256xf32, #tpu.memory_space<vmem>>, vector<16xf32>,
        %broadcast_in_dim3A_639 = arith.constant 4 : i32
        %broadcast_in_dim3A_640 = vector.broadcast %broadcast_in_dim3A_639 : i32 to vector<16xi32>
        %gather3A_641 = arith.constant 0 : i32
        %gather3A_642 = arith.constant 0 : i32
        %gather3A_643 = arith.constant 0 : i32
        %gather3A_644 = tpu.memref_slice %arg4[%gather3A_641, %gather3A_642, %gather3A_643] : memref<2x256x11xf32, #tpu.memory_space<vmem>> -> memref<1x256x11xf32, #tpu.memory_space<vmem>>
        %gather3A_645 = tpu.memref_squeeze %gather3A_644 : memref<1x256x11xf32, #tpu.memory_space<vmem>> -> memref<256x11xf32, #tpu.memory_space<vmem>>
        %gather3A_646 = tpu.vector_load_idx %gather3A_645[%add3A_576, %broadcast_in_dim3A_640] : memref<256x11xf32, #tpu.memory_space<vmem>>[vector<16xi32>, vector<16xi32>], vector<16xf32>,
        %mul3A_647 = arith.constant 16 : i32
        %mul3A_648 = arith.muli %scan3A_571, %mul3A_647 : i32
        %swap3A_649 = arith.constant 0 : i32
        %swap3A_650 = arith.constant 4 : i32
        %swap3A_651 = arith.index_cast %swap3A_649 : i32 to index
        %swap3A_652 = arith.index_cast %swap3A_650 : i32 to index
        %swap3A_653 = arith.index_cast %mul3A_648 : i32 to index
        %swap3A_654 = tpu.vector_load %arg5[%swap3A_651, %swap3A_652, %swap3A_653] {strides = array<i32>} : memref<2x16x256xf32, #tpu.memory_space<vmem>>, vector<16xf32>,
        tpu.vector_store %arg5[%swap3A_651, %swap3A_652, %swap3A_653], %gather3A_646 {strides = array<i32>} : memref<2x16x256xf32, #tpu.memory_space<vmem>>, vector<16xf32>,
        %broadcast_in_dim3A_655 = arith.constant 5 : i32
        %broadcast_in_dim3A_656 = vector.broadcast %broadcast_in_dim3A_655 : i32 to vector<16xi32>
        %gather3A_657 = arith.constant 0 : i32
        %gather3A_658 = arith.constant 0 : i32
        %gather3A_659 = arith.constant 0 : i32
        %gather3A_660 = tpu.memref_slice %arg4[%gather3A_657, %gather3A_658, %gather3A_659] : memref<2x256x11xf32, #tpu.memory_space<vmem>> -> memref<1x256x11xf32, #tpu.memory_space<vmem>>
        %gather3A_661 = tpu.memref_squeeze %gather3A_660 : memref<1x256x11xf32, #tpu.memory_space<vmem>> -> memref<256x11xf32, #tpu.memory_space<vmem>>
        %gather3A_662 = tpu.vector_load_idx %gather3A_661[%add3A_576, %broadcast_in_dim3A_656] : memref<256x11xf32, #tpu.memory_space<vmem>>[vector<16xi32>, vector<16xi32>], vector<16xf32>,
        %mul3A_663 = arith.constant 16 : i32
        %mul3A_664 = arith.muli %scan3A_571, %mul3A_663 : i32
        %swap3A_665 = arith.constant 0 : i32
        %swap3A_666 = arith.constant 5 : i32
        %swap3A_667 = arith.index_cast %swap3A_665 : i32 to index
        %swap3A_668 = arith.index_cast %swap3A_666 : i32 to index
        %swap3A_669 = arith.index_cast %mul3A_664 : i32 to index
        %swap3A_670 = tpu.vector_load %arg5[%swap3A_667, %swap3A_668, %swap3A_669] {strides = array<i32>} : memref<2x16x256xf32, #tpu.memory_space<vmem>>, vector<16xf32>,
        tpu.vector_store %arg5[%swap3A_667, %swap3A_668, %swap3A_669], %gather3A_662 {strides = array<i32>} : memref<2x16x256xf32, #tpu.memory_space<vmem>>, vector<16xf32>,
        %broadcast_in_dim3A_671 = arith.constant 6 : i32
        %broadcast_in_dim3A_672 = vector.broadcast %broadcast_in_dim3A_671 : i32 to vector<16xi32>
        %gather3A_673 = arith.constant 0 : i32
        %gather3A_674 = arith.constant 0 : i32
        %gather3A_675 = arith.constant 0 : i32
        %gather3A_676 = tpu.memref_slice %arg4[%gather3A_673, %gather3A_674, %gather3A_675] : memref<2x256x11xf32, #tpu.memory_space<vmem>> -> memref<1x256x11xf32, #tpu.memory_space<vmem>>
        %gather3A_677 = tpu.memref_squeeze %gather3A_676 : memref<1x256x11xf32, #tpu.memory_space<vmem>> -> memref<256x11xf32, #tpu.memory_space<vmem>>
        %gather3A_678 = tpu.vector_load_idx %gather3A_677[%add3A_576, %broadcast_in_dim3A_672] : memref<256x11xf32, #tpu.memory_space<vmem>>[vector<16xi32>, vector<16xi32>], vector<16xf32>,
        %mul3A_679 = arith.constant 16 : i32
        %mul3A_680 = arith.muli %scan3A_571, %mul3A_679 : i32
        %swap3A_681 = arith.constant 0 : i32
        %swap3A_682 = arith.constant 6 : i32
        %swap3A_683 = arith.index_cast %swap3A_681 : i32 to index
        %swap3A_684 = arith.index_cast %swap3A_682 : i32 to index
        %swap3A_685 = arith.index_cast %mul3A_680 : i32 to index
        %swap3A_686 = tpu.vector_load %arg5[%swap3A_683, %swap3A_684, %swap3A_685] {strides = array<i32>} : memref<2x16x256xf32, #tpu.memory_space<vmem>>, vector<16xf32>,
        tpu.vector_store %arg5[%swap3A_683, %swap3A_684, %swap3A_685], %gather3A_678 {strides = array<i32>} : memref<2x16x256xf32, #tpu.memory_space<vmem>>, vector<16xf32>,
        %broadcast_in_dim3A_687 = arith.constant 7 : i32
        %broadcast_in_dim3A_688 = vector.broadcast %broadcast_in_dim3A_687 : i32 to vector<16xi32>
        %gather3A_689 = arith.constant 0 : i32
        %gather3A_690 = arith.constant 0 : i32
        %gather3A_691 = arith.constant 0 : i32
        %gather3A_692 = tpu.memref_slice %arg4[%gather3A_689, %gather3A_690, %gather3A_691] : memref<2x256x11xf32, #tpu.memory_space<vmem>> -> memref<1x256x11xf32, #tpu.memory_space<vmem>>
        %gather3A_693 = tpu.memref_squeeze %gather3A_692 : memref<1x256x11xf32, #tpu.memory_space<vmem>> -> memref<256x11xf32, #tpu.memory_space<vmem>>
        %gather3A_694 = tpu.vector_load_idx %gather3A_693[%add3A_576, %broadcast_in_dim3A_688] : memref<256x11xf32, #tpu.memory_space<vmem>>[vector<16xi32>, vector<16xi32>], vector<16xf32>,
        %mul3A_695 = arith.constant 16 : i32
        %mul3A_696 = arith.muli %scan3A_571, %mul3A_695 : i32
        %swap3A_697 = arith.constant 0 : i32
        %swap3A_698 = arith.constant 7 : i32
        %swap3A_699 = arith.index_cast %swap3A_697 : i32 to index
        %swap3A_700 = arith.index_cast %swap3A_698 : i32 to index
        %swap3A_701 = arith.index_cast %mul3A_696 : i32 to index
        %swap3A_702 = tpu.vector_load %arg5[%swap3A_699, %swap3A_700, %swap3A_701] {strides = array<i32>} : memref<2x16x256xf32, #tpu.memory_space<vmem>>, vector<16xf32>,
        tpu.vector_store %arg5[%swap3A_699, %swap3A_700, %swap3A_701], %gather3A_694 {strides = array<i32>} : memref<2x16x256xf32, #tpu.memory_space<vmem>>, vector<16xf32>,
        %broadcast_in_dim3A_703 = arith.constant 8 : i32
        %broadcast_in_dim3A_704 = vector.broadcast %broadcast_in_dim3A_703 : i32 to vector<16xi32>
        %gather3A_705 = arith.constant 0 : i32
        %gather3A_706 = arith.constant 0 : i32
        %gather3A_707 = arith.constant 0 : i32
        %gather3A_708 = tpu.memref_slice %arg4[%gather3A_705, %gather3A_706, %gather3A_707] : memref<2x256x11xf32, #tpu.memory_space<vmem>> -> memref<1x256x11xf32, #tpu.memory_space<vmem>>
        %gather3A_709 = tpu.memref_squeeze %gather3A_708 : memref<1x256x11xf32, #tpu.memory_space<vmem>> -> memref<256x11xf32, #tpu.memory_space<vmem>>
        %gather3A_710 = tpu.vector_load_idx %gather3A_709[%add3A_576, %broadcast_in_dim3A_704] : memref<256x11xf32, #tpu.memory_space<vmem>>[vector<16xi32>, vector<16xi32>], vector<16xf32>,
        %mul3A_711 = arith.constant 16 : i32
        %mul3A_712 = arith.muli %scan3A_571, %mul3A_711 : i32
        %swap3A_713 = arith.constant 0 : i32
        %swap3A_714 = arith.constant 8 : i32
        %swap3A_715 = arith.index_cast %swap3A_713 : i32 to index
        %swap3A_716 = arith.index_cast %swap3A_714 : i32 to index
        %swap3A_717 = arith.index_cast %mul3A_712 : i32 to index
        %swap3A_718 = tpu.vector_load %arg5[%swap3A_715, %swap3A_716, %swap3A_717] {strides = array<i32>} : memref<2x16x256xf32, #tpu.memory_space<vmem>>, vector<16xf32>,
        tpu.vector_store %arg5[%swap3A_715, %swap3A_716, %swap3A_717], %gather3A_710 {strides = array<i32>} : memref<2x16x256xf32, #tpu.memory_space<vmem>>, vector<16xf32>,
        %broadcast_in_dim3A_719 = arith.constant 9 : i32
        %broadcast_in_dim3A_720 = vector.broadcast %broadcast_in_dim3A_719 : i32 to vector<16xi32>
        %gather3A_721 = arith.constant 0 : i32
        %gather3A_722 = arith.constant 0 : i32
        %gather3A_723 = arith.constant 0 : i32
        %gather3A_724 = tpu.memref_slice %arg4[%gather3A_721, %gather3A_722, %gather3A_723] : memref<2x256x11xf32, #tpu.memory_space<vmem>> -> memref<1x256x11xf32, #tpu.memory_space<vmem>>
        %gather3A_725 = tpu.memref_squeeze %gather3A_724 : memref<1x256x11xf32, #tpu.memory_space<vmem>> -> memref<256x11xf32, #tpu.memory_space<vmem>>
        %gather3A_726 = tpu.vector_load_idx %gather3A_725[%add3A_576, %broadcast_in_dim3A_720] : memref<256x11xf32, #tpu.memory_space<vmem>>[vector<16xi32>, vector<16xi32>], vector<16xf32>,
        %mul3A_727 = arith.constant 16 : i32
        %mul3A_728 = arith.muli %scan3A_571, %mul3A_727 : i32
        %swap3A_729 = arith.constant 0 : i32
        %swap3A_730 = arith.constant 9 : i32
        %swap3A_731 = arith.index_cast %swap3A_729 : i32 to index
        %swap3A_732 = arith.index_cast %swap3A_730 : i32 to index
        %swap3A_733 = arith.index_cast %mul3A_728 : i32 to index
        %swap3A_734 = tpu.vector_load %arg5[%swap3A_731, %swap3A_732, %swap3A_733] {strides = array<i32>} : memref<2x16x256xf32, #tpu.memory_space<vmem>>, vector<16xf32>,
        tpu.vector_store %arg5[%swap3A_731, %swap3A_732, %swap3A_733], %gather3A_726 {strides = array<i32>} : memref<2x16x256xf32, #tpu.memory_space<vmem>>, vector<16xf32>,
        %broadcast_in_dim3A_735 = arith.constant 10 : i32
        %broadcast_in_dim3A_736 = vector.broadcast %broadcast_in_dim3A_735 : i32 to vector<16xi32>
        %gather3A_737 = arith.constant 0 : i32
        %gather3A_738 = arith.constant 0 : i32
        %gather3A_739 = arith.constant 0 : i32
        %gather3A_740 = tpu.memref_slice %arg4[%gather3A_737, %gather3A_738, %gather3A_739] : memref<2x256x11xf32, #tpu.memory_space<vmem>> -> memref<1x256x11xf32, #tpu.memory_space<vmem>>
        %gather3A_741 = tpu.memref_squeeze %gather3A_740 : memref<1x256x11xf32, #tpu.memory_space<vmem>> -> memref<256x11xf32, #tpu.memory_space<vmem>>
        %gather3A_742 = tpu.vector_load_idx %gather3A_741[%add3A_576, %broadcast_in_dim3A_736] : memref<256x11xf32, #tpu.memory_space<vmem>>[vector<16xi32>, vector<16xi32>], vector<16xf32>,
        %mul3A_743 = arith.constant 16 : i32
        %mul3A_744 = arith.muli %scan3A_571, %mul3A_743 : i32
        %swap3A_745 = arith.constant 0 : i32
        %swap3A_746 = arith.constant 10 : i32
        %swap3A_747 = arith.index_cast %swap3A_745 : i32 to index
        %swap3A_748 = arith.index_cast %swap3A_746 : i32 to index
        %swap3A_749 = arith.index_cast %mul3A_744 : i32 to index
        %swap3A_750 = tpu.vector_load %arg5[%swap3A_747, %swap3A_748, %swap3A_749] {strides = array<i32>} : memref<2x16x256xf32, #tpu.memory_space<vmem>>, vector<16xf32>,
        tpu.vector_store %arg5[%swap3A_747, %swap3A_748, %swap3A_749], %gather3A_742 {strides = array<i32>} : memref<2x16x256xf32, #tpu.memory_space<vmem>>, vector<16xf32>,
        %scan3A_751 = arith.constant 0 : i32
        scf.yield %scan3A_751 : i32
      }
      %scan3A_339 = arith.constant 16 : i32
      %mul3A_340 = arith.constant 2 : i32
      %mul3A_341 = arith.muli %mul3A_340, %scan3A_193 : i32
      %mul3A_342 = arith.constant 32 : i32
      %mul3A_343 = arith.muli %mul3A_341, %mul3A_342 : i32
      %add3A_344 = arith.constant 0 : i32
      %add3A_345 = arith.addi %add3A_344, %mul3A_343 : i32
      %add3A_346 = arith.addi %add3A_345, %add3A : i32
      %jit3A_347 = arith.constant 16 : i32
      %div3A_348 = arith.divsi %add3A_346, %jit3A_347 : i32
      %sign3A_349 = arith.constant 0 : i32
      %sign3A_350 = arith.cmpi sgt, %add3A_346, %sign3A_349 : i32
      %sign3A_351 = arith.extui %sign3A_350 : i1 to i32
      %sign3A_352 = arith.constant 0 : i32
      %sign3A_353 = arith.cmpi slt, %add3A_346, %sign3A_352 : i32
      %sign3A_354 = arith.extui %sign3A_353 : i1 to i32
      %sign3A_355 = arith.subi %sign3A_351, %sign3A_354 : i32
      %sign3A_356 = arith.constant 0 : i32
      %sign3A_357 = arith.cmpi sgt, %jit3A_347, %sign3A_356 : i32
      %sign3A_358 = arith.extui %sign3A_357 : i1 to i32
      %sign3A_359 = arith.constant 0 : i32
      %sign3A_360 = arith.cmpi slt, %jit3A_347, %sign3A_359 : i32
      %sign3A_361 = arith.extui %sign3A_360 : i1 to i32
      %sign3A_362 = arith.subi %sign3A_358, %sign3A_361 : i32
      %ne3A_363 = arith.cmpi ne, %sign3A_355, %sign3A_362 : i32
      %rem3A_364 = arith.remsi %add3A_346, %jit3A_347 : i32
      %ne3A_365 = arith.constant 0 : i32
      %ne3A_366 = arith.cmpi ne, %rem3A_364, %ne3A_365 : i32
      %and3A_367 = arith.andi %ne3A_363, %ne3A_366 : i1
      %sub3A_368 = arith.constant 1 : i32
      %sub3A_369 = arith.subi %div3A_348, %sub3A_368 : i32
      %select_n3A_370 = arith.select %and3A_367, %sub3A_369, %div3A_348 : i32
      %sub3A_371 = arith.constant 0 : i32
      %sub3A_372 = arith.subi %select_n3A_370, %sub3A_371 : i32
      %jit3A_373 = arith.constant 16 : i32
      %eq3A_374 = arith.constant 0 : i32
      %eq3A_375 = arith.cmpi eq, %jit3A_373, %eq3A_374 : i32
      %jit3A_376 = arith.constant 1 : i32
      %select_n3A_377 = arith.select %eq3A_375, %jit3A_376, %jit3A_373 : i32
      %rem3A_378 = arith.remsi %add3A_346, %select_n3A_377 : i32
      %ne3A_379 = arith.constant 0 : i32
      %ne3A_380 = arith.cmpi ne, %rem3A_378, %ne3A_379 : i32
      %lt3A_381 = arith.constant 0 : i32
      %lt3A_382 = arith.cmpi slt, %rem3A_378, %lt3A_381 : i32
      %lt3A_383 = arith.constant 0 : i32
      %lt3A_384 = arith.cmpi slt, %select_n3A_377, %lt3A_383 : i32
      %ne3A_385 = arith.xori %lt3A_382, %lt3A_384 : i1
      %and3A_386 = arith.andi %ne3A_385, %ne3A_380 : i1
      %add3A_387 = arith.addi %rem3A_378, %select_n3A_377 : i32
      %select_n3A_388 = arith.select %and3A_386, %add3A_387, %rem3A_378 : i32
      %mul3A_389 = arith.constant 256 : i32
      %mul3A_390 = arith.muli %select_n3A_388, %mul3A_389 : i32
      %dma_start3A_391 = arith.constant 0 : i32
      %dma_start3A_392 = arith.constant 2 : i32
      %dma_start3A_393 = arith.constant 0 : i32
      %dma_start3A_394 = arith.constant 0 : i32
      %dma_start3A_395 = tpu.memref_slice %arg5[%dma_start3A_391, %dma_start3A_393, %dma_start3A_394] : memref<2x16x256xf32, #tpu.memory_space<vmem>> -> memref<1x16x256xf32, #tpu.memory_space<vmem>>
      %dma_start3A_396 = tpu.memref_squeeze %dma_start3A_395 : memref<1x16x256xf32, #tpu.memory_space<vmem>> -> memref<16x256xf32, #tpu.memory_space<vmem>>
      %dma_start3A_397 = arith.constant 0 : i32
      %dma_start3A_398 = tpu.memref_slice %arg3[%sub3A_372, %dma_start3A_397, %mul3A_390] : memref<100x16x4096xf32, #tpu.memory_space<hbm>> -> memref<1x16x256xf32, #tpu.memory_space<hbm>>
      %dma_start3A_399 = tpu.memref_squeeze %dma_start3A_398 : memref<1x16x256xf32, #tpu.memory_space<hbm>> -> memref<16x256xf32, #tpu.memory_space<hbm>>
      %dma_start3A_400 = tpu.memref_slice %arg6[%dma_start3A_392] : memref<4x!tpu.dma_semaphore, #tpu.memory_space<semaphore_mem>> -> memref<1x!tpu.dma_semaphore, #tpu.memory_space<semaphore_mem>>
      %dma_start3A_401 = tpu.memref_squeeze %dma_start3A_400 : memref<1x!tpu.dma_semaphore, #tpu.memory_space<semaphore_mem>> -> memref<!tpu.dma_semaphore, #tpu.memory_space<semaphore_mem>>
      %dma_start3A_402 = arith.constant 0 : i32
      %dma_start3A_403 = tpu.memref_slice %arg3[%sub3A_372, %dma_start3A_402, %mul3A_390] : memref<100x16x4096xf32, #tpu.memory_space<hbm>> -> memref<1x16x256xf32, #tpu.memory_space<hbm>>
      %dma_start3A_404 = tpu.memref_squeeze %dma_start3A_403 : memref<1x16x256xf32, #tpu.memory_space<hbm>> -> memref<16x256xf32, #tpu.memory_space<hbm>>
      %dma_start3A_405 = arith.constant 0 : i32
      %dma_start3A_406 = arith.constant 0 : i32
      %dma_start3A_407 = tpu.memref_slice %arg5[%dma_start3A_391, %dma_start3A_405, %dma_start3A_406] : memref<2x16x256xf32, #tpu.memory_space<vmem>> -> memref<1x16x256xf32, #tpu.memory_space<vmem>>
      %dma_start3A_408 = tpu.memref_squeeze %dma_start3A_407 : memref<1x16x256xf32, #tpu.memory_space<vmem>> -> memref<16x256xf32, #tpu.memory_space<vmem>>
      tpu.enqueue_dma source(%dma_start3A_408 : memref<16x256xf32, #tpu.memory_space<vmem>>) target(%dma_start3A_404 : memref<16x256xf32, #tpu.memory_space<hbm>>) target_semaphore(%dma_start3A_401 : memref<!tpu.dma_semaphore, #tpu.memory_space<semaphore_mem>>)
      %mul3A_409 = arith.constant 2 : i32
      %mul3A_410 = arith.muli %mul3A_409, %scan3A_193 : i32
      %add3A_411 = arith.constant 2 : i32
      %add3A_412 = arith.addi %mul3A_410, %add3A_411 : i32
      %lt3A_413 = arith.constant 50 : i32
      %lt3A_414 = arith.cmpi slt, %add3A_412, %lt3A_413 : i32
      %convert_element_type3A_415 = arith.extui %lt3A_414 : i1 to i32
      %cond3A_416 = arith.constant 0 : i32
      %cond3A_417 = arith.cmpi ne, %convert_element_type3A_415, %cond3A_416 : i32
      scf.if %cond3A_417 {
        %mul3A_571 = arith.constant 2 : i32
        %mul3A_572 = arith.muli %mul3A_571, %scan3A_193 : i32
        %add3A_573 = arith.constant 2 : i32
        %add3A_574 = arith.addi %mul3A_572, %add3A_573 : i32
        %mul3A_575 = arith.constant 32 : i32
        %mul3A_576 = arith.muli %add3A_574, %mul3A_575 : i32
        %add3A_577 = arith.constant 0 : i32
        %add3A_578 = arith.addi %add3A_577, %mul3A_576 : i32
        %add3A_579 = arith.addi %add3A_578, %add3A : i32
        %jit3A_580 = arith.constant 16 : i32
        %div3A_581 = arith.divsi %add3A_579, %jit3A_580 : i32
        %sign3A_582 = arith.constant 0 : i32
        %sign3A_583 = arith.cmpi sgt, %add3A_579, %sign3A_582 : i32
        %sign3A_584 = arith.extui %sign3A_583 : i1 to i32
        %sign3A_585 = arith.constant 0 : i32
        %sign3A_586 = arith.cmpi slt, %add3A_579, %sign3A_585 : i32
        %sign3A_587 = arith.extui %sign3A_586 : i1 to i32
        %sign3A_588 = arith.subi %sign3A_584, %sign3A_587 : i32
        %sign3A_589 = arith.constant 0 : i32
        %sign3A_590 = arith.cmpi sgt, %jit3A_580, %sign3A_589 : i32
        %sign3A_591 = arith.extui %sign3A_590 : i1 to i32
        %sign3A_592 = arith.constant 0 : i32
        %sign3A_593 = arith.cmpi slt, %jit3A_580, %sign3A_592 : i32
        %sign3A_594 = arith.extui %sign3A_593 : i1 to i32
        %sign3A_595 = arith.subi %sign3A_591, %sign3A_594 : i32
        %ne3A_596 = arith.cmpi ne, %sign3A_588, %sign3A_595 : i32
        %rem3A_597 = arith.remsi %add3A_579, %jit3A_580 : i32
        %ne3A_598 = arith.constant 0 : i32
        %ne3A_599 = arith.cmpi ne, %rem3A_597, %ne3A_598 : i32
        %and3A_600 = arith.andi %ne3A_596, %ne3A_599 : i1
        %sub3A_601 = arith.constant 1 : i32
        %sub3A_602 = arith.subi %div3A_581, %sub3A_601 : i32
        %select_n3A_603 = arith.select %and3A_600, %sub3A_602, %div3A_581 : i32
        %jit3A_604 = arith.constant 16 : i32
        %eq3A_605 = arith.constant 0 : i32
        %eq3A_606 = arith.cmpi eq, %jit3A_604, %eq3A_605 : i32
        %jit3A_607 = arith.constant 1 : i32
        %select_n3A_608 = arith.select %eq3A_606, %jit3A_607, %jit3A_604 : i32
        %rem3A_609 = arith.remsi %add3A_579, %select_n3A_608 : i32
        %ne3A_610 = arith.constant 0 : i32
        %ne3A_611 = arith.cmpi ne, %rem3A_609, %ne3A_610 : i32
        %lt3A_612 = arith.constant 0 : i32
        %lt3A_613 = arith.cmpi slt, %rem3A_609, %lt3A_612 : i32
        %lt3A_614 = arith.constant 0 : i32
        %lt3A_615 = arith.cmpi slt, %select_n3A_608, %lt3A_614 : i32
        %ne3A_616 = arith.xori %lt3A_613, %lt3A_615 : i1
        %and3A_617 = arith.andi %ne3A_616, %ne3A_611 : i1
        %add3A_618 = arith.addi %rem3A_609, %select_n3A_608 : i32
        %select_n3A_619 = arith.select %and3A_617, %add3A_618, %rem3A_609 : i32
        %mul3A_620 = arith.constant 256 : i32
        %mul3A_621 = arith.muli %select_n3A_619, %mul3A_620 : i32
        %dma_start3A_622 = arith.constant 0 : i32
        %dma_start3A_623 = arith.constant 0 : i32
        %dma_start3A_624 = arith.constant 0 : i32
        %dma_start3A_625 = arith.constant 0 : i32
        %dma_start3A_626 = tpu.memref_slice %arg4[%dma_start3A_622, %dma_start3A_624, %dma_start3A_625] : memref<2x256x11xf32, #tpu.memory_space<vmem>> -> memref<1x256x11xf32, #tpu.memory_space<vmem>>
        %dma_start3A_627 = tpu.memref_squeeze %dma_start3A_626 : memref<1x256x11xf32, #tpu.memory_space<vmem>> -> memref<256x11xf32, #tpu.memory_space<vmem>>
        %dma_start3A_628 = arith.constant 0 : i32
        %dma_start3A_629 = tpu.memref_slice %arg2[%select_n3A_603, %mul3A_621, %dma_start3A_628] : memref<200x4096x11xf32, #tpu.memory_space<hbm>> -> memref<1x256x11xf32, #tpu.memory_space<hbm>>
        %dma_start3A_630 = tpu.memref_squeeze %dma_start3A_629 : memref<1x256x11xf32, #tpu.memory_space<hbm>> -> memref<256x11xf32, #tpu.memory_space<hbm>>
        %dma_start3A_631 = tpu.memref_slice %arg6[%dma_start3A_623] : memref<4x!tpu.dma_semaphore, #tpu.memory_space<semaphore_mem>> -> memref<1x!tpu.dma_semaphore, #tpu.memory_space<semaphore_mem>>
        %dma_start3A_632 = tpu.memref_squeeze %dma_start3A_631 : memref<1x!tpu.dma_semaphore, #tpu.memory_space<semaphore_mem>> -> memref<!tpu.dma_semaphore, #tpu.memory_space<semaphore_mem>>
        %dma_start3A_633 = arith.constant 0 : i32
        %dma_start3A_634 = arith.constant 0 : i32
        %dma_start3A_635 = tpu.memref_slice %arg4[%dma_start3A_622, %dma_start3A_633, %dma_start3A_634] : memref<2x256x11xf32, #tpu.memory_space<vmem>> -> memref<1x256x11xf32, #tpu.memory_space<vmem>>
        %dma_start3A_636 = tpu.memref_squeeze %dma_start3A_635 : memref<1x256x11xf32, #tpu.memory_space<vmem>> -> memref<256x11xf32, #tpu.memory_space<vmem>>
        %dma_start3A_637 = arith.constant 0 : i32
        %dma_start3A_638 = tpu.memref_slice %arg2[%select_n3A_603, %mul3A_621, %dma_start3A_637] : memref<200x4096x11xf32, #tpu.memory_space<hbm>> -> memref<1x256x11xf32, #tpu.memory_space<hbm>>
        %dma_start3A_639 = tpu.memref_squeeze %dma_start3A_638 : memref<1x256x11xf32, #tpu.memory_space<hbm>> -> memref<256x11xf32, #tpu.memory_space<hbm>>
        tpu.enqueue_dma source(%dma_start3A_639 : memref<256x11xf32, #tpu.memory_space<hbm>>) target(%dma_start3A_636 : memref<256x11xf32, #tpu.memory_space<vmem>>) target_semaphore(%dma_start3A_632 : memref<!tpu.dma_semaphore, #tpu.memory_space<semaphore_mem>>)
      } else {
      }
      %mul3A_418 = arith.constant 2 : i32
      %mul3A_419 = arith.muli %mul3A_418, %scan3A_193 : i32
      %add3A_420 = arith.constant 1 : i32
      %add3A_421 = arith.addi %mul3A_419, %add3A_420 : i32
      %mul3A_422 = arith.constant 32 : i32
      %mul3A_423 = arith.muli %add3A_421, %mul3A_422 : i32
      %add3A_424 = arith.constant 0 : i32
      %add3A_425 = arith.addi %add3A_424, %mul3A_423 : i32
      %add3A_426 = arith.addi %add3A_425, %add3A : i32
      %jit3A_427 = arith.constant 16 : i32
      %div3A_428 = arith.divsi %add3A_426, %jit3A_427 : i32
      %sign3A_429 = arith.constant 0 : i32
      %sign3A_430 = arith.cmpi sgt, %add3A_426, %sign3A_429 : i32
      %sign3A_431 = arith.extui %sign3A_430 : i1 to i32
      %sign3A_432 = arith.constant 0 : i32
      %sign3A_433 = arith.cmpi slt, %add3A_426, %sign3A_432 : i32
      %sign3A_434 = arith.extui %sign3A_433 : i1 to i32
      %sign3A_435 = arith.subi %sign3A_431, %sign3A_434 : i32
      %sign3A_436 = arith.constant 0 : i32
      %sign3A_437 = arith.cmpi sgt, %jit3A_427, %sign3A_436 : i32
      %sign3A_438 = arith.extui %sign3A_437 : i1 to i32
      %sign3A_439 = arith.constant 0 : i32
      %sign3A_440 = arith.cmpi slt, %jit3A_427, %sign3A_439 : i32
      %sign3A_441 = arith.extui %sign3A_440 : i1 to i32
      %sign3A_442 = arith.subi %sign3A_438, %sign3A_441 : i32
      %ne3A_443 = arith.cmpi ne, %sign3A_435, %sign3A_442 : i32
      %rem3A_444 = arith.remsi %add3A_426, %jit3A_427 : i32
      %ne3A_445 = arith.constant 0 : i32
      %ne3A_446 = arith.cmpi ne, %rem3A_444, %ne3A_445 : i32
      %and3A_447 = arith.andi %ne3A_443, %ne3A_446 : i1
      %sub3A_448 = arith.constant 1 : i32
      %sub3A_449 = arith.subi %div3A_428, %sub3A_448 : i32
      %select_n3A_450 = arith.select %and3A_447, %sub3A_449, %div3A_428 : i32
      %jit3A_451 = arith.constant 16 : i32
      %eq3A_452 = arith.constant 0 : i32
      %eq3A_453 = arith.cmpi eq, %jit3A_451, %eq3A_452 : i32
      %jit3A_454 = arith.constant 1 : i32
      %select_n3A_455 = arith.select %eq3A_453, %jit3A_454, %jit3A_451 : i32
      %rem3A_456 = arith.remsi %add3A_426, %select_n3A_455 : i32
      %ne3A_457 = arith.constant 0 : i32
      %ne3A_458 = arith.cmpi ne, %rem3A_456, %ne3A_457 : i32
      %lt3A_459 = arith.constant 0 : i32
      %lt3A_460 = arith.cmpi slt, %rem3A_456, %lt3A_459 : i32
      %lt3A_461 = arith.constant 0 : i32
      %lt3A_462 = arith.cmpi slt, %select_n3A_455, %lt3A_461 : i32
      %ne3A_463 = arith.xori %lt3A_460, %lt3A_462 : i1
      %and3A_464 = arith.andi %ne3A_463, %ne3A_458 : i1
      %add3A_465 = arith.addi %rem3A_456, %select_n3A_455 : i32
      %select_n3A_466 = arith.select %and3A_464, %add3A_465, %rem3A_456 : i32
      %mul3A_467 = arith.constant 256 : i32
      %mul3A_468 = arith.muli %select_n3A_466, %mul3A_467 : i32
      %dma_wait3A_469 = arith.constant 1 : i32
      %dma_wait3A_470 = arith.constant 1 : i32
      %dma_wait3A_471 = arith.constant 0 : i32
      %dma_wait3A_472 = arith.constant 0 : i32
      %dma_wait3A_473 = tpu.memref_slice %arg4[%dma_wait3A_469, %dma_wait3A_471, %dma_wait3A_472] : memref<2x256x11xf32, #tpu.memory_space<vmem>> -> memref<1x256x11xf32, #tpu.memory_space<vmem>>
      %dma_wait3A_474 = tpu.memref_squeeze %dma_wait3A_473 : memref<1x256x11xf32, #tpu.memory_space<vmem>> -> memref<256x11xf32, #tpu.memory_space<vmem>>
      %dma_wait3A_475 = arith.constant 0 : i32
      %dma_wait3A_476 = tpu.memref_slice %arg2[%select_n3A_450, %mul3A_468, %dma_wait3A_475] : memref<200x4096x11xf32, #tpu.memory_space<hbm>> -> memref<1x256x11xf32, #tpu.memory_space<hbm>>
      %dma_wait3A_477 = tpu.memref_squeeze %dma_wait3A_476 : memref<1x256x11xf32, #tpu.memory_space<hbm>> -> memref<256x11xf32, #tpu.memory_space<hbm>>
      %dma_wait3A_478 = tpu.memref_slice %arg6[%dma_wait3A_470] : memref<4x!tpu.dma_semaphore, #tpu.memory_space<semaphore_mem>> -> memref<1x!tpu.dma_semaphore, #tpu.memory_space<semaphore_mem>>
      %dma_wait3A_479 = tpu.memref_squeeze %dma_wait3A_478 : memref<1x!tpu.dma_semaphore, #tpu.memory_space<semaphore_mem>> -> memref<!tpu.dma_semaphore, #tpu.memory_space<semaphore_mem>>
      %dma_wait3A_480 = arith.constant 0 : i32
      %dma_wait3A_481 = arith.constant 0 : i32
      %dma_wait3A_482 = tpu.memref_slice %arg4[%dma_wait3A_469, %dma_wait3A_480, %dma_wait3A_481] : memref<2x256x11xf32, #tpu.memory_space<vmem>> -> memref<1x256x11xf32, #tpu.memory_space<vmem>>
      %dma_wait3A_483 = tpu.memref_squeeze %dma_wait3A_482 : memref<1x256x11xf32, #tpu.memory_space<vmem>> -> memref<256x11xf32, #tpu.memory_space<vmem>>
      %dma_wait3A_484 = arith.constant 0 : i32
      %dma_wait3A_485 = tpu.memref_slice %arg2[%select_n3A_450, %mul3A_468, %dma_wait3A_484] : memref<200x4096x11xf32, #tpu.memory_space<hbm>> -> memref<1x256x11xf32, #tpu.memory_space<hbm>>
      %dma_wait3A_486 = tpu.memref_squeeze %dma_wait3A_485 : memref<1x256x11xf32, #tpu.memory_space<hbm>> -> memref<256x11xf32, #tpu.memory_space<hbm>>
      tpu.wait_dma2 semaphore(%dma_wait3A_479 : memref<!tpu.dma_semaphore, #tpu.memory_space<semaphore_mem>>) src(%dma_wait3A_486 : memref<256x11xf32, #tpu.memory_space<hbm>>) dst(%dma_wait3A_483 : memref<256x11xf32, #tpu.memory_space<vmem>>)
      %gt3A_487 = arith.constant 0 : i32
      %gt3A_488 = arith.cmpi sgt, %scan3A_193, %gt3A_487 : i32
      %convert_element_type3A_489 = arith.extui %gt3A_488 : i1 to i32
      %cond3A_490 = arith.constant 0 : i32
      %cond3A_491 = arith.cmpi ne, %convert_element_type3A_489, %cond3A_490 : i32
      scf.if %cond3A_491 {
        %mul3A_571 = arith.constant 2 : i32
        %mul3A_572 = arith.muli %mul3A_571, %scan3A_193 : i32
        %sub3A_573 = arith.constant 1 : i32
        %sub3A_574 = arith.subi %mul3A_572, %sub3A_573 : i32
        %mul3A_575 = arith.constant 32 : i32
        %mul3A_576 = arith.muli %sub3A_574, %mul3A_575 : i32
        %add3A_577 = arith.constant 0 : i32
        %add3A_578 = arith.addi %add3A_577, %mul3A_576 : i32
        %add3A_579 = arith.addi %add3A_578, %add3A : i32
        %jit3A_580 = arith.constant 16 : i32
        %div3A_581 = arith.divsi %add3A_579, %jit3A_580 : i32
        %sign3A_582 = arith.constant 0 : i32
        %sign3A_583 = arith.cmpi sgt, %add3A_579, %sign3A_582 : i32
        %sign3A_584 = arith.extui %sign3A_583 : i1 to i32
        %sign3A_585 = arith.constant 0 : i32
        %sign3A_586 = arith.cmpi slt, %add3A_579, %sign3A_585 : i32
        %sign3A_587 = arith.extui %sign3A_586 : i1 to i32
        %sign3A_588 = arith.subi %sign3A_584, %sign3A_587 : i32
        %sign3A_589 = arith.constant 0 : i32
        %sign3A_590 = arith.cmpi sgt, %jit3A_580, %sign3A_589 : i32
        %sign3A_591 = arith.extui %sign3A_590 : i1 to i32
        %sign3A_592 = arith.constant 0 : i32
        %sign3A_593 = arith.cmpi slt, %jit3A_580, %sign3A_592 : i32
        %sign3A_594 = arith.extui %sign3A_593 : i1 to i32
        %sign3A_595 = arith.subi %sign3A_591, %sign3A_594 : i32
        %ne3A_596 = arith.cmpi ne, %sign3A_588, %sign3A_595 : i32
        %rem3A_597 = arith.remsi %add3A_579, %jit3A_580 : i32
        %ne3A_598 = arith.constant 0 : i32
        %ne3A_599 = arith.cmpi ne, %rem3A_597, %ne3A_598 : i32
        %and3A_600 = arith.andi %ne3A_596, %ne3A_599 : i1
        %sub3A_601 = arith.constant 1 : i32
        %sub3A_602 = arith.subi %div3A_581, %sub3A_601 : i32
        %select_n3A_603 = arith.select %and3A_600, %sub3A_602, %div3A_581 : i32
        %sub3A_604 = arith.constant 0 : i32
        %sub3A_605 = arith.subi %select_n3A_603, %sub3A_604 : i32
        %jit3A_606 = arith.constant 16 : i32
        %eq3A_607 = arith.constant 0 : i32
        %eq3A_608 = arith.cmpi eq, %jit3A_606, %eq3A_607 : i32
        %jit3A_609 = arith.constant 1 : i32
        %select_n3A_610 = arith.select %eq3A_608, %jit3A_609, %jit3A_606 : i32
        %rem3A_611 = arith.remsi %add3A_579, %select_n3A_610 : i32
        %ne3A_612 = arith.constant 0 : i32
        %ne3A_613 = arith.cmpi ne, %rem3A_611, %ne3A_612 : i32
        %lt3A_614 = arith.constant 0 : i32
        %lt3A_615 = arith.cmpi slt, %rem3A_611, %lt3A_614 : i32
        %lt3A_616 = arith.constant 0 : i32
        %lt3A_617 = arith.cmpi slt, %select_n3A_610, %lt3A_616 : i32
        %ne3A_618 = arith.xori %lt3A_615, %lt3A_617 : i1
        %and3A_619 = arith.andi %ne3A_618, %ne3A_613 : i1
        %add3A_620 = arith.addi %rem3A_611, %select_n3A_610 : i32
        %select_n3A_621 = arith.select %and3A_619, %add3A_620, %rem3A_611 : i32
        %mul3A_622 = arith.constant 256 : i32
        %mul3A_623 = arith.muli %select_n3A_621, %mul3A_622 : i32
        %dma_wait3A_624 = arith.constant 1 : i32
        %dma_wait3A_625 = arith.constant 3 : i32
        %dma_wait3A_626 = arith.constant 0 : i32
        %dma_wait3A_627 = arith.constant 0 : i32
        %dma_wait3A_628 = tpu.memref_slice %arg5[%dma_wait3A_624, %dma_wait3A_626, %dma_wait3A_627] : memref<2x16x256xf32, #tpu.memory_space<vmem>> -> memref<1x16x256xf32, #tpu.memory_space<vmem>>
        %dma_wait3A_629 = tpu.memref_squeeze %dma_wait3A_628 : memref<1x16x256xf32, #tpu.memory_space<vmem>> -> memref<16x256xf32, #tpu.memory_space<vmem>>
        %dma_wait3A_630 = arith.constant 0 : i32
        %dma_wait3A_631 = tpu.memref_slice %arg3[%sub3A_605, %dma_wait3A_630, %mul3A_623] : memref<100x16x4096xf32, #tpu.memory_space<hbm>> -> memref<1x16x256xf32, #tpu.memory_space<hbm>>
        %dma_wait3A_632 = tpu.memref_squeeze %dma_wait3A_631 : memref<1x16x256xf32, #tpu.memory_space<hbm>> -> memref<16x256xf32, #tpu.memory_space<hbm>>
        %dma_wait3A_633 = tpu.memref_slice %arg6[%dma_wait3A_625] : memref<4x!tpu.dma_semaphore, #tpu.memory_space<semaphore_mem>> -> memref<1x!tpu.dma_semaphore, #tpu.memory_space<semaphore_mem>>
        %dma_wait3A_634 = tpu.memref_squeeze %dma_wait3A_633 : memref<1x!tpu.dma_semaphore, #tpu.memory_space<semaphore_mem>> -> memref<!tpu.dma_semaphore, #tpu.memory_space<semaphore_mem>>
        %dma_wait3A_635 = arith.constant 0 : i32
        %dma_wait3A_636 = tpu.memref_slice %arg3[%sub3A_605, %dma_wait3A_635, %mul3A_623] : memref<100x16x4096xf32, #tpu.memory_space<hbm>> -> memref<1x16x256xf32, #tpu.memory_space<hbm>>
        %dma_wait3A_637 = tpu.memref_squeeze %dma_wait3A_636 : memref<1x16x256xf32, #tpu.memory_space<hbm>> -> memref<16x256xf32, #tpu.memory_space<hbm>>
        %dma_wait3A_638 = arith.constant 0 : i32
        %dma_wait3A_639 = arith.constant 0 : i32
        %dma_wait3A_640 = tpu.memref_slice %arg5[%dma_wait3A_624, %dma_wait3A_638, %dma_wait3A_639] : memref<2x16x256xf32, #tpu.memory_space<vmem>> -> memref<1x16x256xf32, #tpu.memory_space<vmem>>
        %dma_wait3A_641 = tpu.memref_squeeze %dma_wait3A_640 : memref<1x16x256xf32, #tpu.memory_space<vmem>> -> memref<16x256xf32, #tpu.memory_space<vmem>>
        tpu.wait_dma2 semaphore(%dma_wait3A_634 : memref<!tpu.dma_semaphore, #tpu.memory_space<semaphore_mem>>) src(%dma_wait3A_641 : memref<16x256xf32, #tpu.memory_space<vmem>>) dst(%dma_wait3A_637 : memref<16x256xf32, #tpu.memory_space<hbm>>)
      } else {
      }
      %scan3A_492 = arith.constant 0 : i32
      %scan3A_493 = arith.constant 0 : i32
      %scan3A_494 = arith.constant 16 : i32
      %scan3A_495 = arith.addi %scan3A_493, %scan3A_494 : i32
      %scan3A_496 = arith.constant 1 : i32
      %scan3A_497 = scf.for %scan3A_571 = %scan3A_493 to %scan3A_495 step %scan3A_496 iter_args(%scan3A_572 = %scan3A_492) -> (i32)  : i32 {
        %mul3A_573 = arith.constant 16 : i32
        %mul3A_574 = arith.muli %scan3A_571, %mul3A_573 : i32
        %add3A_575 = vector.broadcast %mul3A_574 : i32 to vector<16xi32>
        %add3A_576 = arith.addi %add3A_575, %iota3A : vector<16xi32>
        %broadcast_in_dim3A_577 = arith.constant 0 : i32
        %broadcast_in_dim3A_578 = vector.broadcast %broadcast_in_dim3A_577 : i32 to vector<16xi32>
        %gather3A = arith.constant 1 : i32
        %gather3A_579 = arith.constant 0 : i32
        %gather3A_580 = arith.constant 0 : i32
        %gather3A_581 = tpu.memref_slice %arg4[%gather3A, %gather3A_579, %gather3A_580] : memref<2x256x11xf32, #tpu.memory_space<vmem>> -> memref<1x256x11xf32, #tpu.memory_space<vmem>>
        %gather3A_582 = tpu.memref_squeeze %gather3A_581 : memref<1x256x11xf32, #tpu.memory_space<vmem>> -> memref<256x11xf32, #tpu.memory_space<vmem>>
        %gather3A_583 = tpu.vector_load_idx %gather3A_582[%add3A_576, %broadcast_in_dim3A_578] : memref<256x11xf32, #tpu.memory_space<vmem>>[vector<16xi32>, vector<16xi32>], vector<16xf32>,
        %mul3A_584 = arith.constant 16 : i32
        %mul3A_585 = arith.muli %scan3A_571, %mul3A_584 : i32
        %swap3A = arith.constant 1 : i32
        %swap3A_586 = arith.constant 0 : i32
        %swap3A_587 = arith.index_cast %swap3A : i32 to index
        %swap3A_588 = arith.index_cast %swap3A_586 : i32 to index
        %swap3A_589 = arith.index_cast %mul3A_585 : i32 to index
        %swap3A_590 = tpu.vector_load %arg5[%swap3A_587, %swap3A_588, %swap3A_589] {strides = array<i32>} : memref<2x16x256xf32, #tpu.memory_space<vmem>>, vector<16xf32>,
        tpu.vector_store %arg5[%swap3A_587, %swap3A_588, %swap3A_589], %gather3A_583 {strides = array<i32>} : memref<2x16x256xf32, #tpu.memory_space<vmem>>, vector<16xf32>,
        %broadcast_in_dim3A_591 = arith.constant 1 : i32
        %broadcast_in_dim3A_592 = vector.broadcast %broadcast_in_dim3A_591 : i32 to vector<16xi32>
        %gather3A_593 = arith.constant 1 : i32
        %gather3A_594 = arith.constant 0 : i32
        %gather3A_595 = arith.constant 0 : i32
        %gather3A_596 = tpu.memref_slice %arg4[%gather3A_593, %gather3A_594, %gather3A_595] : memref<2x256x11xf32, #tpu.memory_space<vmem>> -> memref<1x256x11xf32, #tpu.memory_space<vmem>>
        %gather3A_597 = tpu.memref_squeeze %gather3A_596 : memref<1x256x11xf32, #tpu.memory_space<vmem>> -> memref<256x11xf32, #tpu.memory_space<vmem>>
        %gather3A_598 = tpu.vector_load_idx %gather3A_597[%add3A_576, %broadcast_in_dim3A_592] : memref<256x11xf32, #tpu.memory_space<vmem>>[vector<16xi32>, vector<16xi32>], vector<16xf32>,
        %mul3A_599 = arith.constant 16 : i32
        %mul3A_600 = arith.muli %scan3A_571, %mul3A_599 : i32
        %swap3A_601 = arith.constant 1 : i32
        %swap3A_602 = arith.constant 1 : i32
        %swap3A_603 = arith.index_cast %swap3A_601 : i32 to index
        %swap3A_604 = arith.index_cast %swap3A_602 : i32 to index
        %swap3A_605 = arith.index_cast %mul3A_600 : i32 to index
        %swap3A_606 = tpu.vector_load %arg5[%swap3A_603, %swap3A_604, %swap3A_605] {strides = array<i32>} : memref<2x16x256xf32, #tpu.memory_space<vmem>>, vector<16xf32>,
        tpu.vector_store %arg5[%swap3A_603, %swap3A_604, %swap3A_605], %gather3A_598 {strides = array<i32>} : memref<2x16x256xf32, #tpu.memory_space<vmem>>, vector<16xf32>,
        %broadcast_in_dim3A_607 = arith.constant 2 : i32
        %broadcast_in_dim3A_608 = vector.broadcast %broadcast_in_dim3A_607 : i32 to vector<16xi32>
        %gather3A_609 = arith.constant 1 : i32
        %gather3A_610 = arith.constant 0 : i32
        %gather3A_611 = arith.constant 0 : i32
        %gather3A_612 = tpu.memref_slice %arg4[%gather3A_609, %gather3A_610, %gather3A_611] : memref<2x256x11xf32, #tpu.memory_space<vmem>> -> memref<1x256x11xf32, #tpu.memory_space<vmem>>
        %gather3A_613 = tpu.memref_squeeze %gather3A_612 : memref<1x256x11xf32, #tpu.memory_space<vmem>> -> memref<256x11xf32, #tpu.memory_space<vmem>>
        %gather3A_614 = tpu.vector_load_idx %gather3A_613[%add3A_576, %broadcast_in_dim3A_608] : memref<256x11xf32, #tpu.memory_space<vmem>>[vector<16xi32>, vector<16xi32>], vector<16xf32>,
        %mul3A_615 = arith.constant 16 : i32
        %mul3A_616 = arith.muli %scan3A_571, %mul3A_615 : i32
        %swap3A_617 = arith.constant 1 : i32
        %swap3A_618 = arith.constant 2 : i32
        %swap3A_619 = arith.index_cast %swap3A_617 : i32 to index
        %swap3A_620 = arith.index_cast %swap3A_618 : i32 to index
        %swap3A_621 = arith.index_cast %mul3A_616 : i32 to index
        %swap3A_622 = tpu.vector_load %arg5[%swap3A_619, %swap3A_620, %swap3A_621] {strides = array<i32>} : memref<2x16x256xf32, #tpu.memory_space<vmem>>, vector<16xf32>,
        tpu.vector_store %arg5[%swap3A_619, %swap3A_620, %swap3A_621], %gather3A_614 {strides = array<i32>} : memref<2x16x256xf32, #tpu.memory_space<vmem>>, vector<16xf32>,
        %broadcast_in_dim3A_623 = arith.constant 3 : i32
        %broadcast_in_dim3A_624 = vector.broadcast %broadcast_in_dim3A_623 : i32 to vector<16xi32>
        %gather3A_625 = arith.constant 1 : i32
        %gather3A_626 = arith.constant 0 : i32
        %gather3A_627 = arith.constant 0 : i32
        %gather3A_628 = tpu.memref_slice %arg4[%gather3A_625, %gather3A_626, %gather3A_627] : memref<2x256x11xf32, #tpu.memory_space<vmem>> -> memref<1x256x11xf32, #tpu.memory_space<vmem>>
        %gather3A_629 = tpu.memref_squeeze %gather3A_628 : memref<1x256x11xf32, #tpu.memory_space<vmem>> -> memref<256x11xf32, #tpu.memory_space<vmem>>
        %gather3A_630 = tpu.vector_load_idx %gather3A_629[%add3A_576, %broadcast_in_dim3A_624] : memref<256x11xf32, #tpu.memory_space<vmem>>[vector<16xi32>, vector<16xi32>], vector<16xf32>,
        %mul3A_631 = arith.constant 16 : i32
        %mul3A_632 = arith.muli %scan3A_571, %mul3A_631 : i32
        %swap3A_633 = arith.constant 1 : i32
        %swap3A_634 = arith.constant 3 : i32
        %swap3A_635 = arith.index_cast %swap3A_633 : i32 to index
        %swap3A_636 = arith.index_cast %swap3A_634 : i32 to index
        %swap3A_637 = arith.index_cast %mul3A_632 : i32 to index
        %swap3A_638 = tpu.vector_load %arg5[%swap3A_635, %swap3A_636, %swap3A_637] {strides = array<i32>} : memref<2x16x256xf32, #tpu.memory_space<vmem>>, vector<16xf32>,
        tpu.vector_store %arg5[%swap3A_635, %swap3A_636, %swap3A_637], %gather3A_630 {strides = array<i32>} : memref<2x16x256xf32, #tpu.memory_space<vmem>>, vector<16xf32>,
        %broadcast_in_dim3A_639 = arith.constant 4 : i32
        %broadcast_in_dim3A_640 = vector.broadcast %broadcast_in_dim3A_639 : i32 to vector<16xi32>
        %gather3A_641 = arith.constant 1 : i32
        %gather3A_642 = arith.constant 0 : i32
        %gather3A_643 = arith.constant 0 : i32
        %gather3A_644 = tpu.memref_slice %arg4[%gather3A_641, %gather3A_642, %gather3A_643] : memref<2x256x11xf32, #tpu.memory_space<vmem>> -> memref<1x256x11xf32, #tpu.memory_space<vmem>>
        %gather3A_645 = tpu.memref_squeeze %gather3A_644 : memref<1x256x11xf32, #tpu.memory_space<vmem>> -> memref<256x11xf32, #tpu.memory_space<vmem>>
        %gather3A_646 = tpu.vector_load_idx %gather3A_645[%add3A_576, %broadcast_in_dim3A_640] : memref<256x11xf32, #tpu.memory_space<vmem>>[vector<16xi32>, vector<16xi32>], vector<16xf32>,
        %mul3A_647 = arith.constant 16 : i32
        %mul3A_648 = arith.muli %scan3A_571, %mul3A_647 : i32
        %swap3A_649 = arith.constant 1 : i32
        %swap3A_650 = arith.constant 4 : i32
        %swap3A_651 = arith.index_cast %swap3A_649 : i32 to index
        %swap3A_652 = arith.index_cast %swap3A_650 : i32 to index
        %swap3A_653 = arith.index_cast %mul3A_648 : i32 to index
        %swap3A_654 = tpu.vector_load %arg5[%swap3A_651, %swap3A_652, %swap3A_653] {strides = array<i32>} : memref<2x16x256xf32, #tpu.memory_space<vmem>>, vector<16xf32>,
        tpu.vector_store %arg5[%swap3A_651, %swap3A_652, %swap3A_653], %gather3A_646 {strides = array<i32>} : memref<2x16x256xf32, #tpu.memory_space<vmem>>, vector<16xf32>,
        %broadcast_in_dim3A_655 = arith.constant 5 : i32
        %broadcast_in_dim3A_656 = vector.broadcast %broadcast_in_dim3A_655 : i32 to vector<16xi32>
        %gather3A_657 = arith.constant 1 : i32
        %gather3A_658 = arith.constant 0 : i32
        %gather3A_659 = arith.constant 0 : i32
        %gather3A_660 = tpu.memref_slice %arg4[%gather3A_657, %gather3A_658, %gather3A_659] : memref<2x256x11xf32, #tpu.memory_space<vmem>> -> memref<1x256x11xf32, #tpu.memory_space<vmem>>
        %gather3A_661 = tpu.memref_squeeze %gather3A_660 : memref<1x256x11xf32, #tpu.memory_space<vmem>> -> memref<256x11xf32, #tpu.memory_space<vmem>>
        %gather3A_662 = tpu.vector_load_idx %gather3A_661[%add3A_576, %broadcast_in_dim3A_656] : memref<256x11xf32, #tpu.memory_space<vmem>>[vector<16xi32>, vector<16xi32>], vector<16xf32>,
        %mul3A_663 = arith.constant 16 : i32
        %mul3A_664 = arith.muli %scan3A_571, %mul3A_663 : i32
        %swap3A_665 = arith.constant 1 : i32
        %swap3A_666 = arith.constant 5 : i32
        %swap3A_667 = arith.index_cast %swap3A_665 : i32 to index
        %swap3A_668 = arith.index_cast %swap3A_666 : i32 to index
        %swap3A_669 = arith.index_cast %mul3A_664 : i32 to index
        %swap3A_670 = tpu.vector_load %arg5[%swap3A_667, %swap3A_668, %swap3A_669] {strides = array<i32>} : memref<2x16x256xf32, #tpu.memory_space<vmem>>, vector<16xf32>,
        tpu.vector_store %arg5[%swap3A_667, %swap3A_668, %swap3A_669], %gather3A_662 {strides = array<i32>} : memref<2x16x256xf32, #tpu.memory_space<vmem>>, vector<16xf32>,
        %broadcast_in_dim3A_671 = arith.constant 6 : i32
        %broadcast_in_dim3A_672 = vector.broadcast %broadcast_in_dim3A_671 : i32 to vector<16xi32>
        %gather3A_673 = arith.constant 1 : i32
        %gather3A_674 = arith.constant 0 : i32
        %gather3A_675 = arith.constant 0 : i32
        %gather3A_676 = tpu.memref_slice %arg4[%gather3A_673, %gather3A_674, %gather3A_675] : memref<2x256x11xf32, #tpu.memory_space<vmem>> -> memref<1x256x11xf32, #tpu.memory_space<vmem>>
        %gather3A_677 = tpu.memref_squeeze %gather3A_676 : memref<1x256x11xf32, #tpu.memory_space<vmem>> -> memref<256x11xf32, #tpu.memory_space<vmem>>
        %gather3A_678 = tpu.vector_load_idx %gather3A_677[%add3A_576, %broadcast_in_dim3A_672] : memref<256x11xf32, #tpu.memory_space<vmem>>[vector<16xi32>, vector<16xi32>], vector<16xf32>,
        %mul3A_679 = arith.constant 16 : i32
        %mul3A_680 = arith.muli %scan3A_571, %mul3A_679 : i32
        %swap3A_681 = arith.constant 1 : i32
        %swap3A_682 = arith.constant 6 : i32
        %swap3A_683 = arith.index_cast %swap3A_681 : i32 to index
        %swap3A_684 = arith.index_cast %swap3A_682 : i32 to index
        %swap3A_685 = arith.index_cast %mul3A_680 : i32 to index
        %swap3A_686 = tpu.vector_load %arg5[%swap3A_683, %swap3A_684, %swap3A_685] {strides = array<i32>} : memref<2x16x256xf32, #tpu.memory_space<vmem>>, vector<16xf32>,
        tpu.vector_store %arg5[%swap3A_683, %swap3A_684, %swap3A_685], %gather3A_678 {strides = array<i32>} : memref<2x16x256xf32, #tpu.memory_space<vmem>>, vector<16xf32>,
        %broadcast_in_dim3A_687 = arith.constant 7 : i32
        %broadcast_in_dim3A_688 = vector.broadcast %broadcast_in_dim3A_687 : i32 to vector<16xi32>
        %gather3A_689 = arith.constant 1 : i32
        %gather3A_690 = arith.constant 0 : i32
        %gather3A_691 = arith.constant 0 : i32
        %gather3A_692 = tpu.memref_slice %arg4[%gather3A_689, %gather3A_690, %gather3A_691] : memref<2x256x11xf32, #tpu.memory_space<vmem>> -> memref<1x256x11xf32, #tpu.memory_space<vmem>>
        %gather3A_693 = tpu.memref_squeeze %gather3A_692 : memref<1x256x11xf32, #tpu.memory_space<vmem>> -> memref<256x11xf32, #tpu.memory_space<vmem>>
        %gather3A_694 = tpu.vector_load_idx %gather3A_693[%add3A_576, %broadcast_in_dim3A_688] : memref<256x11xf32, #tpu.memory_space<vmem>>[vector<16xi32>, vector<16xi32>], vector<16xf32>,
        %mul3A_695 = arith.constant 16 : i32
        %mul3A_696 = arith.muli %scan3A_571, %mul3A_695 : i32
        %swap3A_697 = arith.constant 1 : i32
        %swap3A_698 = arith.constant 7 : i32
        %swap3A_699 = arith.index_cast %swap3A_697 : i32 to index
        %swap3A_700 = arith.index_cast %swap3A_698 : i32 to index
        %swap3A_701 = arith.index_cast %mul3A_696 : i32 to index
        %swap3A_702 = tpu.vector_load %arg5[%swap3A_699, %swap3A_700, %swap3A_701] {strides = array<i32>} : memref<2x16x256xf32, #tpu.memory_space<vmem>>, vector<16xf32>,
        tpu.vector_store %arg5[%swap3A_699, %swap3A_700, %swap3A_701], %gather3A_694 {strides = array<i32>} : memref<2x16x256xf32, #tpu.memory_space<vmem>>, vector<16xf32>,
        %broadcast_in_dim3A_703 = arith.constant 8 : i32
        %broadcast_in_dim3A_704 = vector.broadcast %broadcast_in_dim3A_703 : i32 to vector<16xi32>
        %gather3A_705 = arith.constant 1 : i32
        %gather3A_706 = arith.constant 0 : i32
        %gather3A_707 = arith.constant 0 : i32
        %gather3A_708 = tpu.memref_slice %arg4[%gather3A_705, %gather3A_706, %gather3A_707] : memref<2x256x11xf32, #tpu.memory_space<vmem>> -> memref<1x256x11xf32, #tpu.memory_space<vmem>>
        %gather3A_709 = tpu.memref_squeeze %gather3A_708 : memref<1x256x11xf32, #tpu.memory_space<vmem>> -> memref<256x11xf32, #tpu.memory_space<vmem>>
        %gather3A_710 = tpu.vector_load_idx %gather3A_709[%add3A_576, %broadcast_in_dim3A_704] : memref<256x11xf32, #tpu.memory_space<vmem>>[vector<16xi32>, vector<16xi32>], vector<16xf32>,
        %mul3A_711 = arith.constant 16 : i32
        %mul3A_712 = arith.muli %scan3A_571, %mul3A_711 : i32
        %swap3A_713 = arith.constant 1 : i32
        %swap3A_714 = arith.constant 8 : i32
        %swap3A_715 = arith.index_cast %swap3A_713 : i32 to index
        %swap3A_716 = arith.index_cast %swap3A_714 : i32 to index
        %swap3A_717 = arith.index_cast %mul3A_712 : i32 to index
        %swap3A_718 = tpu.vector_load %arg5[%swap3A_715, %swap3A_716, %swap3A_717] {strides = array<i32>} : memref<2x16x256xf32, #tpu.memory_space<vmem>>, vector<16xf32>,
        tpu.vector_store %arg5[%swap3A_715, %swap3A_716, %swap3A_717], %gather3A_710 {strides = array<i32>} : memref<2x16x256xf32, #tpu.memory_space<vmem>>, vector<16xf32>,
        %broadcast_in_dim3A_719 = arith.constant 9 : i32
        %broadcast_in_dim3A_720 = vector.broadcast %broadcast_in_dim3A_719 : i32 to vector<16xi32>
        %gather3A_721 = arith.constant 1 : i32
        %gather3A_722 = arith.constant 0 : i32
        %gather3A_723 = arith.constant 0 : i32
        %gather3A_724 = tpu.memref_slice %arg4[%gather3A_721, %gather3A_722, %gather3A_723] : memref<2x256x11xf32, #tpu.memory_space<vmem>> -> memref<1x256x11xf32, #tpu.memory_space<vmem>>
        %gather3A_725 = tpu.memref_squeeze %gather3A_724 : memref<1x256x11xf32, #tpu.memory_space<vmem>> -> memref<256x11xf32, #tpu.memory_space<vmem>>
        %gather3A_726 = tpu.vector_load_idx %gather3A_725[%add3A_576, %broadcast_in_dim3A_720] : memref<256x11xf32, #tpu.memory_space<vmem>>[vector<16xi32>, vector<16xi32>], vector<16xf32>,
        %mul3A_727 = arith.constant 16 : i32
        %mul3A_728 = arith.muli %scan3A_571, %mul3A_727 : i32
        %swap3A_729 = arith.constant 1 : i32
        %swap3A_730 = arith.constant 9 : i32
        %swap3A_731 = arith.index_cast %swap3A_729 : i32 to index
        %swap3A_732 = arith.index_cast %swap3A_730 : i32 to index
        %swap3A_733 = arith.index_cast %mul3A_728 : i32 to index
        %swap3A_734 = tpu.vector_load %arg5[%swap3A_731, %swap3A_732, %swap3A_733] {strides = array<i32>} : memref<2x16x256xf32, #tpu.memory_space<vmem>>, vector<16xf32>,
        tpu.vector_store %arg5[%swap3A_731, %swap3A_732, %swap3A_733], %gather3A_726 {strides = array<i32>} : memref<2x16x256xf32, #tpu.memory_space<vmem>>, vector<16xf32>,
        %broadcast_in_dim3A_735 = arith.constant 10 : i32
        %broadcast_in_dim3A_736 = vector.broadcast %broadcast_in_dim3A_735 : i32 to vector<16xi32>
        %gather3A_737 = arith.constant 1 : i32
        %gather3A_738 = arith.constant 0 : i32
        %gather3A_739 = arith.constant 0 : i32
        %gather3A_740 = tpu.memref_slice %arg4[%gather3A_737, %gather3A_738, %gather3A_739] : memref<2x256x11xf32, #tpu.memory_space<vmem>> -> memref<1x256x11xf32, #tpu.memory_space<vmem>>
        %gather3A_741 = tpu.memref_squeeze %gather3A_740 : memref<1x256x11xf32, #tpu.memory_space<vmem>> -> memref<256x11xf32, #tpu.memory_space<vmem>>
        %gather3A_742 = tpu.vector_load_idx %gather3A_741[%add3A_576, %broadcast_in_dim3A_736] : memref<256x11xf32, #tpu.memory_space<vmem>>[vector<16xi32>, vector<16xi32>], vector<16xf32>,
        %mul3A_743 = arith.constant 16 : i32
        %mul3A_744 = arith.muli %scan3A_571, %mul3A_743 : i32
        %swap3A_745 = arith.constant 1 : i32
        %swap3A_746 = arith.constant 10 : i32
        %swap3A_747 = arith.index_cast %swap3A_745 : i32 to index
        %swap3A_748 = arith.index_cast %swap3A_746 : i32 to index
        %swap3A_749 = arith.index_cast %mul3A_744 : i32 to index
        %swap3A_750 = tpu.vector_load %arg5[%swap3A_747, %swap3A_748, %swap3A_749] {strides = array<i32>} : memref<2x16x256xf32, #tpu.memory_space<vmem>>, vector<16xf32>,
        tpu.vector_store %arg5[%swap3A_747, %swap3A_748, %swap3A_749], %gather3A_742 {strides = array<i32>} : memref<2x16x256xf32, #tpu.memory_space<vmem>>, vector<16xf32>,
        %scan3A_751 = arith.constant 0 : i32
        scf.yield %scan3A_751 : i32
      }
      %scan3A_498 = arith.constant 16 : i32
      %mul3A_499 = arith.constant 2 : i32
      %mul3A_500 = arith.muli %mul3A_499, %scan3A_193 : i32
      %add3A_501 = arith.constant 1 : i32
      %add3A_502 = arith.addi %mul3A_500, %add3A_501 : i32
      %mul3A_503 = arith.constant 32 : i32
      %mul3A_504 = arith.muli %add3A_502, %mul3A_503 : i32
      %add3A_505 = arith.constant 0 : i32
      %add3A_506 = arith.addi %add3A_505, %mul3A_504 : i32
      %add3A_507 = arith.addi %add3A_506, %add3A : i32
      %jit3A_508 = arith.constant 16 : i32
      %div3A_509 = arith.divsi %add3A_507, %jit3A_508 : i32
      %sign3A_510 = arith.constant 0 : i32
      %sign3A_511 = arith.cmpi sgt, %add3A_507, %sign3A_510 : i32
      %sign3A_512 = arith.extui %sign3A_511 : i1 to i32
      %sign3A_513 = arith.constant 0 : i32
      %sign3A_514 = arith.cmpi slt, %add3A_507, %sign3A_513 : i32
      %sign3A_515 = arith.extui %sign3A_514 : i1 to i32
      %sign3A_516 = arith.subi %sign3A_512, %sign3A_515 : i32
      %sign3A_517 = arith.constant 0 : i32
      %sign3A_518 = arith.cmpi sgt, %jit3A_508, %sign3A_517 : i32
      %sign3A_519 = arith.extui %sign3A_518 : i1 to i32
      %sign3A_520 = arith.constant 0 : i32
      %sign3A_521 = arith.cmpi slt, %jit3A_508, %sign3A_520 : i32
      %sign3A_522 = arith.extui %sign3A_521 : i1 to i32
      %sign3A_523 = arith.subi %sign3A_519, %sign3A_522 : i32
      %ne3A_524 = arith.cmpi ne, %sign3A_516, %sign3A_523 : i32
      %rem3A_525 = arith.remsi %add3A_507, %jit3A_508 : i32
      %ne3A_526 = arith.constant 0 : i32
      %ne3A_527 = arith.cmpi ne, %rem3A_525, %ne3A_526 : i32
      %and3A_528 = arith.andi %ne3A_524, %ne3A_527 : i1
      %sub3A_529 = arith.constant 1 : i32
      %sub3A_530 = arith.subi %div3A_509, %sub3A_529 : i32
      %select_n3A_531 = arith.select %and3A_528, %sub3A_530, %div3A_509 : i32
      %sub3A_532 = arith.constant 0 : i32
      %sub3A_533 = arith.subi %select_n3A_531, %sub3A_532 : i32
      %jit3A_534 = arith.constant 16 : i32
      %eq3A_535 = arith.constant 0 : i32
      %eq3A_536 = arith.cmpi eq, %jit3A_534, %eq3A_535 : i32
      %jit3A_537 = arith.constant 1 : i32
      %select_n3A_538 = arith.select %eq3A_536, %jit3A_537, %jit3A_534 : i32
      %rem3A_539 = arith.remsi %add3A_507, %select_n3A_538 : i32
      %ne3A_540 = arith.constant 0 : i32
      %ne3A_541 = arith.cmpi ne, %rem3A_539, %ne3A_540 : i32
      %lt3A_542 = arith.constant 0 : i32
      %lt3A_543 = arith.cmpi slt, %rem3A_539, %lt3A_542 : i32
      %lt3A_544 = arith.constant 0 : i32
      %lt3A_545 = arith.cmpi slt, %select_n3A_538, %lt3A_544 : i32
      %ne3A_546 = arith.xori %lt3A_543, %lt3A_545 : i1
      %and3A_547 = arith.andi %ne3A_546, %ne3A_541 : i1
      %add3A_548 = arith.addi %rem3A_539, %select_n3A_538 : i32
      %select_n3A_549 = arith.select %and3A_547, %add3A_548, %rem3A_539 : i32
      %mul3A_550 = arith.constant 256 : i32
      %mul3A_551 = arith.muli %select_n3A_549, %mul3A_550 : i32
      %dma_start3A_552 = arith.constant 1 : i32
      %dma_start3A_553 = arith.constant 3 : i32
      %dma_start3A_554 = arith.constant 0 : i32
      %dma_start3A_555 = arith.constant 0 : i32
      %dma_start3A_556 = tpu.memref_slice %arg5[%dma_start3A_552, %dma_start3A_554, %dma_start3A_555] : memref<2x16x256xf32, #tpu.memory_space<vmem>> -> memref<1x16x256xf32, #tpu.memory_space<vmem>>
      %dma_start3A_557 = tpu.memref_squeeze %dma_start3A_556 : memref<1x16x256xf32, #tpu.memory_space<vmem>> -> memref<16x256xf32, #tpu.memory_space<vmem>>
      %dma_start3A_558 = arith.constant 0 : i32
      %dma_start3A_559 = tpu.memref_slice %arg3[%sub3A_533, %dma_start3A_558, %mul3A_551] : memref<100x16x4096xf32, #tpu.memory_space<hbm>> -> memref<1x16x256xf32, #tpu.memory_space<hbm>>
      %dma_start3A_560 = tpu.memref_squeeze %dma_start3A_559 : memref<1x16x256xf32, #tpu.memory_space<hbm>> -> memref<16x256xf32, #tpu.memory_space<hbm>>
      %dma_start3A_561 = tpu.memref_slice %arg6[%dma_start3A_553] : memref<4x!tpu.dma_semaphore, #tpu.memory_space<semaphore_mem>> -> memref<1x!tpu.dma_semaphore, #tpu.memory_space<semaphore_mem>>
      %dma_start3A_562 = tpu.memref_squeeze %dma_start3A_561 : memref<1x!tpu.dma_semaphore, #tpu.memory_space<semaphore_mem>> -> memref<!tpu.dma_semaphore, #tpu.memory_space<semaphore_mem>>
      %dma_start3A_563 = arith.constant 0 : i32
      %dma_start3A_564 = tpu.memref_slice %arg3[%sub3A_533, %dma_start3A_563, %mul3A_551] : memref<100x16x4096xf32, #tpu.memory_space<hbm>> -> memref<1x16x256xf32, #tpu.memory_space<hbm>>
      %dma_start3A_565 = tpu.memref_squeeze %dma_start3A_564 : memref<1x16x256xf32, #tpu.memory_space<hbm>> -> memref<16x256xf32, #tpu.memory_space<hbm>>
      %dma_start3A_566 = arith.constant 0 : i32
      %dma_start3A_567 = arith.constant 0 : i32
      %dma_start3A_568 = tpu.memref_slice %arg5[%dma_start3A_552, %dma_start3A_566, %dma_start3A_567] : memref<2x16x256xf32, #tpu.memory_space<vmem>> -> memref<1x16x256xf32, #tpu.memory_space<vmem>>
      %dma_start3A_569 = tpu.memref_squeeze %dma_start3A_568 : memref<1x16x256xf32, #tpu.memory_space<vmem>> -> memref<16x256xf32, #tpu.memory_space<vmem>>
      tpu.enqueue_dma source(%dma_start3A_569 : memref<16x256xf32, #tpu.memory_space<vmem>>) target(%dma_start3A_565 : memref<16x256xf32, #tpu.memory_space<hbm>>) target_semaphore(%dma_start3A_562 : memref<!tpu.dma_semaphore, #tpu.memory_space<semaphore_mem>>)
      %scan3A_570 = arith.constant 0 : i32
      scf.yield %scan3A_570 : i32
    }
    %scan3A_65 = arith.constant 25 : i32
    %add3A_66 = arith.constant 1536 : i32
    %add3A_67 = arith.addi %add3A_66, %add3A : i32
    %jit3A_68 = arith.constant 16 : i32
    %div3A_69 = arith.divsi %add3A_67, %jit3A_68 : i32
    %sign3A_70 = arith.constant 0 : i32
    %sign3A_71 = arith.cmpi sgt, %add3A_67, %sign3A_70 : i32
    %sign3A_72 = arith.extui %sign3A_71 : i1 to i32
    %sign3A_73 = arith.constant 0 : i32
    %sign3A_74 = arith.cmpi slt, %add3A_67, %sign3A_73 : i32
    %sign3A_75 = arith.extui %sign3A_74 : i1 to i32
    %sign3A_76 = arith.subi %sign3A_72, %sign3A_75 : i32
    %sign3A_77 = arith.constant 0 : i32
    %sign3A_78 = arith.cmpi sgt, %jit3A_68, %sign3A_77 : i32
    %sign3A_79 = arith.extui %sign3A_78 : i1 to i32
    %sign3A_80 = arith.constant 0 : i32
    %sign3A_81 = arith.cmpi slt, %jit3A_68, %sign3A_80 : i32
    %sign3A_82 = arith.extui %sign3A_81 : i1 to i32
    %sign3A_83 = arith.subi %sign3A_79, %sign3A_82 : i32
    %ne3A_84 = arith.cmpi ne, %sign3A_76, %sign3A_83 : i32
    %rem3A_85 = arith.remsi %add3A_67, %jit3A_68 : i32
    %ne3A_86 = arith.constant 0 : i32
    %ne3A_87 = arith.cmpi ne, %rem3A_85, %ne3A_86 : i32
    %and3A_88 = arith.andi %ne3A_84, %ne3A_87 : i1
    %sub3A_89 = arith.constant 1 : i32
    %sub3A_90 = arith.subi %div3A_69, %sub3A_89 : i32
    %select_n3A_91 = arith.select %and3A_88, %sub3A_90, %div3A_69 : i32
    %sub3A_92 = arith.constant 0 : i32
    %sub3A_93 = arith.subi %select_n3A_91, %sub3A_92 : i32
    %jit3A_94 = arith.constant 16 : i32
    %eq3A_95 = arith.constant 0 : i32
    %eq3A_96 = arith.cmpi eq, %jit3A_94, %eq3A_95 : i32
    %jit3A_97 = arith.constant 1 : i32
    %select_n3A_98 = arith.select %eq3A_96, %jit3A_97, %jit3A_94 : i32
    %rem3A_99 = arith.remsi %add3A_67, %select_n3A_98 : i32
    %ne3A_100 = arith.constant 0 : i32
    %ne3A_101 = arith.cmpi ne, %rem3A_99, %ne3A_100 : i32
    %lt3A_102 = arith.constant 0 : i32
    %lt3A_103 = arith.cmpi slt, %rem3A_99, %lt3A_102 : i32
    %lt3A_104 = arith.constant 0 : i32
    %lt3A_105 = arith.cmpi slt, %select_n3A_98, %lt3A_104 : i32
    %ne3A_106 = arith.xori %lt3A_103, %lt3A_105 : i1
    %and3A_107 = arith.andi %ne3A_106, %ne3A_101 : i1
    %add3A_108 = arith.addi %rem3A_99, %select_n3A_98 : i32
    %select_n3A_109 = arith.select %and3A_107, %add3A_108, %rem3A_99 : i32
    %mul3A_110 = arith.constant 256 : i32
    %mul3A_111 = arith.muli %select_n3A_109, %mul3A_110 : i32
    %dma_wait3A = arith.constant 0 : i32
    %dma_wait3A_112 = arith.constant 2 : i32
    %dma_wait3A_113 = arith.constant 0 : i32
    %dma_wait3A_114 = arith.constant 0 : i32
    %dma_wait3A_115 = tpu.memref_slice %arg5[%dma_wait3A, %dma_wait3A_113, %dma_wait3A_114] : memref<2x16x256xf32, #tpu.memory_space<vmem>> -> memref<1x16x256xf32, #tpu.memory_space<vmem>>
    %dma_wait3A_116 = tpu.memref_squeeze %dma_wait3A_115 : memref<1x16x256xf32, #tpu.memory_space<vmem>> -> memref<16x256xf32, #tpu.memory_space<vmem>>
    %dma_wait3A_117 = arith.constant 0 : i32
    %dma_wait3A_118 = tpu.memref_slice %arg3[%sub3A_93, %dma_wait3A_117, %mul3A_111] : memref<100x16x4096xf32, #tpu.memory_space<hbm>> -> memref<1x16x256xf32, #tpu.memory_space<hbm>>
    %dma_wait3A_119 = tpu.memref_squeeze %dma_wait3A_118 : memref<1x16x256xf32, #tpu.memory_space<hbm>> -> memref<16x256xf32, #tpu.memory_space<hbm>>
    %dma_wait3A_120 = tpu.memref_slice %arg6[%dma_wait3A_112] : memref<4x!tpu.dma_semaphore, #tpu.memory_space<semaphore_mem>> -> memref<1x!tpu.dma_semaphore, #tpu.memory_space<semaphore_mem>>
    %dma_wait3A_121 = tpu.memref_squeeze %dma_wait3A_120 : memref<1x!tpu.dma_semaphore, #tpu.memory_space<semaphore_mem>> -> memref<!tpu.dma_semaphore, #tpu.memory_space<semaphore_mem>>
    %dma_wait3A_122 = arith.constant 0 : i32
    %dma_wait3A_123 = tpu.memref_slice %arg3[%sub3A_93, %dma_wait3A_122, %mul3A_111] : memref<100x16x4096xf32, #tpu.memory_space<hbm>> -> memref<1x16x256xf32, #tpu.memory_space<hbm>>
    %dma_wait3A_124 = tpu.memref_squeeze %dma_wait3A_123 : memref<1x16x256xf32, #tpu.memory_space<hbm>> -> memref<16x256xf32, #tpu.memory_space<hbm>>
    %dma_wait3A_125 = arith.constant 0 : i32
    %dma_wait3A_126 = arith.constant 0 : i32
    %dma_wait3A_127 = tpu.memref_slice %arg5[%dma_wait3A, %dma_wait3A_125, %dma_wait3A_126] : memref<2x16x256xf32, #tpu.memory_space<vmem>> -> memref<1x16x256xf32, #tpu.memory_space<vmem>>
    %dma_wait3A_128 = tpu.memref_squeeze %dma_wait3A_127 : memref<1x16x256xf32, #tpu.memory_space<vmem>> -> memref<16x256xf32, #tpu.memory_space<vmem>>
    tpu.wait_dma2 semaphore(%dma_wait3A_121 : memref<!tpu.dma_semaphore, #tpu.memory_space<semaphore_mem>>) src(%dma_wait3A_128 : memref<16x256xf32, #tpu.memory_space<vmem>>) dst(%dma_wait3A_124 : memref<16x256xf32, #tpu.memory_space<hbm>>)
    %add3A_129 = arith.constant 1568 : i32
    %add3A_130 = arith.addi %add3A_129, %add3A : i32
    %jit3A_131 = arith.constant 16 : i32
    %div3A_132 = arith.divsi %add3A_130, %jit3A_131 : i32
    %sign3A_133 = arith.constant 0 : i32
    %sign3A_134 = arith.cmpi sgt, %add3A_130, %sign3A_133 : i32
    %sign3A_135 = arith.extui %sign3A_134 : i1 to i32
    %sign3A_136 = arith.constant 0 : i32
    %sign3A_137 = arith.cmpi slt, %add3A_130, %sign3A_136 : i32
    %sign3A_138 = arith.extui %sign3A_137 : i1 to i32
    %sign3A_139 = arith.subi %sign3A_135, %sign3A_138 : i32
    %sign3A_140 = arith.constant 0 : i32
    %sign3A_141 = arith.cmpi sgt, %jit3A_131, %sign3A_140 : i32
    %sign3A_142 = arith.extui %sign3A_141 : i1 to i32
    %sign3A_143 = arith.constant 0 : i32
    %sign3A_144 = arith.cmpi slt, %jit3A_131, %sign3A_143 : i32
    %sign3A_145 = arith.extui %sign3A_144 : i1 to i32
    %sign3A_146 = arith.subi %sign3A_142, %sign3A_145 : i32
    %ne3A_147 = arith.cmpi ne, %sign3A_139, %sign3A_146 : i32
    %rem3A_148 = arith.remsi %add3A_130, %jit3A_131 : i32
    %ne3A_149 = arith.constant 0 : i32
    %ne3A_150 = arith.cmpi ne, %rem3A_148, %ne3A_149 : i32
    %and3A_151 = arith.andi %ne3A_147, %ne3A_150 : i1
    %sub3A_152 = arith.constant 1 : i32
    %sub3A_153 = arith.subi %div3A_132, %sub3A_152 : i32
    %select_n3A_154 = arith.select %and3A_151, %sub3A_153, %div3A_132 : i32
    %sub3A_155 = arith.constant 0 : i32
    %sub3A_156 = arith.subi %select_n3A_154, %sub3A_155 : i32
    %jit3A_157 = arith.constant 16 : i32
    %eq3A_158 = arith.constant 0 : i32
    %eq3A_159 = arith.cmpi eq, %jit3A_157, %eq3A_158 : i32
    %jit3A_160 = arith.constant 1 : i32
    %select_n3A_161 = arith.select %eq3A_159, %jit3A_160, %jit3A_157 : i32
    %rem3A_162 = arith.remsi %add3A_130, %select_n3A_161 : i32
    %ne3A_163 = arith.constant 0 : i32
    %ne3A_164 = arith.cmpi ne, %rem3A_162, %ne3A_163 : i32
    %lt3A_165 = arith.constant 0 : i32
    %lt3A_166 = arith.cmpi slt, %rem3A_162, %lt3A_165 : i32
    %lt3A_167 = arith.constant 0 : i32
    %lt3A_168 = arith.cmpi slt, %select_n3A_161, %lt3A_167 : i32
    %ne3A_169 = arith.xori %lt3A_166, %lt3A_168 : i1
    %and3A_170 = arith.andi %ne3A_169, %ne3A_164 : i1
    %add3A_171 = arith.addi %rem3A_162, %select_n3A_161 : i32
    %select_n3A_172 = arith.select %and3A_170, %add3A_171, %rem3A_162 : i32
    %mul3A_173 = arith.constant 256 : i32
    %mul3A_174 = arith.muli %select_n3A_172, %mul3A_173 : i32
    %dma_wait3A_175 = arith.constant 1 : i32
    %dma_wait3A_176 = arith.constant 3 : i32
    %dma_wait3A_177 = arith.constant 0 : i32
    %dma_wait3A_178 = arith.constant 0 : i32
    %dma_wait3A_179 = tpu.memref_slice %arg5[%dma_wait3A_175, %dma_wait3A_177, %dma_wait3A_178] : memref<2x16x256xf32, #tpu.memory_space<vmem>> -> memref<1x16x256xf32, #tpu.memory_space<vmem>>
    %dma_wait3A_180 = tpu.memref_squeeze %dma_wait3A_179 : memref<1x16x256xf32, #tpu.memory_space<vmem>> -> memref<16x256xf32, #tpu.memory_space<vmem>>
    %dma_wait3A_181 = arith.constant 0 : i32
    %dma_wait3A_182 = tpu.memref_slice %arg3[%sub3A_156, %dma_wait3A_181, %mul3A_174] : memref<100x16x4096xf32, #tpu.memory_space<hbm>> -> memref<1x16x256xf32, #tpu.memory_space<hbm>>
    %dma_wait3A_183 = tpu.memref_squeeze %dma_wait3A_182 : memref<1x16x256xf32, #tpu.memory_space<hbm>> -> memref<16x256xf32, #tpu.memory_space<hbm>>
    %dma_wait3A_184 = tpu.memref_slice %arg6[%dma_wait3A_176] : memref<4x!tpu.dma_semaphore, #tpu.memory_space<semaphore_mem>> -> memref<1x!tpu.dma_semaphore, #tpu.memory_space<semaphore_mem>>
    %dma_wait3A_185 = tpu.memref_squeeze %dma_wait3A_184 : memref<1x!tpu.dma_semaphore, #tpu.memory_space<semaphore_mem>> -> memref<!tpu.dma_semaphore, #tpu.memory_space<semaphore_mem>>
    %dma_wait3A_186 = arith.constant 0 : i32
    %dma_wait3A_187 = tpu.memref_slice %arg3[%sub3A_156, %dma_wait3A_186, %mul3A_174] : memref<100x16x4096xf32, #tpu.memory_space<hbm>> -> memref<1x16x256xf32, #tpu.memory_space<hbm>>
    %dma_wait3A_188 = tpu.memref_squeeze %dma_wait3A_187 : memref<1x16x256xf32, #tpu.memory_space<hbm>> -> memref<16x256xf32, #tpu.memory_space<hbm>>
    %dma_wait3A_189 = arith.constant 0 : i32
    %dma_wait3A_190 = arith.constant 0 : i32
    %dma_wait3A_191 = tpu.memref_slice %arg5[%dma_wait3A_175, %dma_wait3A_189, %dma_wait3A_190] : memref<2x16x256xf32, #tpu.memory_space<vmem>> -> memref<1x16x256xf32, #tpu.memory_space<vmem>>
    %dma_wait3A_192 = tpu.memref_squeeze %dma_wait3A_191 : memref<1x16x256xf32, #tpu.memory_space<vmem>> -> memref<16x256xf32, #tpu.memory_space<vmem>>
    tpu.wait_dma2 semaphore(%dma_wait3A_185 : memref<!tpu.dma_semaphore, #tpu.memory_space<semaphore_mem>>) src(%dma_wait3A_192 : memref<16x256xf32, #tpu.memory_space<vmem>>) dst(%dma_wait3A_188 : memref<16x256xf32, #tpu.memory_space<hbm>>)
    return
  }
}

module attributes {stable_mosaic.version = 14 : i64} {
  func.func @_tc_body(%arg0: i32, %arg1: memref<5x1x4096xi32, #tpu.memory_space<vmem>>, %arg2: memref<5x1x4096xi32, #tpu.memory_space<vmem>>, %arg3: memref<5x16x4096xf32, #tpu.memory_space<vmem>>, %arg4: memref<64x128xf32, #tpu.memory_space<vmem>>, %arg5: memref<16x128xf32, #tpu.memory_space<vmem>>, %arg6: memref<1x128xf32, #tpu.memory_space<vmem>>, %arg7: memref<5x1x128xf32, #tpu.memory_space<vmem>>, %arg8: memref<5x4096x128xf32, #tpu.memory_space<vmem>>) attributes {dimension_semantics = [#tpu.dimension_semantics<arbitrary>], iteration_bounds = array<i64: 20>, scalar_prefetch = 0 : i64, scratch_operands = 0 : i64, tpu.core_type = #tpu.core_type<tc>, window_params = [{transform_indices = @transform_0, window_bounds = array<i64: 5, 1, 4096>}, {transform_indices = @transform_1, window_bounds = array<i64: 5, 1, 4096>}, {transform_indices = @transform_2, window_bounds = array<i64: 5, 16, 4096>}, {pipeline_mode = #tpu.pipeline_mode<synchronous>, transform_indices = @transform_3, window_bounds = array<i64: 64, 128>}, {pipeline_mode = #tpu.pipeline_mode<synchronous>, transform_indices = @transform_4, window_bounds = array<i64: 16, 128>}, {pipeline_mode = #tpu.pipeline_mode<synchronous>, transform_indices = @transform_5, window_bounds = array<i64: 1, 128>}, {transform_indices = @transform_6, window_bounds = array<i64: 5, 1, 128>}, {transform_indices = @transform_7, window_bounds = array<i64: 5, 4096, 128>}]} {
    %iota3A = tpu.iota {dimensions = array<i32: 0>} : vector<64x1xi32>
    %get3A = arith.constant 0 : index
    %get3A_0 = arith.constant 0 : index
    %get3A_1 = arith.constant 0 : index
    %get3A_2 = vector.load %arg1[%get3A, %get3A_0, %get3A_1] : memref<5x1x4096xi32, #tpu.memory_space<vmem>>, vector<1x1x4096xi32>
    %get3A_3 = vector.shape_cast %get3A_2 : vector<1x1x4096xi32> to vector<1x4096xi32>
    %get3A_4 = arith.constant 0 : index
    %get3A_5 = arith.constant 0 : index
    %get3A_6 = arith.constant 0 : index
    %get3A_7 = vector.load %arg2[%get3A_4, %get3A_5, %get3A_6] : memref<5x1x4096xi32, #tpu.memory_space<vmem>>, vector<1x1x4096xi32>
    %get3A_8 = vector.shape_cast %get3A_7 : vector<1x1x4096xi32> to vector<1x4096xi32>
    %eq3A = vector.broadcast %iota3A : vector<64x1xi32> to vector<64x4096xi32>
    %eq3A_9 = vector.broadcast %get3A_3 : vector<1x4096xi32> to vector<64x4096xi32>
    %eq3A_10 = arith.cmpi eq, %eq3A, %eq3A_9 : vector<64x4096xi32>
    %convert_element_type3A = arith.extui %eq3A_10 : vector<64x4096xi1> to vector<64x4096xi32>
    %convert_element_type3A_11 = arith.sitofp %convert_element_type3A : vector<64x4096xi32> to vector<64x4096xf32>
    %add3A = arith.constant 7 : i32
    %add3A_12 = vector.broadcast %add3A : i32 to vector<1x4096xi32>
    %add3A_13 = arith.addi %get3A_8, %add3A_12 : vector<1x4096xi32>
    %eq3A_14 = vector.broadcast %iota3A : vector<64x1xi32> to vector<64x4096xi32>
    %eq3A_15 = vector.broadcast %add3A_13 : vector<1x4096xi32> to vector<64x4096xi32>
    %eq3A_16 = arith.cmpi eq, %eq3A_14, %eq3A_15 : vector<64x4096xi32>
    %convert_element_type3A_17 = arith.extui %eq3A_16 : vector<64x4096xi1> to vector<64x4096xi32>
    %convert_element_type3A_18 = arith.sitofp %convert_element_type3A_17 : vector<64x4096xi32> to vector<64x4096xf32>
    %add3A_19 = arith.addf %convert_element_type3A_11, %convert_element_type3A_18 : vector<64x4096xf32>
    %get3A_20 = arith.constant 0 : index
    %get3A_21 = arith.constant 0 : index
    %get3A_22 = vector.load %arg4[%get3A_20, %get3A_21] : memref<64x128xf32, #tpu.memory_space<vmem>>, vector<64x128xf32>
    %dot_general3A = arith.constant dense<0.000000e+00> : vector<4096x128xf32>
    %dot_general3A_23 = tpu.matmul %add3A_19, %get3A_22, %dot_general3A {dimension_numbers = #tpu.dot_dimension_numbers<[0], [0], [1], [1], [0, 1, 1, 1], [], []>, transpose_lhs_hint = false} : vector<64x4096xf32>, vector<64x128xf32>, vector<4096x128xf32> -> vector<4096x128xf32>
    %get3A_24 = arith.constant 0 : index
    %get3A_25 = arith.constant 0 : index
    %get3A_26 = arith.constant 0 : index
    %get3A_27 = vector.load %arg3[%get3A_24, %get3A_25, %get3A_26] : memref<5x16x4096xf32, #tpu.memory_space<vmem>>, vector<1x16x4096xf32>
    %get3A_28 = vector.shape_cast %get3A_27 : vector<1x16x4096xf32> to vector<16x4096xf32>
    %get3A_29 = arith.constant 0 : index
    %get3A_30 = arith.constant 0 : index
    %get3A_31 = vector.load %arg5[%get3A_29, %get3A_30] : memref<16x128xf32, #tpu.memory_space<vmem>>, vector<16x128xf32>
    %dot_general3A_32 = arith.constant dense<0.000000e+00> : vector<4096x128xf32>
    %dot_general3A_33 = tpu.matmul %get3A_28, %get3A_31, %dot_general3A_32 {dimension_numbers = #tpu.dot_dimension_numbers<[0], [0], [1], [1], [0, 1, 1, 1], [], []>, transpose_lhs_hint = false} : vector<16x4096xf32>, vector<16x128xf32>, vector<4096x128xf32> -> vector<4096x128xf32>
    %add3A_34 = arith.addf %dot_general3A_23, %dot_general3A_33 : vector<4096x128xf32>
    %get3A_35 = arith.constant 0 : index
    %get3A_36 = arith.constant 0 : index
    %get3A_37 = arith.constant 0 : index
    %get3A_38 = vector.load %arg7[%get3A_35, %get3A_36, %get3A_37] : memref<5x1x128xf32, #tpu.memory_space<vmem>>, vector<1x1x128xf32>
    %get3A_39 = vector.shape_cast %get3A_38 : vector<1x1x128xf32> to vector<1x128xf32>
    %get3A_40 = arith.constant 0 : index
    %get3A_41 = arith.constant 0 : index
    %get3A_42 = vector.load %arg6[%get3A_40, %get3A_41] : memref<1x128xf32, #tpu.memory_space<vmem>>, vector<1x128xf32>
    %add3A_43 = arith.addf %get3A_39, %get3A_42 : vector<1x128xf32>
    %add3A_44 = vector.broadcast %add3A_43 : vector<1x128xf32> to vector<4096x128xf32>
    %add3A_45 = arith.addf %add3A_34, %add3A_44 : vector<4096x128xf32>
    %swap3A = arith.constant 0 : index
    %swap3A_46 = arith.constant 0 : index
    %swap3A_47 = arith.constant 0 : index
    %swap3A_48 = vector.load %arg8[%swap3A, %swap3A_46, %swap3A_47] : memref<5x4096x128xf32, #tpu.memory_space<vmem>>, vector<1x4096x128xf32>
    %swap3A_49 = vector.shape_cast %swap3A_48 : vector<1x4096x128xf32> to vector<4096x128xf32>
    %swap3A_50 = vector.shape_cast %add3A_45 : vector<4096x128xf32> to vector<1x4096x128xf32>
    tpu.vector_store %arg8[%swap3A, %swap3A_46, %swap3A_47], %swap3A_50 {strides = array<i32>} : memref<5x4096x128xf32, #tpu.memory_space<vmem>>, vector<1x4096x128xf32>,
    %get3A_51 = arith.constant 1 : index
    %get3A_52 = arith.constant 0 : index
    %get3A_53 = arith.constant 0 : index
    %get3A_54 = vector.load %arg1[%get3A_51, %get3A_52, %get3A_53] : memref<5x1x4096xi32, #tpu.memory_space<vmem>>, vector<1x1x4096xi32>
    %get3A_55 = vector.shape_cast %get3A_54 : vector<1x1x4096xi32> to vector<1x4096xi32>
    %get3A_56 = arith.constant 1 : index
    %get3A_57 = arith.constant 0 : index
    %get3A_58 = arith.constant 0 : index
    %get3A_59 = vector.load %arg2[%get3A_56, %get3A_57, %get3A_58] : memref<5x1x4096xi32, #tpu.memory_space<vmem>>, vector<1x1x4096xi32>
    %get3A_60 = vector.shape_cast %get3A_59 : vector<1x1x4096xi32> to vector<1x4096xi32>
    %eq3A_61 = vector.broadcast %iota3A : vector<64x1xi32> to vector<64x4096xi32>
    %eq3A_62 = vector.broadcast %get3A_55 : vector<1x4096xi32> to vector<64x4096xi32>
    %eq3A_63 = arith.cmpi eq, %eq3A_61, %eq3A_62 : vector<64x4096xi32>
    %convert_element_type3A_64 = arith.extui %eq3A_63 : vector<64x4096xi1> to vector<64x4096xi32>
    %convert_element_type3A_65 = arith.sitofp %convert_element_type3A_64 : vector<64x4096xi32> to vector<64x4096xf32>
    %add3A_66 = arith.constant 7 : i32
    %add3A_67 = vector.broadcast %add3A_66 : i32 to vector<1x4096xi32>
    %add3A_68 = arith.addi %get3A_60, %add3A_67 : vector<1x4096xi32>
    %eq3A_69 = vector.broadcast %iota3A : vector<64x1xi32> to vector<64x4096xi32>
    %eq3A_70 = vector.broadcast %add3A_68 : vector<1x4096xi32> to vector<64x4096xi32>
    %eq3A_71 = arith.cmpi eq, %eq3A_69, %eq3A_70 : vector<64x4096xi32>
    %convert_element_type3A_72 = arith.extui %eq3A_71 : vector<64x4096xi1> to vector<64x4096xi32>
    %convert_element_type3A_73 = arith.sitofp %convert_element_type3A_72 : vector<64x4096xi32> to vector<64x4096xf32>
    %add3A_74 = arith.addf %convert_element_type3A_65, %convert_element_type3A_73 : vector<64x4096xf32>
    %get3A_75 = arith.constant 0 : index
    %get3A_76 = arith.constant 0 : index
    %get3A_77 = vector.load %arg4[%get3A_75, %get3A_76] : memref<64x128xf32, #tpu.memory_space<vmem>>, vector<64x128xf32>
    %dot_general3A_78 = arith.constant dense<0.000000e+00> : vector<4096x128xf32>
    %dot_general3A_79 = tpu.matmul %add3A_74, %get3A_77, %dot_general3A_78 {dimension_numbers = #tpu.dot_dimension_numbers<[0], [0], [1], [1], [0, 1, 1, 1], [], []>, transpose_lhs_hint = false} : vector<64x4096xf32>, vector<64x128xf32>, vector<4096x128xf32> -> vector<4096x128xf32>
    %get3A_80 = arith.constant 1 : index
    %get3A_81 = arith.constant 0 : index
    %get3A_82 = arith.constant 0 : index
    %get3A_83 = vector.load %arg3[%get3A_80, %get3A_81, %get3A_82] : memref<5x16x4096xf32, #tpu.memory_space<vmem>>, vector<1x16x4096xf32>
    %get3A_84 = vector.shape_cast %get3A_83 : vector<1x16x4096xf32> to vector<16x4096xf32>
    %get3A_85 = arith.constant 0 : index
    %get3A_86 = arith.constant 0 : index
    %get3A_87 = vector.load %arg5[%get3A_85, %get3A_86] : memref<16x128xf32, #tpu.memory_space<vmem>>, vector<16x128xf32>
    %dot_general3A_88 = arith.constant dense<0.000000e+00> : vector<4096x128xf32>
    %dot_general3A_89 = tpu.matmul %get3A_84, %get3A_87, %dot_general3A_88 {dimension_numbers = #tpu.dot_dimension_numbers<[0], [0], [1], [1], [0, 1, 1, 1], [], []>, transpose_lhs_hint = false} : vector<16x4096xf32>, vector<16x128xf32>, vector<4096x128xf32> -> vector<4096x128xf32>
    %add3A_90 = arith.addf %dot_general3A_79, %dot_general3A_89 : vector<4096x128xf32>
    %get3A_91 = arith.constant 1 : index
    %get3A_92 = arith.constant 0 : index
    %get3A_93 = arith.constant 0 : index
    %get3A_94 = vector.load %arg7[%get3A_91, %get3A_92, %get3A_93] : memref<5x1x128xf32, #tpu.memory_space<vmem>>, vector<1x1x128xf32>
    %get3A_95 = vector.shape_cast %get3A_94 : vector<1x1x128xf32> to vector<1x128xf32>
    %get3A_96 = arith.constant 0 : index
    %get3A_97 = arith.constant 0 : index
    %get3A_98 = vector.load %arg6[%get3A_96, %get3A_97] : memref<1x128xf32, #tpu.memory_space<vmem>>, vector<1x128xf32>
    %add3A_99 = arith.addf %get3A_95, %get3A_98 : vector<1x128xf32>
    %add3A_100 = vector.broadcast %add3A_99 : vector<1x128xf32> to vector<4096x128xf32>
    %add3A_101 = arith.addf %add3A_90, %add3A_100 : vector<4096x128xf32>
    %swap3A_102 = arith.constant 1 : index
    %swap3A_103 = arith.constant 0 : index
    %swap3A_104 = arith.constant 0 : index
    %swap3A_105 = vector.load %arg8[%swap3A_102, %swap3A_103, %swap3A_104] : memref<5x4096x128xf32, #tpu.memory_space<vmem>>, vector<1x4096x128xf32>
    %swap3A_106 = vector.shape_cast %swap3A_105 : vector<1x4096x128xf32> to vector<4096x128xf32>
    %swap3A_107 = vector.shape_cast %add3A_101 : vector<4096x128xf32> to vector<1x4096x128xf32>
    tpu.vector_store %arg8[%swap3A_102, %swap3A_103, %swap3A_104], %swap3A_107 {strides = array<i32>} : memref<5x4096x128xf32, #tpu.memory_space<vmem>>, vector<1x4096x128xf32>,
    %get3A_108 = arith.constant 2 : index
    %get3A_109 = arith.constant 0 : index
    %get3A_110 = arith.constant 0 : index
    %get3A_111 = vector.load %arg1[%get3A_108, %get3A_109, %get3A_110] : memref<5x1x4096xi32, #tpu.memory_space<vmem>>, vector<1x1x4096xi32>
    %get3A_112 = vector.shape_cast %get3A_111 : vector<1x1x4096xi32> to vector<1x4096xi32>
    %get3A_113 = arith.constant 2 : index
    %get3A_114 = arith.constant 0 : index
    %get3A_115 = arith.constant 0 : index
    %get3A_116 = vector.load %arg2[%get3A_113, %get3A_114, %get3A_115] : memref<5x1x4096xi32, #tpu.memory_space<vmem>>, vector<1x1x4096xi32>
    %get3A_117 = vector.shape_cast %get3A_116 : vector<1x1x4096xi32> to vector<1x4096xi32>
    %eq3A_118 = vector.broadcast %iota3A : vector<64x1xi32> to vector<64x4096xi32>
    %eq3A_119 = vector.broadcast %get3A_112 : vector<1x4096xi32> to vector<64x4096xi32>
    %eq3A_120 = arith.cmpi eq, %eq3A_118, %eq3A_119 : vector<64x4096xi32>
    %convert_element_type3A_121 = arith.extui %eq3A_120 : vector<64x4096xi1> to vector<64x4096xi32>
    %convert_element_type3A_122 = arith.sitofp %convert_element_type3A_121 : vector<64x4096xi32> to vector<64x4096xf32>
    %add3A_123 = arith.constant 7 : i32
    %add3A_124 = vector.broadcast %add3A_123 : i32 to vector<1x4096xi32>
    %add3A_125 = arith.addi %get3A_117, %add3A_124 : vector<1x4096xi32>
    %eq3A_126 = vector.broadcast %iota3A : vector<64x1xi32> to vector<64x4096xi32>
    %eq3A_127 = vector.broadcast %add3A_125 : vector<1x4096xi32> to vector<64x4096xi32>
    %eq3A_128 = arith.cmpi eq, %eq3A_126, %eq3A_127 : vector<64x4096xi32>
    %convert_element_type3A_129 = arith.extui %eq3A_128 : vector<64x4096xi1> to vector<64x4096xi32>
    %convert_element_type3A_130 = arith.sitofp %convert_element_type3A_129 : vector<64x4096xi32> to vector<64x4096xf32>
    %add3A_131 = arith.addf %convert_element_type3A_122, %convert_element_type3A_130 : vector<64x4096xf32>
    %get3A_132 = arith.constant 0 : index
    %get3A_133 = arith.constant 0 : index
    %get3A_134 = vector.load %arg4[%get3A_132, %get3A_133] : memref<64x128xf32, #tpu.memory_space<vmem>>, vector<64x128xf32>
    %dot_general3A_135 = arith.constant dense<0.000000e+00> : vector<4096x128xf32>
    %dot_general3A_136 = tpu.matmul %add3A_131, %get3A_134, %dot_general3A_135 {dimension_numbers = #tpu.dot_dimension_numbers<[0], [0], [1], [1], [0, 1, 1, 1], [], []>, transpose_lhs_hint = false} : vector<64x4096xf32>, vector<64x128xf32>, vector<4096x128xf32> -> vector<4096x128xf32>
    %get3A_137 = arith.constant 2 : index
    %get3A_138 = arith.constant 0 : index
    %get3A_139 = arith.constant 0 : index
    %get3A_140 = vector.load %arg3[%get3A_137, %get3A_138, %get3A_139] : memref<5x16x4096xf32, #tpu.memory_space<vmem>>, vector<1x16x4096xf32>
    %get3A_141 = vector.shape_cast %get3A_140 : vector<1x16x4096xf32> to vector<16x4096xf32>
    %get3A_142 = arith.constant 0 : index
    %get3A_143 = arith.constant 0 : index
    %get3A_144 = vector.load %arg5[%get3A_142, %get3A_143] : memref<16x128xf32, #tpu.memory_space<vmem>>, vector<16x128xf32>
    %dot_general3A_145 = arith.constant dense<0.000000e+00> : vector<4096x128xf32>
    %dot_general3A_146 = tpu.matmul %get3A_141, %get3A_144, %dot_general3A_145 {dimension_numbers = #tpu.dot_dimension_numbers<[0], [0], [1], [1], [0, 1, 1, 1], [], []>, transpose_lhs_hint = false} : vector<16x4096xf32>, vector<16x128xf32>, vector<4096x128xf32> -> vector<4096x128xf32>
    %add3A_147 = arith.addf %dot_general3A_136, %dot_general3A_146 : vector<4096x128xf32>
    %get3A_148 = arith.constant 2 : index
    %get3A_149 = arith.constant 0 : index
    %get3A_150 = arith.constant 0 : index
    %get3A_151 = vector.load %arg7[%get3A_148, %get3A_149, %get3A_150] : memref<5x1x128xf32, #tpu.memory_space<vmem>>, vector<1x1x128xf32>
    %get3A_152 = vector.shape_cast %get3A_151 : vector<1x1x128xf32> to vector<1x128xf32>
    %get3A_153 = arith.constant 0 : index
    %get3A_154 = arith.constant 0 : index
    %get3A_155 = vector.load %arg6[%get3A_153, %get3A_154] : memref<1x128xf32, #tpu.memory_space<vmem>>, vector<1x128xf32>
    %add3A_156 = arith.addf %get3A_152, %get3A_155 : vector<1x128xf32>
    %add3A_157 = vector.broadcast %add3A_156 : vector<1x128xf32> to vector<4096x128xf32>
    %add3A_158 = arith.addf %add3A_147, %add3A_157 : vector<4096x128xf32>
    %swap3A_159 = arith.constant 2 : index
    %swap3A_160 = arith.constant 0 : index
    %swap3A_161 = arith.constant 0 : index
    %swap3A_162 = vector.load %arg8[%swap3A_159, %swap3A_160, %swap3A_161] : memref<5x4096x128xf32, #tpu.memory_space<vmem>>, vector<1x4096x128xf32>
    %swap3A_163 = vector.shape_cast %swap3A_162 : vector<1x4096x128xf32> to vector<4096x128xf32>
    %swap3A_164 = vector.shape_cast %add3A_158 : vector<4096x128xf32> to vector<1x4096x128xf32>
    tpu.vector_store %arg8[%swap3A_159, %swap3A_160, %swap3A_161], %swap3A_164 {strides = array<i32>} : memref<5x4096x128xf32, #tpu.memory_space<vmem>>, vector<1x4096x128xf32>,
    %get3A_165 = arith.constant 3 : index
    %get3A_166 = arith.constant 0 : index
    %get3A_167 = arith.constant 0 : index
    %get3A_168 = vector.load %arg1[%get3A_165, %get3A_166, %get3A_167] : memref<5x1x4096xi32, #tpu.memory_space<vmem>>, vector<1x1x4096xi32>
    %get3A_169 = vector.shape_cast %get3A_168 : vector<1x1x4096xi32> to vector<1x4096xi32>
    %get3A_170 = arith.constant 3 : index
    %get3A_171 = arith.constant 0 : index
    %get3A_172 = arith.constant 0 : index
    %get3A_173 = vector.load %arg2[%get3A_170, %get3A_171, %get3A_172] : memref<5x1x4096xi32, #tpu.memory_space<vmem>>, vector<1x1x4096xi32>
    %get3A_174 = vector.shape_cast %get3A_173 : vector<1x1x4096xi32> to vector<1x4096xi32>
    %eq3A_175 = vector.broadcast %iota3A : vector<64x1xi32> to vector<64x4096xi32>
    %eq3A_176 = vector.broadcast %get3A_169 : vector<1x4096xi32> to vector<64x4096xi32>
    %eq3A_177 = arith.cmpi eq, %eq3A_175, %eq3A_176 : vector<64x4096xi32>
    %convert_element_type3A_178 = arith.extui %eq3A_177 : vector<64x4096xi1> to vector<64x4096xi32>
    %convert_element_type3A_179 = arith.sitofp %convert_element_type3A_178 : vector<64x4096xi32> to vector<64x4096xf32>
    %add3A_180 = arith.constant 7 : i32
    %add3A_181 = vector.broadcast %add3A_180 : i32 to vector<1x4096xi32>
    %add3A_182 = arith.addi %get3A_174, %add3A_181 : vector<1x4096xi32>
    %eq3A_183 = vector.broadcast %iota3A : vector<64x1xi32> to vector<64x4096xi32>
    %eq3A_184 = vector.broadcast %add3A_182 : vector<1x4096xi32> to vector<64x4096xi32>
    %eq3A_185 = arith.cmpi eq, %eq3A_183, %eq3A_184 : vector<64x4096xi32>
    %convert_element_type3A_186 = arith.extui %eq3A_185 : vector<64x4096xi1> to vector<64x4096xi32>
    %convert_element_type3A_187 = arith.sitofp %convert_element_type3A_186 : vector<64x4096xi32> to vector<64x4096xf32>
    %add3A_188 = arith.addf %convert_element_type3A_179, %convert_element_type3A_187 : vector<64x4096xf32>
    %get3A_189 = arith.constant 0 : index
    %get3A_190 = arith.constant 0 : index
    %get3A_191 = vector.load %arg4[%get3A_189, %get3A_190] : memref<64x128xf32, #tpu.memory_space<vmem>>, vector<64x128xf32>
    %dot_general3A_192 = arith.constant dense<0.000000e+00> : vector<4096x128xf32>
    %dot_general3A_193 = tpu.matmul %add3A_188, %get3A_191, %dot_general3A_192 {dimension_numbers = #tpu.dot_dimension_numbers<[0], [0], [1], [1], [0, 1, 1, 1], [], []>, transpose_lhs_hint = false} : vector<64x4096xf32>, vector<64x128xf32>, vector<4096x128xf32> -> vector<4096x128xf32>
    %get3A_194 = arith.constant 3 : index
    %get3A_195 = arith.constant 0 : index
    %get3A_196 = arith.constant 0 : index
    %get3A_197 = vector.load %arg3[%get3A_194, %get3A_195, %get3A_196] : memref<5x16x4096xf32, #tpu.memory_space<vmem>>, vector<1x16x4096xf32>
    %get3A_198 = vector.shape_cast %get3A_197 : vector<1x16x4096xf32> to vector<16x4096xf32>
    %get3A_199 = arith.constant 0 : index
    %get3A_200 = arith.constant 0 : index
    %get3A_201 = vector.load %arg5[%get3A_199, %get3A_200] : memref<16x128xf32, #tpu.memory_space<vmem>>, vector<16x128xf32>
    %dot_general3A_202 = arith.constant dense<0.000000e+00> : vector<4096x128xf32>
    %dot_general3A_203 = tpu.matmul %get3A_198, %get3A_201, %dot_general3A_202 {dimension_numbers = #tpu.dot_dimension_numbers<[0], [0], [1], [1], [0, 1, 1, 1], [], []>, transpose_lhs_hint = false} : vector<16x4096xf32>, vector<16x128xf32>, vector<4096x128xf32> -> vector<4096x128xf32>
    %add3A_204 = arith.addf %dot_general3A_193, %dot_general3A_203 : vector<4096x128xf32>
    %get3A_205 = arith.constant 3 : index
    %get3A_206 = arith.constant 0 : index
    %get3A_207 = arith.constant 0 : index
    %get3A_208 = vector.load %arg7[%get3A_205, %get3A_206, %get3A_207] : memref<5x1x128xf32, #tpu.memory_space<vmem>>, vector<1x1x128xf32>
    %get3A_209 = vector.shape_cast %get3A_208 : vector<1x1x128xf32> to vector<1x128xf32>
    %get3A_210 = arith.constant 0 : index
    %get3A_211 = arith.constant 0 : index
    %get3A_212 = vector.load %arg6[%get3A_210, %get3A_211] : memref<1x128xf32, #tpu.memory_space<vmem>>, vector<1x128xf32>
    %add3A_213 = arith.addf %get3A_209, %get3A_212 : vector<1x128xf32>
    %add3A_214 = vector.broadcast %add3A_213 : vector<1x128xf32> to vector<4096x128xf32>
    %add3A_215 = arith.addf %add3A_204, %add3A_214 : vector<4096x128xf32>
    %swap3A_216 = arith.constant 3 : index
    %swap3A_217 = arith.constant 0 : index
    %swap3A_218 = arith.constant 0 : index
    %swap3A_219 = vector.load %arg8[%swap3A_216, %swap3A_217, %swap3A_218] : memref<5x4096x128xf32, #tpu.memory_space<vmem>>, vector<1x4096x128xf32>
    %swap3A_220 = vector.shape_cast %swap3A_219 : vector<1x4096x128xf32> to vector<4096x128xf32>
    %swap3A_221 = vector.shape_cast %add3A_215 : vector<4096x128xf32> to vector<1x4096x128xf32>
    tpu.vector_store %arg8[%swap3A_216, %swap3A_217, %swap3A_218], %swap3A_221 {strides = array<i32>} : memref<5x4096x128xf32, #tpu.memory_space<vmem>>, vector<1x4096x128xf32>,
    %get3A_222 = arith.constant 4 : index
    %get3A_223 = arith.constant 0 : index
    %get3A_224 = arith.constant 0 : index
    %get3A_225 = vector.load %arg1[%get3A_222, %get3A_223, %get3A_224] : memref<5x1x4096xi32, #tpu.memory_space<vmem>>, vector<1x1x4096xi32>
    %get3A_226 = vector.shape_cast %get3A_225 : vector<1x1x4096xi32> to vector<1x4096xi32>
    %get3A_227 = arith.constant 4 : index
    %get3A_228 = arith.constant 0 : index
    %get3A_229 = arith.constant 0 : index
    %get3A_230 = vector.load %arg2[%get3A_227, %get3A_228, %get3A_229] : memref<5x1x4096xi32, #tpu.memory_space<vmem>>, vector<1x1x4096xi32>
    %get3A_231 = vector.shape_cast %get3A_230 : vector<1x1x4096xi32> to vector<1x4096xi32>
    %eq3A_232 = vector.broadcast %iota3A : vector<64x1xi32> to vector<64x4096xi32>
    %eq3A_233 = vector.broadcast %get3A_226 : vector<1x4096xi32> to vector<64x4096xi32>
    %eq3A_234 = arith.cmpi eq, %eq3A_232, %eq3A_233 : vector<64x4096xi32>
    %convert_element_type3A_235 = arith.extui %eq3A_234 : vector<64x4096xi1> to vector<64x4096xi32>
    %convert_element_type3A_236 = arith.sitofp %convert_element_type3A_235 : vector<64x4096xi32> to vector<64x4096xf32>
    %add3A_237 = arith.constant 7 : i32
    %add3A_238 = vector.broadcast %add3A_237 : i32 to vector<1x4096xi32>
    %add3A_239 = arith.addi %get3A_231, %add3A_238 : vector<1x4096xi32>
    %eq3A_240 = vector.broadcast %iota3A : vector<64x1xi32> to vector<64x4096xi32>
    %eq3A_241 = vector.broadcast %add3A_239 : vector<1x4096xi32> to vector<64x4096xi32>
    %eq3A_242 = arith.cmpi eq, %eq3A_240, %eq3A_241 : vector<64x4096xi32>
    %convert_element_type3A_243 = arith.extui %eq3A_242 : vector<64x4096xi1> to vector<64x4096xi32>
    %convert_element_type3A_244 = arith.sitofp %convert_element_type3A_243 : vector<64x4096xi32> to vector<64x4096xf32>
    %add3A_245 = arith.addf %convert_element_type3A_236, %convert_element_type3A_244 : vector<64x4096xf32>
    %get3A_246 = arith.constant 0 : index
    %get3A_247 = arith.constant 0 : index
    %get3A_248 = vector.load %arg4[%get3A_246, %get3A_247] : memref<64x128xf32, #tpu.memory_space<vmem>>, vector<64x128xf32>
    %dot_general3A_249 = arith.constant dense<0.000000e+00> : vector<4096x128xf32>
    %dot_general3A_250 = tpu.matmul %add3A_245, %get3A_248, %dot_general3A_249 {dimension_numbers = #tpu.dot_dimension_numbers<[0], [0], [1], [1], [0, 1, 1, 1], [], []>, transpose_lhs_hint = false} : vector<64x4096xf32>, vector<64x128xf32>, vector<4096x128xf32> -> vector<4096x128xf32>
    %get3A_251 = arith.constant 4 : index
    %get3A_252 = arith.constant 0 : index
    %get3A_253 = arith.constant 0 : index
    %get3A_254 = vector.load %arg3[%get3A_251, %get3A_252, %get3A_253] : memref<5x16x4096xf32, #tpu.memory_space<vmem>>, vector<1x16x4096xf32>
    %get3A_255 = vector.shape_cast %get3A_254 : vector<1x16x4096xf32> to vector<16x4096xf32>
    %get3A_256 = arith.constant 0 : index
    %get3A_257 = arith.constant 0 : index
    %get3A_258 = vector.load %arg5[%get3A_256, %get3A_257] : memref<16x128xf32, #tpu.memory_space<vmem>>, vector<16x128xf32>
    %dot_general3A_259 = arith.constant dense<0.000000e+00> : vector<4096x128xf32>
    %dot_general3A_260 = tpu.matmul %get3A_255, %get3A_258, %dot_general3A_259 {dimension_numbers = #tpu.dot_dimension_numbers<[0], [0], [1], [1], [0, 1, 1, 1], [], []>, transpose_lhs_hint = false} : vector<16x4096xf32>, vector<16x128xf32>, vector<4096x128xf32> -> vector<4096x128xf32>
    %add3A_261 = arith.addf %dot_general3A_250, %dot_general3A_260 : vector<4096x128xf32>
    %get3A_262 = arith.constant 4 : index
    %get3A_263 = arith.constant 0 : index
    %get3A_264 = arith.constant 0 : index
    %get3A_265 = vector.load %arg7[%get3A_262, %get3A_263, %get3A_264] : memref<5x1x128xf32, #tpu.memory_space<vmem>>, vector<1x1x128xf32>
    %get3A_266 = vector.shape_cast %get3A_265 : vector<1x1x128xf32> to vector<1x128xf32>
    %get3A_267 = arith.constant 0 : index
    %get3A_268 = arith.constant 0 : index
    %get3A_269 = vector.load %arg6[%get3A_267, %get3A_268] : memref<1x128xf32, #tpu.memory_space<vmem>>, vector<1x128xf32>
    %add3A_270 = arith.addf %get3A_266, %get3A_269 : vector<1x128xf32>
    %add3A_271 = vector.broadcast %add3A_270 : vector<1x128xf32> to vector<4096x128xf32>
    %add3A_272 = arith.addf %add3A_261, %add3A_271 : vector<4096x128xf32>
    %swap3A_273 = arith.constant 4 : index
    %swap3A_274 = arith.constant 0 : index
    %swap3A_275 = arith.constant 0 : index
    %swap3A_276 = vector.load %arg8[%swap3A_273, %swap3A_274, %swap3A_275] : memref<5x4096x128xf32, #tpu.memory_space<vmem>>, vector<1x4096x128xf32>
    %swap3A_277 = vector.shape_cast %swap3A_276 : vector<1x4096x128xf32> to vector<4096x128xf32>
    %swap3A_278 = vector.shape_cast %add3A_272 : vector<4096x128xf32> to vector<1x4096x128xf32>
    tpu.vector_store %arg8[%swap3A_273, %swap3A_274, %swap3A_275], %swap3A_278 {strides = array<i32>} : memref<5x4096x128xf32, #tpu.memory_space<vmem>>, vector<1x4096x128xf32>,
    return
  }
  func.func @transform_0(%arg0: i32) -> (i32, i32, i32) {
    %add3A = arith.constant 0 : i32
    %add3A_0 = arith.addi %arg0, %add3A : i32
    %c0_i32 = arith.constant 0 : i32
    %c0_i32_1 = arith.constant 0 : i32
    %c0_i32_2 = arith.constant 0 : i32
    return %add3A_0, %c0_i32, %c0_i32_1 : i32, i32, i32
  }
  func.func @transform_1(%arg0: i32) -> (i32, i32, i32) {
    %add3A = arith.constant 0 : i32
    %add3A_0 = arith.addi %arg0, %add3A : i32
    %c0_i32 = arith.constant 0 : i32
    %c0_i32_1 = arith.constant 0 : i32
    %c0_i32_2 = arith.constant 0 : i32
    return %add3A_0, %c0_i32, %c0_i32_1 : i32, i32, i32
  }
  func.func @transform_2(%arg0: i32) -> (i32, i32, i32) {
    %c0_i32 = arith.constant 0 : i32
    %c0_i32_0 = arith.constant 0 : i32
    %c0_i32_1 = arith.constant 0 : i32
    return %arg0, %c0_i32, %c0_i32_0 : i32, i32, i32
  }
  func.func @transform_3(%arg0: i32) -> (i32, i32) {
    %c0_i32 = arith.constant 0 : i32
    %c0_i32_0 = arith.constant 0 : i32
    %c0_i32_1 = arith.constant 0 : i32
    return %c0_i32, %c0_i32_0 : i32, i32
  }
  func.func @transform_4(%arg0: i32) -> (i32, i32) {
    %c0_i32 = arith.constant 0 : i32
    %c0_i32_0 = arith.constant 0 : i32
    %c0_i32_1 = arith.constant 0 : i32
    return %c0_i32, %c0_i32_0 : i32, i32
  }
  func.func @transform_5(%arg0: i32) -> (i32, i32) {
    %c0_i32 = arith.constant 0 : i32
    %c0_i32_0 = arith.constant 0 : i32
    %c0_i32_1 = arith.constant 0 : i32
    return %c0_i32, %c0_i32_0 : i32, i32
  }
  func.func @transform_6(%arg0: i32) -> (i32, i32, i32) {
    %add3A = arith.constant 0 : i32
    %add3A_0 = arith.addi %arg0, %add3A : i32
    %c0_i32 = arith.constant 0 : i32
    %c0_i32_1 = arith.constant 0 : i32
    %c0_i32_2 = arith.constant 0 : i32
    return %add3A_0, %c0_i32, %c0_i32_1 : i32, i32, i32
  }
  func.func @transform_7(%arg0: i32) -> (i32, i32, i32) {
    %add3A = arith.constant 0 : i32
    %add3A_0 = arith.addi %arg0, %add3A : i32
    %c0_i32 = arith.constant 0 : i32
    %c0_i32_1 = arith.constant 0 : i32
    %c0_i32_2 = arith.constant 0 : i32
    return %add3A_0, %c0_i32, %c0_i32_1 : i32, i32, i32
  }
}

module attributes {stable_mosaic.version = 14 : i64} {
  func.func @body(%arg0: i32, %arg1: memref<5x1x4096xi32, #tpu.memory_space<vmem>>, %arg2: memref<5x1x4096xi32, #tpu.memory_space<vmem>>, %arg3: memref<5x16x4096xf32, #tpu.memory_space<vmem>>, %arg4: memref<64x128xf32, #tpu.memory_space<vmem>>, %arg5: memref<16x128xf32, #tpu.memory_space<vmem>>, %arg6: memref<1x128xf32, #tpu.memory_space<vmem>>, %arg7: memref<5x1x128xf32, #tpu.memory_space<vmem>>, %arg8: memref<200x4096x128xf32, #tpu.memory_space<any>>, %arg9: memref<200x4096x128xf32, #tpu.memory_space<any>>, %arg10: memref<2x5x4096x128xf32, #tpu.memory_space<vmem>>, %arg11: memref<2x!tpu.dma_semaphore, #tpu.memory_space<semaphore_mem>>) attributes {dimension_semantics = [#tpu.dimension_semantics<arbitrary>], iteration_bounds = array<i64: 20>, scalar_prefetch = 0 : i64, scratch_operands = 2 : i64, tpu.core_type = #tpu.core_type<tc>, window_params = [{transform_indices = @transform_0, window_bounds = array<i64: 5, 1, 4096>}, {transform_indices = @transform_1, window_bounds = array<i64: 5, 1, 4096>}, {transform_indices = @transform_2, window_bounds = array<i64: 5, 16, 4096>}, {pipeline_mode = #tpu.pipeline_mode<synchronous>, transform_indices = @transform_3, window_bounds = array<i64: 64, 128>}, {pipeline_mode = #tpu.pipeline_mode<synchronous>, transform_indices = @transform_4, window_bounds = array<i64: 16, 128>}, {pipeline_mode = #tpu.pipeline_mode<synchronous>, transform_indices = @transform_5, window_bounds = array<i64: 1, 128>}, {transform_indices = @transform_6, window_bounds = array<i64: 5, 1, 128>}, {}, {}]} {
    %jit3A = arith.constant 2 : i32
    %eq3A = arith.constant 0 : i32
    %eq3A_0 = arith.cmpi eq, %jit3A, %eq3A : i32
    %jit3A_1 = arith.constant 1 : i32
    %select_n3A = arith.select %eq3A_0, %jit3A_1, %jit3A : i32
    %rem3A = arith.remsi %arg0, %select_n3A : i32
    %ne3A = arith.constant 0 : i32
    %ne3A_2 = arith.cmpi ne, %rem3A, %ne3A : i32
    %lt3A = arith.constant 0 : i32
    %lt3A_3 = arith.cmpi slt, %rem3A, %lt3A : i32
    %lt3A_4 = arith.constant 0 : i32
    %lt3A_5 = arith.cmpi slt, %select_n3A, %lt3A_4 : i32
    %ne3A_6 = arith.xori %lt3A_3, %lt3A_5 : i1
    %and3A = arith.andi %ne3A_6, %ne3A_2 : i1
    %add3A = arith.addi %rem3A, %select_n3A : i32
    %select_n3A_7 = arith.select %and3A, %add3A, %rem3A : i32
    %ge3A = arith.constant 2 : i32
    %ge3A_8 = arith.cmpi sge, %arg0, %ge3A : i32
    %convert_element_type3A = arith.extui %ge3A_8 : i1 to i32
    %cond3A = arith.constant 0 : i32
    %cond3A_9 = arith.cmpi ne, %convert_element_type3A, %cond3A : i32
    scf.if %cond3A_9 {
      %dma_wait3A = tpu.memref_slice %arg11[%select_n3A_7] : memref<2x!tpu.dma_semaphore, #tpu.memory_space<semaphore_mem>> -> memref<1x!tpu.dma_semaphore, #tpu.memory_space<semaphore_mem>>
      %dma_wait3A_316 = tpu.memref_squeeze %dma_wait3A : memref<1x!tpu.dma_semaphore, #tpu.memory_space<semaphore_mem>> -> memref<!tpu.dma_semaphore, #tpu.memory_space<semaphore_mem>>
      %dma_wait3A_317 = arith.constant 0 : i32
      %dma_wait3A_318 = arith.constant 0 : i32
      %dma_wait3A_319 = arith.constant 0 : i32
      %dma_wait3A_320 = tpu.memref_slice %arg9[%dma_wait3A_317, %dma_wait3A_318, %dma_wait3A_319] : memref<200x4096x128xf32, #tpu.memory_space<any>> -> memref<5x4096x128xf32, #tpu.memory_space<any>>
      %dma_wait3A_321 = arith.constant 0 : i32
      %dma_wait3A_322 = arith.constant 0 : i32
      %dma_wait3A_323 = arith.constant 0 : i32
      %dma_wait3A_324 = tpu.memref_slice %arg10[%select_n3A_7, %dma_wait3A_321, %dma_wait3A_322, %dma_wait3A_323] : memref<2x5x4096x128xf32, #tpu.memory_space<vmem>> -> memref<1x5x4096x128xf32, #tpu.memory_space<vmem>>
      %dma_wait3A_325 = tpu.memref_squeeze %dma_wait3A_324 : memref<1x5x4096x128xf32, #tpu.memory_space<vmem>> -> memref<5x4096x128xf32, #tpu.memory_space<vmem>>
      tpu.wait_dma2 semaphore(%dma_wait3A_316 : memref<!tpu.dma_semaphore, #tpu.memory_space<semaphore_mem>>) src(%dma_wait3A_325 : memref<5x4096x128xf32, #tpu.memory_space<vmem>>) dst(%dma_wait3A_320 : memref<5x4096x128xf32, #tpu.memory_space<any>>)
    } else {
    }
    %iota3A = tpu.iota {dimensions = array<i32: 0>} : vector<64x1xi32>
    %get3A = arith.constant 0 : index
    %get3A_10 = arith.constant 0 : index
    %get3A_11 = arith.constant 0 : index
    %get3A_12 = vector.load %arg1[%get3A, %get3A_10, %get3A_11] : memref<5x1x4096xi32, #tpu.memory_space<vmem>>, vector<1x1x4096xi32>
    %get3A_13 = vector.shape_cast %get3A_12 : vector<1x1x4096xi32> to vector<1x4096xi32>
    %get3A_14 = arith.constant 0 : index
    %get3A_15 = arith.constant 0 : index
    %get3A_16 = arith.constant 0 : index
    %get3A_17 = vector.load %arg2[%get3A_14, %get3A_15, %get3A_16] : memref<5x1x4096xi32, #tpu.memory_space<vmem>>, vector<1x1x4096xi32>
    %get3A_18 = vector.shape_cast %get3A_17 : vector<1x1x4096xi32> to vector<1x4096xi32>
    %eq3A_19 = vector.broadcast %iota3A : vector<64x1xi32> to vector<64x4096xi32>
    %eq3A_20 = vector.broadcast %get3A_13 : vector<1x4096xi32> to vector<64x4096xi32>
    %eq3A_21 = arith.cmpi eq, %eq3A_19, %eq3A_20 : vector<64x4096xi32>
    %convert_element_type3A_22 = arith.extui %eq3A_21 : vector<64x4096xi1> to vector<64x4096xi32>
    %convert_element_type3A_23 = arith.sitofp %convert_element_type3A_22 : vector<64x4096xi32> to vector<64x4096xf32>
    %add3A_24 = arith.constant 7 : i32
    %add3A_25 = vector.broadcast %add3A_24 : i32 to vector<1x4096xi32>
    %add3A_26 = arith.addi %get3A_18, %add3A_25 : vector<1x4096xi32>
    %eq3A_27 = vector.broadcast %iota3A : vector<64x1xi32> to vector<64x4096xi32>
    %eq3A_28 = vector.broadcast %add3A_26 : vector<1x4096xi32> to vector<64x4096xi32>
    %eq3A_29 = arith.cmpi eq, %eq3A_27, %eq3A_28 : vector<64x4096xi32>
    %convert_element_type3A_30 = arith.extui %eq3A_29 : vector<64x4096xi1> to vector<64x4096xi32>
    %convert_element_type3A_31 = arith.sitofp %convert_element_type3A_30 : vector<64x4096xi32> to vector<64x4096xf32>
    %add3A_32 = arith.addf %convert_element_type3A_23, %convert_element_type3A_31 : vector<64x4096xf32>
    %get3A_33 = arith.constant 0 : index
    %get3A_34 = arith.constant 0 : index
    %get3A_35 = vector.load %arg4[%get3A_33, %get3A_34] : memref<64x128xf32, #tpu.memory_space<vmem>>, vector<64x128xf32>
    %dot_general3A = arith.constant dense<0.000000e+00> : vector<4096x128xf32>
    %dot_general3A_36 = tpu.matmul %add3A_32, %get3A_35, %dot_general3A {dimension_numbers = #tpu.dot_dimension_numbers<[0], [0], [1], [1], [0, 1, 1, 1], [], []>, transpose_lhs_hint = false} : vector<64x4096xf32>, vector<64x128xf32>, vector<4096x128xf32> -> vector<4096x128xf32>
    %get3A_37 = arith.constant 0 : index
    %get3A_38 = arith.constant 0 : index
    %get3A_39 = arith.constant 0 : index
    %get3A_40 = vector.load %arg3[%get3A_37, %get3A_38, %get3A_39] : memref<5x16x4096xf32, #tpu.memory_space<vmem>>, vector<1x16x4096xf32>
    %get3A_41 = vector.shape_cast %get3A_40 : vector<1x16x4096xf32> to vector<16x4096xf32>
    %get3A_42 = arith.constant 0 : index
    %get3A_43 = arith.constant 0 : index
    %get3A_44 = vector.load %arg5[%get3A_42, %get3A_43] : memref<16x128xf32, #tpu.memory_space<vmem>>, vector<16x128xf32>
    %dot_general3A_45 = arith.constant dense<0.000000e+00> : vector<4096x128xf32>
    %dot_general3A_46 = tpu.matmul %get3A_41, %get3A_44, %dot_general3A_45 {dimension_numbers = #tpu.dot_dimension_numbers<[0], [0], [1], [1], [0, 1, 1, 1], [], []>, transpose_lhs_hint = false} : vector<16x4096xf32>, vector<16x128xf32>, vector<4096x128xf32> -> vector<4096x128xf32>
    %add3A_47 = arith.addf %dot_general3A_36, %dot_general3A_46 : vector<4096x128xf32>
    %get3A_48 = arith.constant 0 : index
    %get3A_49 = arith.constant 0 : index
    %get3A_50 = arith.constant 0 : index
    %get3A_51 = vector.load %arg7[%get3A_48, %get3A_49, %get3A_50] : memref<5x1x128xf32, #tpu.memory_space<vmem>>, vector<1x1x128xf32>
    %get3A_52 = vector.shape_cast %get3A_51 : vector<1x1x128xf32> to vector<1x128xf32>
    %get3A_53 = arith.constant 0 : index
    %get3A_54 = arith.constant 0 : index
    %get3A_55 = vector.load %arg6[%get3A_53, %get3A_54] : memref<1x128xf32, #tpu.memory_space<vmem>>, vector<1x128xf32>
    %add3A_56 = arith.addf %get3A_52, %get3A_55 : vector<1x128xf32>
    %add3A_57 = vector.broadcast %add3A_56 : vector<1x128xf32> to vector<4096x128xf32>
    %add3A_58 = arith.addf %add3A_47, %add3A_57 : vector<4096x128xf32>
    %swap3A = arith.index_cast %select_n3A_7 : i32 to index
    %swap3A_59 = arith.constant 0 : index
    %swap3A_60 = arith.constant 0 : index
    %swap3A_61 = arith.constant 0 : index
    %swap3A_62 = vector.load %arg10[%swap3A, %swap3A_59, %swap3A_60, %swap3A_61] : memref<2x5x4096x128xf32, #tpu.memory_space<vmem>>, vector<1x1x4096x128xf32>
    %swap3A_63 = vector.shape_cast %swap3A_62 : vector<1x1x4096x128xf32> to vector<4096x128xf32>
    %swap3A_64 = vector.shape_cast %add3A_58 : vector<4096x128xf32> to vector<1x1x4096x128xf32>
    tpu.vector_store %arg10[%swap3A, %swap3A_59, %swap3A_60, %swap3A_61], %swap3A_64 {strides = array<i32>} : memref<2x5x4096x128xf32, #tpu.memory_space<vmem>>, vector<1x1x4096x128xf32>,
    %get3A_65 = arith.constant 1 : index
    %get3A_66 = arith.constant 0 : index
    %get3A_67 = arith.constant 0 : index
    %get3A_68 = vector.load %arg1[%get3A_65, %get3A_66, %get3A_67] : memref<5x1x4096xi32, #tpu.memory_space<vmem>>, vector<1x1x4096xi32>
    %get3A_69 = vector.shape_cast %get3A_68 : vector<1x1x4096xi32> to vector<1x4096xi32>
    %get3A_70 = arith.constant 1 : index
    %get3A_71 = arith.constant 0 : index
    %get3A_72 = arith.constant 0 : index
    %get3A_73 = vector.load %arg2[%get3A_70, %get3A_71, %get3A_72] : memref<5x1x4096xi32, #tpu.memory_space<vmem>>, vector<1x1x4096xi32>
    %get3A_74 = vector.shape_cast %get3A_73 : vector<1x1x4096xi32> to vector<1x4096xi32>
    %eq3A_75 = vector.broadcast %iota3A : vector<64x1xi32> to vector<64x4096xi32>
    %eq3A_76 = vector.broadcast %get3A_69 : vector<1x4096xi32> to vector<64x4096xi32>
    %eq3A_77 = arith.cmpi eq, %eq3A_75, %eq3A_76 : vector<64x4096xi32>
    %convert_element_type3A_78 = arith.extui %eq3A_77 : vector<64x4096xi1> to vector<64x4096xi32>
    %convert_element_type3A_79 = arith.sitofp %convert_element_type3A_78 : vector<64x4096xi32> to vector<64x4096xf32>
    %add3A_80 = arith.constant 7 : i32
    %add3A_81 = vector.broadcast %add3A_80 : i32 to vector<1x4096xi32>
    %add3A_82 = arith.addi %get3A_74, %add3A_81 : vector<1x4096xi32>
    %eq3A_83 = vector.broadcast %iota3A : vector<64x1xi32> to vector<64x4096xi32>
    %eq3A_84 = vector.broadcast %add3A_82 : vector<1x4096xi32> to vector<64x4096xi32>
    %eq3A_85 = arith.cmpi eq, %eq3A_83, %eq3A_84 : vector<64x4096xi32>
    %convert_element_type3A_86 = arith.extui %eq3A_85 : vector<64x4096xi1> to vector<64x4096xi32>
    %convert_element_type3A_87 = arith.sitofp %convert_element_type3A_86 : vector<64x4096xi32> to vector<64x4096xf32>
    %add3A_88 = arith.addf %convert_element_type3A_79, %convert_element_type3A_87 : vector<64x4096xf32>
    %get3A_89 = arith.constant 0 : index
    %get3A_90 = arith.constant 0 : index
    %get3A_91 = vector.load %arg4[%get3A_89, %get3A_90] : memref<64x128xf32, #tpu.memory_space<vmem>>, vector<64x128xf32>
    %dot_general3A_92 = arith.constant dense<0.000000e+00> : vector<4096x128xf32>
    %dot_general3A_93 = tpu.matmul %add3A_88, %get3A_91, %dot_general3A_92 {dimension_numbers = #tpu.dot_dimension_numbers<[0], [0], [1], [1], [0, 1, 1, 1], [], []>, transpose_lhs_hint = false} : vector<64x4096xf32>, vector<64x128xf32>, vector<4096x128xf32> -> vector<4096x128xf32>
    %get3A_94 = arith.constant 1 : index
    %get3A_95 = arith.constant 0 : index
    %get3A_96 = arith.constant 0 : index
    %get3A_97 = vector.load %arg3[%get3A_94, %get3A_95, %get3A_96] : memref<5x16x4096xf32, #tpu.memory_space<vmem>>, vector<1x16x4096xf32>
    %get3A_98 = vector.shape_cast %get3A_97 : vector<1x16x4096xf32> to vector<16x4096xf32>
    %get3A_99 = arith.constant 0 : index
    %get3A_100 = arith.constant 0 : index
    %get3A_101 = vector.load %arg5[%get3A_99, %get3A_100] : memref<16x128xf32, #tpu.memory_space<vmem>>, vector<16x128xf32>
    %dot_general3A_102 = arith.constant dense<0.000000e+00> : vector<4096x128xf32>
    %dot_general3A_103 = tpu.matmul %get3A_98, %get3A_101, %dot_general3A_102 {dimension_numbers = #tpu.dot_dimension_numbers<[0], [0], [1], [1], [0, 1, 1, 1], [], []>, transpose_lhs_hint = false} : vector<16x4096xf32>, vector<16x128xf32>, vector<4096x128xf32> -> vector<4096x128xf32>
    %add3A_104 = arith.addf %dot_general3A_93, %dot_general3A_103 : vector<4096x128xf32>
    %get3A_105 = arith.constant 1 : index
    %get3A_106 = arith.constant 0 : index
    %get3A_107 = arith.constant 0 : index
    %get3A_108 = vector.load %arg7[%get3A_105, %get3A_106, %get3A_107] : memref<5x1x128xf32, #tpu.memory_space<vmem>>, vector<1x1x128xf32>
    %get3A_109 = vector.shape_cast %get3A_108 : vector<1x1x128xf32> to vector<1x128xf32>
    %get3A_110 = arith.constant 0 : index
    %get3A_111 = arith.constant 0 : index
    %get3A_112 = vector.load %arg6[%get3A_110, %get3A_111] : memref<1x128xf32, #tpu.memory_space<vmem>>, vector<1x128xf32>
    %add3A_113 = arith.addf %get3A_109, %get3A_112 : vector<1x128xf32>
    %add3A_114 = vector.broadcast %add3A_113 : vector<1x128xf32> to vector<4096x128xf32>
    %add3A_115 = arith.addf %add3A_104, %add3A_114 : vector<4096x128xf32>
    %swap3A_116 = arith.index_cast %select_n3A_7 : i32 to index
    %swap3A_117 = arith.constant 1 : index
    %swap3A_118 = arith.constant 0 : index
    %swap3A_119 = arith.constant 0 : index
    %swap3A_120 = vector.load %arg10[%swap3A_116, %swap3A_117, %swap3A_118, %swap3A_119] : memref<2x5x4096x128xf32, #tpu.memory_space<vmem>>, vector<1x1x4096x128xf32>
    %swap3A_121 = vector.shape_cast %swap3A_120 : vector<1x1x4096x128xf32> to vector<4096x128xf32>
    %swap3A_122 = vector.shape_cast %add3A_115 : vector<4096x128xf32> to vector<1x1x4096x128xf32>
    tpu.vector_store %arg10[%swap3A_116, %swap3A_117, %swap3A_118, %swap3A_119], %swap3A_122 {strides = array<i32>} : memref<2x5x4096x128xf32, #tpu.memory_space<vmem>>, vector<1x1x4096x128xf32>,
    %get3A_123 = arith.constant 2 : index
    %get3A_124 = arith.constant 0 : index
    %get3A_125 = arith.constant 0 : index
    %get3A_126 = vector.load %arg1[%get3A_123, %get3A_124, %get3A_125] : memref<5x1x4096xi32, #tpu.memory_space<vmem>>, vector<1x1x4096xi32>
    %get3A_127 = vector.shape_cast %get3A_126 : vector<1x1x4096xi32> to vector<1x4096xi32>
    %get3A_128 = arith.constant 2 : index
    %get3A_129 = arith.constant 0 : index
    %get3A_130 = arith.constant 0 : index
    %get3A_131 = vector.load %arg2[%get3A_128, %get3A_129, %get3A_130] : memref<5x1x4096xi32, #tpu.memory_space<vmem>>, vector<1x1x4096xi32>
    %get3A_132 = vector.shape_cast %get3A_131 : vector<1x1x4096xi32> to vector<1x4096xi32>
    %eq3A_133 = vector.broadcast %iota3A : vector<64x1xi32> to vector<64x4096xi32>
    %eq3A_134 = vector.broadcast %get3A_127 : vector<1x4096xi32> to vector<64x4096xi32>
    %eq3A_135 = arith.cmpi eq, %eq3A_133, %eq3A_134 : vector<64x4096xi32>
    %convert_element_type3A_136 = arith.extui %eq3A_135 : vector<64x4096xi1> to vector<64x4096xi32>
    %convert_element_type3A_137 = arith.sitofp %convert_element_type3A_136 : vector<64x4096xi32> to vector<64x4096xf32>
    %add3A_138 = arith.constant 7 : i32
    %add3A_139 = vector.broadcast %add3A_138 : i32 to vector<1x4096xi32>
    %add3A_140 = arith.addi %get3A_132, %add3A_139 : vector<1x4096xi32>
    %eq3A_141 = vector.broadcast %iota3A : vector<64x1xi32> to vector<64x4096xi32>
    %eq3A_142 = vector.broadcast %add3A_140 : vector<1x4096xi32> to vector<64x4096xi32>
    %eq3A_143 = arith.cmpi eq, %eq3A_141, %eq3A_142 : vector<64x4096xi32>
    %convert_element_type3A_144 = arith.extui %eq3A_143 : vector<64x4096xi1> to vector<64x4096xi32>
    %convert_element_type3A_145 = arith.sitofp %convert_element_type3A_144 : vector<64x4096xi32> to vector<64x4096xf32>
    %add3A_146 = arith.addf %convert_element_type3A_137, %convert_element_type3A_145 : vector<64x4096xf32>
    %get3A_147 = arith.constant 0 : index
    %get3A_148 = arith.constant 0 : index
    %get3A_149 = vector.load %arg4[%get3A_147, %get3A_148] : memref<64x128xf32, #tpu.memory_space<vmem>>, vector<64x128xf32>
    %dot_general3A_150 = arith.constant dense<0.000000e+00> : vector<4096x128xf32>
    %dot_general3A_151 = tpu.matmul %add3A_146, %get3A_149, %dot_general3A_150 {dimension_numbers = #tpu.dot_dimension_numbers<[0], [0], [1], [1], [0, 1, 1, 1], [], []>, transpose_lhs_hint = false} : vector<64x4096xf32>, vector<64x128xf32>, vector<4096x128xf32> -> vector<4096x128xf32>
    %get3A_152 = arith.constant 2 : index
    %get3A_153 = arith.constant 0 : index
    %get3A_154 = arith.constant 0 : index
    %get3A_155 = vector.load %arg3[%get3A_152, %get3A_153, %get3A_154] : memref<5x16x4096xf32, #tpu.memory_space<vmem>>, vector<1x16x4096xf32>
    %get3A_156 = vector.shape_cast %get3A_155 : vector<1x16x4096xf32> to vector<16x4096xf32>
    %get3A_157 = arith.constant 0 : index
    %get3A_158 = arith.constant 0 : index
    %get3A_159 = vector.load %arg5[%get3A_157, %get3A_158] : memref<16x128xf32, #tpu.memory_space<vmem>>, vector<16x128xf32>
    %dot_general3A_160 = arith.constant dense<0.000000e+00> : vector<4096x128xf32>
    %dot_general3A_161 = tpu.matmul %get3A_156, %get3A_159, %dot_general3A_160 {dimension_numbers = #tpu.dot_dimension_numbers<[0], [0], [1], [1], [0, 1, 1, 1], [], []>, transpose_lhs_hint = false} : vector<16x4096xf32>, vector<16x128xf32>, vector<4096x128xf32> -> vector<4096x128xf32>
    %add3A_162 = arith.addf %dot_general3A_151, %dot_general3A_161 : vector<4096x128xf32>
    %get3A_163 = arith.constant 2 : index
    %get3A_164 = arith.constant 0 : index
    %get3A_165 = arith.constant 0 : index
    %get3A_166 = vector.load %arg7[%get3A_163, %get3A_164, %get3A_165] : memref<5x1x128xf32, #tpu.memory_space<vmem>>, vector<1x1x128xf32>
    %get3A_167 = vector.shape_cast %get3A_166 : vector<1x1x128xf32> to vector<1x128xf32>
    %get3A_168 = arith.constant 0 : index
    %get3A_169 = arith.constant 0 : index
    %get3A_170 = vector.load %arg6[%get3A_168, %get3A_169] : memref<1x128xf32, #tpu.memory_space<vmem>>, vector<1x128xf32>
    %add3A_171 = arith.addf %get3A_167, %get3A_170 : vector<1x128xf32>
    %add3A_172 = vector.broadcast %add3A_171 : vector<1x128xf32> to vector<4096x128xf32>
    %add3A_173 = arith.addf %add3A_162, %add3A_172 : vector<4096x128xf32>
    %swap3A_174 = arith.index_cast %select_n3A_7 : i32 to index
    %swap3A_175 = arith.constant 2 : index
    %swap3A_176 = arith.constant 0 : index
    %swap3A_177 = arith.constant 0 : index
    %swap3A_178 = vector.load %arg10[%swap3A_174, %swap3A_175, %swap3A_176, %swap3A_177] : memref<2x5x4096x128xf32, #tpu.memory_space<vmem>>, vector<1x1x4096x128xf32>
    %swap3A_179 = vector.shape_cast %swap3A_178 : vector<1x1x4096x128xf32> to vector<4096x128xf32>
    %swap3A_180 = vector.shape_cast %add3A_173 : vector<4096x128xf32> to vector<1x1x4096x128xf32>
    tpu.vector_store %arg10[%swap3A_174, %swap3A_175, %swap3A_176, %swap3A_177], %swap3A_180 {strides = array<i32>} : memref<2x5x4096x128xf32, #tpu.memory_space<vmem>>, vector<1x1x4096x128xf32>,
    %get3A_181 = arith.constant 3 : index
    %get3A_182 = arith.constant 0 : index
    %get3A_183 = arith.constant 0 : index
    %get3A_184 = vector.load %arg1[%get3A_181, %get3A_182, %get3A_183] : memref<5x1x4096xi32, #tpu.memory_space<vmem>>, vector<1x1x4096xi32>
    %get3A_185 = vector.shape_cast %get3A_184 : vector<1x1x4096xi32> to vector<1x4096xi32>
    %get3A_186 = arith.constant 3 : index
    %get3A_187 = arith.constant 0 : index
    %get3A_188 = arith.constant 0 : index
    %get3A_189 = vector.load %arg2[%get3A_186, %get3A_187, %get3A_188] : memref<5x1x4096xi32, #tpu.memory_space<vmem>>, vector<1x1x4096xi32>
    %get3A_190 = vector.shape_cast %get3A_189 : vector<1x1x4096xi32> to vector<1x4096xi32>
    %eq3A_191 = vector.broadcast %iota3A : vector<64x1xi32> to vector<64x4096xi32>
    %eq3A_192 = vector.broadcast %get3A_185 : vector<1x4096xi32> to vector<64x4096xi32>
    %eq3A_193 = arith.cmpi eq, %eq3A_191, %eq3A_192 : vector<64x4096xi32>
    %convert_element_type3A_194 = arith.extui %eq3A_193 : vector<64x4096xi1> to vector<64x4096xi32>
    %convert_element_type3A_195 = arith.sitofp %convert_element_type3A_194 : vector<64x4096xi32> to vector<64x4096xf32>
    %add3A_196 = arith.constant 7 : i32
    %add3A_197 = vector.broadcast %add3A_196 : i32 to vector<1x4096xi32>
    %add3A_198 = arith.addi %get3A_190, %add3A_197 : vector<1x4096xi32>
    %eq3A_199 = vector.broadcast %iota3A : vector<64x1xi32> to vector<64x4096xi32>
    %eq3A_200 = vector.broadcast %add3A_198 : vector<1x4096xi32> to vector<64x4096xi32>
    %eq3A_201 = arith.cmpi eq, %eq3A_199, %eq3A_200 : vector<64x4096xi32>
    %convert_element_type3A_202 = arith.extui %eq3A_201 : vector<64x4096xi1> to vector<64x4096xi32>
    %convert_element_type3A_203 = arith.sitofp %convert_element_type3A_202 : vector<64x4096xi32> to vector<64x4096xf32>
    %add3A_204 = arith.addf %convert_element_type3A_195, %convert_element_type3A_203 : vector<64x4096xf32>
    %get3A_205 = arith.constant 0 : index
    %get3A_206 = arith.constant 0 : index
    %get3A_207 = vector.load %arg4[%get3A_205, %get3A_206] : memref<64x128xf32, #tpu.memory_space<vmem>>, vector<64x128xf32>
    %dot_general3A_208 = arith.constant dense<0.000000e+00> : vector<4096x128xf32>
    %dot_general3A_209 = tpu.matmul %add3A_204, %get3A_207, %dot_general3A_208 {dimension_numbers = #tpu.dot_dimension_numbers<[0], [0], [1], [1], [0, 1, 1, 1], [], []>, transpose_lhs_hint = false} : vector<64x4096xf32>, vector<64x128xf32>, vector<4096x128xf32> -> vector<4096x128xf32>
    %get3A_210 = arith.constant 3 : index
    %get3A_211 = arith.constant 0 : index
    %get3A_212 = arith.constant 0 : index
    %get3A_213 = vector.load %arg3[%get3A_210, %get3A_211, %get3A_212] : memref<5x16x4096xf32, #tpu.memory_space<vmem>>, vector<1x16x4096xf32>
    %get3A_214 = vector.shape_cast %get3A_213 : vector<1x16x4096xf32> to vector<16x4096xf32>
    %get3A_215 = arith.constant 0 : index
    %get3A_216 = arith.constant 0 : index
    %get3A_217 = vector.load %arg5[%get3A_215, %get3A_216] : memref<16x128xf32, #tpu.memory_space<vmem>>, vector<16x128xf32>
    %dot_general3A_218 = arith.constant dense<0.000000e+00> : vector<4096x128xf32>
    %dot_general3A_219 = tpu.matmul %get3A_214, %get3A_217, %dot_general3A_218 {dimension_numbers = #tpu.dot_dimension_numbers<[0], [0], [1], [1], [0, 1, 1, 1], [], []>, transpose_lhs_hint = false} : vector<16x4096xf32>, vector<16x128xf32>, vector<4096x128xf32> -> vector<4096x128xf32>
    %add3A_220 = arith.addf %dot_general3A_209, %dot_general3A_219 : vector<4096x128xf32>
    %get3A_221 = arith.constant 3 : index
    %get3A_222 = arith.constant 0 : index
    %get3A_223 = arith.constant 0 : index
    %get3A_224 = vector.load %arg7[%get3A_221, %get3A_222, %get3A_223] : memref<5x1x128xf32, #tpu.memory_space<vmem>>, vector<1x1x128xf32>
    %get3A_225 = vector.shape_cast %get3A_224 : vector<1x1x128xf32> to vector<1x128xf32>
    %get3A_226 = arith.constant 0 : index
    %get3A_227 = arith.constant 0 : index
    %get3A_228 = vector.load %arg6[%get3A_226, %get3A_227] : memref<1x128xf32, #tpu.memory_space<vmem>>, vector<1x128xf32>
    %add3A_229 = arith.addf %get3A_225, %get3A_228 : vector<1x128xf32>
    %add3A_230 = vector.broadcast %add3A_229 : vector<1x128xf32> to vector<4096x128xf32>
    %add3A_231 = arith.addf %add3A_220, %add3A_230 : vector<4096x128xf32>
    %swap3A_232 = arith.index_cast %select_n3A_7 : i32 to index
    %swap3A_233 = arith.constant 3 : index
    %swap3A_234 = arith.constant 0 : index
    %swap3A_235 = arith.constant 0 : index
    %swap3A_236 = vector.load %arg10[%swap3A_232, %swap3A_233, %swap3A_234, %swap3A_235] : memref<2x5x4096x128xf32, #tpu.memory_space<vmem>>, vector<1x1x4096x128xf32>
    %swap3A_237 = vector.shape_cast %swap3A_236 : vector<1x1x4096x128xf32> to vector<4096x128xf32>
    %swap3A_238 = vector.shape_cast %add3A_231 : vector<4096x128xf32> to vector<1x1x4096x128xf32>
    tpu.vector_store %arg10[%swap3A_232, %swap3A_233, %swap3A_234, %swap3A_235], %swap3A_238 {strides = array<i32>} : memref<2x5x4096x128xf32, #tpu.memory_space<vmem>>, vector<1x1x4096x128xf32>,
    %get3A_239 = arith.constant 4 : index
    %get3A_240 = arith.constant 0 : index
    %get3A_241 = arith.constant 0 : index
    %get3A_242 = vector.load %arg1[%get3A_239, %get3A_240, %get3A_241] : memref<5x1x4096xi32, #tpu.memory_space<vmem>>, vector<1x1x4096xi32>
    %get3A_243 = vector.shape_cast %get3A_242 : vector<1x1x4096xi32> to vector<1x4096xi32>
    %get3A_244 = arith.constant 4 : index
    %get3A_245 = arith.constant 0 : index
    %get3A_246 = arith.constant 0 : index
    %get3A_247 = vector.load %arg2[%get3A_244, %get3A_245, %get3A_246] : memref<5x1x4096xi32, #tpu.memory_space<vmem>>, vector<1x1x4096xi32>
    %get3A_248 = vector.shape_cast %get3A_247 : vector<1x1x4096xi32> to vector<1x4096xi32>
    %eq3A_249 = vector.broadcast %iota3A : vector<64x1xi32> to vector<64x4096xi32>
    %eq3A_250 = vector.broadcast %get3A_243 : vector<1x4096xi32> to vector<64x4096xi32>
    %eq3A_251 = arith.cmpi eq, %eq3A_249, %eq3A_250 : vector<64x4096xi32>
    %convert_element_type3A_252 = arith.extui %eq3A_251 : vector<64x4096xi1> to vector<64x4096xi32>
    %convert_element_type3A_253 = arith.sitofp %convert_element_type3A_252 : vector<64x4096xi32> to vector<64x4096xf32>
    %add3A_254 = arith.constant 7 : i32
    %add3A_255 = vector.broadcast %add3A_254 : i32 to vector<1x4096xi32>
    %add3A_256 = arith.addi %get3A_248, %add3A_255 : vector<1x4096xi32>
    %eq3A_257 = vector.broadcast %iota3A : vector<64x1xi32> to vector<64x4096xi32>
    %eq3A_258 = vector.broadcast %add3A_256 : vector<1x4096xi32> to vector<64x4096xi32>
    %eq3A_259 = arith.cmpi eq, %eq3A_257, %eq3A_258 : vector<64x4096xi32>
    %convert_element_type3A_260 = arith.extui %eq3A_259 : vector<64x4096xi1> to vector<64x4096xi32>
    %convert_element_type3A_261 = arith.sitofp %convert_element_type3A_260 : vector<64x4096xi32> to vector<64x4096xf32>
    %add3A_262 = arith.addf %convert_element_type3A_253, %convert_element_type3A_261 : vector<64x4096xf32>
    %get3A_263 = arith.constant 0 : index
    %get3A_264 = arith.constant 0 : index
    %get3A_265 = vector.load %arg4[%get3A_263, %get3A_264] : memref<64x128xf32, #tpu.memory_space<vmem>>, vector<64x128xf32>
    %dot_general3A_266 = arith.constant dense<0.000000e+00> : vector<4096x128xf32>
    %dot_general3A_267 = tpu.matmul %add3A_262, %get3A_265, %dot_general3A_266 {dimension_numbers = #tpu.dot_dimension_numbers<[0], [0], [1], [1], [0, 1, 1, 1], [], []>, transpose_lhs_hint = false} : vector<64x4096xf32>, vector<64x128xf32>, vector<4096x128xf32> -> vector<4096x128xf32>
    %get3A_268 = arith.constant 4 : index
    %get3A_269 = arith.constant 0 : index
    %get3A_270 = arith.constant 0 : index
    %get3A_271 = vector.load %arg3[%get3A_268, %get3A_269, %get3A_270] : memref<5x16x4096xf32, #tpu.memory_space<vmem>>, vector<1x16x4096xf32>
    %get3A_272 = vector.shape_cast %get3A_271 : vector<1x16x4096xf32> to vector<16x4096xf32>
    %get3A_273 = arith.constant 0 : index
    %get3A_274 = arith.constant 0 : index
    %get3A_275 = vector.load %arg5[%get3A_273, %get3A_274] : memref<16x128xf32, #tpu.memory_space<vmem>>, vector<16x128xf32>
    %dot_general3A_276 = arith.constant dense<0.000000e+00> : vector<4096x128xf32>
    %dot_general3A_277 = tpu.matmul %get3A_272, %get3A_275, %dot_general3A_276 {dimension_numbers = #tpu.dot_dimension_numbers<[0], [0], [1], [1], [0, 1, 1, 1], [], []>, transpose_lhs_hint = false} : vector<16x4096xf32>, vector<16x128xf32>, vector<4096x128xf32> -> vector<4096x128xf32>
    %add3A_278 = arith.addf %dot_general3A_267, %dot_general3A_277 : vector<4096x128xf32>
    %get3A_279 = arith.constant 4 : index
    %get3A_280 = arith.constant 0 : index
    %get3A_281 = arith.constant 0 : index
    %get3A_282 = vector.load %arg7[%get3A_279, %get3A_280, %get3A_281] : memref<5x1x128xf32, #tpu.memory_space<vmem>>, vector<1x1x128xf32>
    %get3A_283 = vector.shape_cast %get3A_282 : vector<1x1x128xf32> to vector<1x128xf32>
    %get3A_284 = arith.constant 0 : index
    %get3A_285 = arith.constant 0 : index
    %get3A_286 = vector.load %arg6[%get3A_284, %get3A_285] : memref<1x128xf32, #tpu.memory_space<vmem>>, vector<1x128xf32>
    %add3A_287 = arith.addf %get3A_283, %get3A_286 : vector<1x128xf32>
    %add3A_288 = vector.broadcast %add3A_287 : vector<1x128xf32> to vector<4096x128xf32>
    %add3A_289 = arith.addf %add3A_278, %add3A_288 : vector<4096x128xf32>
    %swap3A_290 = arith.index_cast %select_n3A_7 : i32 to index
    %swap3A_291 = arith.constant 4 : index
    %swap3A_292 = arith.constant 0 : index
    %swap3A_293 = arith.constant 0 : index
    %swap3A_294 = vector.load %arg10[%swap3A_290, %swap3A_291, %swap3A_292, %swap3A_293] : memref<2x5x4096x128xf32, #tpu.memory_space<vmem>>, vector<1x1x4096x128xf32>
    %swap3A_295 = vector.shape_cast %swap3A_294 : vector<1x1x4096x128xf32> to vector<4096x128xf32>
    %swap3A_296 = vector.shape_cast %add3A_289 : vector<4096x128xf32> to vector<1x1x4096x128xf32>
    tpu.vector_store %arg10[%swap3A_290, %swap3A_291, %swap3A_292, %swap3A_293], %swap3A_296 {strides = array<i32>} : memref<2x5x4096x128xf32, #tpu.memory_space<vmem>>, vector<1x1x4096x128xf32>,
    %mul3A = arith.constant 5 : i32
    %mul3A_297 = arith.muli %arg0, %mul3A : i32
    %add3A_298 = arith.constant 100 : i32
    %add3A_299 = arith.addi %add3A_298, %mul3A_297 : i32
    %mul3A_300 = arith.constant 1 : i32
    %mul3A_301 = arith.muli %add3A_299, %mul3A_300 : i32
    %dma_start3A = tpu.memref_slice %arg11[%select_n3A_7] : memref<2x!tpu.dma_semaphore, #tpu.memory_space<semaphore_mem>> -> memref<1x!tpu.dma_semaphore, #tpu.memory_space<semaphore_mem>>
    %dma_start3A_302 = tpu.memref_squeeze %dma_start3A : memref<1x!tpu.dma_semaphore, #tpu.memory_space<semaphore_mem>> -> memref<!tpu.dma_semaphore, #tpu.memory_space<semaphore_mem>>
    %dma_start3A_303 = arith.constant 0 : i32
    %dma_start3A_304 = arith.constant 0 : i32
    %dma_start3A_305 = tpu.memref_slice %arg9[%mul3A_301, %dma_start3A_303, %dma_start3A_304] : memref<200x4096x128xf32, #tpu.memory_space<any>> -> memref<5x4096x128xf32, #tpu.memory_space<any>>
    %dma_start3A_306 = arith.constant 0 : i32
    %dma_start3A_307 = arith.constant 0 : i32
    %dma_start3A_308 = arith.constant 0 : i32
    %dma_start3A_309 = tpu.memref_slice %arg10[%select_n3A_7, %dma_start3A_306, %dma_start3A_307, %dma_start3A_308] : memref<2x5x4096x128xf32, #tpu.memory_space<vmem>> -> memref<1x5x4096x128xf32, #tpu.memory_space<vmem>>
    %dma_start3A_310 = tpu.memref_squeeze %dma_start3A_309 : memref<1x5x4096x128xf32, #tpu.memory_space<vmem>> -> memref<5x4096x128xf32, #tpu.memory_space<vmem>>
    tpu.enqueue_dma source(%dma_start3A_310 : memref<5x4096x128xf32, #tpu.memory_space<vmem>>) target(%dma_start3A_305 : memref<5x4096x128xf32, #tpu.memory_space<any>>) target_semaphore(%dma_start3A_302 : memref<!tpu.dma_semaphore, #tpu.memory_space<semaphore_mem>>)
    %eq3A_311 = arith.constant 19 : i32
    %eq3A_312 = arith.cmpi eq, %arg0, %eq3A_311 : i32
    %convert_element_type3A_313 = arith.extui %eq3A_312 : i1 to i32
    %cond3A_314 = arith.constant 0 : i32
    %cond3A_315 = arith.cmpi ne, %convert_element_type3A_313, %cond3A_314 : i32
    scf.if %cond3A_315 {
      %sub3A = arith.constant 1 : i32
      %sub3A_316 = arith.subi %sub3A, %select_n3A_7 : i32
      %sub3A_317 = arith.constant 1 : i32
      %sub3A_318 = arith.subi %sub3A_317, %select_n3A_7 : i32
      %dma_wait3A = tpu.memref_slice %arg11[%sub3A_318] : memref<2x!tpu.dma_semaphore, #tpu.memory_space<semaphore_mem>> -> memref<1x!tpu.dma_semaphore, #tpu.memory_space<semaphore_mem>>
      %dma_wait3A_319 = tpu.memref_squeeze %dma_wait3A : memref<1x!tpu.dma_semaphore, #tpu.memory_space<semaphore_mem>> -> memref<!tpu.dma_semaphore, #tpu.memory_space<semaphore_mem>>
      %dma_wait3A_320 = arith.constant 0 : i32
      %dma_wait3A_321 = arith.constant 0 : i32
      %dma_wait3A_322 = arith.constant 0 : i32
      %dma_wait3A_323 = tpu.memref_slice %arg9[%dma_wait3A_320, %dma_wait3A_321, %dma_wait3A_322] : memref<200x4096x128xf32, #tpu.memory_space<any>> -> memref<5x4096x128xf32, #tpu.memory_space<any>>
      %dma_wait3A_324 = arith.constant 0 : i32
      %dma_wait3A_325 = arith.constant 0 : i32
      %dma_wait3A_326 = arith.constant 0 : i32
      %dma_wait3A_327 = tpu.memref_slice %arg10[%sub3A_316, %dma_wait3A_324, %dma_wait3A_325, %dma_wait3A_326] : memref<2x5x4096x128xf32, #tpu.memory_space<vmem>> -> memref<1x5x4096x128xf32, #tpu.memory_space<vmem>>
      %dma_wait3A_328 = tpu.memref_squeeze %dma_wait3A_327 : memref<1x5x4096x128xf32, #tpu.memory_space<vmem>> -> memref<5x4096x128xf32, #tpu.memory_space<vmem>>
      tpu.wait_dma2 semaphore(%dma_wait3A_319 : memref<!tpu.dma_semaphore, #tpu.memory_space<semaphore_mem>>) src(%dma_wait3A_328 : memref<5x4096x128xf32, #tpu.memory_space<vmem>>) dst(%dma_wait3A_323 : memref<5x4096x128xf32, #tpu.memory_space<any>>)
      %dma_wait3A_329 = tpu.memref_slice %arg11[%select_n3A_7] : memref<2x!tpu.dma_semaphore, #tpu.memory_space<semaphore_mem>> -> memref<1x!tpu.dma_semaphore, #tpu.memory_space<semaphore_mem>>
      %dma_wait3A_330 = tpu.memref_squeeze %dma_wait3A_329 : memref<1x!tpu.dma_semaphore, #tpu.memory_space<semaphore_mem>> -> memref<!tpu.dma_semaphore, #tpu.memory_space<semaphore_mem>>
      %dma_wait3A_331 = arith.constant 0 : i32
      %dma_wait3A_332 = arith.constant 0 : i32
      %dma_wait3A_333 = arith.constant 0 : i32
      %dma_wait3A_334 = tpu.memref_slice %arg9[%dma_wait3A_331, %dma_wait3A_332, %dma_wait3A_333] : memref<200x4096x128xf32, #tpu.memory_space<any>> -> memref<5x4096x128xf32, #tpu.memory_space<any>>
      %dma_wait3A_335 = arith.constant 0 : i32
      %dma_wait3A_336 = arith.constant 0 : i32
      %dma_wait3A_337 = arith.constant 0 : i32
      %dma_wait3A_338 = tpu.memref_slice %arg10[%select_n3A_7, %dma_wait3A_335, %dma_wait3A_336, %dma_wait3A_337] : memref<2x5x4096x128xf32, #tpu.memory_space<vmem>> -> memref<1x5x4096x128xf32, #tpu.memory_space<vmem>>
      %dma_wait3A_339 = tpu.memref_squeeze %dma_wait3A_338 : memref<1x5x4096x128xf32, #tpu.memory_space<vmem>> -> memref<5x4096x128xf32, #tpu.memory_space<vmem>>
      tpu.wait_dma2 semaphore(%dma_wait3A_330 : memref<!tpu.dma_semaphore, #tpu.memory_space<semaphore_mem>>) src(%dma_wait3A_339 : memref<5x4096x128xf32, #tpu.memory_space<vmem>>) dst(%dma_wait3A_334 : memref<5x4096x128xf32, #tpu.memory_space<any>>)
    } else {
    }
    return
  }
  func.func @transform_0(%arg0: i32) -> (i32, i32, i32) {
    %add3A = arith.constant 20 : i32
    %add3A_0 = arith.addi %arg0, %add3A : i32
    %c0_i32 = arith.constant 0 : i32
    %c0_i32_1 = arith.constant 0 : i32
    %c0_i32_2 = arith.constant 0 : i32
    return %add3A_0, %c0_i32, %c0_i32_1 : i32, i32, i32
  }
  func.func @transform_1(%arg0: i32) -> (i32, i32, i32) {
    %add3A = arith.constant 20 : i32
    %add3A_0 = arith.addi %arg0, %add3A : i32
    %c0_i32 = arith.constant 0 : i32
    %c0_i32_1 = arith.constant 0 : i32
    %c0_i32_2 = arith.constant 0 : i32
    return %add3A_0, %c0_i32, %c0_i32_1 : i32, i32, i32
  }
  func.func @transform_2(%arg0: i32) -> (i32, i32, i32) {
    %c0_i32 = arith.constant 0 : i32
    %c0_i32_0 = arith.constant 0 : i32
    %c0_i32_1 = arith.constant 0 : i32
    return %arg0, %c0_i32, %c0_i32_0 : i32, i32, i32
  }
  func.func @transform_3(%arg0: i32) -> (i32, i32) {
    %c0_i32 = arith.constant 0 : i32
    %c0_i32_0 = arith.constant 0 : i32
    %c0_i32_1 = arith.constant 0 : i32
    return %c0_i32, %c0_i32_0 : i32, i32
  }
  func.func @transform_4(%arg0: i32) -> (i32, i32) {
    %c0_i32 = arith.constant 0 : i32
    %c0_i32_0 = arith.constant 0 : i32
    %c0_i32_1 = arith.constant 0 : i32
    return %c0_i32, %c0_i32_0 : i32, i32
  }
  func.func @transform_5(%arg0: i32) -> (i32, i32) {
    %c0_i32 = arith.constant 0 : i32
    %c0_i32_0 = arith.constant 0 : i32
    %c0_i32_1 = arith.constant 0 : i32
    return %c0_i32, %c0_i32_0 : i32, i32
  }
  func.func @transform_6(%arg0: i32) -> (i32, i32, i32) {
    %add3A = arith.constant 20 : i32
    %add3A_0 = arith.addi %arg0, %add3A : i32
    %c0_i32 = arith.constant 0 : i32
    %c0_i32_1 = arith.constant 0 : i32
    %c0_i32_2 = arith.constant 0 : i32
    return %add3A_0, %c0_i32, %c0_i32_1 : i32, i32, i32
  }
}

</mosaic_0001>

<sc_bundles>
// kernel: kernel.6.cloned.1.call-start
scs
__scs_entry_jumppad:
0x0: {  	(pc) =	sbr.rel $0x88, $3  }
0x1: {  	(tag) =	ssettag $0x0;
	lr =	simm.s32 $0x1  }
0x2: {  	[smem:$0x3F99] =	sst lr;
	_ =	strace $0xD0000000  }
0x3: {  	_ = 	snop  }
0x4: {  	_ = 	snop  }
0x5: {  	_ = 	snop  }
0x6: {  	_ = 	snop  }
0x7: {  	_ = 	snop  }
__scs_overlays_trampoline_lowered:
0x8: {  	[smem:$0x3FA8] =	sst s0  }
0x9: {  	[smem:$0x3FA9] =	sst s1  }
0xa: {  	[smem:$0x3FAA] =	sst s2  }
0xb: {  	[smem:$0x3FAB] =	sst s3  }
0xc: {  	[smem:$0x3FAC] =	sst s4  }
0xd: {  	[smem:$0x3FAD] =	sst s5  }
0xe: {  	[smem:$0x3FAE] =	sst s6  }
0xf: {  	[smem:$0x3FAF] =	sst s7  }
0x10: {  	[smem:$0x3FB0] =	sst s8  }
0x11: {  	[smem:$0x3FB1] =	sst s9;
	s0 =	simm.s32 @!p0 $0x0  }
0x12: {  	s1 =	sld [smem:$0x3F97];
	s0 =	simm.s32 @p0 $0x1  }
0x13: {  	[smem:$0x3FB2] =	sst s0;
	s0 =	simm.s32 @!p1 $0x0  }
0x14: {  	s2 =	sld [smem:$0x3F96];
	s0 =	simm.s32 @p1 $0x1  }
0x15: {  	[smem:$0x3FB3] =	sst s0;
	s0 =	simm.s32 @!p2 $0x0  }
0x16: {  	s3 =	sld [smem:$0x3FDB];
	s0 =	simm.s32 @p2 $0x1  }
0x17: {  	s4 =	simm.s32 $0x1BF5;
	[smem:$0x3FB5] =	sst s0  }
0x18: {  	s0 =	sld [smem:$0x3F98];
	_ =	swait.ge [sflag:s4], $0x0  }
0x19: {  	s7 =	sld [smem:$0x3F99]  }
0x1a: {  	s8 =	sadd.s32 $0xFFFFE003, lr  }
0x1b: {  	s9 =	sadd.s32 $0xFFFFFEF7, lr;
	s5 =	simm.s32 $0xFFFFFFFF;
	p2 =	slt.u32 s8, $0xFFFFF086  }
0x1c: {  	p1 =	slt.u32 s9, $0xF7A;
	s5 =	simm.s32 @!p2 $0x0  }
0x1d: {  	s5 =	simm.s32 @p1 $0x1;
	p0 =	seq.s32 s7, s2  }
0x1e: {  	s7 =	smul.u32 @!p0 $0xF7A, s2;
	p2 =	seq.s32 @!p0 s5, $0x0  }
0x1f: {  	s9 =	smul.u32 $0xF7A, s1;
	s8 =	simm.s32 @!p0 $0x1BF5;
	p2 =	por !p2, p0  }
0x20: {  	[sflag:s8] =	ssyncset.s32 @!p0 $0xFFFFF086;
	s6 =	sadd.s32 @!p0 s3, s7;
	s7 =	simm.s32 @!p0 $0x108  }
0x21: {  	s3 =	sadd.s32 s3, s9;
	s6 =	sadd.s32 @!p0 $0x88, s6;
	s7 =	simm.s32 @p2 $0x1082  }
0x22: {  	[simem:s7], [sflag:s8] =	dma.local @!p0 [hbm:s6], $0xF7A  }
0x23: {  	s9 =	sor.u32 $0xD0000000, s2;
	s6 =	simm.s32 $0x108;
	_ =	swait.ge @!p0 [sflag:s8], $0x0  }
0x24: {  	s3 =	sadd.s32 $0x88, s3;
	s6 =	simm.s32 @!p1 $0x1082;
	[sflag:s4] =	ssyncset.s32 $0xFFFFF086  }
0x25: {  	[simem:s6], [sflag:s4] =	dma.local [hbm:s3], $0xF7A  }
0x26: {  	[smem:$0x3F99] =	sst s1;
	(tag) =	ssettag s2;
	_ =	strace s9  }
0x27: {  	s1 =	sld [smem:$0x3FA9]  }
0x28: {  	s2 =	sld [smem:$0x3FAA]  }
0x29: {  	s4 =	sld [smem:$0x3FAC]  }
0x2a: {  	p0 =	seq.s32 s5, $0x0;
	s5 =	sld [smem:$0x3FAD]  }
0x2b: {  	s6 =	sld [smem:$0x3FAE]  }
0x2c: {  	s7 =	sld [smem:$0x3FAF]  }
0x2d: {  	s3 =	simm.s32 $0x108;
	s8 =	sld [smem:$0x3FB0]  }
0x2e: {  	s3 =	simm.s32 @!p0 $0x1082;
	s9 =	sld [smem:$0x3FB1]  }
0x2f: {  	lr =	sadd.s32 s0, s3;
	s0 =	sld [smem:$0x3FA8]  }
0x30: {  	s3 =	sld [smem:$0x3FAB]  }
0x31: {  	[smem:$0x3FB4] =	sst s10  }
0x32: {  	s10 =	sld [smem:$0x3FB2];
	_ =	sdelay $0x3  }
0x33: {  	p0 =	seq.s32 s10, $0x1;
	s10 =	sld [smem:$0x3FB4];
	_ =	sdelay $0x3  }
0x34: {  	[smem:$0x3FB4] =	sst s10  }
0x35: {  	s10 =	sld [smem:$0x3FB3];
	_ =	sdelay $0x3  }
0x36: {  	p1 =	seq.s32 s10, $0x1;
	s10 =	sld [smem:$0x3FB4];
	_ =	sdelay $0x3  }
0x37: {  	[smem:$0x3FB4] =	sst s10  }
0x38: {  	s10 =	sld [smem:$0x3FB5]  }
0x39: {  	_ = 	snop;
	(pc) =	sbr.ind lr, $3  }
0x3a: {  	_ = 	snop  }
0x3b: {  	_ = 	snop  }
0x3c: {  	p2 =	seq.s32 s10, $0x1;
	s10 =	sld [smem:$0x3FB4]  }
0x3d: {  	_ =	shalt  }
0x3e: {  	_ =	shalt  }
0x3f: {  	_ =	shalt  }
0x40: {  	_ =	shalt  }
0x41: {  	_ =	shalt  }
0x42: {  	_ =	shalt  }
0x43: {  	_ =	shalt  }
0x44: {  	_ =	shalt  }
0x45: {  	_ =	shalt  }
0x46: {  	_ =	shalt  }
0x47: {  	_ =	shalt  }
0x48: {  	_ =	shalt  }
0x49: {  	_ =	shalt  }
0x4a: {  	_ =	shalt  }
0x4b: {  	_ =	shalt  }
0x4c: {  	_ =	shalt  }
0x4d: {  	_ =	shalt  }
0x4e: {  	_ =	shalt  }
0x4f: {  	_ =	shalt  }
0x50: {  	_ =	shalt  }
0x51: {  	_ =	shalt  }
0x52: {  	_ =	shalt  }
0x53: {  	_ =	shalt  }
0x54: {  	_ =	shalt  }
0x55: {  	_ =	shalt  }
0x56: {  	_ =	shalt  }
0x57: {  	_ =	shalt  }
0x58: {  	_ =	shalt  }
0x59: {  	_ =	shalt  }
0x5a: {  	_ =	shalt  }
0x5b: {  	_ =	shalt  }
0x5c: {  	_ =	shalt  }
0x5d: {  	_ =	shalt  }
0x5e: {  	_ =	shalt  }
0x5f: {  	_ =	shalt  }
0x60: {  	_ =	shalt  }
0x61: {  	_ =	shalt  }
0x62: {  	_ =	shalt  }
0x63: {  	_ =	shalt  }
0x64: {  	_ =	shalt  }
0x65: {  	_ =	shalt  }
0x66: {  	_ =	shalt  }
0x67: {  	_ =	shalt  }
0x68: {  	_ =	shalt  }
0x69: {  	_ =	shalt  }
0x6a: {  	_ =	shalt  }
0x6b: {  	_ =	shalt  }
0x6c: {  	_ =	shalt  }
0x6d: {  	_ =	shalt  }
0x6e: {  	_ =	shalt  }
0x6f: {  	_ =	shalt  }
0x70: {  	_ =	shalt  }
0x71: {  	_ =	shalt  }
0x72: {  	_ =	shalt  }
0x73: {  	_ =	shalt  }
0x74: {  	_ =	shalt  }
0x75: {  	_ =	shalt  }
0x76: {  	_ =	shalt  }
0x77: {  	_ =	shalt  }
0x78: {  	_ =	shalt  }
0x79: {  	_ =	shalt  }
0x7a: {  	_ =	shalt  }
0x7b: {  	_ =	shalt  }
0x7c: {  	_ =	shalt  }
0x7d: {  	_ =	shalt  }
0x7e: {  	_ =	shalt  }
0x7f: {  	_ =	shalt  }
0x80: {  	_ =	shalt  }
0x81: {  	_ =	shalt  }
0x82: {  	_ =	shalt  }
0x83: {  	_ =	shalt  }
0x84: {  	_ =	shalt  }
0x85: {  	_ =	shalt  }
0x86: {  	_ =	shalt  }
0x87: {  	_ =	shalt  }
.Lfunc_end0:
.L_simem_size_0:
called_computation_lowered:
.L_overlay_start_0:
0x88: {  	s2 =	sld [smem:$0x3FD9]  }
0x89: {  	s3 =	sld [smem:$0x3FFE];
	_ =	sdelay $0x1  }
0x8a: {  	s1 =	srdreg.scid  }
0x8b: {  	s0 =	sand.u32 $0x1, s1  }
0x8c: {  	s16 =	sshll.u32 s0, $0xA;
	s2 =	sadd.s32 s3, s2  }
0x8d: {  	s2 =	sadd.s32 s2, s16  }
0x8e: {  	[smem:$0x3FC0] =	sst s2  }
0x8f: {  	_ = 	snop  }
0x90: {  	(tm) =	ssettm $0x1  }
0x91: {  	s17 =	sld [smem:$0x3FFB];
	_ =	sdelay $0x3  }
0x92: {  	_ =	strace s17  }
0x93: {  	s2 =	sld [smem:$0x3FFC];
	_ =	sdelay $0x3  }
0x94: {  	_ =	strace s2  }
0x95: {  	s2 =	sld [smem:$0x3FFD];
	_ =	sdelay $0x3  }
0x96: {  	_ =	strace s2  }
0x97: {  	_ =	strace $0x8FFFFFFF  }
0x98: {  	s18 =	sld [smem:$0x3FDB];
	_ =	sdelay $0x1  }
0x99: {  	s19 =	simm.s32 $_scs_section_size  }
0x9a: {  	s4 =	simm.s32 $_size__tile_overlayer_lowered;
	s5 =	simm.s32 $_tile_overlayer_lowered  }
0x9b: {  	s22 =	simm.s32 $0x1BFF;
	s21 =	sshll.u32 s5, $0x1;
	s2 =	sadd.s32 s19, s18  }
0x9c: {  	s6 =	simm.s32 $0x0;
	s20 =	sshll.u32 s4, $0x1;
	s4 =	sadd.s32 s21, s2  }
0x9d: {  	[timem:s6], [sflag:s22] =	dma.local [hbm:s4], s20  }
0x9e: {  	_ =	swait.ge [sflag:s22], s20  }
0x9f: {  	s3 =	ssub.s32 $0x0, s20;
	[sflag:s22] =	ssyncset.done $0x0  }
0xa0: {  	[sflag:s22] =	ssyncadd.s32 s3;
	_ =	sdelay $0x1  }
0xa1: {  	s23 =	simm.s32 $0x1B8B  }
0xa2: {  	_ =	swait.ge [sflag:s23], $0x1  }
0xa3: {  	[sflag:s23] =	ssyncset.done $0x0  }
0xa4: {  	s25 =	simm.s32 $0x1B8E;
	s24 =	sld [smem:$0x3FFE];
	[sflag:s23] =	ssyncadd.s32 $0xFFFFFFFF  }
0xa5: {  	s26 =	simm.s32 $execute0_lowered;
	[smem:$0x3FD2] =	sst s25  }
0xa6: {  	s4 =	sshll.u32 s26, $0x1;
	_ =	strace $0x80000046;
	[dreg:$0x1] =	wrdreg $0xFFFFFFFF  }
0xa7: {  	s28 =	simm.s32 $_size_execute0_lowered;
	s2 =	sadd.s32 s2, s4;
	[dreg:$0x0] =	wrdreg $0x0  }
0xa8: {  	s4 =	sshll.u32 s28, $0x1;
	[dreg:$0x2] =	wrdreg s2  }
0xa9: {  	[dreg:$0x3] =	wrdreg s4  }
0xaa: {  	[dreg:$0x4] =	wrdreg $0xC0  }
0xab: {  	_ =	task [dreg:s6], $0x5FFFF  }
0xac: {  	[dreg:$0x1] =	wrdreg $0xFFFFFFFF  }
0xad: {  	[dreg:$0x0] =	wrdreg $0x60  }
0xae: {  	[dreg:$0x2] =	wrdreg s24  }
0xaf: {  	[dreg:$0x3] =	wrdreg $0x9  }
0xb0: {  	_ =	task.clear_ibuf [dreg:s6], $0x4FFFF;
	_ =	strace $0x90000046  }
0xb1: {  	s29 =	simm.s32 $0x9;
	_ =	strace $0x80000048  }
0xb2: {  	_ =	swait.ge [sflag:s29], $0x1  }
0xb3: {  	[sflag:s29] =	ssyncadd.s32 $0xFFFFFFFF  }
0xb4: {  	_ =	strace $0x90000048  }
0xb5: {  	_ =	sfence  }
0xb6: {  	s30 =	sld [smem:$0x0];
	_ =	sdelay $0x2  }
0xb7: {  	s31 =	sshll.u32 s1, $0xD;
	s1 =	sshrl.u32 s1, $0x2  }
0xb8: {  	s3 =	sand.u32 $0x4000, s31;
	s1 =	sadd.s32 s1, s30  }
0xb9: {  	s0 =	sor.u32 s3, s0;
	s1 =	sshll.u32 s1, $0x11  }
0xba: {  	s0 =	sor.u32 s1, s0  }
0xbb: {  	s0 =	sadd.s32 $0x8F2B, s0  }
0xbc: {  	[sflag:s0] =	ssyncadd.remote.s32 $0x1  }
0xbd: {  	_ =	sfence.sel $0xFFFF  }
0xbe: {  	[dreg:$0x0] =	wrdreg $0xFFFFFFFF;
	(pc) =	sbr.abs _section_cstart, $3  }
0xbf: {  	[dreg:$0x1] =	wrdreg $0xFFFFFFFF  }
0xc0: {  	_ =	task.clear_ibuf [dreg:s6], $0x2FFFF;
	_ =	strace $0x9FFFFFFF  }
0xc1: {  	(tm) =	ssettm $0x7FFFFFFF  }
tec
execute0_lowered:
.L_overlay_start_1:
0x0: {  	(tag) =	ssettag $0x1  }
0x1: {  	s3 =	rddreg [dreg:$0x0];
	s1 =	simm.s32 $0x0  }
0x2: {  	s4 =	srdreg.scid;
	s2 =	stileid.u32;
	s15 =	simm.s32 $0x800  }
0x3: {  	s16 =	simm.s32 $0x10000;
	s17 =	simm.s32 $0x2;
	s18 =	simm.s32 $0x4  }
0x4: {  	s19 =	simm.s32 $0x11000;
	s20 =	simm.s32 $0x3;
	s21 =	simm.s32 $0x0  }
0x5: {  	[smem:$0x7FF] =	sst s1;
	s10 =	sadd.s32 $0x1600, s3;
	s5 =	sand.u32 $0x1, s4  }
0x6: {  	s3 =	sadd.s32 $0xC81600, s3;
	s4 =	sshll.u32 s2, $0x1;
	s8 =	sshll.u32 s2, $0xD  }
0x7: {  	_ =	strace $0x80000047;
	s6 =	ssub.s32 $0x2, s5;
	s5 =	sor.u32 s5, s4  }
0x8: {  	s8 =	sand.u32 $0x10000, s8;
	s7 =	sshrl.u32 s6, $0x1;
	s9 =	sshll.u32 s5, $0xC  }
0x9: {  	s11 =	sshll.u32 s5, $0x8;
	s8 =	sadd.s32 s10, s8;
	s31 =	sshll.u32 s5, $0xB  }
0xa: {  	s14 =	sand.u32 $0xF, s5;
	s12 =	sand.u32 $0xF000, s9;
	s11 =	sand.u32 $0xF00, s11  }
0xb: {  	s13 =	ssub.s32 s6, s7;
	s9 =	sand.u32 $0x7800, s31;
	p0 =	sne.s32 s14, $0x0  }
0xc: {  	s14 =	simm.s32 $0x1;
	s6 =	sadd.s32 s12, s8;
	s30 =	sshll.u32 s11, $0x4  }
0xd: {  	v1 =	vlaneseq.u32;
	s8 =	sor.u32 $0x40, s4;
	s11 =	sadd.s32 s3, s11;
	s7 =	sadd.s32 s10, s30  }
0xe: {  	v0 =	vimm.f32 $0.0e+00;
	v1 =	vmul.u32 $0x80, v1;
	s10 =	sadd.s32 s10, s12;
	s12 =	smax.u32 s13, $0x1;
	s13 =	simm.s32 $0x8000  }
.LBB2_1:
0xf: {  	s22 =	sand.u32 $0x70, s1;
	s23 =	sand.u32 $0x400, s1  }
0x10: {  	s22 =	sor.u32 s22, s23  }
0x11: {  	[tilespmem:s22+$0x11B80] =	vst v0  }
0x12: {  	[tilespmem:s22+$0x10980] =	vst v0  }
0x13: {  	[tilespmem:s22+$0x10A00] =	vst v0  }
0x14: {  	[tilespmem:s22+$0x10A80] =	vst v0  }
0x15: {  	[tilespmem:s22+$0x10B00] =	vst v0  }
0x16: {  	[tilespmem:s22+$0x10B80] =	vst v0  }
0x17: {  	[tilespmem:s22+$0x11980] =	vst v0  }
0x18: {  	s24 =	simm.s32 $0x10;
	s23 =	simm.s32 $0x80;
	[tilespmem:s22+$0x11A00] =	vst v0  }
0x19: {  	s25 =	sand.u32 $0x70, s24;
	s24 =	simm.s32 $0x20;
	s26 =	sand.u32 $0x400, s23;
	[tilespmem:s22+$0x11A80] =	vst v0  }
.LBB2_2:
0x1a: {  	p1 =	sne.s32 s24, $0xF0;
	[tilespmem:s22+$0x11B00] =	vst v0;
	s22 =	sor.u32 s25, s26  }
0x1b: {  	[tilespmem:s22+$0x11B80] =	vst v0  }
0x1c: {  	[tilespmem:s22+$0x10980] =	vst v0  }
0x1d: {  	[tilespmem:s22+$0x10A00] =	vst v0  }
0x1e: {  	[tilespmem:s22+$0x10A80] =	vst v0  }
.Ltmp0:
0x1f: {  	[tilespmem:s22+$0x10B00] =	vst v0;
	(pc) =	sbr.rel @p1 .LBB2_2-.Ltmp0, $4  }
0x20: {  	[tilespmem:s22+$0x10B80] =	vst v0  }
0x21: {  	[tilespmem:s22+$0x11980] =	vst v0  }
0x22: {  	s23 =	sadd.s32 $0x80, s23;
	[tilespmem:s22+$0x11A00] =	vst v0  }
0x23: {  	s25 =	sand.u32 $0x70, s24;
	s24 =	sadd.s32 $0x10, s24;
	s26 =	sand.u32 $0x400, s23;
	[tilespmem:s22+$0x11A80] =	vst v0  }
0x24: {  	s23 =	sor.u32 s25, s26;
	[tilespmem:s22+$0x11B00] =	vst v0  }
0x25: {  	[tilespmem:s23+$0x11B80] =	vst v0  }
0x26: {  	[tilespmem:s23+$0x10980] =	vst v0  }
0x27: {  	[tilespmem:s23+$0x10A00] =	vst v0  }
0x28: {  	[tilespmem:s23+$0x10A80] =	vst v0  }
0x29: {  	[tilespmem:s23+$0x10B00] =	vst v0  }
0x2a: {  	[tilespmem:s23+$0x10B80] =	vst v0  }
0x2b: {  	[tilespmem:s23+$0x11980] =	vst v0  }
0x2c: {  	[tilespmem:s23+$0x11A00] =	vst v0  }
0x2d: {  	[tilespmem:s23+$0x11A80] =	vst v0  }
0x2e: {  	s22 =	simm.s32 $0x0;
	[tilespmem:s23+$0x11B00] =	vst v0;
	s23 =	simm.s32 $0x0  }
0x2f: {  	[tilespmem:s22], [sflag:$0x1] =	stream.linear.gather [hbm4b:s6+s22], $0x8000, $0x38;
	[tilespmem:$0x12000] =	vst v63  }
.LBB2_4:
0x30: {  	s25 =	sshll.u32 s23, $0x6  }
0x31: {  	s24 =	sor.u32 s4, s25  }
0x32: {  	s24 =	sshrl.u32 s24, $0x4  }
0x33: {  	s24 =	sor.u32 $0x2, s24  }
0x34: {  	s26 =	sshll.u32 s24, $0x10  }
0x35: {  	s26 =	sadd.s32 s26, s7  }
0x36: {  	v2 =	vmov s22;
	[tilespmem:s13], [sflag:$0x2] =	stream.linear.gather [hbm4b:s26+s1], $0x8000, $0x38;
	[tilespmem:$0x12000] =	vst v63  }
0x37: {  	v2 =	vshll.u32 v2, $0x7;
	_ =	swait.ge [sflag:s14], $0x8000  }
0x38: {  	p1 =	seq.s32 s23, $0x0;
	v2 =	vor.u32 v1, v2;
	[sflag:s14] =	ssyncset.done $0x0  }
0x39: {  	s26 =	simm.s32 @!p1 $0x3;
	[sflag:s14] =	ssyncadd.s32 $0xFFFF8000  }
0x3a: {  	_ =	swait.ge @!p1 [sflag:s26], $0x1000  }
0x3b: {  	[sflag:s26] =	ssyncset.done @!p1 $0x0  }
0x3c: {  	[sflag:s26] =	ssyncadd.s32 @!p1 $0xFFFFF000  }
0x3d: {  	v3 =	vld.idx.msk [tilespmem:v2+s1+$0x0], $0xffff  }
0x3e: {  	v4 =	vor.u32 $0x1, v2;
	_ =	sdelay $0x1  }
0x3f: {  	s0 =	sand.u32 $0x70, s22;
	s28 =	sand.u32 $0x400, s22  }
0x40: {  	s29 =	sor.u32 s0, s28  }
0x41: {  	[tilespmem:s29+$0x10000] =	vst v3  }
0x42: {  	v3 =	vld.idx.msk [tilespmem:v4+s1+$0x0], $0xffff  }
0x43: {  	v4 =	vor.u32 $0x2, v2;
	_ =	sdelay $0x3  }
0x44: {  	[tilespmem:s29+$0x10080] =	vst v3  }
0x45: {  	v3 =	vld.idx.msk [tilespmem:v4+s1+$0x0], $0xffff  }
0x46: {  	v4 =	vor.u32 $0x3, v2;
	_ =	sdelay $0x3  }
0x47: {  	[tilespmem:s29+$0x10100] =	vst v3  }
0x48: {  	v3 =	vld.idx.msk [tilespmem:v4+s1+$0x0], $0xffff  }
0x49: {  	v4 =	vor.u32 $0x4, v2;
	_ =	sdelay $0x3  }
0x4a: {  	[tilespmem:s29+$0x10180] =	vst v3  }
0x4b: {  	v3 =	vld.idx.msk [tilespmem:v4+s1+$0x0], $0xffff  }
0x4c: {  	v4 =	vor.u32 $0x5, v2;
	_ =	sdelay $0x3  }
0x4d: {  	[tilespmem:s29+$0x10200] =	vst v3  }
0x4e: {  	v3 =	vld.idx.msk [tilespmem:v4+s1+$0x0], $0xffff  }
0x4f: {  	v4 =	vor.u32 $0x6, v2;
	_ =	sdelay $0x3  }
0x50: {  	[tilespmem:s29+$0x10280] =	vst v3  }
0x51: {  	v3 =	vld.idx.msk [tilespmem:v4+s1+$0x0], $0xffff  }
0x52: {  	v4 =	vor.u32 $0x7, v2;
	_ =	sdelay $0x3  }
0x53: {  	[tilespmem:s29+$0x10300] =	vst v3  }
0x54: {  	v3 =	vld.idx.msk [tilespmem:v4+s1+$0x0], $0xffff  }
0x55: {  	v4 =	vor.u32 $0x8, v2;
	_ =	sdelay $0x1  }
0x56: {  	s0 =	sor.u32 s22, s22  }
0x57: {  	s26 =	sor.u32 $0x380, s0  }
0x58: {  	[tilespmem:s26+$0x10000] =	vst v3  }
0x59: {  	v3 =	vld.idx.msk [tilespmem:v4+s1+$0x0], $0xffff  }
0x5a: {  	v4 =	vor.u32 $0x9, v2;
	_ =	sdelay $0x3  }
0x5b: {  	[tilespmem:s29+$0x10800] =	vst v3  }
0x5c: {  	v3 =	vld.idx.msk [tilespmem:v4+s1+$0x0], $0xffff  }
0x5d: {  	s0 =	sor.u32 s5, s25;
	v2 =	vor.u32 $0xA, v2  }
0x5e: {  	p2 =	seq.s32 s0, $0x0  }
0x5f: {  	p2 =	por !p0, !p2  }
0x60: {  	s30 =	simm.s32 $0x1;
	p2 =	por !p2, !p2  }
0x61: {  	s28 =	simm.s32 $0x10;
	s30 =	simm.s32 @!p2 $0x0;
	s26 =	sshrl.u32 s0, $0x4;
	[tilespmem:s29+$0x10880] =	vst v3  }
0x62: {  	s31 =	simm.s32 $0x20;
	s26 =	ssub.s32 s26, s30;
	s30 =	simm.s32 $0x0;
	v3 =	vmov s28;
	v2 =	vld.idx.msk [tilespmem:v2+s1+$0x0], $0xffff  }
.LBB2_5:
0x63: {  	p2 =	sne.s32 s31, $0xF0;
	v3 =	vshll.u32 v3, $0x7  }
0x64: {  	v3 =	vor.u32 v1, v3;
	_ =	sdelay $0x3  }
0x65: {  	[tilespmem:s29+$0x10900] =	vst v2  }
0x66: {  	v2 =	vld.idx.msk [tilespmem:v3+s1+$0x0], $0xffff;
	_ =	sdelay $0x1  }
0x67: {  	v4 =	vor.u32 $0x1, v3  }
0x68: {  	s30 =	sadd.s32 $0x80, s30  }
0x69: {  	s0 =	sand.u32 $0x400, s30;
	s29 =	sand.u32 $0x70, s28  }
0x6a: {  	s29 =	sor.u32 s29, s0  }
0x6b: {  	[tilespmem:s29+$0x10000] =	vst v2  }
0x6c: {  	v2 =	vld.idx.msk [tilespmem:v4+s1+$0x0], $0xffff;
	_ =	sdelay $0x1  }
0x6d: {  	v4 =	vor.u32 $0x2, v3;
	_ =	sdelay $0x3  }
0x6e: {  	[tilespmem:s29+$0x10080] =	vst v2  }
0x6f: {  	v2 =	vld.idx.msk [tilespmem:v4+s1+$0x0], $0xffff;
	_ =	sdelay $0x1  }
0x70: {  	v4 =	vor.u32 $0x3, v3;
	_ =	sdelay $0x3  }
0x71: {  	[tilespmem:s29+$0x10100] =	vst v2  }
0x72: {  	v2 =	vld.idx.msk [tilespmem:v4+s1+$0x0], $0xffff;
	_ =	sdelay $0x1  }
0x73: {  	v4 =	vor.u32 $0x4, v3;
	_ =	sdelay $0x3  }
0x74: {  	[tilespmem:s29+$0x10180] =	vst v2  }
0x75: {  	v2 =	vld.idx.msk [tilespmem:v4+s1+$0x0], $0xffff;
	_ =	sdelay $0x1  }
0x76: {  	v4 =	vor.u32 $0x5, v3;
	_ =	sdelay $0x3  }
0x77: {  	[tilespmem:s29+$0x10200] =	vst v2  }
0x78: {  	v2 =	vld.idx.msk [tilespmem:v4+s1+$0x0], $0xffff;
	_ =	sdelay $0x1  }
0x79: {  	v4 =	vor.u32 $0x6, v3;
	_ =	sdelay $0x3  }
0x7a: {  	[tilespmem:s29+$0x10280] =	vst v2  }
0x7b: {  	v2 =	vld.idx.msk [tilespmem:v4+s1+$0x0], $0xffff;
	_ =	sdelay $0x1  }
0x7c: {  	v4 =	vor.u32 $0x7, v3;
	_ =	sdelay $0x3  }
0x7d: {  	[tilespmem:s29+$0x10300] =	vst v2  }
0x7e: {  	v2 =	vld.idx.msk [tilespmem:v4+s1+$0x0], $0xffff;
	_ =	sdelay $0x1  }
0x7f: {  	v4 =	vor.u32 $0x8, v3;
	_ =	sdelay $0x1  }
0x80: {  	s0 =	sor.u32 s30, s28;
	s28 =	smov.u32 s31  }
0x81: {  	s0 =	sor.u32 $0x380, s0  }
0x82: {  	[tilespmem:s0+$0x10000] =	vst v2  }
0x83: {  	v2 =	vld.idx.msk [tilespmem:v4+s1+$0x0], $0xffff;
	_ =	sdelay $0x1  }
0x84: {  	v4 =	vor.u32 $0x9, v3;
	_ =	sdelay $0x3  }
0x85: {  	[tilespmem:s29+$0x10800] =	vst v2  }
0x86: {  	v2 =	vld.idx.msk [tilespmem:v4+s1+$0x0], $0xffff;
	_ =	sdelay $0x1  }
0x87: {  	v4 =	vor.u32 $0xA, v3  }
.Ltmp1:
0x88: {  	(pc) =	sbr.rel @p2 .LBB2_5-.Ltmp1, $3  }
0x89: {  	_ =	sdelay $0x1  }
0x8a: {  	[tilespmem:s29+$0x10880] =	vst v2  }
0x8b: {  	s31 =	sadd.s32 $0x10, s31;
	v3 =	vmov s28;
	v2 =	vld.idx.msk [tilespmem:v4+s1+$0x0], $0xffff  }
0x8c: {  	v3 =	vshll.u32 v3, $0x7  }
0x8d: {  	v3 =	vor.u32 v1, v3;
	_ =	sdelay $0x3  }
0x8e: {  	[tilespmem:s29+$0x10900] =	vst v2  }
0x8f: {  	v2 =	vld.idx.msk [tilespmem:v3+s1+$0x0], $0xffff  }
0x90: {  	v4 =	vor.u32 $0x1, v3  }
0x91: {  	s0 =	sadd.s32 $0x80, s30  }
0x92: {  	s31 =	sand.u32 $0x70, s28;
	s30 =	sand.u32 $0x400, s0  }
0x93: {  	s29 =	sor.u32 s31, s30  }
0x94: {  	[tilespmem:s29+$0x10000] =	vst v2  }
0x95: {  	v2 =	vld.idx.msk [tilespmem:v4+s1+$0x0], $0xffff  }
0x96: {  	v56 =	vor.u32 $0x2, v3;
	_ =	sdelay $0x3  }
0x97: {  	[tilespmem:s29+$0x10080] =	vst v2  }
0x98: {  	v2 =	vld.idx.msk [tilespmem:v56+s1+$0x0], $0xffff  }
0x99: {  	v57 =	vor.u32 $0x3, v3;
	_ =	sdelay $0x3  }
0x9a: {  	[tilespmem:s29+$0x10100] =	vst v2  }
0x9b: {  	v2 =	vld.idx.msk [tilespmem:v57+s1+$0x0], $0xffff  }
0x9c: {  	v58 =	vor.u32 $0x4, v3;
	_ =	sdelay $0x3  }
0x9d: {  	[tilespmem:s29+$0x10180] =	vst v2  }
0x9e: {  	v2 =	vld.idx.msk [tilespmem:v58+s1+$0x0], $0xffff  }
0x9f: {  	v59 =	vor.u32 $0x5, v3;
	_ =	sdelay $0x3  }
0xa0: {  	[tilespmem:s29+$0x10200] =	vst v2  }
0xa1: {  	v2 =	vld.idx.msk [tilespmem:v59+s1+$0x0], $0xffff  }
0xa2: {  	v60 =	vor.u32 $0x6, v3;
	_ =	sdelay $0x3  }
0xa3: {  	[tilespmem:s29+$0x10280] =	vst v2  }
0xa4: {  	v2 =	vld.idx.msk [tilespmem:v60+s1+$0x0], $0xffff  }
0xa5: {  	v61 =	vor.u32 $0x7, v3;
	_ =	sdelay $0x3  }
0xa6: {  	[tilespmem:s29+$0x10300] =	vst v2  }
0xa7: {  	v2 =	vld.idx.msk [tilespmem:v61+s1+$0x0], $0xffff  }
0xa8: {  	v62 =	vor.u32 $0x8, v3;
	_ =	sdelay $0x1  }
0xa9: {  	s0 =	sor.u32 s0, s28  }
0xaa: {  	s0 =	sor.u32 $0x380, s0  }
0xab: {  	[tilespmem:s0+$0x10000] =	vst v2  }
0xac: {  	v2 =	vld.idx.msk [tilespmem:v62+s1+$0x0], $0xffff  }
0xad: {  	v63 =	vor.u32 $0x9, v3;
	_ =	sdelay $0x3  }
0xae: {  	[tilespmem:s29+$0x10800] =	vst v2  }
0xaf: {  	v2 =	vld.idx.msk [tilespmem:v63+s1+$0x0], $0xffff  }
0xb0: {  	v3 =	vor.u32 $0xA, v3;
	_ =	sdelay $0x3  }
0xb1: {  	[tilespmem:s29+$0x10880] =	vst v2  }
0xb2: {  	v2 =	vld.idx.msk [tilespmem:v3+s1+$0x0], $0xffff  }
0xb3: {  	p2 =	sne.s32 s23, $0x18  }
.Ltmp2:
0xb4: {  	s31 =	sshll.u32 s26, $0x10;
	(pc) =	sbr.rel @p2 .LBB2_8-.Ltmp2, $4  }
0xb5: {  	s0 =	sor.u32 s9, s31  }
0xb6: {  	s0 =	sshrl.u32 s0, $0x3  }
0xb7: {  	s0 =	sadd.s32 s3, s0;
	[tilespmem:s29+$0x10900] =	vst v2  }
0xb8: {  	[hbm4b:s0+s15] =	stream.strided.scatter [tilespmem:s16], [sflag:$0x3], $0x1000, s13, s15, $0x38;
	[tilespmem:$0x12000] =	vst v63  }
.Ltmp3:
0xb9: {  	(pc) =	sbr.rel .LBB2_9-.Ltmp3, $4  }
0xba: {  	_ = 	snop  }
0xbb: {  	_ =	swait.ge [sflag:s17], $0x8000  }
0xbc: {  	[sflag:s17] =	ssyncset.done $0x0  }
0xbd: {  	[sflag:s17] =	ssyncadd.s32 $0xFFFF8000  }
.LBB2_8:
0xbe: {  	s0 =	sadd.s32 s8, s25  }
0xbf: {  	s0 =	sshll.u32 s0, $0xC  }
0xc0: {  	s0 =	sand.u32 $0xFD0000, s0  }
.Ltmp4:
0xc1: {  	s0 =	sadd.s32 s0, s10;
	(pc) =	sbr.rel @p1 .LBB2_10-.Ltmp4, $4  }
0xc2: {  	[tilespmem:s1], [sflag:$0x1] =	stream.linear.gather [hbm4b:s0+s1], $0x8000, $0x38;
	[tilespmem:$0x12000] =	vst v63  }
0xc3: {  	_ =	swait.ge [sflag:s17], $0x8000  }
0xc4: {  	[sflag:s17] =	ssyncset.done $0x0  }
0xc5: {  	[sflag:s17] =	ssyncadd.s32 $0xFFFF8000  }
.LBB2_9:
0xc6: {  	_ =	swait.ge [sflag:s18], $0x1000  }
0xc7: {  	[sflag:s18] =	ssyncset.done $0x0  }
0xc8: {  	[sflag:s18] =	ssyncadd.s32 $0xFFFFF000  }
.LBB2_10:
0xc9: {  	s25 =	simm.s32 $0x0  }
0xca: {  	v2 =	vmov s25  }
0xcb: {  	v2 =	vshll.u32 v2, $0x7  }
0xcc: {  	v2 =	vor.u32 v1, v2;
	_ =	sdelay $0x4  }
0xcd: {  	v3 =	vld.idx.msk [tilespmem:v2+s13+$0x0], $0xffff  }
0xce: {  	v4 =	vor.u32 $0x1, v2;
	_ =	sdelay $0x1  }
0xcf: {  	s0 =	sand.u32 $0x70, s25;
	s26 =	sand.u32 $0x400, s25  }
0xd0: {  	s26 =	sor.u32 s0, s26  }
0xd1: {  	[tilespmem:s26+$0x11000] =	vst v3  }
0xd2: {  	v3 =	vld.idx.msk [tilespmem:v4+s13+$0x0], $0xffff  }
0xd3: {  	v4 =	vor.u32 $0x2, v2;
	_ =	sdelay $0x3  }
0xd4: {  	[tilespmem:s26+$0x11080] =	vst v3  }
0xd5: {  	v3 =	vld.idx.msk [tilespmem:v4+s13+$0x0], $0xffff  }
0xd6: {  	v4 =	vor.u32 $0x3, v2;
	_ =	sdelay $0x3  }
0xd7: {  	[tilespmem:s26+$0x11100] =	vst v3  }
0xd8: {  	v3 =	vld.idx.msk [tilespmem:v4+s13+$0x0], $0xffff  }
0xd9: {  	v4 =	vor.u32 $0x4, v2;
	_ =	sdelay $0x3  }
0xda: {  	[tilespmem:s26+$0x11180] =	vst v3  }
0xdb: {  	v3 =	vld.idx.msk [tilespmem:v4+s13+$0x0], $0xffff  }
0xdc: {  	v4 =	vor.u32 $0x5, v2;
	_ =	sdelay $0x3  }
0xdd: {  	[tilespmem:s26+$0x11200] =	vst v3  }
0xde: {  	v3 =	vld.idx.msk [tilespmem:v4+s13+$0x0], $0xffff  }
0xdf: {  	v4 =	vor.u32 $0x6, v2;
	_ =	sdelay $0x3  }
0xe0: {  	[tilespmem:s26+$0x11280] =	vst v3  }
0xe1: {  	v3 =	vld.idx.msk [tilespmem:v4+s13+$0x0], $0xffff  }
0xe2: {  	v4 =	vor.u32 $0x7, v2;
	_ =	sdelay $0x3  }
0xe3: {  	[tilespmem:s26+$0x11300] =	vst v3  }
0xe4: {  	v3 =	vld.idx.msk [tilespmem:v4+s13+$0x0], $0xffff  }
0xe5: {  	v4 =	vor.u32 $0x8, v2;
	_ =	sdelay $0x3  }
0xe6: {  	[tilespmem:s26+$0x11380] =	vst v3  }
0xe7: {  	v3 =	vld.idx.msk [tilespmem:v4+s13+$0x0], $0xffff  }
0xe8: {  	v4 =	vor.u32 $0x9, v2;
	_ =	sdelay $0x3  }
0xe9: {  	[tilespmem:s26+$0x11800] =	vst v3  }
0xea: {  	v3 =	vld.idx.msk [tilespmem:v4+s13+$0x0], $0xffff  }
0xeb: {  	v2 =	vor.u32 $0xA, v2;
	_ =	sdelay $0x3  }
0xec: {  	s28 =	simm.s32 $0x10;
	[tilespmem:s26+$0x11880] =	vst v3  }
0xed: {  	s29 =	simm.s32 $0x20;
	v3 =	vmov s28;
	v2 =	vld.idx.msk [tilespmem:v2+s13+$0x0], $0xffff  }
.LBB2_11:
0xee: {  	p1 =	sne.s32 s29, $0xF0;
	v3 =	vshll.u32 v3, $0x7  }
0xef: {  	v3 =	vor.u32 v1, v3;
	_ =	sdelay $0x3  }
0xf0: {  	[tilespmem:s26+$0x11900] =	vst v2  }
0xf1: {  	v2 =	vld.idx.msk [tilespmem:v3+s13+$0x0], $0xffff;
	_ =	sdelay $0x1  }
0xf2: {  	v4 =	vor.u32 $0x1, v3  }
0xf3: {  	s25 =	sadd.s32 $0x80, s25  }
0xf4: {  	s0 =	sand.u32 $0x70, s28;
	s28 =	smov.u32 s29;
	s26 =	sand.u32 $0x400, s25  }
0xf5: {  	s26 =	sor.u32 s0, s26  }
0xf6: {  	[tilespmem:s26+$0x11000] =	vst v2  }
0xf7: {  	v2 =	vld.idx.msk [tilespmem:v4+s13+$0x0], $0xffff;
	_ =	sdelay $0x1  }
0xf8: {  	v4 =	vor.u32 $0x2, v3;
	_ =	sdelay $0x3  }
0xf9: {  	[tilespmem:s26+$0x11080] =	vst v2  }
0xfa: {  	v2 =	vld.idx.msk [tilespmem:v4+s13+$0x0], $0xffff;
	_ =	sdelay $0x1  }
0xfb: {  	v4 =	vor.u32 $0x3, v3;
	_ =	sdelay $0x3  }
0xfc: {  	[tilespmem:s26+$0x11100] =	vst v2  }
0xfd: {  	v2 =	vld.idx.msk [tilespmem:v4+s13+$0x0], $0xffff;
	_ =	sdelay $0x1  }
0xfe: {  	v4 =	vor.u32 $0x4, v3;
	_ =	sdelay $0x3  }
0xff: {  	[tilespmem:s26+$0x11180] =	vst v2  }
0x100: {  	v2 =	vld.idx.msk [tilespmem:v4+s13+$0x0], $0xffff;
	_ =	sdelay $0x1  }
0x101: {  	v4 =	vor.u32 $0x5, v3;
	_ =	sdelay $0x3  }
0x102: {  	[tilespmem:s26+$0x11200] =	vst v2  }
0x103: {  	v2 =	vld.idx.msk [tilespmem:v4+s13+$0x0], $0xffff;
	_ =	sdelay $0x1  }
0x104: {  	v4 =	vor.u32 $0x6, v3;
	_ =	sdelay $0x3  }
0x105: {  	[tilespmem:s26+$0x11280] =	vst v2  }
0x106: {  	v2 =	vld.idx.msk [tilespmem:v4+s13+$0x0], $0xffff;
	_ =	sdelay $0x1  }
0x107: {  	v4 =	vor.u32 $0x7, v3;
	_ =	sdelay $0x3  }
0x108: {  	[tilespmem:s26+$0x11300] =	vst v2  }
0x109: {  	v2 =	vld.idx.msk [tilespmem:v4+s13+$0x0], $0xffff;
	_ =	sdelay $0x1  }
0x10a: {  	v4 =	vor.u32 $0x8, v3;
	_ =	sdelay $0x3  }
0x10b: {  	[tilespmem:s26+$0x11380] =	vst v2  }
0x10c: {  	v2 =	vld.idx.msk [tilespmem:v4+s13+$0x0], $0xffff;
	_ =	sdelay $0x1  }
0x10d: {  	v4 =	vor.u32 $0x9, v3;
	_ =	sdelay $0x3  }
0x10e: {  	[tilespmem:s26+$0x11800] =	vst v2  }
0x10f: {  	v2 =	vld.idx.msk [tilespmem:v4+s13+$0x0], $0xffff;
	_ =	sdelay $0x1  }
0x110: {  	v4 =	vor.u32 $0xA, v3  }
.Ltmp5:
0x111: {  	(pc) =	sbr.rel @p1 .LBB2_11-.Ltmp5, $3  }
0x112: {  	_ =	sdelay $0x1  }
0x113: {  	[tilespmem:s26+$0x11880] =	vst v2  }
0x114: {  	s29 =	sadd.s32 $0x10, s29;
	v3 =	vmov s28;
	v2 =	vld.idx.msk [tilespmem:v4+s13+$0x0], $0xffff  }
0x115: {  	v3 =	vshll.u32 v3, $0x7  }
0x116: {  	v3 =	vor.u32 v1, v3;
	_ =	sdelay $0x3  }
0x117: {  	[tilespmem:s26+$0x11900] =	vst v2  }
0x118: {  	v2 =	vld.idx.msk [tilespmem:v3+s13+$0x0], $0xffff  }
0x119: {  	v4 =	vor.u32 $0x1, v3  }
0x11a: {  	s0 =	sadd.s32 $0x80, s25  }
0x11b: {  	s30 =	sand.u32 $0x70, s28;
	s0 =	sand.u32 $0x400, s0  }
0x11c: {  	s0 =	sor.u32 s30, s0  }
0x11d: {  	[tilespmem:s0+$0x11000] =	vst v2  }
0x11e: {  	v2 =	vld.idx.msk [tilespmem:v4+s13+$0x0], $0xffff  }
0x11f: {  	v56 =	vor.u32 $0x2, v3;
	_ =	sdelay $0x3  }
0x120: {  	[tilespmem:s0+$0x11080] =	vst v2  }
0x121: {  	v2 =	vld.idx.msk [tilespmem:v56+s13+$0x0], $0xffff  }
0x122: {  	v57 =	vor.u32 $0x3, v3;
	_ =	sdelay $0x3  }
0x123: {  	[tilespmem:s0+$0x11100] =	vst v2  }
0x124: {  	v2 =	vld.idx.msk [tilespmem:v57+s13+$0x0], $0xffff  }
0x125: {  	v58 =	vor.u32 $0x4, v3;
	_ =	sdelay $0x3  }
0x126: {  	[tilespmem:s0+$0x11180] =	vst v2  }
0x127: {  	v2 =	vld.idx.msk [tilespmem:v58+s13+$0x0], $0xffff  }
0x128: {  	v59 =	vor.u32 $0x5, v3;
	_ =	sdelay $0x3  }
0x129: {  	[tilespmem:s0+$0x11200] =	vst v2  }
0x12a: {  	v2 =	vld.idx.msk [tilespmem:v59+s13+$0x0], $0xffff  }
0x12b: {  	v60 =	vor.u32 $0x6, v3;
	_ =	sdelay $0x3  }
0x12c: {  	[tilespmem:s0+$0x11280] =	vst v2  }
0x12d: {  	v2 =	vld.idx.msk [tilespmem:v60+s13+$0x0], $0xffff  }
0x12e: {  	v61 =	vor.u32 $0x7, v3;
	_ =	sdelay $0x3  }
0x12f: {  	[tilespmem:s0+$0x11300] =	vst v2  }
0x130: {  	v2 =	vld.idx.msk [tilespmem:v61+s13+$0x0], $0xffff  }
0x131: {  	v62 =	vor.u32 $0x8, v3;
	_ =	sdelay $0x3  }
0x132: {  	[tilespmem:s0+$0x11380] =	vst v2  }
0x133: {  	v2 =	vld.idx.msk [tilespmem:v62+s13+$0x0], $0xffff  }
0x134: {  	v63 =	vor.u32 $0x9, v3;
	_ =	sdelay $0x3  }
0x135: {  	[tilespmem:s0+$0x11800] =	vst v2  }
0x136: {  	v2 =	vld.idx.msk [tilespmem:v63+s13+$0x0], $0xffff  }
0x137: {  	v3 =	vor.u32 $0xA, v3;
	_ =	sdelay $0x3  }
0x138: {  	[tilespmem:s0+$0x11880] =	vst v2  }
0x139: {  	s23 =	sadd.s32 $0x1, s23;
	v2 =	vld.idx.msk [tilespmem:v3+s13+$0x0], $0xffff  }
0x13a: {  	p1 =	sne.s32 s23, $0x19  }
.Ltmp6:
0x13b: {  	_ = 	snop;
	(pc) =	sbr.rel @p1 .LBB2_4-.Ltmp6, $4  }
0x13c: {  	_ = 	snop  }
0x13d: {  	s24 =	sshll.u32 s24, $0xD  }
0x13e: {  	s31 =	sadd.s32 s24, s11;
	[tilespmem:s0+$0x11900] =	vst v2  }
0x13f: {  	[hbm4b:s31+s15] =	stream.strided.scatter [tilespmem:s19], [sflag:$0x4], $0x1000, s13, s15, $0x38;
	[tilespmem:$0x12000] =	vst v63  }
0x140: {  	s21 =	sadd.s32 $0x1, s21  }
0x141: {  	_ =	swait.ge [sflag:s20], $0x1000;
	p1 =	sne.s32 s21, s12  }
.Ltmp7:
0x142: {  	[sflag:s20] =	ssyncset.done $0x0;
	(pc) =	sbr.rel @p1 .LBB2_1-.Ltmp7, $4  }
0x143: {  	[sflag:s20] =	ssyncadd.s32 $0xFFFFF000  }
0x144: {  	_ =	swait.ge [sflag:s18], $0x1000  }
0x145: {  	[sflag:s18] =	ssyncset.done $0x0  }
0x146: {  	[sflag:s18] =	ssyncadd.s32 $0xFFFFF000  }
0x147: {  	_ =	sfence.sel $0x180000  }
0x148: {  	[bflag:$0x0] =	sbarrier.arrive $0xFFFF  }
0x149: {  	_ =	strace $0x90000047  }
0x14a: {  	[bflag:$0x2] =	sbarrier.arrive $0xFFFF  }
0x14b: {  	p0 =	sne.s32 s2, $0x0;
	s0 =	rddreg [dreg:$0x1]  }
0x14c: {  	s0 =	sadd.s32 @!p0 $0x100000, s0  }
0x14d: {  	[sflag:s0] =	ssyncadd.tile.s32 @!p0 $0x1;
	_ =	shalt  }
.Lfunc_end2:
_tile_overlayer_lowered:
.L_overlay_start_2:
0x14e: {  	(tag) =	ssettag $0x2  }
0x14f: {  	s0 =	rddreg [dreg:$0x0];
	s2 =	stileid.u32  }
0x150: {  	s1 =	rddreg [dreg:$0x1];
	p0 =	sne.s32 s2, $0x0  }
0x151: {  	s3 =	rddreg [dreg:$0x2];
	[bflag:$0x3] =	sbarrier.arrive $0xFFFF;
	s2 =	simm.s32 @!p0 $0x1C05  }
0x152: {  	[timem:s3], [sflag:s2] =	dma.local @!p0 [hbm:s0], s1  }
0x153: {  	s0 =	simm.s32 @!p0 $0x5  }
0x154: {  	_ =	swait.ge @!p0 [sflag:s0], s1  }
0x155: {  	s1 =	ssub.s32 @!p0 $0x0, s1;
	[sflag:s0] =	ssyncset.done @!p0 $0x0  }
0x156: {  	[sflag:s0] =	ssyncadd.s32 @!p0 s1  }
0x157: {  	[bflag:$0x3] =	sbarrier.arrive $0xFFFF  }
0x158: {  	_ =	shalt  }

// kernel: kernel.9.cloned.1.call-start
scs
__scs_entry_jumppad:
0x0: {  	(pc) =	sbr.rel $0x88, $3  }
0x1: {  	(tag) =	ssettag $0x0;
	lr =	simm.s32 $0x1  }
0x2: {  	[smem:$0x3F99] =	sst lr;
	_ =	strace $0xD0000000  }
0x3: {  	_ = 	snop  }
0x4: {  	_ = 	snop  }
0x5: {  	_ = 	snop  }
0x6: {  	_ = 	snop  }
0x7: {  	_ = 	snop  }
__scs_overlays_trampoline_lowered:
0x8: {  	[smem:$0x3FA8] =	sst s0  }
0x9: {  	[smem:$0x3FA9] =	sst s1  }
0xa: {  	[smem:$0x3FAA] =	sst s2  }
0xb: {  	[smem:$0x3FAB] =	sst s3  }
0xc: {  	[smem:$0x3FAC] =	sst s4  }
0xd: {  	[smem:$0x3FAD] =	sst s5  }
0xe: {  	[smem:$0x3FAE] =	sst s6  }
0xf: {  	[smem:$0x3FAF] =	sst s7  }
0x10: {  	[smem:$0x3FB0] =	sst s8  }
0x11: {  	[smem:$0x3FB1] =	sst s9;
	s0 =	simm.s32 @!p0 $0x0  }
0x12: {  	s1 =	sld [smem:$0x3F97];
	s0 =	simm.s32 @p0 $0x1  }
0x13: {  	[smem:$0x3FB2] =	sst s0;
	s0 =	simm.s32 @!p1 $0x0  }
0x14: {  	s2 =	sld [smem:$0x3F96];
	s0 =	simm.s32 @p1 $0x1  }
0x15: {  	[smem:$0x3FB3] =	sst s0;
	s0 =	simm.s32 @!p2 $0x0  }
0x16: {  	s3 =	sld [smem:$0x3FDB];
	s0 =	simm.s32 @p2 $0x1  }
0x17: {  	s4 =	simm.s32 $0x1BF5;
	[smem:$0x3FB5] =	sst s0  }
0x18: {  	s0 =	sld [smem:$0x3F98];
	_ =	swait.ge [sflag:s4], $0x0  }
0x19: {  	s7 =	sld [smem:$0x3F99]  }
0x1a: {  	s8 =	sadd.s32 $0xFFFFE003, lr  }
0x1b: {  	s9 =	sadd.s32 $0xFFFFFEF7, lr;
	s5 =	simm.s32 $0xFFFFFFFF;
	p2 =	slt.u32 s8, $0xFFFFF086  }
0x1c: {  	p1 =	slt.u32 s9, $0xF7A;
	s5 =	simm.s32 @!p2 $0x0  }
0x1d: {  	s5 =	simm.s32 @p1 $0x1;
	p0 =	seq.s32 s7, s2  }
0x1e: {  	s7 =	smul.u32 @!p0 $0xF7A, s2;
	p2 =	seq.s32 @!p0 s5, $0x0  }
0x1f: {  	s9 =	smul.u32 $0xF7A, s1;
	s8 =	simm.s32 @!p0 $0x1BF5;
	p2 =	por !p2, p0  }
0x20: {  	[sflag:s8] =	ssyncset.s32 @!p0 $0xFFFFF086;
	s6 =	sadd.s32 @!p0 s3, s7;
	s7 =	simm.s32 @!p0 $0x108  }
0x21: {  	s3 =	sadd.s32 s3, s9;
	s6 =	sadd.s32 @!p0 $0x88, s6;
	s7 =	simm.s32 @p2 $0x1082  }
0x22: {  	[simem:s7], [sflag:s8] =	dma.local @!p0 [hbm:s6], $0xF7A  }
0x23: {  	s9 =	sor.u32 $0xD0000000, s2;
	s6 =	simm.s32 $0x108;
	_ =	swait.ge @!p0 [sflag:s8], $0x0  }
0x24: {  	s3 =	sadd.s32 $0x88, s3;
	s6 =	simm.s32 @!p1 $0x1082;
	[sflag:s4] =	ssyncset.s32 $0xFFFFF086  }
0x25: {  	[simem:s6], [sflag:s4] =	dma.local [hbm:s3], $0xF7A  }
0x26: {  	[smem:$0x3F99] =	sst s1;
	(tag) =	ssettag s2;
	_ =	strace s9  }
0x27: {  	s1 =	sld [smem:$0x3FA9]  }
0x28: {  	s2 =	sld [smem:$0x3FAA]  }
0x29: {  	s4 =	sld [smem:$0x3FAC]  }
0x2a: {  	p0 =	seq.s32 s5, $0x0;
	s5 =	sld [smem:$0x3FAD]  }
0x2b: {  	s6 =	sld [smem:$0x3FAE]  }
0x2c: {  	s7 =	sld [smem:$0x3FAF]  }
0x2d: {  	s3 =	simm.s32 $0x108;
	s8 =	sld [smem:$0x3FB0]  }
0x2e: {  	s3 =	simm.s32 @!p0 $0x1082;
	s9 =	sld [smem:$0x3FB1]  }
0x2f: {  	lr =	sadd.s32 s0, s3;
	s0 =	sld [smem:$0x3FA8]  }
0x30: {  	s3 =	sld [smem:$0x3FAB]  }
0x31: {  	[smem:$0x3FB4] =	sst s10  }
0x32: {  	s10 =	sld [smem:$0x3FB2];
	_ =	sdelay $0x3  }
0x33: {  	p0 =	seq.s32 s10, $0x1;
	s10 =	sld [smem:$0x3FB4];
	_ =	sdelay $0x3  }
0x34: {  	[smem:$0x3FB4] =	sst s10  }
0x35: {  	s10 =	sld [smem:$0x3FB3];
	_ =	sdelay $0x3  }
0x36: {  	p1 =	seq.s32 s10, $0x1;
	s10 =	sld [smem:$0x3FB4];
	_ =	sdelay $0x3  }
0x37: {  	[smem:$0x3FB4] =	sst s10  }
0x38: {  	s10 =	sld [smem:$0x3FB5]  }
0x39: {  	_ = 	snop;
	(pc) =	sbr.ind lr, $3  }
0x3a: {  	_ = 	snop  }
0x3b: {  	_ = 	snop  }
0x3c: {  	p2 =	seq.s32 s10, $0x1;
	s10 =	sld [smem:$0x3FB4]  }
0x3d: {  	_ =	shalt  }
0x3e: {  	_ =	shalt  }
0x3f: {  	_ =	shalt  }
0x40: {  	_ =	shalt  }
0x41: {  	_ =	shalt  }
0x42: {  	_ =	shalt  }
0x43: {  	_ =	shalt  }
0x44: {  	_ =	shalt  }
0x45: {  	_ =	shalt  }
0x46: {  	_ =	shalt  }
0x47: {  	_ =	shalt  }
0x48: {  	_ =	shalt  }
0x49: {  	_ =	shalt  }
0x4a: {  	_ =	shalt  }
0x4b: {  	_ =	shalt  }
0x4c: {  	_ =	shalt  }
0x4d: {  	_ =	shalt  }
0x4e: {  	_ =	shalt  }
0x4f: {  	_ =	shalt  }
0x50: {  	_ =	shalt  }
0x51: {  	_ =	shalt  }
0x52: {  	_ =	shalt  }
0x53: {  	_ =	shalt  }
0x54: {  	_ =	shalt  }
0x55: {  	_ =	shalt  }
0x56: {  	_ =	shalt  }
0x57: {  	_ =	shalt  }
0x58: {  	_ =	shalt  }
0x59: {  	_ =	shalt  }
0x5a: {  	_ =	shalt  }
0x5b: {  	_ =	shalt  }
0x5c: {  	_ =	shalt  }
0x5d: {  	_ =	shalt  }
0x5e: {  	_ =	shalt  }
0x5f: {  	_ =	shalt  }
0x60: {  	_ =	shalt  }
0x61: {  	_ =	shalt  }
0x62: {  	_ =	shalt  }
0x63: {  	_ =	shalt  }
0x64: {  	_ =	shalt  }
0x65: {  	_ =	shalt  }
0x66: {  	_ =	shalt  }
0x67: {  	_ =	shalt  }
0x68: {  	_ =	shalt  }
0x69: {  	_ =	shalt  }
0x6a: {  	_ =	shalt  }
0x6b: {  	_ =	shalt  }
0x6c: {  	_ =	shalt  }
0x6d: {  	_ =	shalt  }
0x6e: {  	_ =	shalt  }
0x6f: {  	_ =	shalt  }
0x70: {  	_ =	shalt  }
0x71: {  	_ =	shalt  }
0x72: {  	_ =	shalt  }
0x73: {  	_ =	shalt  }
0x74: {  	_ =	shalt  }
0x75: {  	_ =	shalt  }
0x76: {  	_ =	shalt  }
0x77: {  	_ =	shalt  }
0x78: {  	_ =	shalt  }
0x79: {  	_ =	shalt  }
0x7a: {  	_ =	shalt  }
0x7b: {  	_ =	shalt  }
0x7c: {  	_ =	shalt  }
0x7d: {  	_ =	shalt  }
0x7e: {  	_ =	shalt  }
0x7f: {  	_ =	shalt  }
0x80: {  	_ =	shalt  }
0x81: {  	_ =	shalt  }
0x82: {  	_ =	shalt  }
0x83: {  	_ =	shalt  }
0x84: {  	_ =	shalt  }
0x85: {  	_ =	shalt  }
0x86: {  	_ =	shalt  }
0x87: {  	_ =	shalt  }
.Lfunc_end0:
.L_simem_size_0:
called_computation.1_lowered:
.L_overlay_start_0:
0x88: {  	s2 =	sld [smem:$0x3FD9]  }
0x89: {  	s3 =	sld [smem:$0x3FFE];
	_ =	sdelay $0x1  }
0x8a: {  	s1 =	srdreg.scid  }
0x8b: {  	s0 =	sand.u32 $0x1, s1  }
0x8c: {  	s17 =	sshll.u32 s0, $0xA;
	s2 =	sadd.s32 s3, s2  }
0x8d: {  	s2 =	sadd.s32 s2, s17  }
0x8e: {  	[smem:$0x3FC0] =	sst s2  }
0x8f: {  	_ = 	snop  }
0x90: {  	(tm) =	ssettm $0x1  }
0x91: {  	s18 =	sld [smem:$0x3FFB];
	_ =	sdelay $0x3  }
0x92: {  	_ =	strace s18  }
0x93: {  	s2 =	sld [smem:$0x3FFC];
	_ =	sdelay $0x3  }
0x94: {  	_ =	strace s2  }
0x95: {  	s2 =	sld [smem:$0x3FFD];
	_ =	sdelay $0x3  }
0x96: {  	_ =	strace s2  }
0x97: {  	_ =	strace $0x8FFFFFFF  }
0x98: {  	s19 =	sld [smem:$0x3FDB];
	_ =	sdelay $0x1  }
0x99: {  	s20 =	simm.s32 $_scs_section_size  }
0x9a: {  	s4 =	simm.s32 $_size__tile_overlayer_lowered;
	s5 =	simm.s32 $_tile_overlayer_lowered  }
0x9b: {  	s6 =	simm.s32 $0x1BFF;
	s21 =	sshll.u32 s5, $0x1;
	s3 =	sadd.s32 s20, s19  }
0x9c: {  	s22 =	simm.s32 $0x0;
	s4 =	sshll.u32 s4, $0x1;
	s5 =	sadd.s32 s21, s3  }
0x9d: {  	[timem:s22], [sflag:s6] =	dma.local [hbm:s5], s4  }
0x9e: {  	_ =	swait.ge [sflag:s6], s4  }
0x9f: {  	s4 =	ssub.s32 $0x0, s4;
	[sflag:s6] =	ssyncset.done $0x0  }
0xa0: {  	[sflag:s6] =	ssyncadd.s32 s4;
	_ =	sdelay $0x1  }
0xa1: {  	s23 =	simm.s32 $0x1B8B  }
0xa2: {  	_ =	swait.ge [sflag:s23], $0x1  }
0xa3: {  	[sflag:s23] =	ssyncset.done $0x0  }
0xa4: {  	[sflag:s23] =	ssyncadd.s32 $0xFFFFFFFF  }
0xa5: {  	s4 =	sld [smem:$0x0]  }
0xa6: {  	s5 =	sand.u32 $0xFFFFFFFE, s1  }
0xa7: {  	p0 =	sne.s32 s1, s5  }
0xa8: {  	s5 =	sshll.u32 @p0 s5, $0xE  }
0xa9: {  	s5 =	sadd.s32 @p0 $0x11B8D, s5;
	s6 =	sshll.u32 @p0 s4, $0x11  }
0xaa: {  	s5 =	sor.u32 @p0 s6, s5  }
0xab: {  	[sflag:s5] =	ssyncadd.remote.s32 @p0 $0x1;
	_ =	sdelay $0x1  }
0xac: {  	s5 =	simm.s32 @p0 $0x1B8D  }
0xad: {  	_ =	swait.eq @p0 [sflag:s5], $0x1  }
0xae: {  	[sflag:s5] =	ssyncadd.s32 @p0 $0xFFFFFFFF  }
0xaf: {  	s6 =	sshll.u32 @!p0 s1, $0xE  }
0xb0: {  	s6 =	sor.u32 @!p0 $0x4000, s6;
	s5 =	simm.s32 @!p0 $0x1B8D  }
0xb1: {  	s4 =	sshll.u32 @!p0 s4, $0x11;
	s6 =	sadd.s32 @!p0 $0x11B8D, s6;
	_ =	swait.eq @!p0 [sflag:s5], $0x1  }
0xb2: {  	s4 =	sor.u32 @!p0 s4, s6;
	[sflag:s5] =	ssyncadd.s32 @!p0 $0xFFFFFFFF  }
0xb3: {  	s25 =	simm.s32 $0x1B8E;
	s24 =	sld [smem:$0x3FFE];
	[sflag:s4] =	ssyncadd.remote.s32 @!p0 $0x1  }
0xb4: {  	s26 =	simm.s32 $execute0_lowered;
	[smem:$0x3FD2] =	sst s25  }
0xb5: {  	s5 =	sshll.u32 s26, $0x1;
	_ =	strace $0x80000049;
	[dreg:$0x1] =	wrdreg $0xFFFFFFFF  }
0xb6: {  	s28 =	simm.s32 $_size_execute0_lowered;
	s3 =	sadd.s32 s3, s5;
	[dreg:$0x0] =	wrdreg $0x0  }
0xb7: {  	s5 =	sshll.u32 s28, $0x1;
	[dreg:$0x2] =	wrdreg s3  }
0xb8: {  	[dreg:$0x3] =	wrdreg s5  }
0xb9: {  	[dreg:$0x4] =	wrdreg $0xC0  }
0xba: {  	_ =	task [dreg:s22], $0x5FFFF  }
0xbb: {  	[dreg:$0x1] =	wrdreg $0xFFFFFFFF  }
0xbc: {  	[dreg:$0x0] =	wrdreg $0x60  }
0xbd: {  	[dreg:$0x2] =	wrdreg s24  }
0xbe: {  	[dreg:$0x3] =	wrdreg $0xA  }
0xbf: {  	_ =	task.clear_ibuf [dreg:s22], $0x4FFFF;
	_ =	strace $0x90000049  }
0xc0: {  	s29 =	simm.s32 $0xA;
	_ =	strace $0x8000004B  }
0xc1: {  	_ =	swait.ge [sflag:s29], $0x1  }
0xc2: {  	[sflag:s29] =	ssyncadd.s32 $0xFFFFFFFF  }
0xc3: {  	_ =	strace $0x9000004B  }
0xc4: {  	_ =	sfence  }
0xc5: {  	s30 =	sld [smem:$0x0];
	_ =	sdelay $0x2  }
0xc6: {  	s31 =	sshll.u32 s1, $0xD;
	s1 =	sshrl.u32 s1, $0x2  }
0xc7: {  	s4 =	sand.u32 $0x4000, s31;
	s1 =	sadd.s32 s1, s30  }
0xc8: {  	s0 =	sor.u32 s4, s0;
	s1 =	sshll.u32 s1, $0x11  }
0xc9: {  	s0 =	sor.u32 s1, s0  }
0xca: {  	s0 =	sadd.s32 $0x8F2B, s0  }
0xcb: {  	[sflag:s0] =	ssyncadd.remote.s32 $0x1  }
0xcc: {  	_ =	sfence.sel $0xFFFF  }
0xcd: {  	[dreg:$0x0] =	wrdreg $0xFFFFFFFF;
	(pc) =	sbr.abs _section_cstart, $3  }
0xce: {  	[dreg:$0x1] =	wrdreg $0xFFFFFFFF  }
0xcf: {  	_ =	task.clear_ibuf [dreg:s22], $0x2FFFF;
	_ =	strace $0x9FFFFFFF  }
0xd0: {  	(tm) =	ssettm $0x7FFFFFFF  }
0xd1: {  	_ =	shalt  }
tec
execute0_lowered:
.L_overlay_start_1:
0x0: {  	(tag) =	ssettag $0x1  }
0x1: {  	s3 =	rddreg [dreg:$0x0]  }
0x2: {  	s2 =	simm.s32 $0x0;
	s4 =	srdreg.scid;
	s1 =	stileid.u32  }
0x3: {  	s14 =	simm.s32 $0x1;
	s15 =	simm.s32 $0x800;
	s16 =	simm.s32 $0x10000  }
0x4: {  	s17 =	simm.s32 $0x2;
	s18 =	simm.s32 $0x4;
	s19 =	simm.s32 $0x11000  }
0x5: {  	s20 =	simm.s32 $0x3;
	s21 =	simm.s32 $0x0;
	[smem:$0x7FF] =	sst s2  }
0x6: {  	s4 =	sand.u32 $0x1, s4;
	s10 =	sadd.s32 $0x1600, s3;
	s3 =	sadd.s32 $0xD49600, s3  }
0x7: {  	s8 =	sshll.u32 s1, $0x1;
	s6 =	sshll.u32 s1, $0xD;
	_ =	strace $0x8000004A  }
0x8: {  	s5 =	sor.u32 s4, s8;
	s4 =	ssub.s32 $0x2, s4;
	s6 =	sand.u32 $0x10000, s6  }
0x9: {  	s7 =	sshll.u32 s5, $0xC;
	s26 =	sshrl.u32 s4, $0x1;
	s9 =	sshll.u32 s5, $0x8  }
0xa: {  	s30 =	sshll.u32 s5, $0xB;
	s5 =	sor.u32 $0x660, s8;
	s11 =	sand.u32 $0xF000, s7  }
0xb: {  	s12 =	ssub.s32 s4, s26;
	s13 =	sand.u32 $0xF00, s9;
	s31 =	sand.u32 $0x7800, s30  }
0xc: {  	s7 =	sor.u32 $0x640, s8;
	s8 =	sor.u32 $0x680, s8;
	s6 =	sor.u32 s11, s6  }
0xd: {  	s29 =	sshll.u32 s13, $0x4;
	s9 =	sor.u32 $0xFF9C0000, s31;
	s12 =	smax.u32 s12, $0x1  }
0xe: {  	v1 =	vlaneseq.u32;
	s28 =	sadd.s32 s6, s10;
	s6 =	sadd.s32 s10, s29;
	s10 =	sadd.s32 s10, s11  }
0xf: {  	v0 =	vimm.f32 $0.0e+00;
	v1 =	vmul.u32 $0x80, v1;
	s11 =	sadd.s32 s3, s13;
	s13 =	simm.s32 $0x8000;
	s4 =	sadd.s32 $0x640000, s28  }
.LBB2_1:
0x10: {  	s22 =	sand.u32 $0x70, s2;
	s23 =	sand.u32 $0x400, s2  }
0x11: {  	s22 =	sor.u32 s22, s23  }
0x12: {  	[tilespmem:s22+$0x11B80] =	vst v0  }
0x13: {  	[tilespmem:s22+$0x10980] =	vst v0  }
0x14: {  	[tilespmem:s22+$0x10A00] =	vst v0  }
0x15: {  	[tilespmem:s22+$0x10A80] =	vst v0  }
0x16: {  	[tilespmem:s22+$0x10B00] =	vst v0  }
0x17: {  	[tilespmem:s22+$0x10B80] =	vst v0  }
0x18: {  	[tilespmem:s22+$0x11980] =	vst v0  }
0x19: {  	s24 =	simm.s32 $0x10;
	s23 =	simm.s32 $0x80;
	[tilespmem:s22+$0x11A00] =	vst v0  }
0x1a: {  	s25 =	sand.u32 $0x70, s24;
	s24 =	simm.s32 $0x20;
	s26 =	sand.u32 $0x400, s23;
	[tilespmem:s22+$0x11A80] =	vst v0  }
.LBB2_2:
0x1b: {  	p0 =	sne.s32 s24, $0xF0;
	[tilespmem:s22+$0x11B00] =	vst v0;
	s22 =	sor.u32 s25, s26  }
0x1c: {  	[tilespmem:s22+$0x11B80] =	vst v0  }
0x1d: {  	[tilespmem:s22+$0x10980] =	vst v0  }
0x1e: {  	[tilespmem:s22+$0x10A00] =	vst v0  }
0x1f: {  	[tilespmem:s22+$0x10A80] =	vst v0  }
.Ltmp0:
0x20: {  	[tilespmem:s22+$0x10B00] =	vst v0;
	(pc) =	sbr.rel @p0 .LBB2_2-.Ltmp0, $4  }
0x21: {  	[tilespmem:s22+$0x10B80] =	vst v0  }
0x22: {  	[tilespmem:s22+$0x11980] =	vst v0  }
0x23: {  	s23 =	sadd.s32 $0x80, s23;
	[tilespmem:s22+$0x11A00] =	vst v0  }
0x24: {  	s25 =	sand.u32 $0x70, s24;
	s24 =	sadd.s32 $0x10, s24;
	s26 =	sand.u32 $0x400, s23;
	[tilespmem:s22+$0x11A80] =	vst v0  }
0x25: {  	s23 =	sor.u32 s25, s26;
	[tilespmem:s22+$0x11B00] =	vst v0  }
0x26: {  	[tilespmem:s23+$0x11B80] =	vst v0  }
0x27: {  	[tilespmem:s23+$0x10980] =	vst v0  }
0x28: {  	[tilespmem:s23+$0x10A00] =	vst v0  }
0x29: {  	[tilespmem:s23+$0x10A80] =	vst v0  }
0x2a: {  	[tilespmem:s23+$0x10B00] =	vst v0  }
0x2b: {  	[tilespmem:s23+$0x10B80] =	vst v0  }
0x2c: {  	[tilespmem:s23+$0x11980] =	vst v0  }
0x2d: {  	[tilespmem:s23+$0x11A00] =	vst v0  }
0x2e: {  	[tilespmem:s23+$0x11A80] =	vst v0  }
0x2f: {  	s22 =	simm.s32 $0x0;
	[tilespmem:s23+$0x11B00] =	vst v0;
	s23 =	simm.s32 $0x0  }
0x30: {  	[tilespmem:s22], [sflag:$0x1] =	stream.linear.gather [hbm4b:s4+s22], $0x8000, $0x38;
	[tilespmem:$0x12000] =	vst v63  }
.LBB2_4:
0x31: {  	s25 =	sshll.u32 s23, $0x6  }
0x32: {  	s24 =	sadd.s32 s5, s25  }
0x33: {  	s24 =	sshll.u32 s24, $0xC  }
0x34: {  	s24 =	sand.u32 $0xFF0000, s24  }
0x35: {  	s26 =	sadd.s32 s24, s6  }
0x36: {  	v2 =	vmov s22;
	[tilespmem:s13], [sflag:$0x2] =	stream.linear.gather [hbm4b:s26+s2], $0x8000, $0x38;
	[tilespmem:$0x12000] =	vst v63  }
0x37: {  	v2 =	vshll.u32 v2, $0x7;
	_ =	swait.ge [sflag:s14], $0x8000  }
0x38: {  	p0 =	seq.s32 s23, $0x0;
	v2 =	vor.u32 v1, v2;
	[sflag:s14] =	ssyncset.done $0x0  }
0x39: {  	s26 =	simm.s32 @!p0 $0x3;
	[sflag:s14] =	ssyncadd.s32 $0xFFFF8000  }
0x3a: {  	_ =	swait.ge @!p0 [sflag:s26], $0x1000  }
0x3b: {  	[sflag:s26] =	ssyncset.done @!p0 $0x0  }
0x3c: {  	[sflag:s26] =	ssyncadd.s32 @!p0 $0xFFFFF000  }
0x3d: {  	v3 =	vld.idx.msk [tilespmem:v2+s2+$0x0], $0xffff  }
0x3e: {  	v4 =	vor.u32 $0x1, v2;
	_ =	sdelay $0x1  }
0x3f: {  	s0 =	sand.u32 $0x70, s22;
	s28 =	sand.u32 $0x400, s22  }
0x40: {  	s29 =	sor.u32 s0, s28  }
0x41: {  	[tilespmem:s29+$0x10000] =	vst v3  }
0x42: {  	v3 =	vld.idx.msk [tilespmem:v4+s2+$0x0], $0xffff  }
0x43: {  	v4 =	vor.u32 $0x2, v2;
	_ =	sdelay $0x3  }
0x44: {  	[tilespmem:s29+$0x10080] =	vst v3  }
0x45: {  	v3 =	vld.idx.msk [tilespmem:v4+s2+$0x0], $0xffff  }
0x46: {  	v4 =	vor.u32 $0x3, v2;
	_ =	sdelay $0x3  }
0x47: {  	[tilespmem:s29+$0x10100] =	vst v3  }
0x48: {  	v3 =	vld.idx.msk [tilespmem:v4+s2+$0x0], $0xffff  }
0x49: {  	v4 =	vor.u32 $0x4, v2;
	_ =	sdelay $0x3  }
0x4a: {  	[tilespmem:s29+$0x10180] =	vst v3  }
0x4b: {  	v3 =	vld.idx.msk [tilespmem:v4+s2+$0x0], $0xffff  }
0x4c: {  	v4 =	vor.u32 $0x5, v2;
	_ =	sdelay $0x3  }
0x4d: {  	[tilespmem:s29+$0x10200] =	vst v3  }
0x4e: {  	v3 =	vld.idx.msk [tilespmem:v4+s2+$0x0], $0xffff  }
0x4f: {  	v4 =	vor.u32 $0x6, v2;
	_ =	sdelay $0x3  }
0x50: {  	[tilespmem:s29+$0x10280] =	vst v3  }
0x51: {  	v3 =	vld.idx.msk [tilespmem:v4+s2+$0x0], $0xffff  }
0x52: {  	v4 =	vor.u32 $0x7, v2;
	_ =	sdelay $0x3  }
0x53: {  	[tilespmem:s29+$0x10300] =	vst v3  }
0x54: {  	v3 =	vld.idx.msk [tilespmem:v4+s2+$0x0], $0xffff  }
0x55: {  	v4 =	vor.u32 $0x8, v2;
	_ =	sdelay $0x1  }
0x56: {  	s0 =	sor.u32 s22, s22  }
0x57: {  	s26 =	sor.u32 $0x380, s0  }
0x58: {  	[tilespmem:s26+$0x10000] =	vst v3  }
0x59: {  	v3 =	vld.idx.msk [tilespmem:v4+s2+$0x0], $0xffff  }
0x5a: {  	v4 =	vor.u32 $0x9, v2;
	_ =	sdelay $0x3  }
0x5b: {  	[tilespmem:s29+$0x10800] =	vst v3  }
0x5c: {  	v3 =	vld.idx.msk [tilespmem:v4+s2+$0x0], $0xffff  }
0x5d: {  	v2 =	vor.u32 $0xA, v2;
	_ =	sdelay $0x3  }
0x5e: {  	s28 =	simm.s32 $0x10;
	[tilespmem:s29+$0x10880] =	vst v3  }
0x5f: {  	s31 =	simm.s32 $0x20;
	s30 =	simm.s32 $0x0;
	s26 =	sadd.s32 s7, s25;
	v3 =	vmov s28;
	v2 =	vld.idx.msk [tilespmem:v2+s2+$0x0], $0xffff  }
.LBB2_5:
0x60: {  	p1 =	sne.s32 s31, $0xF0;
	v3 =	vshll.u32 v3, $0x7  }
0x61: {  	v3 =	vor.u32 v1, v3;
	_ =	sdelay $0x3  }
0x62: {  	[tilespmem:s29+$0x10900] =	vst v2  }
0x63: {  	v2 =	vld.idx.msk [tilespmem:v3+s2+$0x0], $0xffff;
	_ =	sdelay $0x1  }
0x64: {  	v4 =	vor.u32 $0x1, v3  }
0x65: {  	s30 =	sadd.s32 $0x80, s30  }
0x66: {  	s0 =	sand.u32 $0x400, s30;
	s29 =	sand.u32 $0x70, s28  }
0x67: {  	s29 =	sor.u32 s29, s0  }
0x68: {  	[tilespmem:s29+$0x10000] =	vst v2  }
0x69: {  	v2 =	vld.idx.msk [tilespmem:v4+s2+$0x0], $0xffff;
	_ =	sdelay $0x1  }
0x6a: {  	v4 =	vor.u32 $0x2, v3;
	_ =	sdelay $0x3  }
0x6b: {  	[tilespmem:s29+$0x10080] =	vst v2  }
0x6c: {  	v2 =	vld.idx.msk [tilespmem:v4+s2+$0x0], $0xffff;
	_ =	sdelay $0x1  }
0x6d: {  	v4 =	vor.u32 $0x3, v3;
	_ =	sdelay $0x3  }
0x6e: {  	[tilespmem:s29+$0x10100] =	vst v2  }
0x6f: {  	v2 =	vld.idx.msk [tilespmem:v4+s2+$0x0], $0xffff;
	_ =	sdelay $0x1  }
0x70: {  	v4 =	vor.u32 $0x4, v3;
	_ =	sdelay $0x3  }
0x71: {  	[tilespmem:s29+$0x10180] =	vst v2  }
0x72: {  	v2 =	vld.idx.msk [tilespmem:v4+s2+$0x0], $0xffff;
	_ =	sdelay $0x1  }
0x73: {  	v4 =	vor.u32 $0x5, v3;
	_ =	sdelay $0x3  }
0x74: {  	[tilespmem:s29+$0x10200] =	vst v2  }
0x75: {  	v2 =	vld.idx.msk [tilespmem:v4+s2+$0x0], $0xffff;
	_ =	sdelay $0x1  }
0x76: {  	v4 =	vor.u32 $0x6, v3;
	_ =	sdelay $0x3  }
0x77: {  	[tilespmem:s29+$0x10280] =	vst v2  }
0x78: {  	v2 =	vld.idx.msk [tilespmem:v4+s2+$0x0], $0xffff;
	_ =	sdelay $0x1  }
0x79: {  	v4 =	vor.u32 $0x7, v3;
	_ =	sdelay $0x3  }
0x7a: {  	[tilespmem:s29+$0x10300] =	vst v2  }
0x7b: {  	v2 =	vld.idx.msk [tilespmem:v4+s2+$0x0], $0xffff;
	_ =	sdelay $0x1  }
0x7c: {  	v4 =	vor.u32 $0x8, v3;
	_ =	sdelay $0x1  }
0x7d: {  	s0 =	sor.u32 s30, s28;
	s28 =	smov.u32 s31  }
0x7e: {  	s0 =	sor.u32 $0x380, s0  }
0x7f: {  	[tilespmem:s0+$0x10000] =	vst v2  }
0x80: {  	v2 =	vld.idx.msk [tilespmem:v4+s2+$0x0], $0xffff;
	_ =	sdelay $0x1  }
0x81: {  	v4 =	vor.u32 $0x9, v3;
	_ =	sdelay $0x3  }
0x82: {  	[tilespmem:s29+$0x10800] =	vst v2  }
0x83: {  	v2 =	vld.idx.msk [tilespmem:v4+s2+$0x0], $0xffff;
	_ =	sdelay $0x1  }
0x84: {  	v4 =	vor.u32 $0xA, v3  }
.Ltmp1:
0x85: {  	(pc) =	sbr.rel @p1 .LBB2_5-.Ltmp1, $3  }
0x86: {  	_ =	sdelay $0x1  }
0x87: {  	[tilespmem:s29+$0x10880] =	vst v2  }
0x88: {  	s31 =	sadd.s32 $0x10, s31;
	v3 =	vmov s28;
	v2 =	vld.idx.msk [tilespmem:v4+s2+$0x0], $0xffff  }
0x89: {  	v3 =	vshll.u32 v3, $0x7  }
0x8a: {  	v3 =	vor.u32 v1, v3;
	_ =	sdelay $0x3  }
0x8b: {  	[tilespmem:s29+$0x10900] =	vst v2  }
0x8c: {  	v2 =	vld.idx.msk [tilespmem:v3+s2+$0x0], $0xffff  }
0x8d: {  	v4 =	vor.u32 $0x1, v3  }
0x8e: {  	s0 =	sadd.s32 $0x80, s30  }
0x8f: {  	s31 =	sand.u32 $0x70, s28;
	s30 =	sand.u32 $0x400, s0  }
0x90: {  	s29 =	sor.u32 s31, s30  }
0x91: {  	[tilespmem:s29+$0x10000] =	vst v2  }
0x92: {  	v2 =	vld.idx.msk [tilespmem:v4+s2+$0x0], $0xffff  }
0x93: {  	v56 =	vor.u32 $0x2, v3;
	_ =	sdelay $0x3  }
0x94: {  	[tilespmem:s29+$0x10080] =	vst v2  }
0x95: {  	v2 =	vld.idx.msk [tilespmem:v56+s2+$0x0], $0xffff  }
0x96: {  	v57 =	vor.u32 $0x3, v3;
	_ =	sdelay $0x3  }
0x97: {  	[tilespmem:s29+$0x10100] =	vst v2  }
0x98: {  	v2 =	vld.idx.msk [tilespmem:v57+s2+$0x0], $0xffff  }
0x99: {  	v58 =	vor.u32 $0x4, v3;
	_ =	sdelay $0x3  }
0x9a: {  	[tilespmem:s29+$0x10180] =	vst v2  }
0x9b: {  	v2 =	vld.idx.msk [tilespmem:v58+s2+$0x0], $0xffff  }
0x9c: {  	v59 =	vor.u32 $0x5, v3;
	_ =	sdelay $0x3  }
0x9d: {  	[tilespmem:s29+$0x10200] =	vst v2  }
0x9e: {  	v2 =	vld.idx.msk [tilespmem:v59+s2+$0x0], $0xffff  }
0x9f: {  	v60 =	vor.u32 $0x6, v3;
	_ =	sdelay $0x3  }
0xa0: {  	[tilespmem:s29+$0x10280] =	vst v2  }
0xa1: {  	v2 =	vld.idx.msk [tilespmem:v60+s2+$0x0], $0xffff  }
0xa2: {  	v61 =	vor.u32 $0x7, v3;
	_ =	sdelay $0x3  }
0xa3: {  	[tilespmem:s29+$0x10300] =	vst v2  }
0xa4: {  	v2 =	vld.idx.msk [tilespmem:v61+s2+$0x0], $0xffff  }
0xa5: {  	v62 =	vor.u32 $0x8, v3;
	_ =	sdelay $0x1  }
0xa6: {  	s0 =	sor.u32 s0, s28  }
0xa7: {  	s0 =	sor.u32 $0x380, s0  }
0xa8: {  	[tilespmem:s0+$0x10000] =	vst v2  }
0xa9: {  	v2 =	vld.idx.msk [tilespmem:v62+s2+$0x0], $0xffff  }
0xaa: {  	v63 =	vor.u32 $0x9, v3;
	_ =	sdelay $0x3  }
0xab: {  	[tilespmem:s29+$0x10800] =	vst v2  }
0xac: {  	v2 =	vld.idx.msk [tilespmem:v63+s2+$0x0], $0xffff  }
0xad: {  	v3 =	vor.u32 $0xA, v3;
	_ =	sdelay $0x3  }
0xae: {  	[tilespmem:s29+$0x10880] =	vst v2  }
0xaf: {  	v2 =	vld.idx.msk [tilespmem:v3+s2+$0x0], $0xffff  }
0xb0: {  	p1 =	sne.s32 s23, $0x18;
	s31 =	sshll.u32 s26, $0xC  }
.Ltmp2:
0xb1: {  	s0 =	sand.u32 $0xFD0000, s31;
	(pc) =	sbr.rel @p1 .LBB2_8-.Ltmp2, $4  }
0xb2: {  	s0 =	sadd.s32 s9, s0  }
0xb3: {  	s0 =	sshrl.u32 s0, $0x3  }
0xb4: {  	s0 =	sadd.s32 s3, s0;
	[tilespmem:s29+$0x10900] =	vst v2  }
0xb5: {  	[hbm4b:s0+s15] =	stream.strided.scatter [tilespmem:s16], [sflag:$0x3], $0x1000, s13, s15, $0x38;
	[tilespmem:$0x12000] =	vst v63  }
.Ltmp3:
0xb6: {  	(pc) =	sbr.rel .LBB2_9-.Ltmp3, $4  }
0xb7: {  	_ = 	snop  }
0xb8: {  	_ =	swait.ge [sflag:s17], $0x8000  }
0xb9: {  	[sflag:s17] =	ssyncset.done $0x0  }
0xba: {  	[sflag:s17] =	ssyncadd.s32 $0xFFFF8000  }
.LBB2_8:
0xbb: {  	s0 =	sadd.s32 s8, s25  }
0xbc: {  	s0 =	sshll.u32 s0, $0xC  }
0xbd: {  	s0 =	sand.u32 $0xFD0000, s0  }
.Ltmp4:
0xbe: {  	s0 =	sadd.s32 s0, s10;
	(pc) =	sbr.rel @p0 .LBB2_10-.Ltmp4, $4  }
0xbf: {  	[tilespmem:s2], [sflag:$0x1] =	stream.linear.gather [hbm4b:s0+s2], $0x8000, $0x38;
	[tilespmem:$0x12000] =	vst v63  }
0xc0: {  	_ =	swait.ge [sflag:s17], $0x8000  }
0xc1: {  	[sflag:s17] =	ssyncset.done $0x0  }
0xc2: {  	[sflag:s17] =	ssyncadd.s32 $0xFFFF8000  }
.LBB2_9:
0xc3: {  	_ =	swait.ge [sflag:s18], $0x1000  }
0xc4: {  	[sflag:s18] =	ssyncset.done $0x0  }
0xc5: {  	[sflag:s18] =	ssyncadd.s32 $0xFFFFF000  }
.LBB2_10:
0xc6: {  	s25 =	simm.s32 $0x0  }
0xc7: {  	v2 =	vmov s25  }
0xc8: {  	v2 =	vshll.u32 v2, $0x7  }
0xc9: {  	v2 =	vor.u32 v1, v2;
	_ =	sdelay $0x4  }
0xca: {  	v3 =	vld.idx.msk [tilespmem:v2+s13+$0x0], $0xffff  }
0xcb: {  	v4 =	vor.u32 $0x1, v2;
	_ =	sdelay $0x1  }
0xcc: {  	s0 =	sand.u32 $0x70, s25;
	s26 =	sand.u32 $0x400, s25  }
0xcd: {  	s26 =	sor.u32 s0, s26  }
0xce: {  	[tilespmem:s26+$0x11000] =	vst v3  }
0xcf: {  	v3 =	vld.idx.msk [tilespmem:v4+s13+$0x0], $0xffff  }
0xd0: {  	v4 =	vor.u32 $0x2, v2;
	_ =	sdelay $0x3  }
0xd1: {  	[tilespmem:s26+$0x11080] =	vst v3  }
0xd2: {  	v3 =	vld.idx.msk [tilespmem:v4+s13+$0x0], $0xffff  }
0xd3: {  	v4 =	vor.u32 $0x3, v2;
	_ =	sdelay $0x3  }
0xd4: {  	[tilespmem:s26+$0x11100] =	vst v3  }
0xd5: {  	v3 =	vld.idx.msk [tilespmem:v4+s13+$0x0], $0xffff  }
0xd6: {  	v4 =	vor.u32 $0x4, v2;
	_ =	sdelay $0x3  }
0xd7: {  	[tilespmem:s26+$0x11180] =	vst v3  }
0xd8: {  	v3 =	vld.idx.msk [tilespmem:v4+s13+$0x0], $0xffff  }
0xd9: {  	v4 =	vor.u32 $0x5, v2;
	_ =	sdelay $0x3  }
0xda: {  	[tilespmem:s26+$0x11200] =	vst v3  }
0xdb: {  	v3 =	vld.idx.msk [tilespmem:v4+s13+$0x0], $0xffff  }
0xdc: {  	v4 =	vor.u32 $0x6, v2;
	_ =	sdelay $0x3  }
0xdd: {  	[tilespmem:s26+$0x11280] =	vst v3  }
0xde: {  	v3 =	vld.idx.msk [tilespmem:v4+s13+$0x0], $0xffff  }
0xdf: {  	v4 =	vor.u32 $0x7, v2;
	_ =	sdelay $0x3  }
0xe0: {  	[tilespmem:s26+$0x11300] =	vst v3  }
0xe1: {  	v3 =	vld.idx.msk [tilespmem:v4+s13+$0x0], $0xffff  }
0xe2: {  	v4 =	vor.u32 $0x8, v2;
	_ =	sdelay $0x3  }
0xe3: {  	[tilespmem:s26+$0x11380] =	vst v3  }
0xe4: {  	v3 =	vld.idx.msk [tilespmem:v4+s13+$0x0], $0xffff  }
0xe5: {  	v4 =	vor.u32 $0x9, v2;
	_ =	sdelay $0x3  }
0xe6: {  	[tilespmem:s26+$0x11800] =	vst v3  }
0xe7: {  	v3 =	vld.idx.msk [tilespmem:v4+s13+$0x0], $0xffff  }
0xe8: {  	v2 =	vor.u32 $0xA, v2;
	_ =	sdelay $0x3  }
0xe9: {  	s28 =	simm.s32 $0x10;
	[tilespmem:s26+$0x11880] =	vst v3  }
0xea: {  	s29 =	simm.s32 $0x20;
	v3 =	vmov s28;
	v2 =	vld.idx.msk [tilespmem:v2+s13+$0x0], $0xffff  }
.LBB2_11:
0xeb: {  	p0 =	sne.s32 s29, $0xF0;
	v3 =	vshll.u32 v3, $0x7  }
0xec: {  	v3 =	vor.u32 v1, v3;
	_ =	sdelay $0x3  }
0xed: {  	[tilespmem:s26+$0x11900] =	vst v2  }
0xee: {  	v2 =	vld.idx.msk [tilespmem:v3+s13+$0x0], $0xffff;
	_ =	sdelay $0x1  }
0xef: {  	v4 =	vor.u32 $0x1, v3  }
0xf0: {  	s25 =	sadd.s32 $0x80, s25  }
0xf1: {  	s0 =	sand.u32 $0x70, s28;
	s28 =	smov.u32 s29;
	s26 =	sand.u32 $0x400, s25  }
0xf2: {  	s26 =	sor.u32 s0, s26  }
0xf3: {  	[tilespmem:s26+$0x11000] =	vst v2  }
0xf4: {  	v2 =	vld.idx.msk [tilespmem:v4+s13+$0x0], $0xffff;
	_ =	sdelay $0x1  }
0xf5: {  	v4 =	vor.u32 $0x2, v3;
	_ =	sdelay $0x3  }
0xf6: {  	[tilespmem:s26+$0x11080] =	vst v2  }
0xf7: {  	v2 =	vld.idx.msk [tilespmem:v4+s13+$0x0], $0xffff;
	_ =	sdelay $0x1  }
0xf8: {  	v4 =	vor.u32 $0x3, v3;
	_ =	sdelay $0x3  }
0xf9: {  	[tilespmem:s26+$0x11100] =	vst v2  }
0xfa: {  	v2 =	vld.idx.msk [tilespmem:v4+s13+$0x0], $0xffff;
	_ =	sdelay $0x1  }
0xfb: {  	v4 =	vor.u32 $0x4, v3;
	_ =	sdelay $0x3  }
0xfc: {  	[tilespmem:s26+$0x11180] =	vst v2  }
0xfd: {  	v2 =	vld.idx.msk [tilespmem:v4+s13+$0x0], $0xffff;
	_ =	sdelay $0x1  }
0xfe: {  	v4 =	vor.u32 $0x5, v3;
	_ =	sdelay $0x3  }
0xff: {  	[tilespmem:s26+$0x11200] =	vst v2  }
0x100: {  	v2 =	vld.idx.msk [tilespmem:v4+s13+$0x0], $0xffff;
	_ =	sdelay $0x1  }
0x101: {  	v4 =	vor.u32 $0x6, v3;
	_ =	sdelay $0x3  }
0x102: {  	[tilespmem:s26+$0x11280] =	vst v2  }
0x103: {  	v2 =	vld.idx.msk [tilespmem:v4+s13+$0x0], $0xffff;
	_ =	sdelay $0x1  }
0x104: {  	v4 =	vor.u32 $0x7, v3;
	_ =	sdelay $0x3  }
0x105: {  	[tilespmem:s26+$0x11300] =	vst v2  }
0x106: {  	v2 =	vld.idx.msk [tilespmem:v4+s13+$0x0], $0xffff;
	_ =	sdelay $0x1  }
0x107: {  	v4 =	vor.u32 $0x8, v3;
	_ =	sdelay $0x3  }
0x108: {  	[tilespmem:s26+$0x11380] =	vst v2  }
0x109: {  	v2 =	vld.idx.msk [tilespmem:v4+s13+$0x0], $0xffff;
	_ =	sdelay $0x1  }
0x10a: {  	v4 =	vor.u32 $0x9, v3;
	_ =	sdelay $0x3  }
0x10b: {  	[tilespmem:s26+$0x11800] =	vst v2  }
0x10c: {  	v2 =	vld.idx.msk [tilespmem:v4+s13+$0x0], $0xffff;
	_ =	sdelay $0x1  }
0x10d: {  	v4 =	vor.u32 $0xA, v3  }
.Ltmp5:
0x10e: {  	(pc) =	sbr.rel @p0 .LBB2_11-.Ltmp5, $3  }
0x10f: {  	_ =	sdelay $0x1  }
0x110: {  	[tilespmem:s26+$0x11880] =	vst v2  }
0x111: {  	s29 =	sadd.s32 $0x10, s29;
	v3 =	vmov s28;
	v2 =	vld.idx.msk [tilespmem:v4+s13+$0x0], $0xffff  }
0x112: {  	v3 =	vshll.u32 v3, $0x7  }
0x113: {  	v3 =	vor.u32 v1, v3;
	_ =	sdelay $0x3  }
0x114: {  	[tilespmem:s26+$0x11900] =	vst v2  }
0x115: {  	v2 =	vld.idx.msk [tilespmem:v3+s13+$0x0], $0xffff  }
0x116: {  	v4 =	vor.u32 $0x1, v3  }
0x117: {  	s0 =	sadd.s32 $0x80, s25  }
0x118: {  	s30 =	sand.u32 $0x70, s28;
	s0 =	sand.u32 $0x400, s0  }
0x119: {  	s0 =	sor.u32 s30, s0  }
0x11a: {  	[tilespmem:s0+$0x11000] =	vst v2  }
0x11b: {  	v2 =	vld.idx.msk [tilespmem:v4+s13+$0x0], $0xffff  }
0x11c: {  	v56 =	vor.u32 $0x2, v3;
	_ =	sdelay $0x3  }
0x11d: {  	[tilespmem:s0+$0x11080] =	vst v2  }
0x11e: {  	v2 =	vld.idx.msk [tilespmem:v56+s13+$0x0], $0xffff  }
0x11f: {  	v57 =	vor.u32 $0x3, v3;
	_ =	sdelay $0x3  }
0x120: {  	[tilespmem:s0+$0x11100] =	vst v2  }
0x121: {  	v2 =	vld.idx.msk [tilespmem:v57+s13+$0x0], $0xffff  }
0x122: {  	v58 =	vor.u32 $0x4, v3;
	_ =	sdelay $0x3  }
0x123: {  	[tilespmem:s0+$0x11180] =	vst v2  }
0x124: {  	v2 =	vld.idx.msk [tilespmem:v58+s13+$0x0], $0xffff  }
0x125: {  	v59 =	vor.u32 $0x5, v3;
	_ =	sdelay $0x3  }
0x126: {  	[tilespmem:s0+$0x11200] =	vst v2  }
0x127: {  	v2 =	vld.idx.msk [tilespmem:v59+s13+$0x0], $0xffff  }
0x128: {  	v60 =	vor.u32 $0x6, v3;
	_ =	sdelay $0x3  }
0x129: {  	[tilespmem:s0+$0x11280] =	vst v2  }
0x12a: {  	v2 =	vld.idx.msk [tilespmem:v60+s13+$0x0], $0xffff  }
0x12b: {  	v61 =	vor.u32 $0x7, v3;
	_ =	sdelay $0x3  }
0x12c: {  	[tilespmem:s0+$0x11300] =	vst v2  }
0x12d: {  	v2 =	vld.idx.msk [tilespmem:v61+s13+$0x0], $0xffff  }
0x12e: {  	v62 =	vor.u32 $0x8, v3;
	_ =	sdelay $0x3  }
0x12f: {  	[tilespmem:s0+$0x11380] =	vst v2  }
0x130: {  	v2 =	vld.idx.msk [tilespmem:v62+s13+$0x0], $0xffff  }
0x131: {  	v63 =	vor.u32 $0x9, v3;
	_ =	sdelay $0x3  }
0x132: {  	[tilespmem:s0+$0x11800] =	vst v2  }
0x133: {  	v2 =	vld.idx.msk [tilespmem:v63+s13+$0x0], $0xffff  }
0x134: {  	v3 =	vor.u32 $0xA, v3;
	_ =	sdelay $0x3  }
0x135: {  	[tilespmem:s0+$0x11880] =	vst v2  }
0x136: {  	s23 =	sadd.s32 $0x1, s23;
	v2 =	vld.idx.msk [tilespmem:v3+s13+$0x0], $0xffff  }
0x137: {  	p0 =	sne.s32 s23, $0x19  }
.Ltmp6:
0x138: {  	_ = 	snop;
	(pc) =	sbr.rel @p0 .LBB2_4-.Ltmp6, $4  }
0x139: {  	s24 =	sadd.s32 $0xFF9C0000, s24  }
0x13a: {  	s24 =	sshrl.u32 s24, $0x3  }
0x13b: {  	s31 =	sadd.s32 s24, s11;
	[tilespmem:s0+$0x11900] =	vst v2  }
0x13c: {  	[hbm4b:s31+s15] =	stream.strided.scatter [tilespmem:s19], [sflag:$0x4], $0x1000, s13, s15, $0x38;
	[tilespmem:$0x12000] =	vst v63  }
0x13d: {  	s21 =	sadd.s32 $0x1, s21  }
0x13e: {  	_ =	swait.ge [sflag:s20], $0x1000;
	p0 =	sne.s32 s21, s12  }
.Ltmp7:
0x13f: {  	[sflag:s20] =	ssyncset.done $0x0;
	(pc) =	sbr.rel @p0 .LBB2_1-.Ltmp7, $4  }
0x140: {  	[sflag:s20] =	ssyncadd.s32 $0xFFFFF000  }
0x141: {  	_ =	swait.ge [sflag:s18], $0x1000  }
0x142: {  	[sflag:s18] =	ssyncset.done $0x0  }
0x143: {  	[sflag:s18] =	ssyncadd.s32 $0xFFFFF000  }
0x144: {  	_ =	sfence.sel $0x180000  }
0x145: {  	[bflag:$0x0] =	sbarrier.arrive $0xFFFF  }
0x146: {  	_ =	strace $0x9000004A  }
0x147: {  	[bflag:$0x2] =	sbarrier.arrive $0xFFFF  }
0x148: {  	p0 =	sne.s32 s1, $0x0;
	s0 =	rddreg [dreg:$0x1]  }
0x149: {  	s0 =	sadd.s32 @!p0 $0x100000, s0  }
0x14a: {  	[sflag:s0] =	ssyncadd.tile.s32 @!p0 $0x1;
	_ =	shalt  }
.Lfunc_end2:
_tile_overlayer_lowered:
.L_overlay_start_2:
0x14b: {  	(tag) =	ssettag $0x2  }
0x14c: {  	s0 =	rddreg [dreg:$0x0];
	s2 =	stileid.u32  }
0x14d: {  	s1 =	rddreg [dreg:$0x1];
	p0 =	sne.s32 s2, $0x0  }
0x14e: {  	s3 =	rddreg [dreg:$0x2];
	[bflag:$0x3] =	sbarrier.arrive $0xFFFF;
	s2 =	simm.s32 @!p0 $0x1C05  }
0x14f: {  	[timem:s3], [sflag:s2] =	dma.local @!p0 [hbm:s0], s1  }
0x150: {  	s0 =	simm.s32 @!p0 $0x5  }
0x151: {  	_ =	swait.ge @!p0 [sflag:s0], s1  }
0x152: {  	s1 =	ssub.s32 @!p0 $0x0, s1;
	[sflag:s0] =	ssyncset.done @!p0 $0x0  }
0x153: {  	[sflag:s0] =	ssyncadd.s32 @!p0 s1  }
0x154: {  	[bflag:$0x3] =	sbarrier.arrive $0xFFFF  }
0x155: {  	_ =	shalt  }

</sc_bundles>
